<compile_context>
chip_gen: v7x
topology: tpu7x:2x2x1
jax: 0.10.2.dev20260603
libtpu: 0.0.44.dev20260713+nightly
codegen_flags: <defaults>
</compile_context>

<pallas_src>
import functools

import jax
import jax.numpy as jnp
from jax import lax
from jax.experimental import pallas as pl
from jax.experimental.pallas import tpu as pltpu
from jax.experimental.pallas import tpu_sc as plsc

N = 10000
E = 320000
F_IN = 128
DIM = 16
NCLS = 10

NC = 2
NS = 16
NW = NC * NS
EW = E // NW
CH = 80
NCH = EW // CH
GRP = 5

_mesh = lambda: plsc.VectorSubcoreMesh(core_axis_name="c", subcore_axis_name="s")
_SC_PARAMS = pltpu.CompilerParams(use_tc_tiling_on_sc=False)



def _segsum_sc(z, src3, dst3, zeros):

  @functools.partial(
      pl.kernel,
      mesh=_mesh(),
      compiler_params=_SC_PARAMS,
      out_type=jax.ShapeDtypeStruct((NC, N, DIM), jnp.float32),
      scratch_types=[
          pltpu.VMEM((NCH, CH), jnp.int32),
          pltpu.VMEM((NCH, CH), jnp.int32),
          pltpu.VMEM((GRP * CH, DIM), jnp.float32),
          pltpu.VMEM_SHARED((N, DIM), jnp.float32),
          pltpu.VMEM_SHARED((N, DIM), jnp.float32),
          pltpu.SemaphoreType.DMA((GRP,)),
          pltpu.SemaphoreType.DMA((GRP,)),
      ],
  )
  def k(z_hbm, src_hbm, dst_hbm, zeros_hbm, out_hbm, srcv, dstv, rows, acc,
        ztab, gsem, ssem):
    c = lax.axis_index("c")
    s = lax.axis_index("s")
    wid = c * NS + s
    rpw = N // NS
    pltpu.sync_copy(zeros_hbm.at[pl.ds(s * rpw, rpw)], acc.at[pl.ds(s * rpw, rpw)])
    pltpu.sync_copy(z_hbm.at[pl.ds(s * rpw, rpw)], ztab.at[pl.ds(s * rpw, rpw)])
    pltpu.sync_copy(src_hbm.at[wid], srcv)
    pltpu.sync_copy(dst_hbm.at[wid], dstv)
    plsc.subcore_barrier()

    def body(g, carry):
      gcps = [
          pltpu.async_copy(ztab.at[srcv.at[g * GRP + b]],
                           rows.at[pl.ds(b * CH, CH)], gsem.at[b])
          for b in range(GRP)
      ]
      scps = []
      for b in range(GRP):
        gcps[b].wait()
        scps.append(
            pltpu.async_copy(rows.at[pl.ds(b * CH, CH)],
                             acc.at[dstv.at[g * GRP + b]], ssem.at[b],
                             add=True))
      for cp in scps:
        cp.wait()
      return carry

    lax.fori_loop(0, NCH // GRP, body, 0, unroll=False)
    plsc.subcore_barrier()
    pltpu.sync_copy(acc.at[pl.ds(s * rpw, rpw)], out_hbm.at[c].at[pl.ds(s * rpw, rpw)])

  return k(z, src3, dst3, zeros)


def _edge_gather_sc(h, src3, dst3):

  @functools.partial(
      pl.kernel,
      mesh=_mesh(),
      compiler_params=_SC_PARAMS,
      out_type=jax.ShapeDtypeStruct((E, 2 * DIM), jnp.float32),
      scratch_types=[
          pltpu.VMEM((NCH, CH), jnp.int32),
          pltpu.VMEM((NCH, CH), jnp.int32),
          pltpu.VMEM((GRP * CH, DIM), jnp.float32),
          pltpu.VMEM((GRP * CH, DIM), jnp.float32),
          pltpu.VMEM_SHARED((N, DIM), jnp.float32),
          pltpu.SemaphoreType.DMA((GRP,)),
          pltpu.SemaphoreType.DMA((GRP,)),
          pltpu.SemaphoreType.DMA((GRP,)),
          pltpu.SemaphoreType.DMA((GRP,)),
      ],
  )
  def k(h_hbm, src_hbm, dst_hbm, e_hbm, srcv, dstv, bufa, bufb, htab, sema,
        semb, wsema, wsemb):
    c = lax.axis_index("c")
    s = lax.axis_index("s")
    wid = c * NS + s
    rpw = N // NS
    pltpu.sync_copy(h_hbm.at[pl.ds(s * rpw, rpw)], htab.at[pl.ds(s * rpw, rpw)])
    pltpu.sync_copy(src_hbm.at[wid], srcv)
    pltpu.sync_copy(dst_hbm.at[wid], dstv)
    plsc.subcore_barrier()

    def body(g, carry):
      gcps = []
      for b in range(GRP):
        j = g * GRP + b
        sl = pl.ds(b * CH, CH)
        gcps.append((pltpu.async_copy(htab.at[srcv.at[j]], bufa.at[sl], sema.at[b]),
                     pltpu.async_copy(htab.at[dstv.at[j]], bufb.at[sl], semb.at[b])))
      wcps = []
      for b in range(GRP):
        base = wid * EW + (g * GRP + b) * CH
        sl = pl.ds(b * CH, CH)
        cpa, cpb = gcps[b]
        cpa.wait()
        wcps.append(pltpu.async_copy(
            bufa.at[sl], e_hbm.at[pl.ds(base, CH), pl.ds(0, DIM)], wsema.at[b]))
        cpb.wait()
        wcps.append(pltpu.async_copy(
            bufb.at[sl], e_hbm.at[pl.ds(base, CH), pl.ds(DIM, DIM)], wsemb.at[b]))
      for cp in wcps:
        cp.wait()
      return carry

    lax.fori_loop(0, NCH // GRP, body, 0, unroll=False)

  return k(h, src3, dst3)



_BLK = 2000


def _proj_tc(x, v1):

  def body(x_ref, v_ref, o_ref):
    o_ref[...] = jnp.dot(x_ref[...], v_ref[...], preferred_element_type=jnp.float32)

  return pl.pallas_call(
      body,
      grid=(N // _BLK,),
      in_specs=[
          pl.BlockSpec((_BLK, F_IN), lambda i: (i, 0)),
          pl.BlockSpec((F_IN, DIM), lambda i: (0, 0)),
      ],
      out_specs=pl.BlockSpec((_BLK, DIM), lambda i: (i, 0)),
      out_shape=jax.ShapeDtypeStruct((N, DIM), jnp.float32),
  )(x, v1)


def _layer_tc(z, agg, cvec, w2, b2, vnext):

  def body(z_ref, a_ref, c_ref, w2_ref, b2_ref, vn_ref, o_ref):
    a = z_ref[...] + a_ref[0] + a_ref[1] + c_ref[...]
    h = jnp.maximum(a, 0.0)
    h2 = jnp.dot(h, w2_ref[...], preferred_element_type=jnp.float32) + b2_ref[...]
    h2 = jnp.maximum(h2, 0.0)
    o_ref[...] = jnp.dot(h2, vn_ref[...], preferred_element_type=jnp.float32)

  return pl.pallas_call(
      body,
      grid=(N // _BLK,),
      in_specs=[
          pl.BlockSpec((_BLK, DIM), lambda i: (i, 0)),
          pl.BlockSpec((NC, _BLK, DIM), lambda i: (0, i, 0)),
          pl.BlockSpec((1, DIM), lambda i: (0, 0)),
          pl.BlockSpec((DIM, DIM), lambda i: (0, 0)),
          pl.BlockSpec((1, DIM), lambda i: (0, 0)),
          pl.BlockSpec((DIM, DIM), lambda i: (0, 0)),
      ],
      out_specs=pl.BlockSpec((_BLK, DIM), lambda i: (i, 0)),
      out_shape=jax.ShapeDtypeStruct((N, DIM), jnp.float32),
  )(z, agg, cvec.reshape(1, DIM), w2, b2.reshape(1, DIM), vnext)


def _last_tc(z, agg, cvec, w2, b2, l1w, l1b):

  def body(z_ref, a_ref, c_ref, w2_ref, b2_ref, lw_ref, lb_ref, o_ref):
    a = z_ref[...] + a_ref[0] + a_ref[1] + c_ref[...]
    h = jnp.maximum(a, 0.0)
    h2 = jnp.dot(h, w2_ref[...], preferred_element_type=jnp.float32) + b2_ref[...]
    h2 = jnp.maximum(h2, 0.0)
    h3 = jnp.dot(h2, lw_ref[...], preferred_element_type=jnp.float32) + lb_ref[...]
    o_ref[...] = jnp.maximum(h3, 0.0)

  return pl.pallas_call(
      body,
      grid=(N // _BLK,),
      in_specs=[
          pl.BlockSpec((_BLK, DIM), lambda i: (i, 0)),
          pl.BlockSpec((NC, _BLK, DIM), lambda i: (0, i, 0)),
          pl.BlockSpec((1, DIM), lambda i: (0, 0)),
          pl.BlockSpec((DIM, DIM), lambda i: (0, 0)),
          pl.BlockSpec((1, DIM), lambda i: (0, 0)),
          pl.BlockSpec((DIM, DIM), lambda i: (0, 0)),
          pl.BlockSpec((1, DIM), lambda i: (0, 0)),
      ],
      out_specs=pl.BlockSpec((_BLK, DIM), lambda i: (i, 0)),
      out_shape=jax.ShapeDtypeStruct((N, DIM), jnp.float32),
  )(z, agg, cvec.reshape(1, DIM), w2, b2.reshape(1, DIM), l1w, l1b.reshape(1, DIM))


_EBLK = 4000


def _out_tc(e, l2w, l2b):

  def body(e_ref, w_ref, b_ref, o_ref):
    o_ref[...] = (
        jnp.dot(e_ref[...], w_ref[...], preferred_element_type=jnp.float32)
        + b_ref[...]
    )

  return pl.pallas_call(
      body,
      grid=(E // _EBLK,),
      in_specs=[
          pl.BlockSpec((_EBLK, 2 * DIM), lambda i: (i, 0)),
          pl.BlockSpec((2 * DIM, NCLS), lambda i: (0, 0)),
          pl.BlockSpec((1, NCLS), lambda i: (0, 0)),
      ],
      out_specs=pl.BlockSpec((_EBLK, NCLS), lambda i: (i, 0)),
      out_shape=jax.ShapeDtypeStruct((E, NCLS), jnp.float32),
  )(e, l2w, l2b.reshape(1, NCLS))



def _fold(p):
  s = p["g"] * lax.rsqrt(p["v"] + 1e-5)
  return p["w1"] * s[None, :], p["b1"] * s + p["be"] - p["m"] * s


def kernel(x, edge_index, batch, params):
  del batch
  src3 = edge_index[0].reshape(NW, NCH, CH)
  dst3 = edge_index[1].reshape(NW, NCH, CH)
  zeros = jnp.zeros((N, DIM), jnp.float32)

  convs = [params["c1"], params["c2"], params["c3"], params["c4"]]
  folded = [_fold(p) for p in convs]

  z = _proj_tc(x, folded[0][0])
  for i in range(3):
    agg = _segsum_sc(z, src3, dst3, zeros)
    z = _layer_tc(z, agg, folded[i][1], convs[i]["w2"], convs[i]["b2"],
                  folded[i + 1][0])
  agg = _segsum_sc(z, src3, dst3, zeros)
  l1w, l1b = params["l1"]
  h5 = _last_tc(z, agg, folded[3][1], convs[3]["w2"], convs[3]["b2"], l1w, l1b)

  e = _edge_gather_sc(h5, src3, dst3)
  l2w, l2b = params["l2"]
  out = _out_tc(e, l2w, l2b)
  return (out, e)

# --- scband reference (transcript-rebuilt; emitter-appended) ---
"""Pipeline reference for scband-gin2-31602369364484 (READ-ONLY COPY).

The authoritative reference and input builder live on the scoring server;
editing this copy changes nothing except your own understanding.
"""

import jax, jax.numpy as jnp
import numpy as np

N = 10000
E = 320000
F_IN = 128
DIM = 16
NCLS = 10


def _lin(key, fan_in, fan_out):
    k1, k2 = jax.random.split(key)
    s = 1.0 / np.sqrt(fan_in)
    w = jax.random.uniform(k1, (fan_in, fan_out), minval=-s, maxval=s, dtype=jnp.float32)
    b = jax.random.uniform(k2, (fan_out,), minval=-s, maxval=s, dtype=jnp.float32)
    return (w, b)


def _conv_params(key, fin, dim):
    k1, k2 = jax.random.split(key)
    w1, b1 = _lin(k1, fin, dim)
    w2, b2 = _lin(k2, dim, dim)
    return {"w1": w1, "b1": b1, "g": jnp.ones((dim,), jnp.float32), "be": jnp.zeros((dim,), jnp.float32), "m": jnp.zeros((dim,), jnp.float32), "v": jnp.ones((dim,), jnp.float32), "w2": w2, "b2": b2}


def setup_inputs(seed: int = 0) -> dict:
    key = jax.random.key(seed)
    ks = jax.random.split(key, 9)
    x = jax.random.normal(ks[0], (N, F_IN), dtype=jnp.float32)
    edge_index = jax.random.randint(ks[1], (2, E), 0, N, dtype=jnp.int32)
    batch = jnp.sort(jax.random.randint(ks[2], (N,), 0, 64, dtype=jnp.int32))
    params = {
        "c1": _conv_params(ks[3], F_IN, DIM),
        "c2": _conv_params(ks[4], DIM, DIM),
        "c3": _conv_params(ks[5], DIM, DIM),
        "c4": _conv_params(ks[6], DIM, DIM),
        "l1": _lin(ks[7], DIM, DIM),
        "l2": _lin(ks[8], 2 * DIM, NCLS),
    }
    return {"x": x, "edge_index": edge_index, "batch": batch, "params": params}


def _gin_conv(x, ei, p):
    # GINConv with eps=0: nn((1+eps)*x + sum_{j->i} x_j)
    agg = jax.ops.segment_sum(x[ei[0]], ei[1], num_segments=x.shape[0])
    h = x + agg
    h = h @ p["w1"] + p["b1"]
    # BatchNorm1d in eval mode with running stats
    h = (h - p["m"]) / jnp.sqrt(p["v"] + 1e-5) * p["g"] + p["be"]
    h = jax.nn.relu(h)
    h = h @ p["w2"] + p["b2"]
    return jax.nn.relu(h)


def reference(x, edge_index, batch, params):
    h = _gin_conv(x, edge_index, params["c1"])
    h = _gin_conv(h, edge_index, params["c2"])
    h = _gin_conv(h, edge_index, params["c3"])
    h = _gin_conv(h, edge_index, params["c4"])
    l1w, l1b = params["l1"]
    h = jax.nn.relu(h @ l1w + l1b)
    # dropout is a no-op in eval mode
    e = jnp.concatenate([h[edge_index[0]], h[edge_index[1]]], axis=1)
    l2w, l2b = params["l2"]
    out = e @ l2w + l2b
    return (out, e)

if __name__ == "__main__":
    import jax
    _d = setup_inputs()
    print(jax.jit(kernel)(*tuple(_d.values())))

</pallas_src>

<mosaic_0001>
#map = affine_map<(d0, d1) -> (0, 0)>
#map1 = affine_map<(d0, d1) -> (0, 0, 0)>
module attributes {stable_mosaic.version = 14 : i64} {
  func.func @k(%arg0: i32, %arg1: i32, %arg2: memref<10000x16xf32, #tpu.memory_space<hbm>>, %arg3: memref<32x125x80xi32, #tpu.memory_space<hbm>>, %arg4: memref<32x125x80xi32, #tpu.memory_space<hbm>>, %arg5: memref<10000x16xf32, #tpu.memory_space<hbm>>, %arg6: memref<2x10000x16xf32, #tpu.memory_space<hbm>>, %arg7: memref<125x80xi32, #tpu.memory_space<vmem>>, %arg8: memref<125x80xi32, #tpu.memory_space<vmem>>, %arg9: memref<400x16xf32, #tpu.memory_space<vmem>>, %arg10: memref<10000x16xf32, #tpu.memory_space<vmem_shared>>, %arg11: memref<10000x16xf32, #tpu.memory_space<vmem_shared>>, %arg12: memref<5x!tpu.dma_semaphore, #tpu.memory_space<semaphore_mem>>, %arg13: memref<5x!tpu.dma_semaphore, #tpu.memory_space<semaphore_mem>>) attributes {dimension_semantics = [#tpu.dimension_semantics<core_parallel>, #tpu.dimension_semantics<subcore_parallel>], iteration_bounds = array<i64: 2, 16>, scalar_prefetch = 0 : i64, scratch_operands = 7 : i64, tpu.core_type = #tpu.core_type<sc_vector_subcore>, window_params = [{transform_indices = #map}, {transform_indices = #map1}, {transform_indices = #map1}, {transform_indices = #map}, {transform_indices = #map1}]} {
    %mul3A = arith.constant 16 : i32
    %mul3A_0 = arith.muli %arg0, %mul3A : i32
    %add3A = arith.addi %mul3A_0, %arg1 : i32
    %mul3A_1 = arith.constant 625 : i32
    %mul3A_2 = arith.muli %arg1, %mul3A_1 : i32
    %mul3A_3 = arith.constant 625 : i32
    %mul3A_4 = arith.muli %arg1, %mul3A_3 : i32
    "tpu.region"() ({
      %run_scoped3A = tpu.sem_alloc : memref<!tpu.dma_semaphore, #tpu.memory_space<semaphore_mem>>
      %dma_start3A = arith.constant 0 : i32
      %dma_start3A_19 = tpu.memref_slice %arg10[%mul3A_4, %dma_start3A] : memref<10000x16xf32, #tpu.memory_space<vmem_shared>> -> memref<625x16xf32, #tpu.memory_space<vmem_shared>>
      %dma_start3A_20 = arith.constant 0 : i32
      %dma_start3A_21 = tpu.memref_slice %arg5[%mul3A_2, %dma_start3A_20] : memref<10000x16xf32, #tpu.memory_space<hbm>> -> memref<625x16xf32, #tpu.memory_space<hbm>>
      tpu.enqueue_dma source(%dma_start3A_21 : memref<625x16xf32, #tpu.memory_space<hbm>>) target(%dma_start3A_19 : memref<625x16xf32, #tpu.memory_space<vmem_shared>>) target_semaphore(%run_scoped3A : memref<!tpu.dma_semaphore, #tpu.memory_space<semaphore_mem>>)
      %dma_wait3A = arith.constant 0 : i32
      %dma_wait3A_22 = tpu.memref_slice %arg10[%mul3A_4, %dma_wait3A] : memref<10000x16xf32, #tpu.memory_space<vmem_shared>> -> memref<625x16xf32, #tpu.memory_space<vmem_shared>>
      %dma_wait3A_23 = arith.constant 0 : i32
      %dma_wait3A_24 = tpu.memref_slice %arg5[%mul3A_2, %dma_wait3A_23] : memref<10000x16xf32, #tpu.memory_space<hbm>> -> memref<625x16xf32, #tpu.memory_space<hbm>>
      tpu.wait_dma2 semaphore(%run_scoped3A : memref<!tpu.dma_semaphore, #tpu.memory_space<semaphore_mem>>) src(%dma_wait3A_24 : memref<625x16xf32, #tpu.memory_space<hbm>>) dst(%dma_wait3A_22 : memref<625x16xf32, #tpu.memory_space<vmem_shared>>)
      tpu.yield
    }) : () -> ()
    %mul3A_5 = arith.constant 625 : i32
    %mul3A_6 = arith.muli %arg1, %mul3A_5 : i32
    %mul3A_7 = arith.constant 625 : i32
    %mul3A_8 = arith.muli %arg1, %mul3A_7 : i32
    "tpu.region"() ({
      %run_scoped3A = tpu.sem_alloc : memref<!tpu.dma_semaphore, #tpu.memory_space<semaphore_mem>>
      %dma_start3A = arith.constant 0 : i32
      %dma_start3A_19 = tpu.memref_slice %arg11[%mul3A_8, %dma_start3A] : memref<10000x16xf32, #tpu.memory_space<vmem_shared>> -> memref<625x16xf32, #tpu.memory_space<vmem_shared>>
      %dma_start3A_20 = arith.constant 0 : i32
      %dma_start3A_21 = tpu.memref_slice %arg2[%mul3A_6, %dma_start3A_20] : memref<10000x16xf32, #tpu.memory_space<hbm>> -> memref<625x16xf32, #tpu.memory_space<hbm>>
      tpu.enqueue_dma source(%dma_start3A_21 : memref<625x16xf32, #tpu.memory_space<hbm>>) target(%dma_start3A_19 : memref<625x16xf32, #tpu.memory_space<vmem_shared>>) target_semaphore(%run_scoped3A : memref<!tpu.dma_semaphore, #tpu.memory_space<semaphore_mem>>)
      %dma_wait3A = arith.constant 0 : i32
      %dma_wait3A_22 = tpu.memref_slice %arg11[%mul3A_8, %dma_wait3A] : memref<10000x16xf32, #tpu.memory_space<vmem_shared>> -> memref<625x16xf32, #tpu.memory_space<vmem_shared>>
      %dma_wait3A_23 = arith.constant 0 : i32
      %dma_wait3A_24 = tpu.memref_slice %arg2[%mul3A_6, %dma_wait3A_23] : memref<10000x16xf32, #tpu.memory_space<hbm>> -> memref<625x16xf32, #tpu.memory_space<hbm>>
      tpu.wait_dma2 semaphore(%run_scoped3A : memref<!tpu.dma_semaphore, #tpu.memory_space<semaphore_mem>>) src(%dma_wait3A_24 : memref<625x16xf32, #tpu.memory_space<hbm>>) dst(%dma_wait3A_22 : memref<625x16xf32, #tpu.memory_space<vmem_shared>>)
      tpu.yield
    }) : () -> ()
    "tpu.region"() ({
      %run_scoped3A = tpu.sem_alloc : memref<!tpu.dma_semaphore, #tpu.memory_space<semaphore_mem>>
      %dma_start3A = arith.constant 0 : i32
      %dma_start3A_19 = arith.constant 0 : i32
      %dma_start3A_20 = tpu.memref_slice %arg3[%add3A, %dma_start3A, %dma_start3A_19] : memref<32x125x80xi32, #tpu.memory_space<hbm>> -> memref<1x125x80xi32, #tpu.memory_space<hbm>>
      %dma_start3A_21 = tpu.memref_squeeze %dma_start3A_20 : memref<1x125x80xi32, #tpu.memory_space<hbm>> -> memref<125x80xi32, #tpu.memory_space<hbm>>
      %dma_start3A_22 = arith.constant 0 : i32
      %dma_start3A_23 = arith.constant 0 : i32
      %dma_start3A_24 = tpu.memref_slice %arg3[%add3A, %dma_start3A_22, %dma_start3A_23] : memref<32x125x80xi32, #tpu.memory_space<hbm>> -> memref<1x125x80xi32, #tpu.memory_space<hbm>>
      %dma_start3A_25 = tpu.memref_squeeze %dma_start3A_24 : memref<1x125x80xi32, #tpu.memory_space<hbm>> -> memref<125x80xi32, #tpu.memory_space<hbm>>
      tpu.enqueue_dma source(%dma_start3A_25 : memref<125x80xi32, #tpu.memory_space<hbm>>) target(%arg7 : memref<125x80xi32, #tpu.memory_space<vmem>>) target_semaphore(%run_scoped3A : memref<!tpu.dma_semaphore, #tpu.memory_space<semaphore_mem>>)
      %dma_wait3A = arith.constant 0 : i32
      %dma_wait3A_26 = arith.constant 0 : i32
      %dma_wait3A_27 = tpu.memref_slice %arg3[%add3A, %dma_wait3A, %dma_wait3A_26] : memref<32x125x80xi32, #tpu.memory_space<hbm>> -> memref<1x125x80xi32, #tpu.memory_space<hbm>>
      %dma_wait3A_28 = tpu.memref_squeeze %dma_wait3A_27 : memref<1x125x80xi32, #tpu.memory_space<hbm>> -> memref<125x80xi32, #tpu.memory_space<hbm>>
      %dma_wait3A_29 = arith.constant 0 : i32
      %dma_wait3A_30 = arith.constant 0 : i32
      %dma_wait3A_31 = tpu.memref_slice %arg3[%add3A, %dma_wait3A_29, %dma_wait3A_30] : memref<32x125x80xi32, #tpu.memory_space<hbm>> -> memref<1x125x80xi32, #tpu.memory_space<hbm>>
      %dma_wait3A_32 = tpu.memref_squeeze %dma_wait3A_31 : memref<1x125x80xi32, #tpu.memory_space<hbm>> -> memref<125x80xi32, #tpu.memory_space<hbm>>
      tpu.wait_dma2 semaphore(%run_scoped3A : memref<!tpu.dma_semaphore, #tpu.memory_space<semaphore_mem>>) src(%dma_wait3A_32 : memref<125x80xi32, #tpu.memory_space<hbm>>) dst(%arg7 : memref<125x80xi32, #tpu.memory_space<vmem>>)
      tpu.yield
    }) : () -> ()
    "tpu.region"() ({
      %run_scoped3A = tpu.sem_alloc : memref<!tpu.dma_semaphore, #tpu.memory_space<semaphore_mem>>
      %dma_start3A = arith.constant 0 : i32
      %dma_start3A_19 = arith.constant 0 : i32
      %dma_start3A_20 = tpu.memref_slice %arg4[%add3A, %dma_start3A, %dma_start3A_19] : memref<32x125x80xi32, #tpu.memory_space<hbm>> -> memref<1x125x80xi32, #tpu.memory_space<hbm>>
      %dma_start3A_21 = tpu.memref_squeeze %dma_start3A_20 : memref<1x125x80xi32, #tpu.memory_space<hbm>> -> memref<125x80xi32, #tpu.memory_space<hbm>>
      %dma_start3A_22 = arith.constant 0 : i32
      %dma_start3A_23 = arith.constant 0 : i32
      %dma_start3A_24 = tpu.memref_slice %arg4[%add3A, %dma_start3A_22, %dma_start3A_23] : memref<32x125x80xi32, #tpu.memory_space<hbm>> -> memref<1x125x80xi32, #tpu.memory_space<hbm>>
      %dma_start3A_25 = tpu.memref_squeeze %dma_start3A_24 : memref<1x125x80xi32, #tpu.memory_space<hbm>> -> memref<125x80xi32, #tpu.memory_space<hbm>>
      tpu.enqueue_dma source(%dma_start3A_25 : memref<125x80xi32, #tpu.memory_space<hbm>>) target(%arg8 : memref<125x80xi32, #tpu.memory_space<vmem>>) target_semaphore(%run_scoped3A : memref<!tpu.dma_semaphore, #tpu.memory_space<semaphore_mem>>)
      %dma_wait3A = arith.constant 0 : i32
      %dma_wait3A_26 = arith.constant 0 : i32
      %dma_wait3A_27 = tpu.memref_slice %arg4[%add3A, %dma_wait3A, %dma_wait3A_26] : memref<32x125x80xi32, #tpu.memory_space<hbm>> -> memref<1x125x80xi32, #tpu.memory_space<hbm>>
      %dma_wait3A_28 = tpu.memref_squeeze %dma_wait3A_27 : memref<1x125x80xi32, #tpu.memory_space<hbm>> -> memref<125x80xi32, #tpu.memory_space<hbm>>
      %dma_wait3A_29 = arith.constant 0 : i32
      %dma_wait3A_30 = arith.constant 0 : i32
      %dma_wait3A_31 = tpu.memref_slice %arg4[%add3A, %dma_wait3A_29, %dma_wait3A_30] : memref<32x125x80xi32, #tpu.memory_space<hbm>> -> memref<1x125x80xi32, #tpu.memory_space<hbm>>
      %dma_wait3A_32 = tpu.memref_squeeze %dma_wait3A_31 : memref<1x125x80xi32, #tpu.memory_space<hbm>> -> memref<125x80xi32, #tpu.memory_space<hbm>>
      tpu.wait_dma2 semaphore(%run_scoped3A : memref<!tpu.dma_semaphore, #tpu.memory_space<semaphore_mem>>) src(%dma_wait3A_32 : memref<125x80xi32, #tpu.memory_space<hbm>>) dst(%arg8 : memref<125x80xi32, #tpu.memory_space<vmem>>)
      tpu.yield
    }) : () -> ()
    %barrier3A = arith.constant 0 : index
    tpu.barrier barrier_id(%barrier3A)
    %scan3A = arith.constant 0 : i32
    %scan3A_9 = arith.constant 0 : i32
    %scan3A_10 = arith.constant 25 : i32
    %scan3A_11 = arith.addi %scan3A_9, %scan3A_10 : i32
    %scan3A_12 = arith.constant 1 : i32
    scf.for %scan3A_19 = %scan3A_9 to %scan3A_11 step %scan3A_12  : i32 {
      %mul3A_20 = arith.constant 5 : i32
      %mul3A_21 = arith.muli %scan3A_19, %mul3A_20 : i32
      %add3A_22 = arith.constant 0 : i32
      %add3A_23 = arith.addi %mul3A_21, %add3A_22 : i32
      %dma_start3A = arith.constant 0 : i32
      %dma_start3A_24 = arith.constant 0 : i32
      %dma_start3A_25 = arith.constant 0 : i32
      %dma_start3A_26 = tpu.memref_slice %arg9[%dma_start3A_24, %dma_start3A_25] : memref<400x16xf32, #tpu.memory_space<vmem>> -> memref<80x16xf32, #tpu.memory_space<vmem>>
      %dma_start3A_27 = arith.constant 0 : i32
      %dma_start3A_28 = tpu.memref_slice %arg7[%add3A_23, %dma_start3A_27] : memref<125x80xi32, #tpu.memory_space<vmem>> -> memref<1x80xi32, #tpu.memory_space<vmem>>
      %dma_start3A_29 = tpu.memref_squeeze %dma_start3A_28 : memref<1x80xi32, #tpu.memory_space<vmem>> -> memref<80xi32, #tpu.memory_space<vmem>>
      %dma_start3A_30 = arith.constant 0 : i32
      %dma_start3A_31 = arith.constant 0 : i32
      %dma_start3A_32 = tpu.memref_slice %arg11[%dma_start3A_30, %dma_start3A_31] : memref<10000x16xf32, #tpu.memory_space<vmem_shared>> -> memref<10000x16xf32, #tpu.memory_space<vmem_shared>>
      %dma_start3A_33 = tpu.memref_slice %arg12[%dma_start3A] : memref<5x!tpu.dma_semaphore, #tpu.memory_space<semaphore_mem>> -> memref<1x!tpu.dma_semaphore, #tpu.memory_space<semaphore_mem>>
      %dma_start3A_34 = tpu.memref_squeeze %dma_start3A_33 : memref<1x!tpu.dma_semaphore, #tpu.memory_space<semaphore_mem>> -> memref<!tpu.dma_semaphore, #tpu.memory_space<semaphore_mem>>
      tpu.enqueue_indirect_dma source(%dma_start3A_32 : memref<10000x16xf32, #tpu.memory_space<vmem_shared>>) target(%dma_start3A_26 : memref<80x16xf32, #tpu.memory_space<vmem>>) offsets(%dma_start3A_29 : memref<80xi32, #tpu.memory_space<vmem>>) semaphore(%dma_start3A_34 : memref<!tpu.dma_semaphore, #tpu.memory_space<semaphore_mem>>)
      %mul3A_35 = arith.constant 5 : i32
      %mul3A_36 = arith.muli %scan3A_19, %mul3A_35 : i32
      %add3A_37 = arith.constant 1 : i32
      %add3A_38 = arith.addi %mul3A_36, %add3A_37 : i32
      %dma_start3A_39 = arith.constant 1 : i32
      %dma_start3A_40 = arith.constant 80 : i32
      %dma_start3A_41 = arith.constant 0 : i32
      %dma_start3A_42 = tpu.memref_slice %arg9[%dma_start3A_40, %dma_start3A_41] : memref<400x16xf32, #tpu.memory_space<vmem>> -> memref<80x16xf32, #tpu.memory_space<vmem>>
      %dma_start3A_43 = arith.constant 0 : i32
      %dma_start3A_44 = tpu.memref_slice %arg7[%add3A_38, %dma_start3A_43] : memref<125x80xi32, #tpu.memory_space<vmem>> -> memref<1x80xi32, #tpu.memory_space<vmem>>
      %dma_start3A_45 = tpu.memref_squeeze %dma_start3A_44 : memref<1x80xi32, #tpu.memory_space<vmem>> -> memref<80xi32, #tpu.memory_space<vmem>>
      %dma_start3A_46 = arith.constant 0 : i32
      %dma_start3A_47 = arith.constant 0 : i32
      %dma_start3A_48 = tpu.memref_slice %arg11[%dma_start3A_46, %dma_start3A_47] : memref<10000x16xf32, #tpu.memory_space<vmem_shared>> -> memref<10000x16xf32, #tpu.memory_space<vmem_shared>>
      %dma_start3A_49 = tpu.memref_slice %arg12[%dma_start3A_39] : memref<5x!tpu.dma_semaphore, #tpu.memory_space<semaphore_mem>> -> memref<1x!tpu.dma_semaphore, #tpu.memory_space<semaphore_mem>>
      %dma_start3A_50 = tpu.memref_squeeze %dma_start3A_49 : memref<1x!tpu.dma_semaphore, #tpu.memory_space<semaphore_mem>> -> memref<!tpu.dma_semaphore, #tpu.memory_space<semaphore_mem>>
      tpu.enqueue_indirect_dma source(%dma_start3A_48 : memref<10000x16xf32, #tpu.memory_space<vmem_shared>>) target(%dma_start3A_42 : memref<80x16xf32, #tpu.memory_space<vmem>>) offsets(%dma_start3A_45 : memref<80xi32, #tpu.memory_space<vmem>>) semaphore(%dma_start3A_50 : memref<!tpu.dma_semaphore, #tpu.memory_space<semaphore_mem>>)
      %mul3A_51 = arith.constant 5 : i32
      %mul3A_52 = arith.muli %scan3A_19, %mul3A_51 : i32
      %add3A_53 = arith.constant 2 : i32
      %add3A_54 = arith.addi %mul3A_52, %add3A_53 : i32
      %dma_start3A_55 = arith.constant 2 : i32
      %dma_start3A_56 = arith.constant 160 : i32
      %dma_start3A_57 = arith.constant 0 : i32
      %dma_start3A_58 = tpu.memref_slice %arg9[%dma_start3A_56, %dma_start3A_57] : memref<400x16xf32, #tpu.memory_space<vmem>> -> memref<80x16xf32, #tpu.memory_space<vmem>>
      %dma_start3A_59 = arith.constant 0 : i32
      %dma_start3A_60 = tpu.memref_slice %arg7[%add3A_54, %dma_start3A_59] : memref<125x80xi32, #tpu.memory_space<vmem>> -> memref<1x80xi32, #tpu.memory_space<vmem>>
      %dma_start3A_61 = tpu.memref_squeeze %dma_start3A_60 : memref<1x80xi32, #tpu.memory_space<vmem>> -> memref<80xi32, #tpu.memory_space<vmem>>
      %dma_start3A_62 = arith.constant 0 : i32
      %dma_start3A_63 = arith.constant 0 : i32
      %dma_start3A_64 = tpu.memref_slice %arg11[%dma_start3A_62, %dma_start3A_63] : memref<10000x16xf32, #tpu.memory_space<vmem_shared>> -> memref<10000x16xf32, #tpu.memory_space<vmem_shared>>
      %dma_start3A_65 = tpu.memref_slice %arg12[%dma_start3A_55] : memref<5x!tpu.dma_semaphore, #tpu.memory_space<semaphore_mem>> -> memref<1x!tpu.dma_semaphore, #tpu.memory_space<semaphore_mem>>
      %dma_start3A_66 = tpu.memref_squeeze %dma_start3A_65 : memref<1x!tpu.dma_semaphore, #tpu.memory_space<semaphore_mem>> -> memref<!tpu.dma_semaphore, #tpu.memory_space<semaphore_mem>>
      tpu.enqueue_indirect_dma source(%dma_start3A_64 : memref<10000x16xf32, #tpu.memory_space<vmem_shared>>) target(%dma_start3A_58 : memref<80x16xf32, #tpu.memory_space<vmem>>) offsets(%dma_start3A_61 : memref<80xi32, #tpu.memory_space<vmem>>) semaphore(%dma_start3A_66 : memref<!tpu.dma_semaphore, #tpu.memory_space<semaphore_mem>>)
      %mul3A_67 = arith.constant 5 : i32
      %mul3A_68 = arith.muli %scan3A_19, %mul3A_67 : i32
      %add3A_69 = arith.constant 3 : i32
      %add3A_70 = arith.addi %mul3A_68, %add3A_69 : i32
      %dma_start3A_71 = arith.constant 3 : i32
      %dma_start3A_72 = arith.constant 240 : i32
      %dma_start3A_73 = arith.constant 0 : i32
      %dma_start3A_74 = tpu.memref_slice %arg9[%dma_start3A_72, %dma_start3A_73] : memref<400x16xf32, #tpu.memory_space<vmem>> -> memref<80x16xf32, #tpu.memory_space<vmem>>
      %dma_start3A_75 = arith.constant 0 : i32
      %dma_start3A_76 = tpu.memref_slice %arg7[%add3A_70, %dma_start3A_75] : memref<125x80xi32, #tpu.memory_space<vmem>> -> memref<1x80xi32, #tpu.memory_space<vmem>>
      %dma_start3A_77 = tpu.memref_squeeze %dma_start3A_76 : memref<1x80xi32, #tpu.memory_space<vmem>> -> memref<80xi32, #tpu.memory_space<vmem>>
      %dma_start3A_78 = arith.constant 0 : i32
      %dma_start3A_79 = arith.constant 0 : i32
      %dma_start3A_80 = tpu.memref_slice %arg11[%dma_start3A_78, %dma_start3A_79] : memref<10000x16xf32, #tpu.memory_space<vmem_shared>> -> memref<10000x16xf32, #tpu.memory_space<vmem_shared>>
      %dma_start3A_81 = tpu.memref_slice %arg12[%dma_start3A_71] : memref<5x!tpu.dma_semaphore, #tpu.memory_space<semaphore_mem>> -> memref<1x!tpu.dma_semaphore, #tpu.memory_space<semaphore_mem>>
      %dma_start3A_82 = tpu.memref_squeeze %dma_start3A_81 : memref<1x!tpu.dma_semaphore, #tpu.memory_space<semaphore_mem>> -> memref<!tpu.dma_semaphore, #tpu.memory_space<semaphore_mem>>
      tpu.enqueue_indirect_dma source(%dma_start3A_80 : memref<10000x16xf32, #tpu.memory_space<vmem_shared>>) target(%dma_start3A_74 : memref<80x16xf32, #tpu.memory_space<vmem>>) offsets(%dma_start3A_77 : memref<80xi32, #tpu.memory_space<vmem>>) semaphore(%dma_start3A_82 : memref<!tpu.dma_semaphore, #tpu.memory_space<semaphore_mem>>)
      %mul3A_83 = arith.constant 5 : i32
      %mul3A_84 = arith.muli %scan3A_19, %mul3A_83 : i32
      %add3A_85 = arith.constant 4 : i32
      %add3A_86 = arith.addi %mul3A_84, %add3A_85 : i32
      %dma_start3A_87 = arith.constant 4 : i32
      %dma_start3A_88 = arith.constant 320 : i32
      %dma_start3A_89 = arith.constant 0 : i32
      %dma_start3A_90 = tpu.memref_slice %arg9[%dma_start3A_88, %dma_start3A_89] : memref<400x16xf32, #tpu.memory_space<vmem>> -> memref<80x16xf32, #tpu.memory_space<vmem>>
      %dma_start3A_91 = arith.constant 0 : i32
      %dma_start3A_92 = tpu.memref_slice %arg7[%add3A_86, %dma_start3A_91] : memref<125x80xi32, #tpu.memory_space<vmem>> -> memref<1x80xi32, #tpu.memory_space<vmem>>
      %dma_start3A_93 = tpu.memref_squeeze %dma_start3A_92 : memref<1x80xi32, #tpu.memory_space<vmem>> -> memref<80xi32, #tpu.memory_space<vmem>>
      %dma_start3A_94 = arith.constant 0 : i32
      %dma_start3A_95 = arith.constant 0 : i32
      %dma_start3A_96 = tpu.memref_slice %arg11[%dma_start3A_94, %dma_start3A_95] : memref<10000x16xf32, #tpu.memory_space<vmem_shared>> -> memref<10000x16xf32, #tpu.memory_space<vmem_shared>>
      %dma_start3A_97 = tpu.memref_slice %arg12[%dma_start3A_87] : memref<5x!tpu.dma_semaphore, #tpu.memory_space<semaphore_mem>> -> memref<1x!tpu.dma_semaphore, #tpu.memory_space<semaphore_mem>>
      %dma_start3A_98 = tpu.memref_squeeze %dma_start3A_97 : memref<1x!tpu.dma_semaphore, #tpu.memory_space<semaphore_mem>> -> memref<!tpu.dma_semaphore, #tpu.memory_space<semaphore_mem>>
      tpu.enqueue_indirect_dma source(%dma_start3A_96 : memref<10000x16xf32, #tpu.memory_space<vmem_shared>>) target(%dma_start3A_90 : memref<80x16xf32, #tpu.memory_space<vmem>>) offsets(%dma_start3A_93 : memref<80xi32, #tpu.memory_space<vmem>>) semaphore(%dma_start3A_98 : memref<!tpu.dma_semaphore, #tpu.memory_space<semaphore_mem>>)
      %dma_wait3A = arith.constant 0 : i32
      %dma_wait3A_99 = arith.constant 0 : i32
      %dma_wait3A_100 = arith.constant 0 : i32
      %dma_wait3A_101 = tpu.memref_slice %arg9[%dma_wait3A_99, %dma_wait3A_100] : memref<400x16xf32, #tpu.memory_space<vmem>> -> memref<80x16xf32, #tpu.memory_space<vmem>>
      %dma_wait3A_102 = arith.constant 0 : i32
      %dma_wait3A_103 = tpu.memref_slice %arg7[%add3A_23, %dma_wait3A_102] : memref<125x80xi32, #tpu.memory_space<vmem>> -> memref<1x80xi32, #tpu.memory_space<vmem>>
      %dma_wait3A_104 = tpu.memref_squeeze %dma_wait3A_103 : memref<1x80xi32, #tpu.memory_space<vmem>> -> memref<80xi32, #tpu.memory_space<vmem>>
      %dma_wait3A_105 = arith.constant 0 : i32
      %dma_wait3A_106 = arith.constant 0 : i32
      %dma_wait3A_107 = tpu.memref_slice %arg11[%dma_wait3A_105, %dma_wait3A_106] : memref<10000x16xf32, #tpu.memory_space<vmem_shared>> -> memref<10000x16xf32, #tpu.memory_space<vmem_shared>>
      %dma_wait3A_108 = tpu.memref_slice %arg12[%dma_wait3A] : memref<5x!tpu.dma_semaphore, #tpu.memory_space<semaphore_mem>> -> memref<1x!tpu.dma_semaphore, #tpu.memory_space<semaphore_mem>>
      %dma_wait3A_109 = tpu.memref_squeeze %dma_wait3A_108 : memref<1x!tpu.dma_semaphore, #tpu.memory_space<semaphore_mem>> -> memref<!tpu.dma_semaphore, #tpu.memory_space<semaphore_mem>>
      tpu.wait_indirect_dma semaphore(%dma_wait3A_109 : memref<!tpu.dma_semaphore, #tpu.memory_space<semaphore_mem>>) src(%dma_wait3A_107 : memref<10000x16xf32, #tpu.memory_space<vmem_shared>>) dst(%dma_wait3A_101 : memref<80x16xf32, #tpu.memory_space<vmem>>)
      %mul3A_110 = arith.constant 5 : i32
      %mul3A_111 = arith.muli %scan3A_19, %mul3A_110 : i32
      %add3A_112 = arith.constant 0 : i32
      %add3A_113 = arith.addi %mul3A_111, %add3A_112 : i32
      %dma_start3A_114 = arith.constant 0 : i32
      %dma_start3A_115 = arith.constant 0 : i32
      %dma_start3A_116 = arith.constant 0 : i32
      %dma_start3A_117 = tpu.memref_slice %arg9[%dma_start3A_115, %dma_start3A_116] : memref<400x16xf32, #tpu.memory_space<vmem>> -> memref<80x16xf32, #tpu.memory_space<vmem>>
      %dma_start3A_118 = arith.constant 0 : i32
      %dma_start3A_119 = tpu.memref_slice %arg8[%add3A_113, %dma_start3A_118] : memref<125x80xi32, #tpu.memory_space<vmem>> -> memref<1x80xi32, #tpu.memory_space<vmem>>
      %dma_start3A_120 = tpu.memref_squeeze %dma_start3A_119 : memref<1x80xi32, #tpu.memory_space<vmem>> -> memref<80xi32, #tpu.memory_space<vmem>>
      %dma_start3A_121 = arith.constant 0 : i32
      %dma_start3A_122 = arith.constant 0 : i32
      %dma_start3A_123 = tpu.memref_slice %arg10[%dma_start3A_121, %dma_start3A_122] : memref<10000x16xf32, #tpu.memory_space<vmem_shared>> -> memref<10000x16xf32, #tpu.memory_space<vmem_shared>>
      %dma_start3A_124 = tpu.memref_slice %arg13[%dma_start3A_114] : memref<5x!tpu.dma_semaphore, #tpu.memory_space<semaphore_mem>> -> memref<1x!tpu.dma_semaphore, #tpu.memory_space<semaphore_mem>>
      %dma_start3A_125 = tpu.memref_squeeze %dma_start3A_124 : memref<1x!tpu.dma_semaphore, #tpu.memory_space<semaphore_mem>> -> memref<!tpu.dma_semaphore, #tpu.memory_space<semaphore_mem>>
      tpu.enqueue_indirect_dma source(%dma_start3A_117 : memref<80x16xf32, #tpu.memory_space<vmem>>) target(%dma_start3A_123 : memref<10000x16xf32, #tpu.memory_space<vmem_shared>>) offsets(%dma_start3A_120 : memref<80xi32, #tpu.memory_space<vmem>>) semaphore(%dma_start3A_125 : memref<!tpu.dma_semaphore, #tpu.memory_space<semaphore_mem>>) {add = true}
      %dma_wait3A_126 = arith.constant 1 : i32
      %dma_wait3A_127 = arith.constant 80 : i32
      %dma_wait3A_128 = arith.constant 0 : i32
      %dma_wait3A_129 = tpu.memref_slice %arg9[%dma_wait3A_127, %dma_wait3A_128] : memref<400x16xf32, #tpu.memory_space<vmem>> -> memref<80x16xf32, #tpu.memory_space<vmem>>
      %dma_wait3A_130 = arith.constant 0 : i32
      %dma_wait3A_131 = tpu.memref_slice %arg7[%add3A_38, %dma_wait3A_130] : memref<125x80xi32, #tpu.memory_space<vmem>> -> memref<1x80xi32, #tpu.memory_space<vmem>>
      %dma_wait3A_132 = tpu.memref_squeeze %dma_wait3A_131 : memref<1x80xi32, #tpu.memory_space<vmem>> -> memref<80xi32, #tpu.memory_space<vmem>>
      %dma_wait3A_133 = arith.constant 0 : i32
      %dma_wait3A_134 = arith.constant 0 : i32
      %dma_wait3A_135 = tpu.memref_slice %arg11[%dma_wait3A_133, %dma_wait3A_134] : memref<10000x16xf32, #tpu.memory_space<vmem_shared>> -> memref<10000x16xf32, #tpu.memory_space<vmem_shared>>
      %dma_wait3A_136 = tpu.memref_slice %arg12[%dma_wait3A_126] : memref<5x!tpu.dma_semaphore, #tpu.memory_space<semaphore_mem>> -> memref<1x!tpu.dma_semaphore, #tpu.memory_space<semaphore_mem>>
      %dma_wait3A_137 = tpu.memref_squeeze %dma_wait3A_136 : memref<1x!tpu.dma_semaphore, #tpu.memory_space<semaphore_mem>> -> memref<!tpu.dma_semaphore, #tpu.memory_space<semaphore_mem>>
      tpu.wait_indirect_dma semaphore(%dma_wait3A_137 : memref<!tpu.dma_semaphore, #tpu.memory_space<semaphore_mem>>) src(%dma_wait3A_135 : memref<10000x16xf32, #tpu.memory_space<vmem_shared>>) dst(%dma_wait3A_129 : memref<80x16xf32, #tpu.memory_space<vmem>>)
      %mul3A_138 = arith.constant 5 : i32
      %mul3A_139 = arith.muli %scan3A_19, %mul3A_138 : i32
      %add3A_140 = arith.constant 1 : i32
      %add3A_141 = arith.addi %mul3A_139, %add3A_140 : i32
      %dma_start3A_142 = arith.constant 1 : i32
      %dma_start3A_143 = arith.constant 80 : i32
      %dma_start3A_144 = arith.constant 0 : i32
      %dma_start3A_145 = tpu.memref_slice %arg9[%dma_start3A_143, %dma_start3A_144] : memref<400x16xf32, #tpu.memory_space<vmem>> -> memref<80x16xf32, #tpu.memory_space<vmem>>
      %dma_start3A_146 = arith.constant 0 : i32
      %dma_start3A_147 = tpu.memref_slice %arg8[%add3A_141, %dma_start3A_146] : memref<125x80xi32, #tpu.memory_space<vmem>> -> memref<1x80xi32, #tpu.memory_space<vmem>>
      %dma_start3A_148 = tpu.memref_squeeze %dma_start3A_147 : memref<1x80xi32, #tpu.memory_space<vmem>> -> memref<80xi32, #tpu.memory_space<vmem>>
      %dma_start3A_149 = arith.constant 0 : i32
      %dma_start3A_150 = arith.constant 0 : i32
      %dma_start3A_151 = tpu.memref_slice %arg10[%dma_start3A_149, %dma_start3A_150] : memref<10000x16xf32, #tpu.memory_space<vmem_shared>> -> memref<10000x16xf32, #tpu.memory_space<vmem_shared>>
      %dma_start3A_152 = tpu.memref_slice %arg13[%dma_start3A_142] : memref<5x!tpu.dma_semaphore, #tpu.memory_space<semaphore_mem>> -> memref<1x!tpu.dma_semaphore, #tpu.memory_space<semaphore_mem>>
      %dma_start3A_153 = tpu.memref_squeeze %dma_start3A_152 : memref<1x!tpu.dma_semaphore, #tpu.memory_space<semaphore_mem>> -> memref<!tpu.dma_semaphore, #tpu.memory_space<semaphore_mem>>
      tpu.enqueue_indirect_dma source(%dma_start3A_145 : memref<80x16xf32, #tpu.memory_space<vmem>>) target(%dma_start3A_151 : memref<10000x16xf32, #tpu.memory_space<vmem_shared>>) offsets(%dma_start3A_148 : memref<80xi32, #tpu.memory_space<vmem>>) semaphore(%dma_start3A_153 : memref<!tpu.dma_semaphore, #tpu.memory_space<semaphore_mem>>) {add = true}
      %dma_wait3A_154 = arith.constant 2 : i32
      %dma_wait3A_155 = arith.constant 160 : i32
      %dma_wait3A_156 = arith.constant 0 : i32
      %dma_wait3A_157 = tpu.memref_slice %arg9[%dma_wait3A_155, %dma_wait3A_156] : memref<400x16xf32, #tpu.memory_space<vmem>> -> memref<80x16xf32, #tpu.memory_space<vmem>>
      %dma_wait3A_158 = arith.constant 0 : i32
      %dma_wait3A_159 = tpu.memref_slice %arg7[%add3A_54, %dma_wait3A_158] : memref<125x80xi32, #tpu.memory_space<vmem>> -> memref<1x80xi32, #tpu.memory_space<vmem>>
      %dma_wait3A_160 = tpu.memref_squeeze %dma_wait3A_159 : memref<1x80xi32, #tpu.memory_space<vmem>> -> memref<80xi32, #tpu.memory_space<vmem>>
      %dma_wait3A_161 = arith.constant 0 : i32
      %dma_wait3A_162 = arith.constant 0 : i32
      %dma_wait3A_163 = tpu.memref_slice %arg11[%dma_wait3A_161, %dma_wait3A_162] : memref<10000x16xf32, #tpu.memory_space<vmem_shared>> -> memref<10000x16xf32, #tpu.memory_space<vmem_shared>>
      %dma_wait3A_164 = tpu.memref_slice %arg12[%dma_wait3A_154] : memref<5x!tpu.dma_semaphore, #tpu.memory_space<semaphore_mem>> -> memref<1x!tpu.dma_semaphore, #tpu.memory_space<semaphore_mem>>
      %dma_wait3A_165 = tpu.memref_squeeze %dma_wait3A_164 : memref<1x!tpu.dma_semaphore, #tpu.memory_space<semaphore_mem>> -> memref<!tpu.dma_semaphore, #tpu.memory_space<semaphore_mem>>
      tpu.wait_indirect_dma semaphore(%dma_wait3A_165 : memref<!tpu.dma_semaphore, #tpu.memory_space<semaphore_mem>>) src(%dma_wait3A_163 : memref<10000x16xf32, #tpu.memory_space<vmem_shared>>) dst(%dma_wait3A_157 : memref<80x16xf32, #tpu.memory_space<vmem>>)
      %mul3A_166 = arith.constant 5 : i32
      %mul3A_167 = arith.muli %scan3A_19, %mul3A_166 : i32
      %add3A_168 = arith.constant 2 : i32
      %add3A_169 = arith.addi %mul3A_167, %add3A_168 : i32
      %dma_start3A_170 = arith.constant 2 : i32
      %dma_start3A_171 = arith.constant 160 : i32
      %dma_start3A_172 = arith.constant 0 : i32
      %dma_start3A_173 = tpu.memref_slice %arg9[%dma_start3A_171, %dma_start3A_172] : memref<400x16xf32, #tpu.memory_space<vmem>> -> memref<80x16xf32, #tpu.memory_space<vmem>>
      %dma_start3A_174 = arith.constant 0 : i32
      %dma_start3A_175 = tpu.memref_slice %arg8[%add3A_169, %dma_start3A_174] : memref<125x80xi32, #tpu.memory_space<vmem>> -> memref<1x80xi32, #tpu.memory_space<vmem>>
      %dma_start3A_176 = tpu.memref_squeeze %dma_start3A_175 : memref<1x80xi32, #tpu.memory_space<vmem>> -> memref<80xi32, #tpu.memory_space<vmem>>
      %dma_start3A_177 = arith.constant 0 : i32
      %dma_start3A_178 = arith.constant 0 : i32
      %dma_start3A_179 = tpu.memref_slice %arg10[%dma_start3A_177, %dma_start3A_178] : memref<10000x16xf32, #tpu.memory_space<vmem_shared>> -> memref<10000x16xf32, #tpu.memory_space<vmem_shared>>
      %dma_start3A_180 = tpu.memref_slice %arg13[%dma_start3A_170] : memref<5x!tpu.dma_semaphore, #tpu.memory_space<semaphore_mem>> -> memref<1x!tpu.dma_semaphore, #tpu.memory_space<semaphore_mem>>
      %dma_start3A_181 = tpu.memref_squeeze %dma_start3A_180 : memref<1x!tpu.dma_semaphore, #tpu.memory_space<semaphore_mem>> -> memref<!tpu.dma_semaphore, #tpu.memory_space<semaphore_mem>>
      tpu.enqueue_indirect_dma source(%dma_start3A_173 : memref<80x16xf32, #tpu.memory_space<vmem>>) target(%dma_start3A_179 : memref<10000x16xf32, #tpu.memory_space<vmem_shared>>) offsets(%dma_start3A_176 : memref<80xi32, #tpu.memory_space<vmem>>) semaphore(%dma_start3A_181 : memref<!tpu.dma_semaphore, #tpu.memory_space<semaphore_mem>>) {add = true}
      %dma_wait3A_182 = arith.constant 3 : i32
      %dma_wait3A_183 = arith.constant 240 : i32
      %dma_wait3A_184 = arith.constant 0 : i32
      %dma_wait3A_185 = tpu.memref_slice %arg9[%dma_wait3A_183, %dma_wait3A_184] : memref<400x16xf32, #tpu.memory_space<vmem>> -> memref<80x16xf32, #tpu.memory_space<vmem>>
      %dma_wait3A_186 = arith.constant 0 : i32
      %dma_wait3A_187 = tpu.memref_slice %arg7[%add3A_70, %dma_wait3A_186] : memref<125x80xi32, #tpu.memory_space<vmem>> -> memref<1x80xi32, #tpu.memory_space<vmem>>
      %dma_wait3A_188 = tpu.memref_squeeze %dma_wait3A_187 : memref<1x80xi32, #tpu.memory_space<vmem>> -> memref<80xi32, #tpu.memory_space<vmem>>
      %dma_wait3A_189 = arith.constant 0 : i32
      %dma_wait3A_190 = arith.constant 0 : i32
      %dma_wait3A_191 = tpu.memref_slice %arg11[%dma_wait3A_189, %dma_wait3A_190] : memref<10000x16xf32, #tpu.memory_space<vmem_shared>> -> memref<10000x16xf32, #tpu.memory_space<vmem_shared>>
      %dma_wait3A_192 = tpu.memref_slice %arg12[%dma_wait3A_182] : memref<5x!tpu.dma_semaphore, #tpu.memory_space<semaphore_mem>> -> memref<1x!tpu.dma_semaphore, #tpu.memory_space<semaphore_mem>>
      %dma_wait3A_193 = tpu.memref_squeeze %dma_wait3A_192 : memref<1x!tpu.dma_semaphore, #tpu.memory_space<semaphore_mem>> -> memref<!tpu.dma_semaphore, #tpu.memory_space<semaphore_mem>>
      tpu.wait_indirect_dma semaphore(%dma_wait3A_193 : memref<!tpu.dma_semaphore, #tpu.memory_space<semaphore_mem>>) src(%dma_wait3A_191 : memref<10000x16xf32, #tpu.memory_space<vmem_shared>>) dst(%dma_wait3A_185 : memref<80x16xf32, #tpu.memory_space<vmem>>)
      %mul3A_194 = arith.constant 5 : i32
      %mul3A_195 = arith.muli %scan3A_19, %mul3A_194 : i32
      %add3A_196 = arith.constant 3 : i32
      %add3A_197 = arith.addi %mul3A_195, %add3A_196 : i32
      %dma_start3A_198 = arith.constant 3 : i32
      %dma_start3A_199 = arith.constant 240 : i32
      %dma_start3A_200 = arith.constant 0 : i32
      %dma_start3A_201 = tpu.memref_slice %arg9[%dma_start3A_199, %dma_start3A_200] : memref<400x16xf32, #tpu.memory_space<vmem>> -> memref<80x16xf32, #tpu.memory_space<vmem>>
      %dma_start3A_202 = arith.constant 0 : i32
      %dma_start3A_203 = tpu.memref_slice %arg8[%add3A_197, %dma_start3A_202] : memref<125x80xi32, #tpu.memory_space<vmem>> -> memref<1x80xi32, #tpu.memory_space<vmem>>
      %dma_start3A_204 = tpu.memref_squeeze %dma_start3A_203 : memref<1x80xi32, #tpu.memory_space<vmem>> -> memref<80xi32, #tpu.memory_space<vmem>>
      %dma_start3A_205 = arith.constant 0 : i32
      %dma_start3A_206 = arith.constant 0 : i32
      %dma_start3A_207 = tpu.memref_slice %arg10[%dma_start3A_205, %dma_start3A_206] : memref<10000x16xf32, #tpu.memory_space<vmem_shared>> -> memref<10000x16xf32, #tpu.memory_space<vmem_shared>>
      %dma_start3A_208 = tpu.memref_slice %arg13[%dma_start3A_198] : memref<5x!tpu.dma_semaphore, #tpu.memory_space<semaphore_mem>> -> memref<1x!tpu.dma_semaphore, #tpu.memory_space<semaphore_mem>>
      %dma_start3A_209 = tpu.memref_squeeze %dma_start3A_208 : memref<1x!tpu.dma_semaphore, #tpu.memory_space<semaphore_mem>> -> memref<!tpu.dma_semaphore, #tpu.memory_space<semaphore_mem>>
      tpu.enqueue_indirect_dma source(%dma_start3A_201 : memref<80x16xf32, #tpu.memory_space<vmem>>) target(%dma_start3A_207 : memref<10000x16xf32, #tpu.memory_space<vmem_shared>>) offsets(%dma_start3A_204 : memref<80xi32, #tpu.memory_space<vmem>>) semaphore(%dma_start3A_209 : memref<!tpu.dma_semaphore, #tpu.memory_space<semaphore_mem>>) {add = true}
      %dma_wait3A_210 = arith.constant 4 : i32
      %dma_wait3A_211 = arith.constant 320 : i32
      %dma_wait3A_212 = arith.constant 0 : i32
      %dma_wait3A_213 = tpu.memref_slice %arg9[%dma_wait3A_211, %dma_wait3A_212] : memref<400x16xf32, #tpu.memory_space<vmem>> -> memref<80x16xf32, #tpu.memory_space<vmem>>
      %dma_wait3A_214 = arith.constant 0 : i32
      %dma_wait3A_215 = tpu.memref_slice %arg7[%add3A_86, %dma_wait3A_214] : memref<125x80xi32, #tpu.memory_space<vmem>> -> memref<1x80xi32, #tpu.memory_space<vmem>>
      %dma_wait3A_216 = tpu.memref_squeeze %dma_wait3A_215 : memref<1x80xi32, #tpu.memory_space<vmem>> -> memref<80xi32, #tpu.memory_space<vmem>>
      %dma_wait3A_217 = arith.constant 0 : i32
      %dma_wait3A_218 = arith.constant 0 : i32
      %dma_wait3A_219 = tpu.memref_slice %arg11[%dma_wait3A_217, %dma_wait3A_218] : memref<10000x16xf32, #tpu.memory_space<vmem_shared>> -> memref<10000x16xf32, #tpu.memory_space<vmem_shared>>
      %dma_wait3A_220 = tpu.memref_slice %arg12[%dma_wait3A_210] : memref<5x!tpu.dma_semaphore, #tpu.memory_space<semaphore_mem>> -> memref<1x!tpu.dma_semaphore, #tpu.memory_space<semaphore_mem>>
      %dma_wait3A_221 = tpu.memref_squeeze %dma_wait3A_220 : memref<1x!tpu.dma_semaphore, #tpu.memory_space<semaphore_mem>> -> memref<!tpu.dma_semaphore, #tpu.memory_space<semaphore_mem>>
      tpu.wait_indirect_dma semaphore(%dma_wait3A_221 : memref<!tpu.dma_semaphore, #tpu.memory_space<semaphore_mem>>) src(%dma_wait3A_219 : memref<10000x16xf32, #tpu.memory_space<vmem_shared>>) dst(%dma_wait3A_213 : memref<80x16xf32, #tpu.memory_space<vmem>>)
      %mul3A_222 = arith.constant 5 : i32
      %mul3A_223 = arith.muli %scan3A_19, %mul3A_222 : i32
      %add3A_224 = arith.constant 4 : i32
      %add3A_225 = arith.addi %mul3A_223, %add3A_224 : i32
      %dma_start3A_226 = arith.constant 4 : i32
      %dma_start3A_227 = arith.constant 320 : i32
      %dma_start3A_228 = arith.constant 0 : i32
      %dma_start3A_229 = tpu.memref_slice %arg9[%dma_start3A_227, %dma_start3A_228] : memref<400x16xf32, #tpu.memory_space<vmem>> -> memref<80x16xf32, #tpu.memory_space<vmem>>
      %dma_start3A_230 = arith.constant 0 : i32
      %dma_start3A_231 = tpu.memref_slice %arg8[%add3A_225, %dma_start3A_230] : memref<125x80xi32, #tpu.memory_space<vmem>> -> memref<1x80xi32, #tpu.memory_space<vmem>>
      %dma_start3A_232 = tpu.memref_squeeze %dma_start3A_231 : memref<1x80xi32, #tpu.memory_space<vmem>> -> memref<80xi32, #tpu.memory_space<vmem>>
      %dma_start3A_233 = arith.constant 0 : i32
      %dma_start3A_234 = arith.constant 0 : i32
      %dma_start3A_235 = tpu.memref_slice %arg10[%dma_start3A_233, %dma_start3A_234] : memref<10000x16xf32, #tpu.memory_space<vmem_shared>> -> memref<10000x16xf32, #tpu.memory_space<vmem_shared>>
      %dma_start3A_236 = tpu.memref_slice %arg13[%dma_start3A_226] : memref<5x!tpu.dma_semaphore, #tpu.memory_space<semaphore_mem>> -> memref<1x!tpu.dma_semaphore, #tpu.memory_space<semaphore_mem>>
      %dma_start3A_237 = tpu.memref_squeeze %dma_start3A_236 : memref<1x!tpu.dma_semaphore, #tpu.memory_space<semaphore_mem>> -> memref<!tpu.dma_semaphore, #tpu.memory_space<semaphore_mem>>
      tpu.enqueue_indirect_dma source(%dma_start3A_229 : memref<80x16xf32, #tpu.memory_space<vmem>>) target(%dma_start3A_235 : memref<10000x16xf32, #tpu.memory_space<vmem_shared>>) offsets(%dma_start3A_232 : memref<80xi32, #tpu.memory_space<vmem>>) semaphore(%dma_start3A_237 : memref<!tpu.dma_semaphore, #tpu.memory_space<semaphore_mem>>) {add = true}
      %dma_wait3A_238 = arith.constant 0 : i32
      %dma_wait3A_239 = arith.constant 0 : i32
      %dma_wait3A_240 = arith.constant 0 : i32
      %dma_wait3A_241 = tpu.memref_slice %arg9[%dma_wait3A_239, %dma_wait3A_240] : memref<400x16xf32, #tpu.memory_space<vmem>> -> memref<80x16xf32, #tpu.memory_space<vmem>>
      %dma_wait3A_242 = arith.constant 0 : i32
      %dma_wait3A_243 = tpu.memref_slice %arg8[%add3A_113, %dma_wait3A_242] : memref<125x80xi32, #tpu.memory_space<vmem>> -> memref<1x80xi32, #tpu.memory_space<vmem>>
      %dma_wait3A_244 = tpu.memref_squeeze %dma_wait3A_243 : memref<1x80xi32, #tpu.memory_space<vmem>> -> memref<80xi32, #tpu.memory_space<vmem>>
      %dma_wait3A_245 = arith.constant 0 : i32
      %dma_wait3A_246 = arith.constant 0 : i32
      %dma_wait3A_247 = tpu.memref_slice %arg10[%dma_wait3A_245, %dma_wait3A_246] : memref<10000x16xf32, #tpu.memory_space<vmem_shared>> -> memref<10000x16xf32, #tpu.memory_space<vmem_shared>>
      %dma_wait3A_248 = tpu.memref_slice %arg13[%dma_wait3A_238] : memref<5x!tpu.dma_semaphore, #tpu.memory_space<semaphore_mem>> -> memref<1x!tpu.dma_semaphore, #tpu.memory_space<semaphore_mem>>
      %dma_wait3A_249 = tpu.memref_squeeze %dma_wait3A_248 : memref<1x!tpu.dma_semaphore, #tpu.memory_space<semaphore_mem>> -> memref<!tpu.dma_semaphore, #tpu.memory_space<semaphore_mem>>
      tpu.wait_indirect_dma semaphore(%dma_wait3A_249 : memref<!tpu.dma_semaphore, #tpu.memory_space<semaphore_mem>>) src(%dma_wait3A_241 : memref<80x16xf32, #tpu.memory_space<vmem>>) dst(%dma_wait3A_247 : memref<10000x16xf32, #tpu.memory_space<vmem_shared>>)
      %dma_wait3A_250 = arith.constant 1 : i32
      %dma_wait3A_251 = arith.constant 80 : i32
      %dma_wait3A_252 = arith.constant 0 : i32
      %dma_wait3A_253 = tpu.memref_slice %arg9[%dma_wait3A_251, %dma_wait3A_252] : memref<400x16xf32, #tpu.memory_space<vmem>> -> memref<80x16xf32, #tpu.memory_space<vmem>>
      %dma_wait3A_254 = arith.constant 0 : i32
      %dma_wait3A_255 = tpu.memref_slice %arg8[%add3A_141, %dma_wait3A_254] : memref<125x80xi32, #tpu.memory_space<vmem>> -> memref<1x80xi32, #tpu.memory_space<vmem>>
      %dma_wait3A_256 = tpu.memref_squeeze %dma_wait3A_255 : memref<1x80xi32, #tpu.memory_space<vmem>> -> memref<80xi32, #tpu.memory_space<vmem>>
      %dma_wait3A_257 = arith.constant 0 : i32
      %dma_wait3A_258 = arith.constant 0 : i32
      %dma_wait3A_259 = tpu.memref_slice %arg10[%dma_wait3A_257, %dma_wait3A_258] : memref<10000x16xf32, #tpu.memory_space<vmem_shared>> -> memref<10000x16xf32, #tpu.memory_space<vmem_shared>>
      %dma_wait3A_260 = tpu.memref_slice %arg13[%dma_wait3A_250] : memref<5x!tpu.dma_semaphore, #tpu.memory_space<semaphore_mem>> -> memref<1x!tpu.dma_semaphore, #tpu.memory_space<semaphore_mem>>
      %dma_wait3A_261 = tpu.memref_squeeze %dma_wait3A_260 : memref<1x!tpu.dma_semaphore, #tpu.memory_space<semaphore_mem>> -> memref<!tpu.dma_semaphore, #tpu.memory_space<semaphore_mem>>
      tpu.wait_indirect_dma semaphore(%dma_wait3A_261 : memref<!tpu.dma_semaphore, #tpu.memory_space<semaphore_mem>>) src(%dma_wait3A_253 : memref<80x16xf32, #tpu.memory_space<vmem>>) dst(%dma_wait3A_259 : memref<10000x16xf32, #tpu.memory_space<vmem_shared>>)
      %dma_wait3A_262 = arith.constant 2 : i32
      %dma_wait3A_263 = arith.constant 160 : i32
      %dma_wait3A_264 = arith.constant 0 : i32
      %dma_wait3A_265 = tpu.memref_slice %arg9[%dma_wait3A_263, %dma_wait3A_264] : memref<400x16xf32, #tpu.memory_space<vmem>> -> memref<80x16xf32, #tpu.memory_space<vmem>>
      %dma_wait3A_266 = arith.constant 0 : i32
      %dma_wait3A_267 = tpu.memref_slice %arg8[%add3A_169, %dma_wait3A_266] : memref<125x80xi32, #tpu.memory_space<vmem>> -> memref<1x80xi32, #tpu.memory_space<vmem>>
      %dma_wait3A_268 = tpu.memref_squeeze %dma_wait3A_267 : memref<1x80xi32, #tpu.memory_space<vmem>> -> memref<80xi32, #tpu.memory_space<vmem>>
      %dma_wait3A_269 = arith.constant 0 : i32
      %dma_wait3A_270 = arith.constant 0 : i32
      %dma_wait3A_271 = tpu.memref_slice %arg10[%dma_wait3A_269, %dma_wait3A_270] : memref<10000x16xf32, #tpu.memory_space<vmem_shared>> -> memref<10000x16xf32, #tpu.memory_space<vmem_shared>>
      %dma_wait3A_272 = tpu.memref_slice %arg13[%dma_wait3A_262] : memref<5x!tpu.dma_semaphore, #tpu.memory_space<semaphore_mem>> -> memref<1x!tpu.dma_semaphore, #tpu.memory_space<semaphore_mem>>
      %dma_wait3A_273 = tpu.memref_squeeze %dma_wait3A_272 : memref<1x!tpu.dma_semaphore, #tpu.memory_space<semaphore_mem>> -> memref<!tpu.dma_semaphore, #tpu.memory_space<semaphore_mem>>
      tpu.wait_indirect_dma semaphore(%dma_wait3A_273 : memref<!tpu.dma_semaphore, #tpu.memory_space<semaphore_mem>>) src(%dma_wait3A_265 : memref<80x16xf32, #tpu.memory_space<vmem>>) dst(%dma_wait3A_271 : memref<10000x16xf32, #tpu.memory_space<vmem_shared>>)
      %dma_wait3A_274 = arith.constant 3 : i32
      %dma_wait3A_275 = arith.constant 240 : i32
      %dma_wait3A_276 = arith.constant 0 : i32
      %dma_wait3A_277 = tpu.memref_slice %arg9[%dma_wait3A_275, %dma_wait3A_276] : memref<400x16xf32, #tpu.memory_space<vmem>> -> memref<80x16xf32, #tpu.memory_space<vmem>>
      %dma_wait3A_278 = arith.constant 0 : i32
      %dma_wait3A_279 = tpu.memref_slice %arg8[%add3A_197, %dma_wait3A_278] : memref<125x80xi32, #tpu.memory_space<vmem>> -> memref<1x80xi32, #tpu.memory_space<vmem>>
      %dma_wait3A_280 = tpu.memref_squeeze %dma_wait3A_279 : memref<1x80xi32, #tpu.memory_space<vmem>> -> memref<80xi32, #tpu.memory_space<vmem>>
      %dma_wait3A_281 = arith.constant 0 : i32
      %dma_wait3A_282 = arith.constant 0 : i32
      %dma_wait3A_283 = tpu.memref_slice %arg10[%dma_wait3A_281, %dma_wait3A_282] : memref<10000x16xf32, #tpu.memory_space<vmem_shared>> -> memref<10000x16xf32, #tpu.memory_space<vmem_shared>>
      %dma_wait3A_284 = tpu.memref_slice %arg13[%dma_wait3A_274] : memref<5x!tpu.dma_semaphore, #tpu.memory_space<semaphore_mem>> -> memref<1x!tpu.dma_semaphore, #tpu.memory_space<semaphore_mem>>
      %dma_wait3A_285 = tpu.memref_squeeze %dma_wait3A_284 : memref<1x!tpu.dma_semaphore, #tpu.memory_space<semaphore_mem>> -> memref<!tpu.dma_semaphore, #tpu.memory_space<semaphore_mem>>
      tpu.wait_indirect_dma semaphore(%dma_wait3A_285 : memref<!tpu.dma_semaphore, #tpu.memory_space<semaphore_mem>>) src(%dma_wait3A_277 : memref<80x16xf32, #tpu.memory_space<vmem>>) dst(%dma_wait3A_283 : memref<10000x16xf32, #tpu.memory_space<vmem_shared>>)
      %dma_wait3A_286 = arith.constant 4 : i32
      %dma_wait3A_287 = arith.constant 320 : i32
      %dma_wait3A_288 = arith.constant 0 : i32
      %dma_wait3A_289 = tpu.memref_slice %arg9[%dma_wait3A_287, %dma_wait3A_288] : memref<400x16xf32, #tpu.memory_space<vmem>> -> memref<80x16xf32, #tpu.memory_space<vmem>>
      %dma_wait3A_290 = arith.constant 0 : i32
      %dma_wait3A_291 = tpu.memref_slice %arg8[%add3A_225, %dma_wait3A_290] : memref<125x80xi32, #tpu.memory_space<vmem>> -> memref<1x80xi32, #tpu.memory_space<vmem>>
      %dma_wait3A_292 = tpu.memref_squeeze %dma_wait3A_291 : memref<1x80xi32, #tpu.memory_space<vmem>> -> memref<80xi32, #tpu.memory_space<vmem>>
      %dma_wait3A_293 = arith.constant 0 : i32
      %dma_wait3A_294 = arith.constant 0 : i32
      %dma_wait3A_295 = tpu.memref_slice %arg10[%dma_wait3A_293, %dma_wait3A_294] : memref<10000x16xf32, #tpu.memory_space<vmem_shared>> -> memref<10000x16xf32, #tpu.memory_space<vmem_shared>>
      %dma_wait3A_296 = tpu.memref_slice %arg13[%dma_wait3A_286] : memref<5x!tpu.dma_semaphore, #tpu.memory_space<semaphore_mem>> -> memref<1x!tpu.dma_semaphore, #tpu.memory_space<semaphore_mem>>
      %dma_wait3A_297 = tpu.memref_squeeze %dma_wait3A_296 : memref<1x!tpu.dma_semaphore, #tpu.memory_space<semaphore_mem>> -> memref<!tpu.dma_semaphore, #tpu.memory_space<semaphore_mem>>
      tpu.wait_indirect_dma semaphore(%dma_wait3A_297 : memref<!tpu.dma_semaphore, #tpu.memory_space<semaphore_mem>>) src(%dma_wait3A_289 : memref<80x16xf32, #tpu.memory_space<vmem>>) dst(%dma_wait3A_295 : memref<10000x16xf32, #tpu.memory_space<vmem_shared>>)
    }
    %scan3A_13 = arith.constant 25 : i32
    %barrier3A_14 = arith.constant 0 : index
    tpu.barrier barrier_id(%barrier3A_14)
    %mul3A_15 = arith.constant 625 : i32
    %mul3A_16 = arith.muli %arg1, %mul3A_15 : i32
    %mul3A_17 = arith.constant 625 : i32
    %mul3A_18 = arith.muli %arg1, %mul3A_17 : i32
    "tpu.region"() ({
      %run_scoped3A = tpu.sem_alloc : memref<!tpu.dma_semaphore, #tpu.memory_space<semaphore_mem>>
      %dma_start3A = arith.constant 0 : i32
      %dma_start3A_19 = arith.constant 0 : i32
      %dma_start3A_20 = tpu.memref_slice %arg6[%arg0, %dma_start3A, %dma_start3A_19] : memref<2x10000x16xf32, #tpu.memory_space<hbm>> -> memref<1x10000x16xf32, #tpu.memory_space<hbm>>
      %dma_start3A_21 = tpu.memref_squeeze %dma_start3A_20 : memref<1x10000x16xf32, #tpu.memory_space<hbm>> -> memref<10000x16xf32, #tpu.memory_space<hbm>>
      %dma_start3A_22 = arith.constant 0 : i32
      %dma_start3A_23 = tpu.memref_slice %dma_start3A_21[%mul3A_18, %dma_start3A_22] : memref<10000x16xf32, #tpu.memory_space<hbm>> -> memref<625x16xf32, #tpu.memory_space<hbm>>
      %dma_start3A_24 = arith.constant 0 : i32
      %dma_start3A_25 = tpu.memref_slice %arg10[%mul3A_16, %dma_start3A_24] : memref<10000x16xf32, #tpu.memory_space<vmem_shared>> -> memref<625x16xf32, #tpu.memory_space<vmem_shared>>
      tpu.enqueue_dma source(%dma_start3A_25 : memref<625x16xf32, #tpu.memory_space<vmem_shared>>) target(%dma_start3A_23 : memref<625x16xf32, #tpu.memory_space<hbm>>) target_semaphore(%run_scoped3A : memref<!tpu.dma_semaphore, #tpu.memory_space<semaphore_mem>>)
      %dma_wait3A = arith.constant 0 : i32
      %dma_wait3A_26 = arith.constant 0 : i32
      %dma_wait3A_27 = tpu.memref_slice %arg6[%arg0, %dma_wait3A, %dma_wait3A_26] : memref<2x10000x16xf32, #tpu.memory_space<hbm>> -> memref<1x10000x16xf32, #tpu.memory_space<hbm>>
      %dma_wait3A_28 = tpu.memref_squeeze %dma_wait3A_27 : memref<1x10000x16xf32, #tpu.memory_space<hbm>> -> memref<10000x16xf32, #tpu.memory_space<hbm>>
      %dma_wait3A_29 = arith.constant 0 : i32
      %dma_wait3A_30 = tpu.memref_slice %dma_wait3A_28[%mul3A_18, %dma_wait3A_29] : memref<10000x16xf32, #tpu.memory_space<hbm>> -> memref<625x16xf32, #tpu.memory_space<hbm>>
      %dma_wait3A_31 = arith.constant 0 : i32
      %dma_wait3A_32 = tpu.memref_slice %arg10[%mul3A_16, %dma_wait3A_31] : memref<10000x16xf32, #tpu.memory_space<vmem_shared>> -> memref<625x16xf32, #tpu.memory_space<vmem_shared>>
      tpu.wait_dma2 semaphore(%run_scoped3A : memref<!tpu.dma_semaphore, #tpu.memory_space<semaphore_mem>>) src(%dma_wait3A_32 : memref<625x16xf32, #tpu.memory_space<vmem_shared>>) dst(%dma_wait3A_30 : memref<625x16xf32, #tpu.memory_space<hbm>>)
      tpu.yield
    }) : () -> ()
    return
  }
}

#map = affine_map<(d0, d1) -> (0, 0)>
#map1 = affine_map<(d0, d1) -> (0, 0, 0)>
module attributes {stable_mosaic.version = 14 : i64} {
  func.func @k(%arg0: i32, %arg1: i32, %arg2: memref<10000x16xf32, #tpu.memory_space<hbm>>, %arg3: memref<32x125x80xi32, #tpu.memory_space<hbm>>, %arg4: memref<32x125x80xi32, #tpu.memory_space<hbm>>, %arg5: memref<10000x16xf32, #tpu.memory_space<hbm>>, %arg6: memref<2x10000x16xf32, #tpu.memory_space<hbm>>, %arg7: memref<125x80xi32, #tpu.memory_space<vmem>>, %arg8: memref<125x80xi32, #tpu.memory_space<vmem>>, %arg9: memref<400x16xf32, #tpu.memory_space<vmem>>, %arg10: memref<10000x16xf32, #tpu.memory_space<vmem_shared>>, %arg11: memref<10000x16xf32, #tpu.memory_space<vmem_shared>>, %arg12: memref<5x!tpu.dma_semaphore, #tpu.memory_space<semaphore_mem>>, %arg13: memref<5x!tpu.dma_semaphore, #tpu.memory_space<semaphore_mem>>) attributes {dimension_semantics = [#tpu.dimension_semantics<core_parallel>, #tpu.dimension_semantics<subcore_parallel>], iteration_bounds = array<i64: 2, 16>, scalar_prefetch = 0 : i64, scratch_operands = 7 : i64, tpu.core_type = #tpu.core_type<sc_vector_subcore>, window_params = [{transform_indices = #map}, {transform_indices = #map1}, {transform_indices = #map1}, {transform_indices = #map}, {transform_indices = #map1}]} {
    %mul3A = arith.constant 16 : i32
    %mul3A_0 = arith.muli %arg0, %mul3A : i32
    %add3A = arith.addi %mul3A_0, %arg1 : i32
    %mul3A_1 = arith.constant 625 : i32
    %mul3A_2 = arith.muli %arg1, %mul3A_1 : i32
    %mul3A_3 = arith.constant 625 : i32
    %mul3A_4 = arith.muli %arg1, %mul3A_3 : i32
    "tpu.region"() ({
      %run_scoped3A = tpu.sem_alloc : memref<!tpu.dma_semaphore, #tpu.memory_space<semaphore_mem>>
      %dma_start3A = arith.constant 0 : i32
      %dma_start3A_19 = tpu.memref_slice %arg10[%mul3A_4, %dma_start3A] : memref<10000x16xf32, #tpu.memory_space<vmem_shared>> -> memref<625x16xf32, #tpu.memory_space<vmem_shared>>
      %dma_start3A_20 = arith.constant 0 : i32
      %dma_start3A_21 = tpu.memref_slice %arg5[%mul3A_2, %dma_start3A_20] : memref<10000x16xf32, #tpu.memory_space<hbm>> -> memref<625x16xf32, #tpu.memory_space<hbm>>
      tpu.enqueue_dma source(%dma_start3A_21 : memref<625x16xf32, #tpu.memory_space<hbm>>) target(%dma_start3A_19 : memref<625x16xf32, #tpu.memory_space<vmem_shared>>) target_semaphore(%run_scoped3A : memref<!tpu.dma_semaphore, #tpu.memory_space<semaphore_mem>>)
      %dma_wait3A = arith.constant 0 : i32
      %dma_wait3A_22 = tpu.memref_slice %arg10[%mul3A_4, %dma_wait3A] : memref<10000x16xf32, #tpu.memory_space<vmem_shared>> -> memref<625x16xf32, #tpu.memory_space<vmem_shared>>
      %dma_wait3A_23 = arith.constant 0 : i32
      %dma_wait3A_24 = tpu.memref_slice %arg5[%mul3A_2, %dma_wait3A_23] : memref<10000x16xf32, #tpu.memory_space<hbm>> -> memref<625x16xf32, #tpu.memory_space<hbm>>
      tpu.wait_dma2 semaphore(%run_scoped3A : memref<!tpu.dma_semaphore, #tpu.memory_space<semaphore_mem>>) src(%dma_wait3A_24 : memref<625x16xf32, #tpu.memory_space<hbm>>) dst(%dma_wait3A_22 : memref<625x16xf32, #tpu.memory_space<vmem_shared>>)
      tpu.yield
    }) : () -> ()
    %mul3A_5 = arith.constant 625 : i32
    %mul3A_6 = arith.muli %arg1, %mul3A_5 : i32
    %mul3A_7 = arith.constant 625 : i32
    %mul3A_8 = arith.muli %arg1, %mul3A_7 : i32
    "tpu.region"() ({
      %run_scoped3A = tpu.sem_alloc : memref<!tpu.dma_semaphore, #tpu.memory_space<semaphore_mem>>
      %dma_start3A = arith.constant 0 : i32
      %dma_start3A_19 = tpu.memref_slice %arg11[%mul3A_8, %dma_start3A] : memref<10000x16xf32, #tpu.memory_space<vmem_shared>> -> memref<625x16xf32, #tpu.memory_space<vmem_shared>>
      %dma_start3A_20 = arith.constant 0 : i32
      %dma_start3A_21 = tpu.memref_slice %arg2[%mul3A_6, %dma_start3A_20] : memref<10000x16xf32, #tpu.memory_space<hbm>> -> memref<625x16xf32, #tpu.memory_space<hbm>>
      tpu.enqueue_dma source(%dma_start3A_21 : memref<625x16xf32, #tpu.memory_space<hbm>>) target(%dma_start3A_19 : memref<625x16xf32, #tpu.memory_space<vmem_shared>>) target_semaphore(%run_scoped3A : memref<!tpu.dma_semaphore, #tpu.memory_space<semaphore_mem>>)
      %dma_wait3A = arith.constant 0 : i32
      %dma_wait3A_22 = tpu.memref_slice %arg11[%mul3A_8, %dma_wait3A] : memref<10000x16xf32, #tpu.memory_space<vmem_shared>> -> memref<625x16xf32, #tpu.memory_space<vmem_shared>>
      %dma_wait3A_23 = arith.constant 0 : i32
      %dma_wait3A_24 = tpu.memref_slice %arg2[%mul3A_6, %dma_wait3A_23] : memref<10000x16xf32, #tpu.memory_space<hbm>> -> memref<625x16xf32, #tpu.memory_space<hbm>>
      tpu.wait_dma2 semaphore(%run_scoped3A : memref<!tpu.dma_semaphore, #tpu.memory_space<semaphore_mem>>) src(%dma_wait3A_24 : memref<625x16xf32, #tpu.memory_space<hbm>>) dst(%dma_wait3A_22 : memref<625x16xf32, #tpu.memory_space<vmem_shared>>)
      tpu.yield
    }) : () -> ()
    "tpu.region"() ({
      %run_scoped3A = tpu.sem_alloc : memref<!tpu.dma_semaphore, #tpu.memory_space<semaphore_mem>>
      %dma_start3A = arith.constant 0 : i32
      %dma_start3A_19 = arith.constant 0 : i32
      %dma_start3A_20 = tpu.memref_slice %arg3[%add3A, %dma_start3A, %dma_start3A_19] : memref<32x125x80xi32, #tpu.memory_space<hbm>> -> memref<1x125x80xi32, #tpu.memory_space<hbm>>
      %dma_start3A_21 = tpu.memref_squeeze %dma_start3A_20 : memref<1x125x80xi32, #tpu.memory_space<hbm>> -> memref<125x80xi32, #tpu.memory_space<hbm>>
      %dma_start3A_22 = arith.constant 0 : i32
      %dma_start3A_23 = arith.constant 0 : i32
      %dma_start3A_24 = tpu.memref_slice %arg3[%add3A, %dma_start3A_22, %dma_start3A_23] : memref<32x125x80xi32, #tpu.memory_space<hbm>> -> memref<1x125x80xi32, #tpu.memory_space<hbm>>
      %dma_start3A_25 = tpu.memref_squeeze %dma_start3A_24 : memref<1x125x80xi32, #tpu.memory_space<hbm>> -> memref<125x80xi32, #tpu.memory_space<hbm>>
      tpu.enqueue_dma source(%dma_start3A_25 : memref<125x80xi32, #tpu.memory_space<hbm>>) target(%arg7 : memref<125x80xi32, #tpu.memory_space<vmem>>) target_semaphore(%run_scoped3A : memref<!tpu.dma_semaphore, #tpu.memory_space<semaphore_mem>>)
      %dma_wait3A = arith.constant 0 : i32
      %dma_wait3A_26 = arith.constant 0 : i32
      %dma_wait3A_27 = tpu.memref_slice %arg3[%add3A, %dma_wait3A, %dma_wait3A_26] : memref<32x125x80xi32, #tpu.memory_space<hbm>> -> memref<1x125x80xi32, #tpu.memory_space<hbm>>
      %dma_wait3A_28 = tpu.memref_squeeze %dma_wait3A_27 : memref<1x125x80xi32, #tpu.memory_space<hbm>> -> memref<125x80xi32, #tpu.memory_space<hbm>>
      %dma_wait3A_29 = arith.constant 0 : i32
      %dma_wait3A_30 = arith.constant 0 : i32
      %dma_wait3A_31 = tpu.memref_slice %arg3[%add3A, %dma_wait3A_29, %dma_wait3A_30] : memref<32x125x80xi32, #tpu.memory_space<hbm>> -> memref<1x125x80xi32, #tpu.memory_space<hbm>>
      %dma_wait3A_32 = tpu.memref_squeeze %dma_wait3A_31 : memref<1x125x80xi32, #tpu.memory_space<hbm>> -> memref<125x80xi32, #tpu.memory_space<hbm>>
      tpu.wait_dma2 semaphore(%run_scoped3A : memref<!tpu.dma_semaphore, #tpu.memory_space<semaphore_mem>>) src(%dma_wait3A_32 : memref<125x80xi32, #tpu.memory_space<hbm>>) dst(%arg7 : memref<125x80xi32, #tpu.memory_space<vmem>>)
      tpu.yield
    }) : () -> ()
    "tpu.region"() ({
      %run_scoped3A = tpu.sem_alloc : memref<!tpu.dma_semaphore, #tpu.memory_space<semaphore_mem>>
      %dma_start3A = arith.constant 0 : i32
      %dma_start3A_19 = arith.constant 0 : i32
      %dma_start3A_20 = tpu.memref_slice %arg4[%add3A, %dma_start3A, %dma_start3A_19] : memref<32x125x80xi32, #tpu.memory_space<hbm>> -> memref<1x125x80xi32, #tpu.memory_space<hbm>>
      %dma_start3A_21 = tpu.memref_squeeze %dma_start3A_20 : memref<1x125x80xi32, #tpu.memory_space<hbm>> -> memref<125x80xi32, #tpu.memory_space<hbm>>
      %dma_start3A_22 = arith.constant 0 : i32
      %dma_start3A_23 = arith.constant 0 : i32
      %dma_start3A_24 = tpu.memref_slice %arg4[%add3A, %dma_start3A_22, %dma_start3A_23] : memref<32x125x80xi32, #tpu.memory_space<hbm>> -> memref<1x125x80xi32, #tpu.memory_space<hbm>>
      %dma_start3A_25 = tpu.memref_squeeze %dma_start3A_24 : memref<1x125x80xi32, #tpu.memory_space<hbm>> -> memref<125x80xi32, #tpu.memory_space<hbm>>
      tpu.enqueue_dma source(%dma_start3A_25 : memref<125x80xi32, #tpu.memory_space<hbm>>) target(%arg8 : memref<125x80xi32, #tpu.memory_space<vmem>>) target_semaphore(%run_scoped3A : memref<!tpu.dma_semaphore, #tpu.memory_space<semaphore_mem>>)
      %dma_wait3A = arith.constant 0 : i32
      %dma_wait3A_26 = arith.constant 0 : i32
      %dma_wait3A_27 = tpu.memref_slice %arg4[%add3A, %dma_wait3A, %dma_wait3A_26] : memref<32x125x80xi32, #tpu.memory_space<hbm>> -> memref<1x125x80xi32, #tpu.memory_space<hbm>>
      %dma_wait3A_28 = tpu.memref_squeeze %dma_wait3A_27 : memref<1x125x80xi32, #tpu.memory_space<hbm>> -> memref<125x80xi32, #tpu.memory_space<hbm>>
      %dma_wait3A_29 = arith.constant 0 : i32
      %dma_wait3A_30 = arith.constant 0 : i32
      %dma_wait3A_31 = tpu.memref_slice %arg4[%add3A, %dma_wait3A_29, %dma_wait3A_30] : memref<32x125x80xi32, #tpu.memory_space<hbm>> -> memref<1x125x80xi32, #tpu.memory_space<hbm>>
      %dma_wait3A_32 = tpu.memref_squeeze %dma_wait3A_31 : memref<1x125x80xi32, #tpu.memory_space<hbm>> -> memref<125x80xi32, #tpu.memory_space<hbm>>
      tpu.wait_dma2 semaphore(%run_scoped3A : memref<!tpu.dma_semaphore, #tpu.memory_space<semaphore_mem>>) src(%dma_wait3A_32 : memref<125x80xi32, #tpu.memory_space<hbm>>) dst(%arg8 : memref<125x80xi32, #tpu.memory_space<vmem>>)
      tpu.yield
    }) : () -> ()
    %barrier3A = arith.constant 0 : index
    tpu.barrier barrier_id(%barrier3A)
    %scan3A = arith.constant 0 : i32
    %scan3A_9 = arith.constant 0 : i32
    %scan3A_10 = arith.constant 25 : i32
    %scan3A_11 = arith.addi %scan3A_9, %scan3A_10 : i32
    %scan3A_12 = arith.constant 1 : i32
    scf.for %scan3A_19 = %scan3A_9 to %scan3A_11 step %scan3A_12  : i32 {
      %mul3A_20 = arith.constant 5 : i32
      %mul3A_21 = arith.muli %scan3A_19, %mul3A_20 : i32
      %add3A_22 = arith.constant 0 : i32
      %add3A_23 = arith.addi %mul3A_21, %add3A_22 : i32
      %dma_start3A = arith.constant 0 : i32
      %dma_start3A_24 = arith.constant 0 : i32
      %dma_start3A_25 = arith.constant 0 : i32
      %dma_start3A_26 = tpu.memref_slice %arg9[%dma_start3A_24, %dma_start3A_25] : memref<400x16xf32, #tpu.memory_space<vmem>> -> memref<80x16xf32, #tpu.memory_space<vmem>>
      %dma_start3A_27 = arith.constant 0 : i32
      %dma_start3A_28 = tpu.memref_slice %arg7[%add3A_23, %dma_start3A_27] : memref<125x80xi32, #tpu.memory_space<vmem>> -> memref<1x80xi32, #tpu.memory_space<vmem>>
      %dma_start3A_29 = tpu.memref_squeeze %dma_start3A_28 : memref<1x80xi32, #tpu.memory_space<vmem>> -> memref<80xi32, #tpu.memory_space<vmem>>
      %dma_start3A_30 = arith.constant 0 : i32
      %dma_start3A_31 = arith.constant 0 : i32
      %dma_start3A_32 = tpu.memref_slice %arg11[%dma_start3A_30, %dma_start3A_31] : memref<10000x16xf32, #tpu.memory_space<vmem_shared>> -> memref<10000x16xf32, #tpu.memory_space<vmem_shared>>
      %dma_start3A_33 = tpu.memref_slice %arg12[%dma_start3A] : memref<5x!tpu.dma_semaphore, #tpu.memory_space<semaphore_mem>> -> memref<1x!tpu.dma_semaphore, #tpu.memory_space<semaphore_mem>>
      %dma_start3A_34 = tpu.memref_squeeze %dma_start3A_33 : memref<1x!tpu.dma_semaphore, #tpu.memory_space<semaphore_mem>> -> memref<!tpu.dma_semaphore, #tpu.memory_space<semaphore_mem>>
      tpu.enqueue_indirect_dma source(%dma_start3A_32 : memref<10000x16xf32, #tpu.memory_space<vmem_shared>>) target(%dma_start3A_26 : memref<80x16xf32, #tpu.memory_space<vmem>>) offsets(%dma_start3A_29 : memref<80xi32, #tpu.memory_space<vmem>>) semaphore(%dma_start3A_34 : memref<!tpu.dma_semaphore, #tpu.memory_space<semaphore_mem>>)
      %mul3A_35 = arith.constant 5 : i32
      %mul3A_36 = arith.muli %scan3A_19, %mul3A_35 : i32
      %add3A_37 = arith.constant 1 : i32
      %add3A_38 = arith.addi %mul3A_36, %add3A_37 : i32
      %dma_start3A_39 = arith.constant 1 : i32
      %dma_start3A_40 = arith.constant 80 : i32
      %dma_start3A_41 = arith.constant 0 : i32
      %dma_start3A_42 = tpu.memref_slice %arg9[%dma_start3A_40, %dma_start3A_41] : memref<400x16xf32, #tpu.memory_space<vmem>> -> memref<80x16xf32, #tpu.memory_space<vmem>>
      %dma_start3A_43 = arith.constant 0 : i32
      %dma_start3A_44 = tpu.memref_slice %arg7[%add3A_38, %dma_start3A_43] : memref<125x80xi32, #tpu.memory_space<vmem>> -> memref<1x80xi32, #tpu.memory_space<vmem>>
      %dma_start3A_45 = tpu.memref_squeeze %dma_start3A_44 : memref<1x80xi32, #tpu.memory_space<vmem>> -> memref<80xi32, #tpu.memory_space<vmem>>
      %dma_start3A_46 = arith.constant 0 : i32
      %dma_start3A_47 = arith.constant 0 : i32
      %dma_start3A_48 = tpu.memref_slice %arg11[%dma_start3A_46, %dma_start3A_47] : memref<10000x16xf32, #tpu.memory_space<vmem_shared>> -> memref<10000x16xf32, #tpu.memory_space<vmem_shared>>
      %dma_start3A_49 = tpu.memref_slice %arg12[%dma_start3A_39] : memref<5x!tpu.dma_semaphore, #tpu.memory_space<semaphore_mem>> -> memref<1x!tpu.dma_semaphore, #tpu.memory_space<semaphore_mem>>
      %dma_start3A_50 = tpu.memref_squeeze %dma_start3A_49 : memref<1x!tpu.dma_semaphore, #tpu.memory_space<semaphore_mem>> -> memref<!tpu.dma_semaphore, #tpu.memory_space<semaphore_mem>>
      tpu.enqueue_indirect_dma source(%dma_start3A_48 : memref<10000x16xf32, #tpu.memory_space<vmem_shared>>) target(%dma_start3A_42 : memref<80x16xf32, #tpu.memory_space<vmem>>) offsets(%dma_start3A_45 : memref<80xi32, #tpu.memory_space<vmem>>) semaphore(%dma_start3A_50 : memref<!tpu.dma_semaphore, #tpu.memory_space<semaphore_mem>>)
      %mul3A_51 = arith.constant 5 : i32
      %mul3A_52 = arith.muli %scan3A_19, %mul3A_51 : i32
      %add3A_53 = arith.constant 2 : i32
      %add3A_54 = arith.addi %mul3A_52, %add3A_53 : i32
      %dma_start3A_55 = arith.constant 2 : i32
      %dma_start3A_56 = arith.constant 160 : i32
      %dma_start3A_57 = arith.constant 0 : i32
      %dma_start3A_58 = tpu.memref_slice %arg9[%dma_start3A_56, %dma_start3A_57] : memref<400x16xf32, #tpu.memory_space<vmem>> -> memref<80x16xf32, #tpu.memory_space<vmem>>
      %dma_start3A_59 = arith.constant 0 : i32
      %dma_start3A_60 = tpu.memref_slice %arg7[%add3A_54, %dma_start3A_59] : memref<125x80xi32, #tpu.memory_space<vmem>> -> memref<1x80xi32, #tpu.memory_space<vmem>>
      %dma_start3A_61 = tpu.memref_squeeze %dma_start3A_60 : memref<1x80xi32, #tpu.memory_space<vmem>> -> memref<80xi32, #tpu.memory_space<vmem>>
      %dma_start3A_62 = arith.constant 0 : i32
      %dma_start3A_63 = arith.constant 0 : i32
      %dma_start3A_64 = tpu.memref_slice %arg11[%dma_start3A_62, %dma_start3A_63] : memref<10000x16xf32, #tpu.memory_space<vmem_shared>> -> memref<10000x16xf32, #tpu.memory_space<vmem_shared>>
      %dma_start3A_65 = tpu.memref_slice %arg12[%dma_start3A_55] : memref<5x!tpu.dma_semaphore, #tpu.memory_space<semaphore_mem>> -> memref<1x!tpu.dma_semaphore, #tpu.memory_space<semaphore_mem>>
      %dma_start3A_66 = tpu.memref_squeeze %dma_start3A_65 : memref<1x!tpu.dma_semaphore, #tpu.memory_space<semaphore_mem>> -> memref<!tpu.dma_semaphore, #tpu.memory_space<semaphore_mem>>
      tpu.enqueue_indirect_dma source(%dma_start3A_64 : memref<10000x16xf32, #tpu.memory_space<vmem_shared>>) target(%dma_start3A_58 : memref<80x16xf32, #tpu.memory_space<vmem>>) offsets(%dma_start3A_61 : memref<80xi32, #tpu.memory_space<vmem>>) semaphore(%dma_start3A_66 : memref<!tpu.dma_semaphore, #tpu.memory_space<semaphore_mem>>)
      %mul3A_67 = arith.constant 5 : i32
      %mul3A_68 = arith.muli %scan3A_19, %mul3A_67 : i32
      %add3A_69 = arith.constant 3 : i32
      %add3A_70 = arith.addi %mul3A_68, %add3A_69 : i32
      %dma_start3A_71 = arith.constant 3 : i32
      %dma_start3A_72 = arith.constant 240 : i32
      %dma_start3A_73 = arith.constant 0 : i32
      %dma_start3A_74 = tpu.memref_slice %arg9[%dma_start3A_72, %dma_start3A_73] : memref<400x16xf32, #tpu.memory_space<vmem>> -> memref<80x16xf32, #tpu.memory_space<vmem>>
      %dma_start3A_75 = arith.constant 0 : i32
      %dma_start3A_76 = tpu.memref_slice %arg7[%add3A_70, %dma_start3A_75] : memref<125x80xi32, #tpu.memory_space<vmem>> -> memref<1x80xi32, #tpu.memory_space<vmem>>
      %dma_start3A_77 = tpu.memref_squeeze %dma_start3A_76 : memref<1x80xi32, #tpu.memory_space<vmem>> -> memref<80xi32, #tpu.memory_space<vmem>>
      %dma_start3A_78 = arith.constant 0 : i32
      %dma_start3A_79 = arith.constant 0 : i32
      %dma_start3A_80 = tpu.memref_slice %arg11[%dma_start3A_78, %dma_start3A_79] : memref<10000x16xf32, #tpu.memory_space<vmem_shared>> -> memref<10000x16xf32, #tpu.memory_space<vmem_shared>>
      %dma_start3A_81 = tpu.memref_slice %arg12[%dma_start3A_71] : memref<5x!tpu.dma_semaphore, #tpu.memory_space<semaphore_mem>> -> memref<1x!tpu.dma_semaphore, #tpu.memory_space<semaphore_mem>>
      %dma_start3A_82 = tpu.memref_squeeze %dma_start3A_81 : memref<1x!tpu.dma_semaphore, #tpu.memory_space<semaphore_mem>> -> memref<!tpu.dma_semaphore, #tpu.memory_space<semaphore_mem>>
      tpu.enqueue_indirect_dma source(%dma_start3A_80 : memref<10000x16xf32, #tpu.memory_space<vmem_shared>>) target(%dma_start3A_74 : memref<80x16xf32, #tpu.memory_space<vmem>>) offsets(%dma_start3A_77 : memref<80xi32, #tpu.memory_space<vmem>>) semaphore(%dma_start3A_82 : memref<!tpu.dma_semaphore, #tpu.memory_space<semaphore_mem>>)
      %mul3A_83 = arith.constant 5 : i32
      %mul3A_84 = arith.muli %scan3A_19, %mul3A_83 : i32
      %add3A_85 = arith.constant 4 : i32
      %add3A_86 = arith.addi %mul3A_84, %add3A_85 : i32
      %dma_start3A_87 = arith.constant 4 : i32
      %dma_start3A_88 = arith.constant 320 : i32
      %dma_start3A_89 = arith.constant 0 : i32
      %dma_start3A_90 = tpu.memref_slice %arg9[%dma_start3A_88, %dma_start3A_89] : memref<400x16xf32, #tpu.memory_space<vmem>> -> memref<80x16xf32, #tpu.memory_space<vmem>>
      %dma_start3A_91 = arith.constant 0 : i32
      %dma_start3A_92 = tpu.memref_slice %arg7[%add3A_86, %dma_start3A_91] : memref<125x80xi32, #tpu.memory_space<vmem>> -> memref<1x80xi32, #tpu.memory_space<vmem>>
      %dma_start3A_93 = tpu.memref_squeeze %dma_start3A_92 : memref<1x80xi32, #tpu.memory_space<vmem>> -> memref<80xi32, #tpu.memory_space<vmem>>
      %dma_start3A_94 = arith.constant 0 : i32
      %dma_start3A_95 = arith.constant 0 : i32
      %dma_start3A_96 = tpu.memref_slice %arg11[%dma_start3A_94, %dma_start3A_95] : memref<10000x16xf32, #tpu.memory_space<vmem_shared>> -> memref<10000x16xf32, #tpu.memory_space<vmem_shared>>
      %dma_start3A_97 = tpu.memref_slice %arg12[%dma_start3A_87] : memref<5x!tpu.dma_semaphore, #tpu.memory_space<semaphore_mem>> -> memref<1x!tpu.dma_semaphore, #tpu.memory_space<semaphore_mem>>
      %dma_start3A_98 = tpu.memref_squeeze %dma_start3A_97 : memref<1x!tpu.dma_semaphore, #tpu.memory_space<semaphore_mem>> -> memref<!tpu.dma_semaphore, #tpu.memory_space<semaphore_mem>>
      tpu.enqueue_indirect_dma source(%dma_start3A_96 : memref<10000x16xf32, #tpu.memory_space<vmem_shared>>) target(%dma_start3A_90 : memref<80x16xf32, #tpu.memory_space<vmem>>) offsets(%dma_start3A_93 : memref<80xi32, #tpu.memory_space<vmem>>) semaphore(%dma_start3A_98 : memref<!tpu.dma_semaphore, #tpu.memory_space<semaphore_mem>>)
      %dma_wait3A = arith.constant 0 : i32
      %dma_wait3A_99 = arith.constant 0 : i32
      %dma_wait3A_100 = arith.constant 0 : i32
      %dma_wait3A_101 = tpu.memref_slice %arg9[%dma_wait3A_99, %dma_wait3A_100] : memref<400x16xf32, #tpu.memory_space<vmem>> -> memref<80x16xf32, #tpu.memory_space<vmem>>
      %dma_wait3A_102 = arith.constant 0 : i32
      %dma_wait3A_103 = tpu.memref_slice %arg7[%add3A_23, %dma_wait3A_102] : memref<125x80xi32, #tpu.memory_space<vmem>> -> memref<1x80xi32, #tpu.memory_space<vmem>>
      %dma_wait3A_104 = tpu.memref_squeeze %dma_wait3A_103 : memref<1x80xi32, #tpu.memory_space<vmem>> -> memref<80xi32, #tpu.memory_space<vmem>>
      %dma_wait3A_105 = arith.constant 0 : i32
      %dma_wait3A_106 = arith.constant 0 : i32
      %dma_wait3A_107 = tpu.memref_slice %arg11[%dma_wait3A_105, %dma_wait3A_106] : memref<10000x16xf32, #tpu.memory_space<vmem_shared>> -> memref<10000x16xf32, #tpu.memory_space<vmem_shared>>
      %dma_wait3A_108 = tpu.memref_slice %arg12[%dma_wait3A] : memref<5x!tpu.dma_semaphore, #tpu.memory_space<semaphore_mem>> -> memref<1x!tpu.dma_semaphore, #tpu.memory_space<semaphore_mem>>
      %dma_wait3A_109 = tpu.memref_squeeze %dma_wait3A_108 : memref<1x!tpu.dma_semaphore, #tpu.memory_space<semaphore_mem>> -> memref<!tpu.dma_semaphore, #tpu.memory_space<semaphore_mem>>
      tpu.wait_indirect_dma semaphore(%dma_wait3A_109 : memref<!tpu.dma_semaphore, #tpu.memory_space<semaphore_mem>>) src(%dma_wait3A_107 : memref<10000x16xf32, #tpu.memory_space<vmem_shared>>) dst(%dma_wait3A_101 : memref<80x16xf32, #tpu.memory_space<vmem>>)
      %mul3A_110 = arith.constant 5 : i32
      %mul3A_111 = arith.muli %scan3A_19, %mul3A_110 : i32
      %add3A_112 = arith.constant 0 : i32
      %add3A_113 = arith.addi %mul3A_111, %add3A_112 : i32
      %dma_start3A_114 = arith.constant 0 : i32
      %dma_start3A_115 = arith.constant 0 : i32
      %dma_start3A_116 = arith.constant 0 : i32
      %dma_start3A_117 = tpu.memref_slice %arg9[%dma_start3A_115, %dma_start3A_116] : memref<400x16xf32, #tpu.memory_space<vmem>> -> memref<80x16xf32, #tpu.memory_space<vmem>>
      %dma_start3A_118 = arith.constant 0 : i32
      %dma_start3A_119 = tpu.memref_slice %arg8[%add3A_113, %dma_start3A_118] : memref<125x80xi32, #tpu.memory_space<vmem>> -> memref<1x80xi32, #tpu.memory_space<vmem>>
      %dma_start3A_120 = tpu.memref_squeeze %dma_start3A_119 : memref<1x80xi32, #tpu.memory_space<vmem>> -> memref<80xi32, #tpu.memory_space<vmem>>
      %dma_start3A_121 = arith.constant 0 : i32
      %dma_start3A_122 = arith.constant 0 : i32
      %dma_start3A_123 = tpu.memref_slice %arg10[%dma_start3A_121, %dma_start3A_122] : memref<10000x16xf32, #tpu.memory_space<vmem_shared>> -> memref<10000x16xf32, #tpu.memory_space<vmem_shared>>
      %dma_start3A_124 = tpu.memref_slice %arg13[%dma_start3A_114] : memref<5x!tpu.dma_semaphore, #tpu.memory_space<semaphore_mem>> -> memref<1x!tpu.dma_semaphore, #tpu.memory_space<semaphore_mem>>
      %dma_start3A_125 = tpu.memref_squeeze %dma_start3A_124 : memref<1x!tpu.dma_semaphore, #tpu.memory_space<semaphore_mem>> -> memref<!tpu.dma_semaphore, #tpu.memory_space<semaphore_mem>>
      tpu.enqueue_indirect_dma source(%dma_start3A_117 : memref<80x16xf32, #tpu.memory_space<vmem>>) target(%dma_start3A_123 : memref<10000x16xf32, #tpu.memory_space<vmem_shared>>) offsets(%dma_start3A_120 : memref<80xi32, #tpu.memory_space<vmem>>) semaphore(%dma_start3A_125 : memref<!tpu.dma_semaphore, #tpu.memory_space<semaphore_mem>>) {add = true}
      %dma_wait3A_126 = arith.constant 1 : i32
      %dma_wait3A_127 = arith.constant 80 : i32
      %dma_wait3A_128 = arith.constant 0 : i32
      %dma_wait3A_129 = tpu.memref_slice %arg9[%dma_wait3A_127, %dma_wait3A_128] : memref<400x16xf32, #tpu.memory_space<vmem>> -> memref<80x16xf32, #tpu.memory_space<vmem>>
      %dma_wait3A_130 = arith.constant 0 : i32
      %dma_wait3A_131 = tpu.memref_slice %arg7[%add3A_38, %dma_wait3A_130] : memref<125x80xi32, #tpu.memory_space<vmem>> -> memref<1x80xi32, #tpu.memory_space<vmem>>
      %dma_wait3A_132 = tpu.memref_squeeze %dma_wait3A_131 : memref<1x80xi32, #tpu.memory_space<vmem>> -> memref<80xi32, #tpu.memory_space<vmem>>
      %dma_wait3A_133 = arith.constant 0 : i32
      %dma_wait3A_134 = arith.constant 0 : i32
      %dma_wait3A_135 = tpu.memref_slice %arg11[%dma_wait3A_133, %dma_wait3A_134] : memref<10000x16xf32, #tpu.memory_space<vmem_shared>> -> memref<10000x16xf32, #tpu.memory_space<vmem_shared>>
      %dma_wait3A_136 = tpu.memref_slice %arg12[%dma_wait3A_126] : memref<5x!tpu.dma_semaphore, #tpu.memory_space<semaphore_mem>> -> memref<1x!tpu.dma_semaphore, #tpu.memory_space<semaphore_mem>>
      %dma_wait3A_137 = tpu.memref_squeeze %dma_wait3A_136 : memref<1x!tpu.dma_semaphore, #tpu.memory_space<semaphore_mem>> -> memref<!tpu.dma_semaphore, #tpu.memory_space<semaphore_mem>>
      tpu.wait_indirect_dma semaphore(%dma_wait3A_137 : memref<!tpu.dma_semaphore, #tpu.memory_space<semaphore_mem>>) src(%dma_wait3A_135 : memref<10000x16xf32, #tpu.memory_space<vmem_shared>>) dst(%dma_wait3A_129 : memref<80x16xf32, #tpu.memory_space<vmem>>)
      %mul3A_138 = arith.constant 5 : i32
      %mul3A_139 = arith.muli %scan3A_19, %mul3A_138 : i32
      %add3A_140 = arith.constant 1 : i32
      %add3A_141 = arith.addi %mul3A_139, %add3A_140 : i32
      %dma_start3A_142 = arith.constant 1 : i32
      %dma_start3A_143 = arith.constant 80 : i32
      %dma_start3A_144 = arith.constant 0 : i32
      %dma_start3A_145 = tpu.memref_slice %arg9[%dma_start3A_143, %dma_start3A_144] : memref<400x16xf32, #tpu.memory_space<vmem>> -> memref<80x16xf32, #tpu.memory_space<vmem>>
      %dma_start3A_146 = arith.constant 0 : i32
      %dma_start3A_147 = tpu.memref_slice %arg8[%add3A_141, %dma_start3A_146] : memref<125x80xi32, #tpu.memory_space<vmem>> -> memref<1x80xi32, #tpu.memory_space<vmem>>
      %dma_start3A_148 = tpu.memref_squeeze %dma_start3A_147 : memref<1x80xi32, #tpu.memory_space<vmem>> -> memref<80xi32, #tpu.memory_space<vmem>>
      %dma_start3A_149 = arith.constant 0 : i32
      %dma_start3A_150 = arith.constant 0 : i32
      %dma_start3A_151 = tpu.memref_slice %arg10[%dma_start3A_149, %dma_start3A_150] : memref<10000x16xf32, #tpu.memory_space<vmem_shared>> -> memref<10000x16xf32, #tpu.memory_space<vmem_shared>>
      %dma_start3A_152 = tpu.memref_slice %arg13[%dma_start3A_142] : memref<5x!tpu.dma_semaphore, #tpu.memory_space<semaphore_mem>> -> memref<1x!tpu.dma_semaphore, #tpu.memory_space<semaphore_mem>>
      %dma_start3A_153 = tpu.memref_squeeze %dma_start3A_152 : memref<1x!tpu.dma_semaphore, #tpu.memory_space<semaphore_mem>> -> memref<!tpu.dma_semaphore, #tpu.memory_space<semaphore_mem>>
      tpu.enqueue_indirect_dma source(%dma_start3A_145 : memref<80x16xf32, #tpu.memory_space<vmem>>) target(%dma_start3A_151 : memref<10000x16xf32, #tpu.memory_space<vmem_shared>>) offsets(%dma_start3A_148 : memref<80xi32, #tpu.memory_space<vmem>>) semaphore(%dma_start3A_153 : memref<!tpu.dma_semaphore, #tpu.memory_space<semaphore_mem>>) {add = true}
      %dma_wait3A_154 = arith.constant 2 : i32
      %dma_wait3A_155 = arith.constant 160 : i32
      %dma_wait3A_156 = arith.constant 0 : i32
      %dma_wait3A_157 = tpu.memref_slice %arg9[%dma_wait3A_155, %dma_wait3A_156] : memref<400x16xf32, #tpu.memory_space<vmem>> -> memref<80x16xf32, #tpu.memory_space<vmem>>
      %dma_wait3A_158 = arith.constant 0 : i32
      %dma_wait3A_159 = tpu.memref_slice %arg7[%add3A_54, %dma_wait3A_158] : memref<125x80xi32, #tpu.memory_space<vmem>> -> memref<1x80xi32, #tpu.memory_space<vmem>>
      %dma_wait3A_160 = tpu.memref_squeeze %dma_wait3A_159 : memref<1x80xi32, #tpu.memory_space<vmem>> -> memref<80xi32, #tpu.memory_space<vmem>>
      %dma_wait3A_161 = arith.constant 0 : i32
      %dma_wait3A_162 = arith.constant 0 : i32
      %dma_wait3A_163 = tpu.memref_slice %arg11[%dma_wait3A_161, %dma_wait3A_162] : memref<10000x16xf32, #tpu.memory_space<vmem_shared>> -> memref<10000x16xf32, #tpu.memory_space<vmem_shared>>
      %dma_wait3A_164 = tpu.memref_slice %arg12[%dma_wait3A_154] : memref<5x!tpu.dma_semaphore, #tpu.memory_space<semaphore_mem>> -> memref<1x!tpu.dma_semaphore, #tpu.memory_space<semaphore_mem>>
      %dma_wait3A_165 = tpu.memref_squeeze %dma_wait3A_164 : memref<1x!tpu.dma_semaphore, #tpu.memory_space<semaphore_mem>> -> memref<!tpu.dma_semaphore, #tpu.memory_space<semaphore_mem>>
      tpu.wait_indirect_dma semaphore(%dma_wait3A_165 : memref<!tpu.dma_semaphore, #tpu.memory_space<semaphore_mem>>) src(%dma_wait3A_163 : memref<10000x16xf32, #tpu.memory_space<vmem_shared>>) dst(%dma_wait3A_157 : memref<80x16xf32, #tpu.memory_space<vmem>>)
      %mul3A_166 = arith.constant 5 : i32
      %mul3A_167 = arith.muli %scan3A_19, %mul3A_166 : i32
      %add3A_168 = arith.constant 2 : i32
      %add3A_169 = arith.addi %mul3A_167, %add3A_168 : i32
      %dma_start3A_170 = arith.constant 2 : i32
      %dma_start3A_171 = arith.constant 160 : i32
      %dma_start3A_172 = arith.constant 0 : i32
      %dma_start3A_173 = tpu.memref_slice %arg9[%dma_start3A_171, %dma_start3A_172] : memref<400x16xf32, #tpu.memory_space<vmem>> -> memref<80x16xf32, #tpu.memory_space<vmem>>
      %dma_start3A_174 = arith.constant 0 : i32
      %dma_start3A_175 = tpu.memref_slice %arg8[%add3A_169, %dma_start3A_174] : memref<125x80xi32, #tpu.memory_space<vmem>> -> memref<1x80xi32, #tpu.memory_space<vmem>>
      %dma_start3A_176 = tpu.memref_squeeze %dma_start3A_175 : memref<1x80xi32, #tpu.memory_space<vmem>> -> memref<80xi32, #tpu.memory_space<vmem>>
      %dma_start3A_177 = arith.constant 0 : i32
      %dma_start3A_178 = arith.constant 0 : i32
      %dma_start3A_179 = tpu.memref_slice %arg10[%dma_start3A_177, %dma_start3A_178] : memref<10000x16xf32, #tpu.memory_space<vmem_shared>> -> memref<10000x16xf32, #tpu.memory_space<vmem_shared>>
      %dma_start3A_180 = tpu.memref_slice %arg13[%dma_start3A_170] : memref<5x!tpu.dma_semaphore, #tpu.memory_space<semaphore_mem>> -> memref<1x!tpu.dma_semaphore, #tpu.memory_space<semaphore_mem>>
      %dma_start3A_181 = tpu.memref_squeeze %dma_start3A_180 : memref<1x!tpu.dma_semaphore, #tpu.memory_space<semaphore_mem>> -> memref<!tpu.dma_semaphore, #tpu.memory_space<semaphore_mem>>
      tpu.enqueue_indirect_dma source(%dma_start3A_173 : memref<80x16xf32, #tpu.memory_space<vmem>>) target(%dma_start3A_179 : memref<10000x16xf32, #tpu.memory_space<vmem_shared>>) offsets(%dma_start3A_176 : memref<80xi32, #tpu.memory_space<vmem>>) semaphore(%dma_start3A_181 : memref<!tpu.dma_semaphore, #tpu.memory_space<semaphore_mem>>) {add = true}
      %dma_wait3A_182 = arith.constant 3 : i32
      %dma_wait3A_183 = arith.constant 240 : i32
      %dma_wait3A_184 = arith.constant 0 : i32
      %dma_wait3A_185 = tpu.memref_slice %arg9[%dma_wait3A_183, %dma_wait3A_184] : memref<400x16xf32, #tpu.memory_space<vmem>> -> memref<80x16xf32, #tpu.memory_space<vmem>>
      %dma_wait3A_186 = arith.constant 0 : i32
      %dma_wait3A_187 = tpu.memref_slice %arg7[%add3A_70, %dma_wait3A_186] : memref<125x80xi32, #tpu.memory_space<vmem>> -> memref<1x80xi32, #tpu.memory_space<vmem>>
      %dma_wait3A_188 = tpu.memref_squeeze %dma_wait3A_187 : memref<1x80xi32, #tpu.memory_space<vmem>> -> memref<80xi32, #tpu.memory_space<vmem>>
      %dma_wait3A_189 = arith.constant 0 : i32
      %dma_wait3A_190 = arith.constant 0 : i32
      %dma_wait3A_191 = tpu.memref_slice %arg11[%dma_wait3A_189, %dma_wait3A_190] : memref<10000x16xf32, #tpu.memory_space<vmem_shared>> -> memref<10000x16xf32, #tpu.memory_space<vmem_shared>>
      %dma_wait3A_192 = tpu.memref_slice %arg12[%dma_wait3A_182] : memref<5x!tpu.dma_semaphore, #tpu.memory_space<semaphore_mem>> -> memref<1x!tpu.dma_semaphore, #tpu.memory_space<semaphore_mem>>
      %dma_wait3A_193 = tpu.memref_squeeze %dma_wait3A_192 : memref<1x!tpu.dma_semaphore, #tpu.memory_space<semaphore_mem>> -> memref<!tpu.dma_semaphore, #tpu.memory_space<semaphore_mem>>
      tpu.wait_indirect_dma semaphore(%dma_wait3A_193 : memref<!tpu.dma_semaphore, #tpu.memory_space<semaphore_mem>>) src(%dma_wait3A_191 : memref<10000x16xf32, #tpu.memory_space<vmem_shared>>) dst(%dma_wait3A_185 : memref<80x16xf32, #tpu.memory_space<vmem>>)
      %mul3A_194 = arith.constant 5 : i32
      %mul3A_195 = arith.muli %scan3A_19, %mul3A_194 : i32
      %add3A_196 = arith.constant 3 : i32
      %add3A_197 = arith.addi %mul3A_195, %add3A_196 : i32
      %dma_start3A_198 = arith.constant 3 : i32
      %dma_start3A_199 = arith.constant 240 : i32
      %dma_start3A_200 = arith.constant 0 : i32
      %dma_start3A_201 = tpu.memref_slice %arg9[%dma_start3A_199, %dma_start3A_200] : memref<400x16xf32, #tpu.memory_space<vmem>> -> memref<80x16xf32, #tpu.memory_space<vmem>>
      %dma_start3A_202 = arith.constant 0 : i32
      %dma_start3A_203 = tpu.memref_slice %arg8[%add3A_197, %dma_start3A_202] : memref<125x80xi32, #tpu.memory_space<vmem>> -> memref<1x80xi32, #tpu.memory_space<vmem>>
      %dma_start3A_204 = tpu.memref_squeeze %dma_start3A_203 : memref<1x80xi32, #tpu.memory_space<vmem>> -> memref<80xi32, #tpu.memory_space<vmem>>
      %dma_start3A_205 = arith.constant 0 : i32
      %dma_start3A_206 = arith.constant 0 : i32
      %dma_start3A_207 = tpu.memref_slice %arg10[%dma_start3A_205, %dma_start3A_206] : memref<10000x16xf32, #tpu.memory_space<vmem_shared>> -> memref<10000x16xf32, #tpu.memory_space<vmem_shared>>
      %dma_start3A_208 = tpu.memref_slice %arg13[%dma_start3A_198] : memref<5x!tpu.dma_semaphore, #tpu.memory_space<semaphore_mem>> -> memref<1x!tpu.dma_semaphore, #tpu.memory_space<semaphore_mem>>
      %dma_start3A_209 = tpu.memref_squeeze %dma_start3A_208 : memref<1x!tpu.dma_semaphore, #tpu.memory_space<semaphore_mem>> -> memref<!tpu.dma_semaphore, #tpu.memory_space<semaphore_mem>>
      tpu.enqueue_indirect_dma source(%dma_start3A_201 : memref<80x16xf32, #tpu.memory_space<vmem>>) target(%dma_start3A_207 : memref<10000x16xf32, #tpu.memory_space<vmem_shared>>) offsets(%dma_start3A_204 : memref<80xi32, #tpu.memory_space<vmem>>) semaphore(%dma_start3A_209 : memref<!tpu.dma_semaphore, #tpu.memory_space<semaphore_mem>>) {add = true}
      %dma_wait3A_210 = arith.constant 4 : i32
      %dma_wait3A_211 = arith.constant 320 : i32
      %dma_wait3A_212 = arith.constant 0 : i32
      %dma_wait3A_213 = tpu.memref_slice %arg9[%dma_wait3A_211, %dma_wait3A_212] : memref<400x16xf32, #tpu.memory_space<vmem>> -> memref<80x16xf32, #tpu.memory_space<vmem>>
      %dma_wait3A_214 = arith.constant 0 : i32
      %dma_wait3A_215 = tpu.memref_slice %arg7[%add3A_86, %dma_wait3A_214] : memref<125x80xi32, #tpu.memory_space<vmem>> -> memref<1x80xi32, #tpu.memory_space<vmem>>
      %dma_wait3A_216 = tpu.memref_squeeze %dma_wait3A_215 : memref<1x80xi32, #tpu.memory_space<vmem>> -> memref<80xi32, #tpu.memory_space<vmem>>
      %dma_wait3A_217 = arith.constant 0 : i32
      %dma_wait3A_218 = arith.constant 0 : i32
      %dma_wait3A_219 = tpu.memref_slice %arg11[%dma_wait3A_217, %dma_wait3A_218] : memref<10000x16xf32, #tpu.memory_space<vmem_shared>> -> memref<10000x16xf32, #tpu.memory_space<vmem_shared>>
      %dma_wait3A_220 = tpu.memref_slice %arg12[%dma_wait3A_210] : memref<5x!tpu.dma_semaphore, #tpu.memory_space<semaphore_mem>> -> memref<1x!tpu.dma_semaphore, #tpu.memory_space<semaphore_mem>>
      %dma_wait3A_221 = tpu.memref_squeeze %dma_wait3A_220 : memref<1x!tpu.dma_semaphore, #tpu.memory_space<semaphore_mem>> -> memref<!tpu.dma_semaphore, #tpu.memory_space<semaphore_mem>>
      tpu.wait_indirect_dma semaphore(%dma_wait3A_221 : memref<!tpu.dma_semaphore, #tpu.memory_space<semaphore_mem>>) src(%dma_wait3A_219 : memref<10000x16xf32, #tpu.memory_space<vmem_shared>>) dst(%dma_wait3A_213 : memref<80x16xf32, #tpu.memory_space<vmem>>)
      %mul3A_222 = arith.constant 5 : i32
      %mul3A_223 = arith.muli %scan3A_19, %mul3A_222 : i32
      %add3A_224 = arith.constant 4 : i32
      %add3A_225 = arith.addi %mul3A_223, %add3A_224 : i32
      %dma_start3A_226 = arith.constant 4 : i32
      %dma_start3A_227 = arith.constant 320 : i32
      %dma_start3A_228 = arith.constant 0 : i32
      %dma_start3A_229 = tpu.memref_slice %arg9[%dma_start3A_227, %dma_start3A_228] : memref<400x16xf32, #tpu.memory_space<vmem>> -> memref<80x16xf32, #tpu.memory_space<vmem>>
      %dma_start3A_230 = arith.constant 0 : i32
      %dma_start3A_231 = tpu.memref_slice %arg8[%add3A_225, %dma_start3A_230] : memref<125x80xi32, #tpu.memory_space<vmem>> -> memref<1x80xi32, #tpu.memory_space<vmem>>
      %dma_start3A_232 = tpu.memref_squeeze %dma_start3A_231 : memref<1x80xi32, #tpu.memory_space<vmem>> -> memref<80xi32, #tpu.memory_space<vmem>>
      %dma_start3A_233 = arith.constant 0 : i32
      %dma_start3A_234 = arith.constant 0 : i32
      %dma_start3A_235 = tpu.memref_slice %arg10[%dma_start3A_233, %dma_start3A_234] : memref<10000x16xf32, #tpu.memory_space<vmem_shared>> -> memref<10000x16xf32, #tpu.memory_space<vmem_shared>>
      %dma_start3A_236 = tpu.memref_slice %arg13[%dma_start3A_226] : memref<5x!tpu.dma_semaphore, #tpu.memory_space<semaphore_mem>> -> memref<1x!tpu.dma_semaphore, #tpu.memory_space<semaphore_mem>>
      %dma_start3A_237 = tpu.memref_squeeze %dma_start3A_236 : memref<1x!tpu.dma_semaphore, #tpu.memory_space<semaphore_mem>> -> memref<!tpu.dma_semaphore, #tpu.memory_space<semaphore_mem>>
      tpu.enqueue_indirect_dma source(%dma_start3A_229 : memref<80x16xf32, #tpu.memory_space<vmem>>) target(%dma_start3A_235 : memref<10000x16xf32, #tpu.memory_space<vmem_shared>>) offsets(%dma_start3A_232 : memref<80xi32, #tpu.memory_space<vmem>>) semaphore(%dma_start3A_237 : memref<!tpu.dma_semaphore, #tpu.memory_space<semaphore_mem>>) {add = true}
      %dma_wait3A_238 = arith.constant 0 : i32
      %dma_wait3A_239 = arith.constant 0 : i32
      %dma_wait3A_240 = arith.constant 0 : i32
      %dma_wait3A_241 = tpu.memref_slice %arg9[%dma_wait3A_239, %dma_wait3A_240] : memref<400x16xf32, #tpu.memory_space<vmem>> -> memref<80x16xf32, #tpu.memory_space<vmem>>
      %dma_wait3A_242 = arith.constant 0 : i32
      %dma_wait3A_243 = tpu.memref_slice %arg8[%add3A_113, %dma_wait3A_242] : memref<125x80xi32, #tpu.memory_space<vmem>> -> memref<1x80xi32, #tpu.memory_space<vmem>>
      %dma_wait3A_244 = tpu.memref_squeeze %dma_wait3A_243 : memref<1x80xi32, #tpu.memory_space<vmem>> -> memref<80xi32, #tpu.memory_space<vmem>>
      %dma_wait3A_245 = arith.constant 0 : i32
      %dma_wait3A_246 = arith.constant 0 : i32
      %dma_wait3A_247 = tpu.memref_slice %arg10[%dma_wait3A_245, %dma_wait3A_246] : memref<10000x16xf32, #tpu.memory_space<vmem_shared>> -> memref<10000x16xf32, #tpu.memory_space<vmem_shared>>
      %dma_wait3A_248 = tpu.memref_slice %arg13[%dma_wait3A_238] : memref<5x!tpu.dma_semaphore, #tpu.memory_space<semaphore_mem>> -> memref<1x!tpu.dma_semaphore, #tpu.memory_space<semaphore_mem>>
      %dma_wait3A_249 = tpu.memref_squeeze %dma_wait3A_248 : memref<1x!tpu.dma_semaphore, #tpu.memory_space<semaphore_mem>> -> memref<!tpu.dma_semaphore, #tpu.memory_space<semaphore_mem>>
      tpu.wait_indirect_dma semaphore(%dma_wait3A_249 : memref<!tpu.dma_semaphore, #tpu.memory_space<semaphore_mem>>) src(%dma_wait3A_241 : memref<80x16xf32, #tpu.memory_space<vmem>>) dst(%dma_wait3A_247 : memref<10000x16xf32, #tpu.memory_space<vmem_shared>>)
      %dma_wait3A_250 = arith.constant 1 : i32
      %dma_wait3A_251 = arith.constant 80 : i32
      %dma_wait3A_252 = arith.constant 0 : i32
      %dma_wait3A_253 = tpu.memref_slice %arg9[%dma_wait3A_251, %dma_wait3A_252] : memref<400x16xf32, #tpu.memory_space<vmem>> -> memref<80x16xf32, #tpu.memory_space<vmem>>
      %dma_wait3A_254 = arith.constant 0 : i32
      %dma_wait3A_255 = tpu.memref_slice %arg8[%add3A_141, %dma_wait3A_254] : memref<125x80xi32, #tpu.memory_space<vmem>> -> memref<1x80xi32, #tpu.memory_space<vmem>>
      %dma_wait3A_256 = tpu.memref_squeeze %dma_wait3A_255 : memref<1x80xi32, #tpu.memory_space<vmem>> -> memref<80xi32, #tpu.memory_space<vmem>>
      %dma_wait3A_257 = arith.constant 0 : i32
      %dma_wait3A_258 = arith.constant 0 : i32
      %dma_wait3A_259 = tpu.memref_slice %arg10[%dma_wait3A_257, %dma_wait3A_258] : memref<10000x16xf32, #tpu.memory_space<vmem_shared>> -> memref<10000x16xf32, #tpu.memory_space<vmem_shared>>
      %dma_wait3A_260 = tpu.memref_slice %arg13[%dma_wait3A_250] : memref<5x!tpu.dma_semaphore, #tpu.memory_space<semaphore_mem>> -> memref<1x!tpu.dma_semaphore, #tpu.memory_space<semaphore_mem>>
      %dma_wait3A_261 = tpu.memref_squeeze %dma_wait3A_260 : memref<1x!tpu.dma_semaphore, #tpu.memory_space<semaphore_mem>> -> memref<!tpu.dma_semaphore, #tpu.memory_space<semaphore_mem>>
      tpu.wait_indirect_dma semaphore(%dma_wait3A_261 : memref<!tpu.dma_semaphore, #tpu.memory_space<semaphore_mem>>) src(%dma_wait3A_253 : memref<80x16xf32, #tpu.memory_space<vmem>>) dst(%dma_wait3A_259 : memref<10000x16xf32, #tpu.memory_space<vmem_shared>>)
      %dma_wait3A_262 = arith.constant 2 : i32
      %dma_wait3A_263 = arith.constant 160 : i32
      %dma_wait3A_264 = arith.constant 0 : i32
      %dma_wait3A_265 = tpu.memref_slice %arg9[%dma_wait3A_263, %dma_wait3A_264] : memref<400x16xf32, #tpu.memory_space<vmem>> -> memref<80x16xf32, #tpu.memory_space<vmem>>
      %dma_wait3A_266 = arith.constant 0 : i32
      %dma_wait3A_267 = tpu.memref_slice %arg8[%add3A_169, %dma_wait3A_266] : memref<125x80xi32, #tpu.memory_space<vmem>> -> memref<1x80xi32, #tpu.memory_space<vmem>>
      %dma_wait3A_268 = tpu.memref_squeeze %dma_wait3A_267 : memref<1x80xi32, #tpu.memory_space<vmem>> -> memref<80xi32, #tpu.memory_space<vmem>>
      %dma_wait3A_269 = arith.constant 0 : i32
      %dma_wait3A_270 = arith.constant 0 : i32
      %dma_wait3A_271 = tpu.memref_slice %arg10[%dma_wait3A_269, %dma_wait3A_270] : memref<10000x16xf32, #tpu.memory_space<vmem_shared>> -> memref<10000x16xf32, #tpu.memory_space<vmem_shared>>
      %dma_wait3A_272 = tpu.memref_slice %arg13[%dma_wait3A_262] : memref<5x!tpu.dma_semaphore, #tpu.memory_space<semaphore_mem>> -> memref<1x!tpu.dma_semaphore, #tpu.memory_space<semaphore_mem>>
      %dma_wait3A_273 = tpu.memref_squeeze %dma_wait3A_272 : memref<1x!tpu.dma_semaphore, #tpu.memory_space<semaphore_mem>> -> memref<!tpu.dma_semaphore, #tpu.memory_space<semaphore_mem>>
      tpu.wait_indirect_dma semaphore(%dma_wait3A_273 : memref<!tpu.dma_semaphore, #tpu.memory_space<semaphore_mem>>) src(%dma_wait3A_265 : memref<80x16xf32, #tpu.memory_space<vmem>>) dst(%dma_wait3A_271 : memref<10000x16xf32, #tpu.memory_space<vmem_shared>>)
      %dma_wait3A_274 = arith.constant 3 : i32
      %dma_wait3A_275 = arith.constant 240 : i32
      %dma_wait3A_276 = arith.constant 0 : i32
      %dma_wait3A_277 = tpu.memref_slice %arg9[%dma_wait3A_275, %dma_wait3A_276] : memref<400x16xf32, #tpu.memory_space<vmem>> -> memref<80x16xf32, #tpu.memory_space<vmem>>
      %dma_wait3A_278 = arith.constant 0 : i32
      %dma_wait3A_279 = tpu.memref_slice %arg8[%add3A_197, %dma_wait3A_278] : memref<125x80xi32, #tpu.memory_space<vmem>> -> memref<1x80xi32, #tpu.memory_space<vmem>>
      %dma_wait3A_280 = tpu.memref_squeeze %dma_wait3A_279 : memref<1x80xi32, #tpu.memory_space<vmem>> -> memref<80xi32, #tpu.memory_space<vmem>>
      %dma_wait3A_281 = arith.constant 0 : i32
      %dma_wait3A_282 = arith.constant 0 : i32
      %dma_wait3A_283 = tpu.memref_slice %arg10[%dma_wait3A_281, %dma_wait3A_282] : memref<10000x16xf32, #tpu.memory_space<vmem_shared>> -> memref<10000x16xf32, #tpu.memory_space<vmem_shared>>
      %dma_wait3A_284 = tpu.memref_slice %arg13[%dma_wait3A_274] : memref<5x!tpu.dma_semaphore, #tpu.memory_space<semaphore_mem>> -> memref<1x!tpu.dma_semaphore, #tpu.memory_space<semaphore_mem>>
      %dma_wait3A_285 = tpu.memref_squeeze %dma_wait3A_284 : memref<1x!tpu.dma_semaphore, #tpu.memory_space<semaphore_mem>> -> memref<!tpu.dma_semaphore, #tpu.memory_space<semaphore_mem>>
      tpu.wait_indirect_dma semaphore(%dma_wait3A_285 : memref<!tpu.dma_semaphore, #tpu.memory_space<semaphore_mem>>) src(%dma_wait3A_277 : memref<80x16xf32, #tpu.memory_space<vmem>>) dst(%dma_wait3A_283 : memref<10000x16xf32, #tpu.memory_space<vmem_shared>>)
      %dma_wait3A_286 = arith.constant 4 : i32
      %dma_wait3A_287 = arith.constant 320 : i32
      %dma_wait3A_288 = arith.constant 0 : i32
      %dma_wait3A_289 = tpu.memref_slice %arg9[%dma_wait3A_287, %dma_wait3A_288] : memref<400x16xf32, #tpu.memory_space<vmem>> -> memref<80x16xf32, #tpu.memory_space<vmem>>
      %dma_wait3A_290 = arith.constant 0 : i32
      %dma_wait3A_291 = tpu.memref_slice %arg8[%add3A_225, %dma_wait3A_290] : memref<125x80xi32, #tpu.memory_space<vmem>> -> memref<1x80xi32, #tpu.memory_space<vmem>>
      %dma_wait3A_292 = tpu.memref_squeeze %dma_wait3A_291 : memref<1x80xi32, #tpu.memory_space<vmem>> -> memref<80xi32, #tpu.memory_space<vmem>>
      %dma_wait3A_293 = arith.constant 0 : i32
      %dma_wait3A_294 = arith.constant 0 : i32
      %dma_wait3A_295 = tpu.memref_slice %arg10[%dma_wait3A_293, %dma_wait3A_294] : memref<10000x16xf32, #tpu.memory_space<vmem_shared>> -> memref<10000x16xf32, #tpu.memory_space<vmem_shared>>
      %dma_wait3A_296 = tpu.memref_slice %arg13[%dma_wait3A_286] : memref<5x!tpu.dma_semaphore, #tpu.memory_space<semaphore_mem>> -> memref<1x!tpu.dma_semaphore, #tpu.memory_space<semaphore_mem>>
      %dma_wait3A_297 = tpu.memref_squeeze %dma_wait3A_296 : memref<1x!tpu.dma_semaphore, #tpu.memory_space<semaphore_mem>> -> memref<!tpu.dma_semaphore, #tpu.memory_space<semaphore_mem>>
      tpu.wait_indirect_dma semaphore(%dma_wait3A_297 : memref<!tpu.dma_semaphore, #tpu.memory_space<semaphore_mem>>) src(%dma_wait3A_289 : memref<80x16xf32, #tpu.memory_space<vmem>>) dst(%dma_wait3A_295 : memref<10000x16xf32, #tpu.memory_space<vmem_shared>>)
    }
    %scan3A_13 = arith.constant 25 : i32
    %barrier3A_14 = arith.constant 0 : index
    tpu.barrier barrier_id(%barrier3A_14)
    %mul3A_15 = arith.constant 625 : i32
    %mul3A_16 = arith.muli %arg1, %mul3A_15 : i32
    %mul3A_17 = arith.constant 625 : i32
    %mul3A_18 = arith.muli %arg1, %mul3A_17 : i32
    "tpu.region"() ({
      %run_scoped3A = tpu.sem_alloc : memref<!tpu.dma_semaphore, #tpu.memory_space<semaphore_mem>>
      %dma_start3A = arith.constant 0 : i32
      %dma_start3A_19 = arith.constant 0 : i32
      %dma_start3A_20 = tpu.memref_slice %arg6[%arg0, %dma_start3A, %dma_start3A_19] : memref<2x10000x16xf32, #tpu.memory_space<hbm>> -> memref<1x10000x16xf32, #tpu.memory_space<hbm>>
      %dma_start3A_21 = tpu.memref_squeeze %dma_start3A_20 : memref<1x10000x16xf32, #tpu.memory_space<hbm>> -> memref<10000x16xf32, #tpu.memory_space<hbm>>
      %dma_start3A_22 = arith.constant 0 : i32
      %dma_start3A_23 = tpu.memref_slice %dma_start3A_21[%mul3A_18, %dma_start3A_22] : memref<10000x16xf32, #tpu.memory_space<hbm>> -> memref<625x16xf32, #tpu.memory_space<hbm>>
      %dma_start3A_24 = arith.constant 0 : i32
      %dma_start3A_25 = tpu.memref_slice %arg10[%mul3A_16, %dma_start3A_24] : memref<10000x16xf32, #tpu.memory_space<vmem_shared>> -> memref<625x16xf32, #tpu.memory_space<vmem_shared>>
      tpu.enqueue_dma source(%dma_start3A_25 : memref<625x16xf32, #tpu.memory_space<vmem_shared>>) target(%dma_start3A_23 : memref<625x16xf32, #tpu.memory_space<hbm>>) target_semaphore(%run_scoped3A : memref<!tpu.dma_semaphore, #tpu.memory_space<semaphore_mem>>)
      %dma_wait3A = arith.constant 0 : i32
      %dma_wait3A_26 = arith.constant 0 : i32
      %dma_wait3A_27 = tpu.memref_slice %arg6[%arg0, %dma_wait3A, %dma_wait3A_26] : memref<2x10000x16xf32, #tpu.memory_space<hbm>> -> memref<1x10000x16xf32, #tpu.memory_space<hbm>>
      %dma_wait3A_28 = tpu.memref_squeeze %dma_wait3A_27 : memref<1x10000x16xf32, #tpu.memory_space<hbm>> -> memref<10000x16xf32, #tpu.memory_space<hbm>>
      %dma_wait3A_29 = arith.constant 0 : i32
      %dma_wait3A_30 = tpu.memref_slice %dma_wait3A_28[%mul3A_18, %dma_wait3A_29] : memref<10000x16xf32, #tpu.memory_space<hbm>> -> memref<625x16xf32, #tpu.memory_space<hbm>>
      %dma_wait3A_31 = arith.constant 0 : i32
      %dma_wait3A_32 = tpu.memref_slice %arg10[%mul3A_16, %dma_wait3A_31] : memref<10000x16xf32, #tpu.memory_space<vmem_shared>> -> memref<625x16xf32, #tpu.memory_space<vmem_shared>>
      tpu.wait_dma2 semaphore(%run_scoped3A : memref<!tpu.dma_semaphore, #tpu.memory_space<semaphore_mem>>) src(%dma_wait3A_32 : memref<625x16xf32, #tpu.memory_space<vmem_shared>>) dst(%dma_wait3A_30 : memref<625x16xf32, #tpu.memory_space<hbm>>)
      tpu.yield
    }) : () -> ()
    return
  }
}

#map = affine_map<(d0, d1) -> (0, 0)>
#map1 = affine_map<(d0, d1) -> (0, 0, 0)>
module attributes {stable_mosaic.version = 14 : i64} {
  func.func @k(%arg0: i32, %arg1: i32, %arg2: memref<10000x16xf32, #tpu.memory_space<hbm>>, %arg3: memref<32x125x80xi32, #tpu.memory_space<hbm>>, %arg4: memref<32x125x80xi32, #tpu.memory_space<hbm>>, %arg5: memref<10000x16xf32, #tpu.memory_space<hbm>>, %arg6: memref<2x10000x16xf32, #tpu.memory_space<hbm>>, %arg7: memref<125x80xi32, #tpu.memory_space<vmem>>, %arg8: memref<125x80xi32, #tpu.memory_space<vmem>>, %arg9: memref<400x16xf32, #tpu.memory_space<vmem>>, %arg10: memref<10000x16xf32, #tpu.memory_space<vmem_shared>>, %arg11: memref<10000x16xf32, #tpu.memory_space<vmem_shared>>, %arg12: memref<5x!tpu.dma_semaphore, #tpu.memory_space<semaphore_mem>>, %arg13: memref<5x!tpu.dma_semaphore, #tpu.memory_space<semaphore_mem>>) attributes {dimension_semantics = [#tpu.dimension_semantics<core_parallel>, #tpu.dimension_semantics<subcore_parallel>], iteration_bounds = array<i64: 2, 16>, scalar_prefetch = 0 : i64, scratch_operands = 7 : i64, tpu.core_type = #tpu.core_type<sc_vector_subcore>, window_params = [{transform_indices = #map}, {transform_indices = #map1}, {transform_indices = #map1}, {transform_indices = #map}, {transform_indices = #map1}]} {
    %mul3A = arith.constant 16 : i32
    %mul3A_0 = arith.muli %arg0, %mul3A : i32
    %add3A = arith.addi %mul3A_0, %arg1 : i32
    %mul3A_1 = arith.constant 625 : i32
    %mul3A_2 = arith.muli %arg1, %mul3A_1 : i32
    %mul3A_3 = arith.constant 625 : i32
    %mul3A_4 = arith.muli %arg1, %mul3A_3 : i32
    "tpu.region"() ({
      %run_scoped3A = tpu.sem_alloc : memref<!tpu.dma_semaphore, #tpu.memory_space<semaphore_mem>>
      %dma_start3A = arith.constant 0 : i32
      %dma_start3A_19 = tpu.memref_slice %arg10[%mul3A_4, %dma_start3A] : memref<10000x16xf32, #tpu.memory_space<vmem_shared>> -> memref<625x16xf32, #tpu.memory_space<vmem_shared>>
      %dma_start3A_20 = arith.constant 0 : i32
      %dma_start3A_21 = tpu.memref_slice %arg5[%mul3A_2, %dma_start3A_20] : memref<10000x16xf32, #tpu.memory_space<hbm>> -> memref<625x16xf32, #tpu.memory_space<hbm>>
      tpu.enqueue_dma source(%dma_start3A_21 : memref<625x16xf32, #tpu.memory_space<hbm>>) target(%dma_start3A_19 : memref<625x16xf32, #tpu.memory_space<vmem_shared>>) target_semaphore(%run_scoped3A : memref<!tpu.dma_semaphore, #tpu.memory_space<semaphore_mem>>)
      %dma_wait3A = arith.constant 0 : i32
      %dma_wait3A_22 = tpu.memref_slice %arg10[%mul3A_4, %dma_wait3A] : memref<10000x16xf32, #tpu.memory_space<vmem_shared>> -> memref<625x16xf32, #tpu.memory_space<vmem_shared>>
      %dma_wait3A_23 = arith.constant 0 : i32
      %dma_wait3A_24 = tpu.memref_slice %arg5[%mul3A_2, %dma_wait3A_23] : memref<10000x16xf32, #tpu.memory_space<hbm>> -> memref<625x16xf32, #tpu.memory_space<hbm>>
      tpu.wait_dma2 semaphore(%run_scoped3A : memref<!tpu.dma_semaphore, #tpu.memory_space<semaphore_mem>>) src(%dma_wait3A_24 : memref<625x16xf32, #tpu.memory_space<hbm>>) dst(%dma_wait3A_22 : memref<625x16xf32, #tpu.memory_space<vmem_shared>>)
      tpu.yield
    }) : () -> ()
    %mul3A_5 = arith.constant 625 : i32
    %mul3A_6 = arith.muli %arg1, %mul3A_5 : i32
    %mul3A_7 = arith.constant 625 : i32
    %mul3A_8 = arith.muli %arg1, %mul3A_7 : i32
    "tpu.region"() ({
      %run_scoped3A = tpu.sem_alloc : memref<!tpu.dma_semaphore, #tpu.memory_space<semaphore_mem>>
      %dma_start3A = arith.constant 0 : i32
      %dma_start3A_19 = tpu.memref_slice %arg11[%mul3A_8, %dma_start3A] : memref<10000x16xf32, #tpu.memory_space<vmem_shared>> -> memref<625x16xf32, #tpu.memory_space<vmem_shared>>
      %dma_start3A_20 = arith.constant 0 : i32
      %dma_start3A_21 = tpu.memref_slice %arg2[%mul3A_6, %dma_start3A_20] : memref<10000x16xf32, #tpu.memory_space<hbm>> -> memref<625x16xf32, #tpu.memory_space<hbm>>
      tpu.enqueue_dma source(%dma_start3A_21 : memref<625x16xf32, #tpu.memory_space<hbm>>) target(%dma_start3A_19 : memref<625x16xf32, #tpu.memory_space<vmem_shared>>) target_semaphore(%run_scoped3A : memref<!tpu.dma_semaphore, #tpu.memory_space<semaphore_mem>>)
      %dma_wait3A = arith.constant 0 : i32
      %dma_wait3A_22 = tpu.memref_slice %arg11[%mul3A_8, %dma_wait3A] : memref<10000x16xf32, #tpu.memory_space<vmem_shared>> -> memref<625x16xf32, #tpu.memory_space<vmem_shared>>
      %dma_wait3A_23 = arith.constant 0 : i32
      %dma_wait3A_24 = tpu.memref_slice %arg2[%mul3A_6, %dma_wait3A_23] : memref<10000x16xf32, #tpu.memory_space<hbm>> -> memref<625x16xf32, #tpu.memory_space<hbm>>
      tpu.wait_dma2 semaphore(%run_scoped3A : memref<!tpu.dma_semaphore, #tpu.memory_space<semaphore_mem>>) src(%dma_wait3A_24 : memref<625x16xf32, #tpu.memory_space<hbm>>) dst(%dma_wait3A_22 : memref<625x16xf32, #tpu.memory_space<vmem_shared>>)
      tpu.yield
    }) : () -> ()
    "tpu.region"() ({
      %run_scoped3A = tpu.sem_alloc : memref<!tpu.dma_semaphore, #tpu.memory_space<semaphore_mem>>
      %dma_start3A = arith.constant 0 : i32
      %dma_start3A_19 = arith.constant 0 : i32
      %dma_start3A_20 = tpu.memref_slice %arg3[%add3A, %dma_start3A, %dma_start3A_19] : memref<32x125x80xi32, #tpu.memory_space<hbm>> -> memref<1x125x80xi32, #tpu.memory_space<hbm>>
      %dma_start3A_21 = tpu.memref_squeeze %dma_start3A_20 : memref<1x125x80xi32, #tpu.memory_space<hbm>> -> memref<125x80xi32, #tpu.memory_space<hbm>>
      %dma_start3A_22 = arith.constant 0 : i32
      %dma_start3A_23 = arith.constant 0 : i32
      %dma_start3A_24 = tpu.memref_slice %arg3[%add3A, %dma_start3A_22, %dma_start3A_23] : memref<32x125x80xi32, #tpu.memory_space<hbm>> -> memref<1x125x80xi32, #tpu.memory_space<hbm>>
      %dma_start3A_25 = tpu.memref_squeeze %dma_start3A_24 : memref<1x125x80xi32, #tpu.memory_space<hbm>> -> memref<125x80xi32, #tpu.memory_space<hbm>>
      tpu.enqueue_dma source(%dma_start3A_25 : memref<125x80xi32, #tpu.memory_space<hbm>>) target(%arg7 : memref<125x80xi32, #tpu.memory_space<vmem>>) target_semaphore(%run_scoped3A : memref<!tpu.dma_semaphore, #tpu.memory_space<semaphore_mem>>)
      %dma_wait3A = arith.constant 0 : i32
      %dma_wait3A_26 = arith.constant 0 : i32
      %dma_wait3A_27 = tpu.memref_slice %arg3[%add3A, %dma_wait3A, %dma_wait3A_26] : memref<32x125x80xi32, #tpu.memory_space<hbm>> -> memref<1x125x80xi32, #tpu.memory_space<hbm>>
      %dma_wait3A_28 = tpu.memref_squeeze %dma_wait3A_27 : memref<1x125x80xi32, #tpu.memory_space<hbm>> -> memref<125x80xi32, #tpu.memory_space<hbm>>
      %dma_wait3A_29 = arith.constant 0 : i32
      %dma_wait3A_30 = arith.constant 0 : i32
      %dma_wait3A_31 = tpu.memref_slice %arg3[%add3A, %dma_wait3A_29, %dma_wait3A_30] : memref<32x125x80xi32, #tpu.memory_space<hbm>> -> memref<1x125x80xi32, #tpu.memory_space<hbm>>
      %dma_wait3A_32 = tpu.memref_squeeze %dma_wait3A_31 : memref<1x125x80xi32, #tpu.memory_space<hbm>> -> memref<125x80xi32, #tpu.memory_space<hbm>>
      tpu.wait_dma2 semaphore(%run_scoped3A : memref<!tpu.dma_semaphore, #tpu.memory_space<semaphore_mem>>) src(%dma_wait3A_32 : memref<125x80xi32, #tpu.memory_space<hbm>>) dst(%arg7 : memref<125x80xi32, #tpu.memory_space<vmem>>)
      tpu.yield
    }) : () -> ()
    "tpu.region"() ({
      %run_scoped3A = tpu.sem_alloc : memref<!tpu.dma_semaphore, #tpu.memory_space<semaphore_mem>>
      %dma_start3A = arith.constant 0 : i32
      %dma_start3A_19 = arith.constant 0 : i32
      %dma_start3A_20 = tpu.memref_slice %arg4[%add3A, %dma_start3A, %dma_start3A_19] : memref<32x125x80xi32, #tpu.memory_space<hbm>> -> memref<1x125x80xi32, #tpu.memory_space<hbm>>
      %dma_start3A_21 = tpu.memref_squeeze %dma_start3A_20 : memref<1x125x80xi32, #tpu.memory_space<hbm>> -> memref<125x80xi32, #tpu.memory_space<hbm>>
      %dma_start3A_22 = arith.constant 0 : i32
      %dma_start3A_23 = arith.constant 0 : i32
      %dma_start3A_24 = tpu.memref_slice %arg4[%add3A, %dma_start3A_22, %dma_start3A_23] : memref<32x125x80xi32, #tpu.memory_space<hbm>> -> memref<1x125x80xi32, #tpu.memory_space<hbm>>
      %dma_start3A_25 = tpu.memref_squeeze %dma_start3A_24 : memref<1x125x80xi32, #tpu.memory_space<hbm>> -> memref<125x80xi32, #tpu.memory_space<hbm>>
      tpu.enqueue_dma source(%dma_start3A_25 : memref<125x80xi32, #tpu.memory_space<hbm>>) target(%arg8 : memref<125x80xi32, #tpu.memory_space<vmem>>) target_semaphore(%run_scoped3A : memref<!tpu.dma_semaphore, #tpu.memory_space<semaphore_mem>>)
      %dma_wait3A = arith.constant 0 : i32
      %dma_wait3A_26 = arith.constant 0 : i32
      %dma_wait3A_27 = tpu.memref_slice %arg4[%add3A, %dma_wait3A, %dma_wait3A_26] : memref<32x125x80xi32, #tpu.memory_space<hbm>> -> memref<1x125x80xi32, #tpu.memory_space<hbm>>
      %dma_wait3A_28 = tpu.memref_squeeze %dma_wait3A_27 : memref<1x125x80xi32, #tpu.memory_space<hbm>> -> memref<125x80xi32, #tpu.memory_space<hbm>>
      %dma_wait3A_29 = arith.constant 0 : i32
      %dma_wait3A_30 = arith.constant 0 : i32
      %dma_wait3A_31 = tpu.memref_slice %arg4[%add3A, %dma_wait3A_29, %dma_wait3A_30] : memref<32x125x80xi32, #tpu.memory_space<hbm>> -> memref<1x125x80xi32, #tpu.memory_space<hbm>>
      %dma_wait3A_32 = tpu.memref_squeeze %dma_wait3A_31 : memref<1x125x80xi32, #tpu.memory_space<hbm>> -> memref<125x80xi32, #tpu.memory_space<hbm>>
      tpu.wait_dma2 semaphore(%run_scoped3A : memref<!tpu.dma_semaphore, #tpu.memory_space<semaphore_mem>>) src(%dma_wait3A_32 : memref<125x80xi32, #tpu.memory_space<hbm>>) dst(%arg8 : memref<125x80xi32, #tpu.memory_space<vmem>>)
      tpu.yield
    }) : () -> ()
    %barrier3A = arith.constant 0 : index
    tpu.barrier barrier_id(%barrier3A)
    %scan3A = arith.constant 0 : i32
    %scan3A_9 = arith.constant 0 : i32
    %scan3A_10 = arith.constant 25 : i32
    %scan3A_11 = arith.addi %scan3A_9, %scan3A_10 : i32
    %scan3A_12 = arith.constant 1 : i32
    scf.for %scan3A_19 = %scan3A_9 to %scan3A_11 step %scan3A_12  : i32 {
      %mul3A_20 = arith.constant 5 : i32
      %mul3A_21 = arith.muli %scan3A_19, %mul3A_20 : i32
      %add3A_22 = arith.constant 0 : i32
      %add3A_23 = arith.addi %mul3A_21, %add3A_22 : i32
      %dma_start3A = arith.constant 0 : i32
      %dma_start3A_24 = arith.constant 0 : i32
      %dma_start3A_25 = arith.constant 0 : i32
      %dma_start3A_26 = tpu.memref_slice %arg9[%dma_start3A_24, %dma_start3A_25] : memref<400x16xf32, #tpu.memory_space<vmem>> -> memref<80x16xf32, #tpu.memory_space<vmem>>
      %dma_start3A_27 = arith.constant 0 : i32
      %dma_start3A_28 = tpu.memref_slice %arg7[%add3A_23, %dma_start3A_27] : memref<125x80xi32, #tpu.memory_space<vmem>> -> memref<1x80xi32, #tpu.memory_space<vmem>>
      %dma_start3A_29 = tpu.memref_squeeze %dma_start3A_28 : memref<1x80xi32, #tpu.memory_space<vmem>> -> memref<80xi32, #tpu.memory_space<vmem>>
      %dma_start3A_30 = arith.constant 0 : i32
      %dma_start3A_31 = arith.constant 0 : i32
      %dma_start3A_32 = tpu.memref_slice %arg11[%dma_start3A_30, %dma_start3A_31] : memref<10000x16xf32, #tpu.memory_space<vmem_shared>> -> memref<10000x16xf32, #tpu.memory_space<vmem_shared>>
      %dma_start3A_33 = tpu.memref_slice %arg12[%dma_start3A] : memref<5x!tpu.dma_semaphore, #tpu.memory_space<semaphore_mem>> -> memref<1x!tpu.dma_semaphore, #tpu.memory_space<semaphore_mem>>
      %dma_start3A_34 = tpu.memref_squeeze %dma_start3A_33 : memref<1x!tpu.dma_semaphore, #tpu.memory_space<semaphore_mem>> -> memref<!tpu.dma_semaphore, #tpu.memory_space<semaphore_mem>>
      tpu.enqueue_indirect_dma source(%dma_start3A_32 : memref<10000x16xf32, #tpu.memory_space<vmem_shared>>) target(%dma_start3A_26 : memref<80x16xf32, #tpu.memory_space<vmem>>) offsets(%dma_start3A_29 : memref<80xi32, #tpu.memory_space<vmem>>) semaphore(%dma_start3A_34 : memref<!tpu.dma_semaphore, #tpu.memory_space<semaphore_mem>>)
      %mul3A_35 = arith.constant 5 : i32
      %mul3A_36 = arith.muli %scan3A_19, %mul3A_35 : i32
      %add3A_37 = arith.constant 1 : i32
      %add3A_38 = arith.addi %mul3A_36, %add3A_37 : i32
      %dma_start3A_39 = arith.constant 1 : i32
      %dma_start3A_40 = arith.constant 80 : i32
      %dma_start3A_41 = arith.constant 0 : i32
      %dma_start3A_42 = tpu.memref_slice %arg9[%dma_start3A_40, %dma_start3A_41] : memref<400x16xf32, #tpu.memory_space<vmem>> -> memref<80x16xf32, #tpu.memory_space<vmem>>
      %dma_start3A_43 = arith.constant 0 : i32
      %dma_start3A_44 = tpu.memref_slice %arg7[%add3A_38, %dma_start3A_43] : memref<125x80xi32, #tpu.memory_space<vmem>> -> memref<1x80xi32, #tpu.memory_space<vmem>>
      %dma_start3A_45 = tpu.memref_squeeze %dma_start3A_44 : memref<1x80xi32, #tpu.memory_space<vmem>> -> memref<80xi32, #tpu.memory_space<vmem>>
      %dma_start3A_46 = arith.constant 0 : i32
      %dma_start3A_47 = arith.constant 0 : i32
      %dma_start3A_48 = tpu.memref_slice %arg11[%dma_start3A_46, %dma_start3A_47] : memref<10000x16xf32, #tpu.memory_space<vmem_shared>> -> memref<10000x16xf32, #tpu.memory_space<vmem_shared>>
      %dma_start3A_49 = tpu.memref_slice %arg12[%dma_start3A_39] : memref<5x!tpu.dma_semaphore, #tpu.memory_space<semaphore_mem>> -> memref<1x!tpu.dma_semaphore, #tpu.memory_space<semaphore_mem>>
      %dma_start3A_50 = tpu.memref_squeeze %dma_start3A_49 : memref<1x!tpu.dma_semaphore, #tpu.memory_space<semaphore_mem>> -> memref<!tpu.dma_semaphore, #tpu.memory_space<semaphore_mem>>
      tpu.enqueue_indirect_dma source(%dma_start3A_48 : memref<10000x16xf32, #tpu.memory_space<vmem_shared>>) target(%dma_start3A_42 : memref<80x16xf32, #tpu.memory_space<vmem>>) offsets(%dma_start3A_45 : memref<80xi32, #tpu.memory_space<vmem>>) semaphore(%dma_start3A_50 : memref<!tpu.dma_semaphore, #tpu.memory_space<semaphore_mem>>)
      %mul3A_51 = arith.constant 5 : i32
      %mul3A_52 = arith.muli %scan3A_19, %mul3A_51 : i32
      %add3A_53 = arith.constant 2 : i32
      %add3A_54 = arith.addi %mul3A_52, %add3A_53 : i32
      %dma_start3A_55 = arith.constant 2 : i32
      %dma_start3A_56 = arith.constant 160 : i32
      %dma_start3A_57 = arith.constant 0 : i32
      %dma_start3A_58 = tpu.memref_slice %arg9[%dma_start3A_56, %dma_start3A_57] : memref<400x16xf32, #tpu.memory_space<vmem>> -> memref<80x16xf32, #tpu.memory_space<vmem>>
      %dma_start3A_59 = arith.constant 0 : i32
      %dma_start3A_60 = tpu.memref_slice %arg7[%add3A_54, %dma_start3A_59] : memref<125x80xi32, #tpu.memory_space<vmem>> -> memref<1x80xi32, #tpu.memory_space<vmem>>
      %dma_start3A_61 = tpu.memref_squeeze %dma_start3A_60 : memref<1x80xi32, #tpu.memory_space<vmem>> -> memref<80xi32, #tpu.memory_space<vmem>>
      %dma_start3A_62 = arith.constant 0 : i32
      %dma_start3A_63 = arith.constant 0 : i32
      %dma_start3A_64 = tpu.memref_slice %arg11[%dma_start3A_62, %dma_start3A_63] : memref<10000x16xf32, #tpu.memory_space<vmem_shared>> -> memref<10000x16xf32, #tpu.memory_space<vmem_shared>>
      %dma_start3A_65 = tpu.memref_slice %arg12[%dma_start3A_55] : memref<5x!tpu.dma_semaphore, #tpu.memory_space<semaphore_mem>> -> memref<1x!tpu.dma_semaphore, #tpu.memory_space<semaphore_mem>>
      %dma_start3A_66 = tpu.memref_squeeze %dma_start3A_65 : memref<1x!tpu.dma_semaphore, #tpu.memory_space<semaphore_mem>> -> memref<!tpu.dma_semaphore, #tpu.memory_space<semaphore_mem>>
      tpu.enqueue_indirect_dma source(%dma_start3A_64 : memref<10000x16xf32, #tpu.memory_space<vmem_shared>>) target(%dma_start3A_58 : memref<80x16xf32, #tpu.memory_space<vmem>>) offsets(%dma_start3A_61 : memref<80xi32, #tpu.memory_space<vmem>>) semaphore(%dma_start3A_66 : memref<!tpu.dma_semaphore, #tpu.memory_space<semaphore_mem>>)
      %mul3A_67 = arith.constant 5 : i32
      %mul3A_68 = arith.muli %scan3A_19, %mul3A_67 : i32
      %add3A_69 = arith.constant 3 : i32
      %add3A_70 = arith.addi %mul3A_68, %add3A_69 : i32
      %dma_start3A_71 = arith.constant 3 : i32
      %dma_start3A_72 = arith.constant 240 : i32
      %dma_start3A_73 = arith.constant 0 : i32
      %dma_start3A_74 = tpu.memref_slice %arg9[%dma_start3A_72, %dma_start3A_73] : memref<400x16xf32, #tpu.memory_space<vmem>> -> memref<80x16xf32, #tpu.memory_space<vmem>>
      %dma_start3A_75 = arith.constant 0 : i32
      %dma_start3A_76 = tpu.memref_slice %arg7[%add3A_70, %dma_start3A_75] : memref<125x80xi32, #tpu.memory_space<vmem>> -> memref<1x80xi32, #tpu.memory_space<vmem>>
      %dma_start3A_77 = tpu.memref_squeeze %dma_start3A_76 : memref<1x80xi32, #tpu.memory_space<vmem>> -> memref<80xi32, #tpu.memory_space<vmem>>
      %dma_start3A_78 = arith.constant 0 : i32
      %dma_start3A_79 = arith.constant 0 : i32
      %dma_start3A_80 = tpu.memref_slice %arg11[%dma_start3A_78, %dma_start3A_79] : memref<10000x16xf32, #tpu.memory_space<vmem_shared>> -> memref<10000x16xf32, #tpu.memory_space<vmem_shared>>
      %dma_start3A_81 = tpu.memref_slice %arg12[%dma_start3A_71] : memref<5x!tpu.dma_semaphore, #tpu.memory_space<semaphore_mem>> -> memref<1x!tpu.dma_semaphore, #tpu.memory_space<semaphore_mem>>
      %dma_start3A_82 = tpu.memref_squeeze %dma_start3A_81 : memref<1x!tpu.dma_semaphore, #tpu.memory_space<semaphore_mem>> -> memref<!tpu.dma_semaphore, #tpu.memory_space<semaphore_mem>>
      tpu.enqueue_indirect_dma source(%dma_start3A_80 : memref<10000x16xf32, #tpu.memory_space<vmem_shared>>) target(%dma_start3A_74 : memref<80x16xf32, #tpu.memory_space<vmem>>) offsets(%dma_start3A_77 : memref<80xi32, #tpu.memory_space<vmem>>) semaphore(%dma_start3A_82 : memref<!tpu.dma_semaphore, #tpu.memory_space<semaphore_mem>>)
      %mul3A_83 = arith.constant 5 : i32
      %mul3A_84 = arith.muli %scan3A_19, %mul3A_83 : i32
      %add3A_85 = arith.constant 4 : i32
      %add3A_86 = arith.addi %mul3A_84, %add3A_85 : i32
      %dma_start3A_87 = arith.constant 4 : i32
      %dma_start3A_88 = arith.constant 320 : i32
      %dma_start3A_89 = arith.constant 0 : i32
      %dma_start3A_90 = tpu.memref_slice %arg9[%dma_start3A_88, %dma_start3A_89] : memref<400x16xf32, #tpu.memory_space<vmem>> -> memref<80x16xf32, #tpu.memory_space<vmem>>
      %dma_start3A_91 = arith.constant 0 : i32
      %dma_start3A_92 = tpu.memref_slice %arg7[%add3A_86, %dma_start3A_91] : memref<125x80xi32, #tpu.memory_space<vmem>> -> memref<1x80xi32, #tpu.memory_space<vmem>>
      %dma_start3A_93 = tpu.memref_squeeze %dma_start3A_92 : memref<1x80xi32, #tpu.memory_space<vmem>> -> memref<80xi32, #tpu.memory_space<vmem>>
      %dma_start3A_94 = arith.constant 0 : i32
      %dma_start3A_95 = arith.constant 0 : i32
      %dma_start3A_96 = tpu.memref_slice %arg11[%dma_start3A_94, %dma_start3A_95] : memref<10000x16xf32, #tpu.memory_space<vmem_shared>> -> memref<10000x16xf32, #tpu.memory_space<vmem_shared>>
      %dma_start3A_97 = tpu.memref_slice %arg12[%dma_start3A_87] : memref<5x!tpu.dma_semaphore, #tpu.memory_space<semaphore_mem>> -> memref<1x!tpu.dma_semaphore, #tpu.memory_space<semaphore_mem>>
      %dma_start3A_98 = tpu.memref_squeeze %dma_start3A_97 : memref<1x!tpu.dma_semaphore, #tpu.memory_space<semaphore_mem>> -> memref<!tpu.dma_semaphore, #tpu.memory_space<semaphore_mem>>
      tpu.enqueue_indirect_dma source(%dma_start3A_96 : memref<10000x16xf32, #tpu.memory_space<vmem_shared>>) target(%dma_start3A_90 : memref<80x16xf32, #tpu.memory_space<vmem>>) offsets(%dma_start3A_93 : memref<80xi32, #tpu.memory_space<vmem>>) semaphore(%dma_start3A_98 : memref<!tpu.dma_semaphore, #tpu.memory_space<semaphore_mem>>)
      %dma_wait3A = arith.constant 0 : i32
      %dma_wait3A_99 = arith.constant 0 : i32
      %dma_wait3A_100 = arith.constant 0 : i32
      %dma_wait3A_101 = tpu.memref_slice %arg9[%dma_wait3A_99, %dma_wait3A_100] : memref<400x16xf32, #tpu.memory_space<vmem>> -> memref<80x16xf32, #tpu.memory_space<vmem>>
      %dma_wait3A_102 = arith.constant 0 : i32
      %dma_wait3A_103 = tpu.memref_slice %arg7[%add3A_23, %dma_wait3A_102] : memref<125x80xi32, #tpu.memory_space<vmem>> -> memref<1x80xi32, #tpu.memory_space<vmem>>
      %dma_wait3A_104 = tpu.memref_squeeze %dma_wait3A_103 : memref<1x80xi32, #tpu.memory_space<vmem>> -> memref<80xi32, #tpu.memory_space<vmem>>
      %dma_wait3A_105 = arith.constant 0 : i32
      %dma_wait3A_106 = arith.constant 0 : i32
      %dma_wait3A_107 = tpu.memref_slice %arg11[%dma_wait3A_105, %dma_wait3A_106] : memref<10000x16xf32, #tpu.memory_space<vmem_shared>> -> memref<10000x16xf32, #tpu.memory_space<vmem_shared>>
      %dma_wait3A_108 = tpu.memref_slice %arg12[%dma_wait3A] : memref<5x!tpu.dma_semaphore, #tpu.memory_space<semaphore_mem>> -> memref<1x!tpu.dma_semaphore, #tpu.memory_space<semaphore_mem>>
      %dma_wait3A_109 = tpu.memref_squeeze %dma_wait3A_108 : memref<1x!tpu.dma_semaphore, #tpu.memory_space<semaphore_mem>> -> memref<!tpu.dma_semaphore, #tpu.memory_space<semaphore_mem>>
      tpu.wait_indirect_dma semaphore(%dma_wait3A_109 : memref<!tpu.dma_semaphore, #tpu.memory_space<semaphore_mem>>) src(%dma_wait3A_107 : memref<10000x16xf32, #tpu.memory_space<vmem_shared>>) dst(%dma_wait3A_101 : memref<80x16xf32, #tpu.memory_space<vmem>>)
      %mul3A_110 = arith.constant 5 : i32
      %mul3A_111 = arith.muli %scan3A_19, %mul3A_110 : i32
      %add3A_112 = arith.constant 0 : i32
      %add3A_113 = arith.addi %mul3A_111, %add3A_112 : i32
      %dma_start3A_114 = arith.constant 0 : i32
      %dma_start3A_115 = arith.constant 0 : i32
      %dma_start3A_116 = arith.constant 0 : i32
      %dma_start3A_117 = tpu.memref_slice %arg9[%dma_start3A_115, %dma_start3A_116] : memref<400x16xf32, #tpu.memory_space<vmem>> -> memref<80x16xf32, #tpu.memory_space<vmem>>
      %dma_start3A_118 = arith.constant 0 : i32
      %dma_start3A_119 = tpu.memref_slice %arg8[%add3A_113, %dma_start3A_118] : memref<125x80xi32, #tpu.memory_space<vmem>> -> memref<1x80xi32, #tpu.memory_space<vmem>>
      %dma_start3A_120 = tpu.memref_squeeze %dma_start3A_119 : memref<1x80xi32, #tpu.memory_space<vmem>> -> memref<80xi32, #tpu.memory_space<vmem>>
      %dma_start3A_121 = arith.constant 0 : i32
      %dma_start3A_122 = arith.constant 0 : i32
      %dma_start3A_123 = tpu.memref_slice %arg10[%dma_start3A_121, %dma_start3A_122] : memref<10000x16xf32, #tpu.memory_space<vmem_shared>> -> memref<10000x16xf32, #tpu.memory_space<vmem_shared>>
      %dma_start3A_124 = tpu.memref_slice %arg13[%dma_start3A_114] : memref<5x!tpu.dma_semaphore, #tpu.memory_space<semaphore_mem>> -> memref<1x!tpu.dma_semaphore, #tpu.memory_space<semaphore_mem>>
      %dma_start3A_125 = tpu.memref_squeeze %dma_start3A_124 : memref<1x!tpu.dma_semaphore, #tpu.memory_space<semaphore_mem>> -> memref<!tpu.dma_semaphore, #tpu.memory_space<semaphore_mem>>
      tpu.enqueue_indirect_dma source(%dma_start3A_117 : memref<80x16xf32, #tpu.memory_space<vmem>>) target(%dma_start3A_123 : memref<10000x16xf32, #tpu.memory_space<vmem_shared>>) offsets(%dma_start3A_120 : memref<80xi32, #tpu.memory_space<vmem>>) semaphore(%dma_start3A_125 : memref<!tpu.dma_semaphore, #tpu.memory_space<semaphore_mem>>) {add = true}
      %dma_wait3A_126 = arith.constant 1 : i32
      %dma_wait3A_127 = arith.constant 80 : i32
      %dma_wait3A_128 = arith.constant 0 : i32
      %dma_wait3A_129 = tpu.memref_slice %arg9[%dma_wait3A_127, %dma_wait3A_128] : memref<400x16xf32, #tpu.memory_space<vmem>> -> memref<80x16xf32, #tpu.memory_space<vmem>>
      %dma_wait3A_130 = arith.constant 0 : i32
      %dma_wait3A_131 = tpu.memref_slice %arg7[%add3A_38, %dma_wait3A_130] : memref<125x80xi32, #tpu.memory_space<vmem>> -> memref<1x80xi32, #tpu.memory_space<vmem>>
      %dma_wait3A_132 = tpu.memref_squeeze %dma_wait3A_131 : memref<1x80xi32, #tpu.memory_space<vmem>> -> memref<80xi32, #tpu.memory_space<vmem>>
      %dma_wait3A_133 = arith.constant 0 : i32
      %dma_wait3A_134 = arith.constant 0 : i32
      %dma_wait3A_135 = tpu.memref_slice %arg11[%dma_wait3A_133, %dma_wait3A_134] : memref<10000x16xf32, #tpu.memory_space<vmem_shared>> -> memref<10000x16xf32, #tpu.memory_space<vmem_shared>>
      %dma_wait3A_136 = tpu.memref_slice %arg12[%dma_wait3A_126] : memref<5x!tpu.dma_semaphore, #tpu.memory_space<semaphore_mem>> -> memref<1x!tpu.dma_semaphore, #tpu.memory_space<semaphore_mem>>
      %dma_wait3A_137 = tpu.memref_squeeze %dma_wait3A_136 : memref<1x!tpu.dma_semaphore, #tpu.memory_space<semaphore_mem>> -> memref<!tpu.dma_semaphore, #tpu.memory_space<semaphore_mem>>
      tpu.wait_indirect_dma semaphore(%dma_wait3A_137 : memref<!tpu.dma_semaphore, #tpu.memory_space<semaphore_mem>>) src(%dma_wait3A_135 : memref<10000x16xf32, #tpu.memory_space<vmem_shared>>) dst(%dma_wait3A_129 : memref<80x16xf32, #tpu.memory_space<vmem>>)
      %mul3A_138 = arith.constant 5 : i32
      %mul3A_139 = arith.muli %scan3A_19, %mul3A_138 : i32
      %add3A_140 = arith.constant 1 : i32
      %add3A_141 = arith.addi %mul3A_139, %add3A_140 : i32
      %dma_start3A_142 = arith.constant 1 : i32
      %dma_start3A_143 = arith.constant 80 : i32
      %dma_start3A_144 = arith.constant 0 : i32
      %dma_start3A_145 = tpu.memref_slice %arg9[%dma_start3A_143, %dma_start3A_144] : memref<400x16xf32, #tpu.memory_space<vmem>> -> memref<80x16xf32, #tpu.memory_space<vmem>>
      %dma_start3A_146 = arith.constant 0 : i32
      %dma_start3A_147 = tpu.memref_slice %arg8[%add3A_141, %dma_start3A_146] : memref<125x80xi32, #tpu.memory_space<vmem>> -> memref<1x80xi32, #tpu.memory_space<vmem>>
      %dma_start3A_148 = tpu.memref_squeeze %dma_start3A_147 : memref<1x80xi32, #tpu.memory_space<vmem>> -> memref<80xi32, #tpu.memory_space<vmem>>
      %dma_start3A_149 = arith.constant 0 : i32
      %dma_start3A_150 = arith.constant 0 : i32
      %dma_start3A_151 = tpu.memref_slice %arg10[%dma_start3A_149, %dma_start3A_150] : memref<10000x16xf32, #tpu.memory_space<vmem_shared>> -> memref<10000x16xf32, #tpu.memory_space<vmem_shared>>
      %dma_start3A_152 = tpu.memref_slice %arg13[%dma_start3A_142] : memref<5x!tpu.dma_semaphore, #tpu.memory_space<semaphore_mem>> -> memref<1x!tpu.dma_semaphore, #tpu.memory_space<semaphore_mem>>
      %dma_start3A_153 = tpu.memref_squeeze %dma_start3A_152 : memref<1x!tpu.dma_semaphore, #tpu.memory_space<semaphore_mem>> -> memref<!tpu.dma_semaphore, #tpu.memory_space<semaphore_mem>>
      tpu.enqueue_indirect_dma source(%dma_start3A_145 : memref<80x16xf32, #tpu.memory_space<vmem>>) target(%dma_start3A_151 : memref<10000x16xf32, #tpu.memory_space<vmem_shared>>) offsets(%dma_start3A_148 : memref<80xi32, #tpu.memory_space<vmem>>) semaphore(%dma_start3A_153 : memref<!tpu.dma_semaphore, #tpu.memory_space<semaphore_mem>>) {add = true}
      %dma_wait3A_154 = arith.constant 2 : i32
      %dma_wait3A_155 = arith.constant 160 : i32
      %dma_wait3A_156 = arith.constant 0 : i32
      %dma_wait3A_157 = tpu.memref_slice %arg9[%dma_wait3A_155, %dma_wait3A_156] : memref<400x16xf32, #tpu.memory_space<vmem>> -> memref<80x16xf32, #tpu.memory_space<vmem>>
      %dma_wait3A_158 = arith.constant 0 : i32
      %dma_wait3A_159 = tpu.memref_slice %arg7[%add3A_54, %dma_wait3A_158] : memref<125x80xi32, #tpu.memory_space<vmem>> -> memref<1x80xi32, #tpu.memory_space<vmem>>
      %dma_wait3A_160 = tpu.memref_squeeze %dma_wait3A_159 : memref<1x80xi32, #tpu.memory_space<vmem>> -> memref<80xi32, #tpu.memory_space<vmem>>
      %dma_wait3A_161 = arith.constant 0 : i32
      %dma_wait3A_162 = arith.constant 0 : i32
      %dma_wait3A_163 = tpu.memref_slice %arg11[%dma_wait3A_161, %dma_wait3A_162] : memref<10000x16xf32, #tpu.memory_space<vmem_shared>> -> memref<10000x16xf32, #tpu.memory_space<vmem_shared>>
      %dma_wait3A_164 = tpu.memref_slice %arg12[%dma_wait3A_154] : memref<5x!tpu.dma_semaphore, #tpu.memory_space<semaphore_mem>> -> memref<1x!tpu.dma_semaphore, #tpu.memory_space<semaphore_mem>>
      %dma_wait3A_165 = tpu.memref_squeeze %dma_wait3A_164 : memref<1x!tpu.dma_semaphore, #tpu.memory_space<semaphore_mem>> -> memref<!tpu.dma_semaphore, #tpu.memory_space<semaphore_mem>>
      tpu.wait_indirect_dma semaphore(%dma_wait3A_165 : memref<!tpu.dma_semaphore, #tpu.memory_space<semaphore_mem>>) src(%dma_wait3A_163 : memref<10000x16xf32, #tpu.memory_space<vmem_shared>>) dst(%dma_wait3A_157 : memref<80x16xf32, #tpu.memory_space<vmem>>)
      %mul3A_166 = arith.constant 5 : i32
      %mul3A_167 = arith.muli %scan3A_19, %mul3A_166 : i32
      %add3A_168 = arith.constant 2 : i32
      %add3A_169 = arith.addi %mul3A_167, %add3A_168 : i32
      %dma_start3A_170 = arith.constant 2 : i32
      %dma_start3A_171 = arith.constant 160 : i32
      %dma_start3A_172 = arith.constant 0 : i32
      %dma_start3A_173 = tpu.memref_slice %arg9[%dma_start3A_171, %dma_start3A_172] : memref<400x16xf32, #tpu.memory_space<vmem>> -> memref<80x16xf32, #tpu.memory_space<vmem>>
      %dma_start3A_174 = arith.constant 0 : i32
      %dma_start3A_175 = tpu.memref_slice %arg8[%add3A_169, %dma_start3A_174] : memref<125x80xi32, #tpu.memory_space<vmem>> -> memref<1x80xi32, #tpu.memory_space<vmem>>
      %dma_start3A_176 = tpu.memref_squeeze %dma_start3A_175 : memref<1x80xi32, #tpu.memory_space<vmem>> -> memref<80xi32, #tpu.memory_space<vmem>>
      %dma_start3A_177 = arith.constant 0 : i32
      %dma_start3A_178 = arith.constant 0 : i32
      %dma_start3A_179 = tpu.memref_slice %arg10[%dma_start3A_177, %dma_start3A_178] : memref<10000x16xf32, #tpu.memory_space<vmem_shared>> -> memref<10000x16xf32, #tpu.memory_space<vmem_shared>>
      %dma_start3A_180 = tpu.memref_slice %arg13[%dma_start3A_170] : memref<5x!tpu.dma_semaphore, #tpu.memory_space<semaphore_mem>> -> memref<1x!tpu.dma_semaphore, #tpu.memory_space<semaphore_mem>>
      %dma_start3A_181 = tpu.memref_squeeze %dma_start3A_180 : memref<1x!tpu.dma_semaphore, #tpu.memory_space<semaphore_mem>> -> memref<!tpu.dma_semaphore, #tpu.memory_space<semaphore_mem>>
      tpu.enqueue_indirect_dma source(%dma_start3A_173 : memref<80x16xf32, #tpu.memory_space<vmem>>) target(%dma_start3A_179 : memref<10000x16xf32, #tpu.memory_space<vmem_shared>>) offsets(%dma_start3A_176 : memref<80xi32, #tpu.memory_space<vmem>>) semaphore(%dma_start3A_181 : memref<!tpu.dma_semaphore, #tpu.memory_space<semaphore_mem>>) {add = true}
      %dma_wait3A_182 = arith.constant 3 : i32
      %dma_wait3A_183 = arith.constant 240 : i32
      %dma_wait3A_184 = arith.constant 0 : i32
      %dma_wait3A_185 = tpu.memref_slice %arg9[%dma_wait3A_183, %dma_wait3A_184] : memref<400x16xf32, #tpu.memory_space<vmem>> -> memref<80x16xf32, #tpu.memory_space<vmem>>
      %dma_wait3A_186 = arith.constant 0 : i32
      %dma_wait3A_187 = tpu.memref_slice %arg7[%add3A_70, %dma_wait3A_186] : memref<125x80xi32, #tpu.memory_space<vmem>> -> memref<1x80xi32, #tpu.memory_space<vmem>>
      %dma_wait3A_188 = tpu.memref_squeeze %dma_wait3A_187 : memref<1x80xi32, #tpu.memory_space<vmem>> -> memref<80xi32, #tpu.memory_space<vmem>>
      %dma_wait3A_189 = arith.constant 0 : i32
      %dma_wait3A_190 = arith.constant 0 : i32
      %dma_wait3A_191 = tpu.memref_slice %arg11[%dma_wait3A_189, %dma_wait3A_190] : memref<10000x16xf32, #tpu.memory_space<vmem_shared>> -> memref<10000x16xf32, #tpu.memory_space<vmem_shared>>
      %dma_wait3A_192 = tpu.memref_slice %arg12[%dma_wait3A_182] : memref<5x!tpu.dma_semaphore, #tpu.memory_space<semaphore_mem>> -> memref<1x!tpu.dma_semaphore, #tpu.memory_space<semaphore_mem>>
      %dma_wait3A_193 = tpu.memref_squeeze %dma_wait3A_192 : memref<1x!tpu.dma_semaphore, #tpu.memory_space<semaphore_mem>> -> memref<!tpu.dma_semaphore, #tpu.memory_space<semaphore_mem>>
      tpu.wait_indirect_dma semaphore(%dma_wait3A_193 : memref<!tpu.dma_semaphore, #tpu.memory_space<semaphore_mem>>) src(%dma_wait3A_191 : memref<10000x16xf32, #tpu.memory_space<vmem_shared>>) dst(%dma_wait3A_185 : memref<80x16xf32, #tpu.memory_space<vmem>>)
      %mul3A_194 = arith.constant 5 : i32
      %mul3A_195 = arith.muli %scan3A_19, %mul3A_194 : i32
      %add3A_196 = arith.constant 3 : i32
      %add3A_197 = arith.addi %mul3A_195, %add3A_196 : i32
      %dma_start3A_198 = arith.constant 3 : i32
      %dma_start3A_199 = arith.constant 240 : i32
      %dma_start3A_200 = arith.constant 0 : i32
      %dma_start3A_201 = tpu.memref_slice %arg9[%dma_start3A_199, %dma_start3A_200] : memref<400x16xf32, #tpu.memory_space<vmem>> -> memref<80x16xf32, #tpu.memory_space<vmem>>
      %dma_start3A_202 = arith.constant 0 : i32
      %dma_start3A_203 = tpu.memref_slice %arg8[%add3A_197, %dma_start3A_202] : memref<125x80xi32, #tpu.memory_space<vmem>> -> memref<1x80xi32, #tpu.memory_space<vmem>>
      %dma_start3A_204 = tpu.memref_squeeze %dma_start3A_203 : memref<1x80xi32, #tpu.memory_space<vmem>> -> memref<80xi32, #tpu.memory_space<vmem>>
      %dma_start3A_205 = arith.constant 0 : i32
      %dma_start3A_206 = arith.constant 0 : i32
      %dma_start3A_207 = tpu.memref_slice %arg10[%dma_start3A_205, %dma_start3A_206] : memref<10000x16xf32, #tpu.memory_space<vmem_shared>> -> memref<10000x16xf32, #tpu.memory_space<vmem_shared>>
      %dma_start3A_208 = tpu.memref_slice %arg13[%dma_start3A_198] : memref<5x!tpu.dma_semaphore, #tpu.memory_space<semaphore_mem>> -> memref<1x!tpu.dma_semaphore, #tpu.memory_space<semaphore_mem>>
      %dma_start3A_209 = tpu.memref_squeeze %dma_start3A_208 : memref<1x!tpu.dma_semaphore, #tpu.memory_space<semaphore_mem>> -> memref<!tpu.dma_semaphore, #tpu.memory_space<semaphore_mem>>
      tpu.enqueue_indirect_dma source(%dma_start3A_201 : memref<80x16xf32, #tpu.memory_space<vmem>>) target(%dma_start3A_207 : memref<10000x16xf32, #tpu.memory_space<vmem_shared>>) offsets(%dma_start3A_204 : memref<80xi32, #tpu.memory_space<vmem>>) semaphore(%dma_start3A_209 : memref<!tpu.dma_semaphore, #tpu.memory_space<semaphore_mem>>) {add = true}
      %dma_wait3A_210 = arith.constant 4 : i32
      %dma_wait3A_211 = arith.constant 320 : i32
      %dma_wait3A_212 = arith.constant 0 : i32
      %dma_wait3A_213 = tpu.memref_slice %arg9[%dma_wait3A_211, %dma_wait3A_212] : memref<400x16xf32, #tpu.memory_space<vmem>> -> memref<80x16xf32, #tpu.memory_space<vmem>>
      %dma_wait3A_214 = arith.constant 0 : i32
      %dma_wait3A_215 = tpu.memref_slice %arg7[%add3A_86, %dma_wait3A_214] : memref<125x80xi32, #tpu.memory_space<vmem>> -> memref<1x80xi32, #tpu.memory_space<vmem>>
      %dma_wait3A_216 = tpu.memref_squeeze %dma_wait3A_215 : memref<1x80xi32, #tpu.memory_space<vmem>> -> memref<80xi32, #tpu.memory_space<vmem>>
      %dma_wait3A_217 = arith.constant 0 : i32
      %dma_wait3A_218 = arith.constant 0 : i32
      %dma_wait3A_219 = tpu.memref_slice %arg11[%dma_wait3A_217, %dma_wait3A_218] : memref<10000x16xf32, #tpu.memory_space<vmem_shared>> -> memref<10000x16xf32, #tpu.memory_space<vmem_shared>>
      %dma_wait3A_220 = tpu.memref_slice %arg12[%dma_wait3A_210] : memref<5x!tpu.dma_semaphore, #tpu.memory_space<semaphore_mem>> -> memref<1x!tpu.dma_semaphore, #tpu.memory_space<semaphore_mem>>
      %dma_wait3A_221 = tpu.memref_squeeze %dma_wait3A_220 : memref<1x!tpu.dma_semaphore, #tpu.memory_space<semaphore_mem>> -> memref<!tpu.dma_semaphore, #tpu.memory_space<semaphore_mem>>
      tpu.wait_indirect_dma semaphore(%dma_wait3A_221 : memref<!tpu.dma_semaphore, #tpu.memory_space<semaphore_mem>>) src(%dma_wait3A_219 : memref<10000x16xf32, #tpu.memory_space<vmem_shared>>) dst(%dma_wait3A_213 : memref<80x16xf32, #tpu.memory_space<vmem>>)
      %mul3A_222 = arith.constant 5 : i32
      %mul3A_223 = arith.muli %scan3A_19, %mul3A_222 : i32
      %add3A_224 = arith.constant 4 : i32
      %add3A_225 = arith.addi %mul3A_223, %add3A_224 : i32
      %dma_start3A_226 = arith.constant 4 : i32
      %dma_start3A_227 = arith.constant 320 : i32
      %dma_start3A_228 = arith.constant 0 : i32
      %dma_start3A_229 = tpu.memref_slice %arg9[%dma_start3A_227, %dma_start3A_228] : memref<400x16xf32, #tpu.memory_space<vmem>> -> memref<80x16xf32, #tpu.memory_space<vmem>>
      %dma_start3A_230 = arith.constant 0 : i32
      %dma_start3A_231 = tpu.memref_slice %arg8[%add3A_225, %dma_start3A_230] : memref<125x80xi32, #tpu.memory_space<vmem>> -> memref<1x80xi32, #tpu.memory_space<vmem>>
      %dma_start3A_232 = tpu.memref_squeeze %dma_start3A_231 : memref<1x80xi32, #tpu.memory_space<vmem>> -> memref<80xi32, #tpu.memory_space<vmem>>
      %dma_start3A_233 = arith.constant 0 : i32
      %dma_start3A_234 = arith.constant 0 : i32
      %dma_start3A_235 = tpu.memref_slice %arg10[%dma_start3A_233, %dma_start3A_234] : memref<10000x16xf32, #tpu.memory_space<vmem_shared>> -> memref<10000x16xf32, #tpu.memory_space<vmem_shared>>
      %dma_start3A_236 = tpu.memref_slice %arg13[%dma_start3A_226] : memref<5x!tpu.dma_semaphore, #tpu.memory_space<semaphore_mem>> -> memref<1x!tpu.dma_semaphore, #tpu.memory_space<semaphore_mem>>
      %dma_start3A_237 = tpu.memref_squeeze %dma_start3A_236 : memref<1x!tpu.dma_semaphore, #tpu.memory_space<semaphore_mem>> -> memref<!tpu.dma_semaphore, #tpu.memory_space<semaphore_mem>>
      tpu.enqueue_indirect_dma source(%dma_start3A_229 : memref<80x16xf32, #tpu.memory_space<vmem>>) target(%dma_start3A_235 : memref<10000x16xf32, #tpu.memory_space<vmem_shared>>) offsets(%dma_start3A_232 : memref<80xi32, #tpu.memory_space<vmem>>) semaphore(%dma_start3A_237 : memref<!tpu.dma_semaphore, #tpu.memory_space<semaphore_mem>>) {add = true}
      %dma_wait3A_238 = arith.constant 0 : i32
      %dma_wait3A_239 = arith.constant 0 : i32
      %dma_wait3A_240 = arith.constant 0 : i32
      %dma_wait3A_241 = tpu.memref_slice %arg9[%dma_wait3A_239, %dma_wait3A_240] : memref<400x16xf32, #tpu.memory_space<vmem>> -> memref<80x16xf32, #tpu.memory_space<vmem>>
      %dma_wait3A_242 = arith.constant 0 : i32
      %dma_wait3A_243 = tpu.memref_slice %arg8[%add3A_113, %dma_wait3A_242] : memref<125x80xi32, #tpu.memory_space<vmem>> -> memref<1x80xi32, #tpu.memory_space<vmem>>
      %dma_wait3A_244 = tpu.memref_squeeze %dma_wait3A_243 : memref<1x80xi32, #tpu.memory_space<vmem>> -> memref<80xi32, #tpu.memory_space<vmem>>
      %dma_wait3A_245 = arith.constant 0 : i32
      %dma_wait3A_246 = arith.constant 0 : i32
      %dma_wait3A_247 = tpu.memref_slice %arg10[%dma_wait3A_245, %dma_wait3A_246] : memref<10000x16xf32, #tpu.memory_space<vmem_shared>> -> memref<10000x16xf32, #tpu.memory_space<vmem_shared>>
      %dma_wait3A_248 = tpu.memref_slice %arg13[%dma_wait3A_238] : memref<5x!tpu.dma_semaphore, #tpu.memory_space<semaphore_mem>> -> memref<1x!tpu.dma_semaphore, #tpu.memory_space<semaphore_mem>>
      %dma_wait3A_249 = tpu.memref_squeeze %dma_wait3A_248 : memref<1x!tpu.dma_semaphore, #tpu.memory_space<semaphore_mem>> -> memref<!tpu.dma_semaphore, #tpu.memory_space<semaphore_mem>>
      tpu.wait_indirect_dma semaphore(%dma_wait3A_249 : memref<!tpu.dma_semaphore, #tpu.memory_space<semaphore_mem>>) src(%dma_wait3A_241 : memref<80x16xf32, #tpu.memory_space<vmem>>) dst(%dma_wait3A_247 : memref<10000x16xf32, #tpu.memory_space<vmem_shared>>)
      %dma_wait3A_250 = arith.constant 1 : i32
      %dma_wait3A_251 = arith.constant 80 : i32
      %dma_wait3A_252 = arith.constant 0 : i32
      %dma_wait3A_253 = tpu.memref_slice %arg9[%dma_wait3A_251, %dma_wait3A_252] : memref<400x16xf32, #tpu.memory_space<vmem>> -> memref<80x16xf32, #tpu.memory_space<vmem>>
      %dma_wait3A_254 = arith.constant 0 : i32
      %dma_wait3A_255 = tpu.memref_slice %arg8[%add3A_141, %dma_wait3A_254] : memref<125x80xi32, #tpu.memory_space<vmem>> -> memref<1x80xi32, #tpu.memory_space<vmem>>
      %dma_wait3A_256 = tpu.memref_squeeze %dma_wait3A_255 : memref<1x80xi32, #tpu.memory_space<vmem>> -> memref<80xi32, #tpu.memory_space<vmem>>
      %dma_wait3A_257 = arith.constant 0 : i32
      %dma_wait3A_258 = arith.constant 0 : i32
      %dma_wait3A_259 = tpu.memref_slice %arg10[%dma_wait3A_257, %dma_wait3A_258] : memref<10000x16xf32, #tpu.memory_space<vmem_shared>> -> memref<10000x16xf32, #tpu.memory_space<vmem_shared>>
      %dma_wait3A_260 = tpu.memref_slice %arg13[%dma_wait3A_250] : memref<5x!tpu.dma_semaphore, #tpu.memory_space<semaphore_mem>> -> memref<1x!tpu.dma_semaphore, #tpu.memory_space<semaphore_mem>>
      %dma_wait3A_261 = tpu.memref_squeeze %dma_wait3A_260 : memref<1x!tpu.dma_semaphore, #tpu.memory_space<semaphore_mem>> -> memref<!tpu.dma_semaphore, #tpu.memory_space<semaphore_mem>>
      tpu.wait_indirect_dma semaphore(%dma_wait3A_261 : memref<!tpu.dma_semaphore, #tpu.memory_space<semaphore_mem>>) src(%dma_wait3A_253 : memref<80x16xf32, #tpu.memory_space<vmem>>) dst(%dma_wait3A_259 : memref<10000x16xf32, #tpu.memory_space<vmem_shared>>)
      %dma_wait3A_262 = arith.constant 2 : i32
      %dma_wait3A_263 = arith.constant 160 : i32
      %dma_wait3A_264 = arith.constant 0 : i32
      %dma_wait3A_265 = tpu.memref_slice %arg9[%dma_wait3A_263, %dma_wait3A_264] : memref<400x16xf32, #tpu.memory_space<vmem>> -> memref<80x16xf32, #tpu.memory_space<vmem>>
      %dma_wait3A_266 = arith.constant 0 : i32
      %dma_wait3A_267 = tpu.memref_slice %arg8[%add3A_169, %dma_wait3A_266] : memref<125x80xi32, #tpu.memory_space<vmem>> -> memref<1x80xi32, #tpu.memory_space<vmem>>
      %dma_wait3A_268 = tpu.memref_squeeze %dma_wait3A_267 : memref<1x80xi32, #tpu.memory_space<vmem>> -> memref<80xi32, #tpu.memory_space<vmem>>
      %dma_wait3A_269 = arith.constant 0 : i32
      %dma_wait3A_270 = arith.constant 0 : i32
      %dma_wait3A_271 = tpu.memref_slice %arg10[%dma_wait3A_269, %dma_wait3A_270] : memref<10000x16xf32, #tpu.memory_space<vmem_shared>> -> memref<10000x16xf32, #tpu.memory_space<vmem_shared>>
      %dma_wait3A_272 = tpu.memref_slice %arg13[%dma_wait3A_262] : memref<5x!tpu.dma_semaphore, #tpu.memory_space<semaphore_mem>> -> memref<1x!tpu.dma_semaphore, #tpu.memory_space<semaphore_mem>>
      %dma_wait3A_273 = tpu.memref_squeeze %dma_wait3A_272 : memref<1x!tpu.dma_semaphore, #tpu.memory_space<semaphore_mem>> -> memref<!tpu.dma_semaphore, #tpu.memory_space<semaphore_mem>>
      tpu.wait_indirect_dma semaphore(%dma_wait3A_273 : memref<!tpu.dma_semaphore, #tpu.memory_space<semaphore_mem>>) src(%dma_wait3A_265 : memref<80x16xf32, #tpu.memory_space<vmem>>) dst(%dma_wait3A_271 : memref<10000x16xf32, #tpu.memory_space<vmem_shared>>)
      %dma_wait3A_274 = arith.constant 3 : i32
      %dma_wait3A_275 = arith.constant 240 : i32
      %dma_wait3A_276 = arith.constant 0 : i32
      %dma_wait3A_277 = tpu.memref_slice %arg9[%dma_wait3A_275, %dma_wait3A_276] : memref<400x16xf32, #tpu.memory_space<vmem>> -> memref<80x16xf32, #tpu.memory_space<vmem>>
      %dma_wait3A_278 = arith.constant 0 : i32
      %dma_wait3A_279 = tpu.memref_slice %arg8[%add3A_197, %dma_wait3A_278] : memref<125x80xi32, #tpu.memory_space<vmem>> -> memref<1x80xi32, #tpu.memory_space<vmem>>
      %dma_wait3A_280 = tpu.memref_squeeze %dma_wait3A_279 : memref<1x80xi32, #tpu.memory_space<vmem>> -> memref<80xi32, #tpu.memory_space<vmem>>
      %dma_wait3A_281 = arith.constant 0 : i32
      %dma_wait3A_282 = arith.constant 0 : i32
      %dma_wait3A_283 = tpu.memref_slice %arg10[%dma_wait3A_281, %dma_wait3A_282] : memref<10000x16xf32, #tpu.memory_space<vmem_shared>> -> memref<10000x16xf32, #tpu.memory_space<vmem_shared>>
      %dma_wait3A_284 = tpu.memref_slice %arg13[%dma_wait3A_274] : memref<5x!tpu.dma_semaphore, #tpu.memory_space<semaphore_mem>> -> memref<1x!tpu.dma_semaphore, #tpu.memory_space<semaphore_mem>>
      %dma_wait3A_285 = tpu.memref_squeeze %dma_wait3A_284 : memref<1x!tpu.dma_semaphore, #tpu.memory_space<semaphore_mem>> -> memref<!tpu.dma_semaphore, #tpu.memory_space<semaphore_mem>>
      tpu.wait_indirect_dma semaphore(%dma_wait3A_285 : memref<!tpu.dma_semaphore, #tpu.memory_space<semaphore_mem>>) src(%dma_wait3A_277 : memref<80x16xf32, #tpu.memory_space<vmem>>) dst(%dma_wait3A_283 : memref<10000x16xf32, #tpu.memory_space<vmem_shared>>)
      %dma_wait3A_286 = arith.constant 4 : i32
      %dma_wait3A_287 = arith.constant 320 : i32
      %dma_wait3A_288 = arith.constant 0 : i32
      %dma_wait3A_289 = tpu.memref_slice %arg9[%dma_wait3A_287, %dma_wait3A_288] : memref<400x16xf32, #tpu.memory_space<vmem>> -> memref<80x16xf32, #tpu.memory_space<vmem>>
      %dma_wait3A_290 = arith.constant 0 : i32
      %dma_wait3A_291 = tpu.memref_slice %arg8[%add3A_225, %dma_wait3A_290] : memref<125x80xi32, #tpu.memory_space<vmem>> -> memref<1x80xi32, #tpu.memory_space<vmem>>
      %dma_wait3A_292 = tpu.memref_squeeze %dma_wait3A_291 : memref<1x80xi32, #tpu.memory_space<vmem>> -> memref<80xi32, #tpu.memory_space<vmem>>
      %dma_wait3A_293 = arith.constant 0 : i32
      %dma_wait3A_294 = arith.constant 0 : i32
      %dma_wait3A_295 = tpu.memref_slice %arg10[%dma_wait3A_293, %dma_wait3A_294] : memref<10000x16xf32, #tpu.memory_space<vmem_shared>> -> memref<10000x16xf32, #tpu.memory_space<vmem_shared>>
      %dma_wait3A_296 = tpu.memref_slice %arg13[%dma_wait3A_286] : memref<5x!tpu.dma_semaphore, #tpu.memory_space<semaphore_mem>> -> memref<1x!tpu.dma_semaphore, #tpu.memory_space<semaphore_mem>>
      %dma_wait3A_297 = tpu.memref_squeeze %dma_wait3A_296 : memref<1x!tpu.dma_semaphore, #tpu.memory_space<semaphore_mem>> -> memref<!tpu.dma_semaphore, #tpu.memory_space<semaphore_mem>>
      tpu.wait_indirect_dma semaphore(%dma_wait3A_297 : memref<!tpu.dma_semaphore, #tpu.memory_space<semaphore_mem>>) src(%dma_wait3A_289 : memref<80x16xf32, #tpu.memory_space<vmem>>) dst(%dma_wait3A_295 : memref<10000x16xf32, #tpu.memory_space<vmem_shared>>)
    }
    %scan3A_13 = arith.constant 25 : i32
    %barrier3A_14 = arith.constant 0 : index
    tpu.barrier barrier_id(%barrier3A_14)
    %mul3A_15 = arith.constant 625 : i32
    %mul3A_16 = arith.muli %arg1, %mul3A_15 : i32
    %mul3A_17 = arith.constant 625 : i32
    %mul3A_18 = arith.muli %arg1, %mul3A_17 : i32
    "tpu.region"() ({
      %run_scoped3A = tpu.sem_alloc : memref<!tpu.dma_semaphore, #tpu.memory_space<semaphore_mem>>
      %dma_start3A = arith.constant 0 : i32
      %dma_start3A_19 = arith.constant 0 : i32
      %dma_start3A_20 = tpu.memref_slice %arg6[%arg0, %dma_start3A, %dma_start3A_19] : memref<2x10000x16xf32, #tpu.memory_space<hbm>> -> memref<1x10000x16xf32, #tpu.memory_space<hbm>>
      %dma_start3A_21 = tpu.memref_squeeze %dma_start3A_20 : memref<1x10000x16xf32, #tpu.memory_space<hbm>> -> memref<10000x16xf32, #tpu.memory_space<hbm>>
      %dma_start3A_22 = arith.constant 0 : i32
      %dma_start3A_23 = tpu.memref_slice %dma_start3A_21[%mul3A_18, %dma_start3A_22] : memref<10000x16xf32, #tpu.memory_space<hbm>> -> memref<625x16xf32, #tpu.memory_space<hbm>>
      %dma_start3A_24 = arith.constant 0 : i32
      %dma_start3A_25 = tpu.memref_slice %arg10[%mul3A_16, %dma_start3A_24] : memref<10000x16xf32, #tpu.memory_space<vmem_shared>> -> memref<625x16xf32, #tpu.memory_space<vmem_shared>>
      tpu.enqueue_dma source(%dma_start3A_25 : memref<625x16xf32, #tpu.memory_space<vmem_shared>>) target(%dma_start3A_23 : memref<625x16xf32, #tpu.memory_space<hbm>>) target_semaphore(%run_scoped3A : memref<!tpu.dma_semaphore, #tpu.memory_space<semaphore_mem>>)
      %dma_wait3A = arith.constant 0 : i32
      %dma_wait3A_26 = arith.constant 0 : i32
      %dma_wait3A_27 = tpu.memref_slice %arg6[%arg0, %dma_wait3A, %dma_wait3A_26] : memref<2x10000x16xf32, #tpu.memory_space<hbm>> -> memref<1x10000x16xf32, #tpu.memory_space<hbm>>
      %dma_wait3A_28 = tpu.memref_squeeze %dma_wait3A_27 : memref<1x10000x16xf32, #tpu.memory_space<hbm>> -> memref<10000x16xf32, #tpu.memory_space<hbm>>
      %dma_wait3A_29 = arith.constant 0 : i32
      %dma_wait3A_30 = tpu.memref_slice %dma_wait3A_28[%mul3A_18, %dma_wait3A_29] : memref<10000x16xf32, #tpu.memory_space<hbm>> -> memref<625x16xf32, #tpu.memory_space<hbm>>
      %dma_wait3A_31 = arith.constant 0 : i32
      %dma_wait3A_32 = tpu.memref_slice %arg10[%mul3A_16, %dma_wait3A_31] : memref<10000x16xf32, #tpu.memory_space<vmem_shared>> -> memref<625x16xf32, #tpu.memory_space<vmem_shared>>
      tpu.wait_dma2 semaphore(%run_scoped3A : memref<!tpu.dma_semaphore, #tpu.memory_space<semaphore_mem>>) src(%dma_wait3A_32 : memref<625x16xf32, #tpu.memory_space<vmem_shared>>) dst(%dma_wait3A_30 : memref<625x16xf32, #tpu.memory_space<hbm>>)
      tpu.yield
    }) : () -> ()
    return
  }
}

#map = affine_map<(d0, d1) -> (0, 0)>
#map1 = affine_map<(d0, d1) -> (0, 0, 0)>
module attributes {stable_mosaic.version = 14 : i64} {
  func.func @k(%arg0: i32, %arg1: i32, %arg2: memref<10000x16xf32, #tpu.memory_space<hbm>>, %arg3: memref<32x125x80xi32, #tpu.memory_space<hbm>>, %arg4: memref<32x125x80xi32, #tpu.memory_space<hbm>>, %arg5: memref<10000x16xf32, #tpu.memory_space<hbm>>, %arg6: memref<2x10000x16xf32, #tpu.memory_space<hbm>>, %arg7: memref<125x80xi32, #tpu.memory_space<vmem>>, %arg8: memref<125x80xi32, #tpu.memory_space<vmem>>, %arg9: memref<400x16xf32, #tpu.memory_space<vmem>>, %arg10: memref<10000x16xf32, #tpu.memory_space<vmem_shared>>, %arg11: memref<10000x16xf32, #tpu.memory_space<vmem_shared>>, %arg12: memref<5x!tpu.dma_semaphore, #tpu.memory_space<semaphore_mem>>, %arg13: memref<5x!tpu.dma_semaphore, #tpu.memory_space<semaphore_mem>>) attributes {dimension_semantics = [#tpu.dimension_semantics<core_parallel>, #tpu.dimension_semantics<subcore_parallel>], iteration_bounds = array<i64: 2, 16>, scalar_prefetch = 0 : i64, scratch_operands = 7 : i64, tpu.core_type = #tpu.core_type<sc_vector_subcore>, window_params = [{transform_indices = #map}, {transform_indices = #map1}, {transform_indices = #map1}, {transform_indices = #map}, {transform_indices = #map1}]} {
    %mul3A = arith.constant 16 : i32
    %mul3A_0 = arith.muli %arg0, %mul3A : i32
    %add3A = arith.addi %mul3A_0, %arg1 : i32
    %mul3A_1 = arith.constant 625 : i32
    %mul3A_2 = arith.muli %arg1, %mul3A_1 : i32
    %mul3A_3 = arith.constant 625 : i32
    %mul3A_4 = arith.muli %arg1, %mul3A_3 : i32
    "tpu.region"() ({
      %run_scoped3A = tpu.sem_alloc : memref<!tpu.dma_semaphore, #tpu.memory_space<semaphore_mem>>
      %dma_start3A = arith.constant 0 : i32
      %dma_start3A_19 = tpu.memref_slice %arg10[%mul3A_4, %dma_start3A] : memref<10000x16xf32, #tpu.memory_space<vmem_shared>> -> memref<625x16xf32, #tpu.memory_space<vmem_shared>>
      %dma_start3A_20 = arith.constant 0 : i32
      %dma_start3A_21 = tpu.memref_slice %arg5[%mul3A_2, %dma_start3A_20] : memref<10000x16xf32, #tpu.memory_space<hbm>> -> memref<625x16xf32, #tpu.memory_space<hbm>>
      tpu.enqueue_dma source(%dma_start3A_21 : memref<625x16xf32, #tpu.memory_space<hbm>>) target(%dma_start3A_19 : memref<625x16xf32, #tpu.memory_space<vmem_shared>>) target_semaphore(%run_scoped3A : memref<!tpu.dma_semaphore, #tpu.memory_space<semaphore_mem>>)
      %dma_wait3A = arith.constant 0 : i32
      %dma_wait3A_22 = tpu.memref_slice %arg10[%mul3A_4, %dma_wait3A] : memref<10000x16xf32, #tpu.memory_space<vmem_shared>> -> memref<625x16xf32, #tpu.memory_space<vmem_shared>>
      %dma_wait3A_23 = arith.constant 0 : i32
      %dma_wait3A_24 = tpu.memref_slice %arg5[%mul3A_2, %dma_wait3A_23] : memref<10000x16xf32, #tpu.memory_space<hbm>> -> memref<625x16xf32, #tpu.memory_space<hbm>>
      tpu.wait_dma2 semaphore(%run_scoped3A : memref<!tpu.dma_semaphore, #tpu.memory_space<semaphore_mem>>) src(%dma_wait3A_24 : memref<625x16xf32, #tpu.memory_space<hbm>>) dst(%dma_wait3A_22 : memref<625x16xf32, #tpu.memory_space<vmem_shared>>)
      tpu.yield
    }) : () -> ()
    %mul3A_5 = arith.constant 625 : i32
    %mul3A_6 = arith.muli %arg1, %mul3A_5 : i32
    %mul3A_7 = arith.constant 625 : i32
    %mul3A_8 = arith.muli %arg1, %mul3A_7 : i32
    "tpu.region"() ({
      %run_scoped3A = tpu.sem_alloc : memref<!tpu.dma_semaphore, #tpu.memory_space<semaphore_mem>>
      %dma_start3A = arith.constant 0 : i32
      %dma_start3A_19 = tpu.memref_slice %arg11[%mul3A_8, %dma_start3A] : memref<10000x16xf32, #tpu.memory_space<vmem_shared>> -> memref<625x16xf32, #tpu.memory_space<vmem_shared>>
      %dma_start3A_20 = arith.constant 0 : i32
      %dma_start3A_21 = tpu.memref_slice %arg2[%mul3A_6, %dma_start3A_20] : memref<10000x16xf32, #tpu.memory_space<hbm>> -> memref<625x16xf32, #tpu.memory_space<hbm>>
      tpu.enqueue_dma source(%dma_start3A_21 : memref<625x16xf32, #tpu.memory_space<hbm>>) target(%dma_start3A_19 : memref<625x16xf32, #tpu.memory_space<vmem_shared>>) target_semaphore(%run_scoped3A : memref<!tpu.dma_semaphore, #tpu.memory_space<semaphore_mem>>)
      %dma_wait3A = arith.constant 0 : i32
      %dma_wait3A_22 = tpu.memref_slice %arg11[%mul3A_8, %dma_wait3A] : memref<10000x16xf32, #tpu.memory_space<vmem_shared>> -> memref<625x16xf32, #tpu.memory_space<vmem_shared>>
      %dma_wait3A_23 = arith.constant 0 : i32
      %dma_wait3A_24 = tpu.memref_slice %arg2[%mul3A_6, %dma_wait3A_23] : memref<10000x16xf32, #tpu.memory_space<hbm>> -> memref<625x16xf32, #tpu.memory_space<hbm>>
      tpu.wait_dma2 semaphore(%run_scoped3A : memref<!tpu.dma_semaphore, #tpu.memory_space<semaphore_mem>>) src(%dma_wait3A_24 : memref<625x16xf32, #tpu.memory_space<hbm>>) dst(%dma_wait3A_22 : memref<625x16xf32, #tpu.memory_space<vmem_shared>>)
      tpu.yield
    }) : () -> ()
    "tpu.region"() ({
      %run_scoped3A = tpu.sem_alloc : memref<!tpu.dma_semaphore, #tpu.memory_space<semaphore_mem>>
      %dma_start3A = arith.constant 0 : i32
      %dma_start3A_19 = arith.constant 0 : i32
      %dma_start3A_20 = tpu.memref_slice %arg3[%add3A, %dma_start3A, %dma_start3A_19] : memref<32x125x80xi32, #tpu.memory_space<hbm>> -> memref<1x125x80xi32, #tpu.memory_space<hbm>>
      %dma_start3A_21 = tpu.memref_squeeze %dma_start3A_20 : memref<1x125x80xi32, #tpu.memory_space<hbm>> -> memref<125x80xi32, #tpu.memory_space<hbm>>
      %dma_start3A_22 = arith.constant 0 : i32
      %dma_start3A_23 = arith.constant 0 : i32
      %dma_start3A_24 = tpu.memref_slice %arg3[%add3A, %dma_start3A_22, %dma_start3A_23] : memref<32x125x80xi32, #tpu.memory_space<hbm>> -> memref<1x125x80xi32, #tpu.memory_space<hbm>>
      %dma_start3A_25 = tpu.memref_squeeze %dma_start3A_24 : memref<1x125x80xi32, #tpu.memory_space<hbm>> -> memref<125x80xi32, #tpu.memory_space<hbm>>
      tpu.enqueue_dma source(%dma_start3A_25 : memref<125x80xi32, #tpu.memory_space<hbm>>) target(%arg7 : memref<125x80xi32, #tpu.memory_space<vmem>>) target_semaphore(%run_scoped3A : memref<!tpu.dma_semaphore, #tpu.memory_space<semaphore_mem>>)
      %dma_wait3A = arith.constant 0 : i32
      %dma_wait3A_26 = arith.constant 0 : i32
      %dma_wait3A_27 = tpu.memref_slice %arg3[%add3A, %dma_wait3A, %dma_wait3A_26] : memref<32x125x80xi32, #tpu.memory_space<hbm>> -> memref<1x125x80xi32, #tpu.memory_space<hbm>>
      %dma_wait3A_28 = tpu.memref_squeeze %dma_wait3A_27 : memref<1x125x80xi32, #tpu.memory_space<hbm>> -> memref<125x80xi32, #tpu.memory_space<hbm>>
      %dma_wait3A_29 = arith.constant 0 : i32
      %dma_wait3A_30 = arith.constant 0 : i32
      %dma_wait3A_31 = tpu.memref_slice %arg3[%add3A, %dma_wait3A_29, %dma_wait3A_30] : memref<32x125x80xi32, #tpu.memory_space<hbm>> -> memref<1x125x80xi32, #tpu.memory_space<hbm>>
      %dma_wait3A_32 = tpu.memref_squeeze %dma_wait3A_31 : memref<1x125x80xi32, #tpu.memory_space<hbm>> -> memref<125x80xi32, #tpu.memory_space<hbm>>
      tpu.wait_dma2 semaphore(%run_scoped3A : memref<!tpu.dma_semaphore, #tpu.memory_space<semaphore_mem>>) src(%dma_wait3A_32 : memref<125x80xi32, #tpu.memory_space<hbm>>) dst(%arg7 : memref<125x80xi32, #tpu.memory_space<vmem>>)
      tpu.yield
    }) : () -> ()
    "tpu.region"() ({
      %run_scoped3A = tpu.sem_alloc : memref<!tpu.dma_semaphore, #tpu.memory_space<semaphore_mem>>
      %dma_start3A = arith.constant 0 : i32
      %dma_start3A_19 = arith.constant 0 : i32
      %dma_start3A_20 = tpu.memref_slice %arg4[%add3A, %dma_start3A, %dma_start3A_19] : memref<32x125x80xi32, #tpu.memory_space<hbm>> -> memref<1x125x80xi32, #tpu.memory_space<hbm>>
      %dma_start3A_21 = tpu.memref_squeeze %dma_start3A_20 : memref<1x125x80xi32, #tpu.memory_space<hbm>> -> memref<125x80xi32, #tpu.memory_space<hbm>>
      %dma_start3A_22 = arith.constant 0 : i32
      %dma_start3A_23 = arith.constant 0 : i32
      %dma_start3A_24 = tpu.memref_slice %arg4[%add3A, %dma_start3A_22, %dma_start3A_23] : memref<32x125x80xi32, #tpu.memory_space<hbm>> -> memref<1x125x80xi32, #tpu.memory_space<hbm>>
      %dma_start3A_25 = tpu.memref_squeeze %dma_start3A_24 : memref<1x125x80xi32, #tpu.memory_space<hbm>> -> memref<125x80xi32, #tpu.memory_space<hbm>>
      tpu.enqueue_dma source(%dma_start3A_25 : memref<125x80xi32, #tpu.memory_space<hbm>>) target(%arg8 : memref<125x80xi32, #tpu.memory_space<vmem>>) target_semaphore(%run_scoped3A : memref<!tpu.dma_semaphore, #tpu.memory_space<semaphore_mem>>)
      %dma_wait3A = arith.constant 0 : i32
      %dma_wait3A_26 = arith.constant 0 : i32
      %dma_wait3A_27 = tpu.memref_slice %arg4[%add3A, %dma_wait3A, %dma_wait3A_26] : memref<32x125x80xi32, #tpu.memory_space<hbm>> -> memref<1x125x80xi32, #tpu.memory_space<hbm>>
      %dma_wait3A_28 = tpu.memref_squeeze %dma_wait3A_27 : memref<1x125x80xi32, #tpu.memory_space<hbm>> -> memref<125x80xi32, #tpu.memory_space<hbm>>
      %dma_wait3A_29 = arith.constant 0 : i32
      %dma_wait3A_30 = arith.constant 0 : i32
      %dma_wait3A_31 = tpu.memref_slice %arg4[%add3A, %dma_wait3A_29, %dma_wait3A_30] : memref<32x125x80xi32, #tpu.memory_space<hbm>> -> memref<1x125x80xi32, #tpu.memory_space<hbm>>
      %dma_wait3A_32 = tpu.memref_squeeze %dma_wait3A_31 : memref<1x125x80xi32, #tpu.memory_space<hbm>> -> memref<125x80xi32, #tpu.memory_space<hbm>>
      tpu.wait_dma2 semaphore(%run_scoped3A : memref<!tpu.dma_semaphore, #tpu.memory_space<semaphore_mem>>) src(%dma_wait3A_32 : memref<125x80xi32, #tpu.memory_space<hbm>>) dst(%arg8 : memref<125x80xi32, #tpu.memory_space<vmem>>)
      tpu.yield
    }) : () -> ()
    %barrier3A = arith.constant 0 : index
    tpu.barrier barrier_id(%barrier3A)
    %scan3A = arith.constant 0 : i32
    %scan3A_9 = arith.constant 0 : i32
    %scan3A_10 = arith.constant 25 : i32
    %scan3A_11 = arith.addi %scan3A_9, %scan3A_10 : i32
    %scan3A_12 = arith.constant 1 : i32
    scf.for %scan3A_19 = %scan3A_9 to %scan3A_11 step %scan3A_12  : i32 {
      %mul3A_20 = arith.constant 5 : i32
      %mul3A_21 = arith.muli %scan3A_19, %mul3A_20 : i32
      %add3A_22 = arith.constant 0 : i32
      %add3A_23 = arith.addi %mul3A_21, %add3A_22 : i32
      %dma_start3A = arith.constant 0 : i32
      %dma_start3A_24 = arith.constant 0 : i32
      %dma_start3A_25 = arith.constant 0 : i32
      %dma_start3A_26 = tpu.memref_slice %arg9[%dma_start3A_24, %dma_start3A_25] : memref<400x16xf32, #tpu.memory_space<vmem>> -> memref<80x16xf32, #tpu.memory_space<vmem>>
      %dma_start3A_27 = arith.constant 0 : i32
      %dma_start3A_28 = tpu.memref_slice %arg7[%add3A_23, %dma_start3A_27] : memref<125x80xi32, #tpu.memory_space<vmem>> -> memref<1x80xi32, #tpu.memory_space<vmem>>
      %dma_start3A_29 = tpu.memref_squeeze %dma_start3A_28 : memref<1x80xi32, #tpu.memory_space<vmem>> -> memref<80xi32, #tpu.memory_space<vmem>>
      %dma_start3A_30 = arith.constant 0 : i32
      %dma_start3A_31 = arith.constant 0 : i32
      %dma_start3A_32 = tpu.memref_slice %arg11[%dma_start3A_30, %dma_start3A_31] : memref<10000x16xf32, #tpu.memory_space<vmem_shared>> -> memref<10000x16xf32, #tpu.memory_space<vmem_shared>>
      %dma_start3A_33 = tpu.memref_slice %arg12[%dma_start3A] : memref<5x!tpu.dma_semaphore, #tpu.memory_space<semaphore_mem>> -> memref<1x!tpu.dma_semaphore, #tpu.memory_space<semaphore_mem>>
      %dma_start3A_34 = tpu.memref_squeeze %dma_start3A_33 : memref<1x!tpu.dma_semaphore, #tpu.memory_space<semaphore_mem>> -> memref<!tpu.dma_semaphore, #tpu.memory_space<semaphore_mem>>
      tpu.enqueue_indirect_dma source(%dma_start3A_32 : memref<10000x16xf32, #tpu.memory_space<vmem_shared>>) target(%dma_start3A_26 : memref<80x16xf32, #tpu.memory_space<vmem>>) offsets(%dma_start3A_29 : memref<80xi32, #tpu.memory_space<vmem>>) semaphore(%dma_start3A_34 : memref<!tpu.dma_semaphore, #tpu.memory_space<semaphore_mem>>)
      %mul3A_35 = arith.constant 5 : i32
      %mul3A_36 = arith.muli %scan3A_19, %mul3A_35 : i32
      %add3A_37 = arith.constant 1 : i32
      %add3A_38 = arith.addi %mul3A_36, %add3A_37 : i32
      %dma_start3A_39 = arith.constant 1 : i32
      %dma_start3A_40 = arith.constant 80 : i32
      %dma_start3A_41 = arith.constant 0 : i32
      %dma_start3A_42 = tpu.memref_slice %arg9[%dma_start3A_40, %dma_start3A_41] : memref<400x16xf32, #tpu.memory_space<vmem>> -> memref<80x16xf32, #tpu.memory_space<vmem>>
      %dma_start3A_43 = arith.constant 0 : i32
      %dma_start3A_44 = tpu.memref_slice %arg7[%add3A_38, %dma_start3A_43] : memref<125x80xi32, #tpu.memory_space<vmem>> -> memref<1x80xi32, #tpu.memory_space<vmem>>
      %dma_start3A_45 = tpu.memref_squeeze %dma_start3A_44 : memref<1x80xi32, #tpu.memory_space<vmem>> -> memref<80xi32, #tpu.memory_space<vmem>>
      %dma_start3A_46 = arith.constant 0 : i32
      %dma_start3A_47 = arith.constant 0 : i32
      %dma_start3A_48 = tpu.memref_slice %arg11[%dma_start3A_46, %dma_start3A_47] : memref<10000x16xf32, #tpu.memory_space<vmem_shared>> -> memref<10000x16xf32, #tpu.memory_space<vmem_shared>>
      %dma_start3A_49 = tpu.memref_slice %arg12[%dma_start3A_39] : memref<5x!tpu.dma_semaphore, #tpu.memory_space<semaphore_mem>> -> memref<1x!tpu.dma_semaphore, #tpu.memory_space<semaphore_mem>>
      %dma_start3A_50 = tpu.memref_squeeze %dma_start3A_49 : memref<1x!tpu.dma_semaphore, #tpu.memory_space<semaphore_mem>> -> memref<!tpu.dma_semaphore, #tpu.memory_space<semaphore_mem>>
      tpu.enqueue_indirect_dma source(%dma_start3A_48 : memref<10000x16xf32, #tpu.memory_space<vmem_shared>>) target(%dma_start3A_42 : memref<80x16xf32, #tpu.memory_space<vmem>>) offsets(%dma_start3A_45 : memref<80xi32, #tpu.memory_space<vmem>>) semaphore(%dma_start3A_50 : memref<!tpu.dma_semaphore, #tpu.memory_space<semaphore_mem>>)
      %mul3A_51 = arith.constant 5 : i32
      %mul3A_52 = arith.muli %scan3A_19, %mul3A_51 : i32
      %add3A_53 = arith.constant 2 : i32
      %add3A_54 = arith.addi %mul3A_52, %add3A_53 : i32
      %dma_start3A_55 = arith.constant 2 : i32
      %dma_start3A_56 = arith.constant 160 : i32
      %dma_start3A_57 = arith.constant 0 : i32
      %dma_start3A_58 = tpu.memref_slice %arg9[%dma_start3A_56, %dma_start3A_57] : memref<400x16xf32, #tpu.memory_space<vmem>> -> memref<80x16xf32, #tpu.memory_space<vmem>>
      %dma_start3A_59 = arith.constant 0 : i32
      %dma_start3A_60 = tpu.memref_slice %arg7[%add3A_54, %dma_start3A_59] : memref<125x80xi32, #tpu.memory_space<vmem>> -> memref<1x80xi32, #tpu.memory_space<vmem>>
      %dma_start3A_61 = tpu.memref_squeeze %dma_start3A_60 : memref<1x80xi32, #tpu.memory_space<vmem>> -> memref<80xi32, #tpu.memory_space<vmem>>
      %dma_start3A_62 = arith.constant 0 : i32
      %dma_start3A_63 = arith.constant 0 : i32
      %dma_start3A_64 = tpu.memref_slice %arg11[%dma_start3A_62, %dma_start3A_63] : memref<10000x16xf32, #tpu.memory_space<vmem_shared>> -> memref<10000x16xf32, #tpu.memory_space<vmem_shared>>
      %dma_start3A_65 = tpu.memref_slice %arg12[%dma_start3A_55] : memref<5x!tpu.dma_semaphore, #tpu.memory_space<semaphore_mem>> -> memref<1x!tpu.dma_semaphore, #tpu.memory_space<semaphore_mem>>
      %dma_start3A_66 = tpu.memref_squeeze %dma_start3A_65 : memref<1x!tpu.dma_semaphore, #tpu.memory_space<semaphore_mem>> -> memref<!tpu.dma_semaphore, #tpu.memory_space<semaphore_mem>>
      tpu.enqueue_indirect_dma source(%dma_start3A_64 : memref<10000x16xf32, #tpu.memory_space<vmem_shared>>) target(%dma_start3A_58 : memref<80x16xf32, #tpu.memory_space<vmem>>) offsets(%dma_start3A_61 : memref<80xi32, #tpu.memory_space<vmem>>) semaphore(%dma_start3A_66 : memref<!tpu.dma_semaphore, #tpu.memory_space<semaphore_mem>>)
      %mul3A_67 = arith.constant 5 : i32
      %mul3A_68 = arith.muli %scan3A_19, %mul3A_67 : i32
      %add3A_69 = arith.constant 3 : i32
      %add3A_70 = arith.addi %mul3A_68, %add3A_69 : i32
      %dma_start3A_71 = arith.constant 3 : i32
      %dma_start3A_72 = arith.constant 240 : i32
      %dma_start3A_73 = arith.constant 0 : i32
      %dma_start3A_74 = tpu.memref_slice %arg9[%dma_start3A_72, %dma_start3A_73] : memref<400x16xf32, #tpu.memory_space<vmem>> -> memref<80x16xf32, #tpu.memory_space<vmem>>
      %dma_start3A_75 = arith.constant 0 : i32
      %dma_start3A_76 = tpu.memref_slice %arg7[%add3A_70, %dma_start3A_75] : memref<125x80xi32, #tpu.memory_space<vmem>> -> memref<1x80xi32, #tpu.memory_space<vmem>>
      %dma_start3A_77 = tpu.memref_squeeze %dma_start3A_76 : memref<1x80xi32, #tpu.memory_space<vmem>> -> memref<80xi32, #tpu.memory_space<vmem>>
      %dma_start3A_78 = arith.constant 0 : i32
      %dma_start3A_79 = arith.constant 0 : i32
      %dma_start3A_80 = tpu.memref_slice %arg11[%dma_start3A_78, %dma_start3A_79] : memref<10000x16xf32, #tpu.memory_space<vmem_shared>> -> memref<10000x16xf32, #tpu.memory_space<vmem_shared>>
      %dma_start3A_81 = tpu.memref_slice %arg12[%dma_start3A_71] : memref<5x!tpu.dma_semaphore, #tpu.memory_space<semaphore_mem>> -> memref<1x!tpu.dma_semaphore, #tpu.memory_space<semaphore_mem>>
      %dma_start3A_82 = tpu.memref_squeeze %dma_start3A_81 : memref<1x!tpu.dma_semaphore, #tpu.memory_space<semaphore_mem>> -> memref<!tpu.dma_semaphore, #tpu.memory_space<semaphore_mem>>
      tpu.enqueue_indirect_dma source(%dma_start3A_80 : memref<10000x16xf32, #tpu.memory_space<vmem_shared>>) target(%dma_start3A_74 : memref<80x16xf32, #tpu.memory_space<vmem>>) offsets(%dma_start3A_77 : memref<80xi32, #tpu.memory_space<vmem>>) semaphore(%dma_start3A_82 : memref<!tpu.dma_semaphore, #tpu.memory_space<semaphore_mem>>)
      %mul3A_83 = arith.constant 5 : i32
      %mul3A_84 = arith.muli %scan3A_19, %mul3A_83 : i32
      %add3A_85 = arith.constant 4 : i32
      %add3A_86 = arith.addi %mul3A_84, %add3A_85 : i32
      %dma_start3A_87 = arith.constant 4 : i32
      %dma_start3A_88 = arith.constant 320 : i32
      %dma_start3A_89 = arith.constant 0 : i32
      %dma_start3A_90 = tpu.memref_slice %arg9[%dma_start3A_88, %dma_start3A_89] : memref<400x16xf32, #tpu.memory_space<vmem>> -> memref<80x16xf32, #tpu.memory_space<vmem>>
      %dma_start3A_91 = arith.constant 0 : i32
      %dma_start3A_92 = tpu.memref_slice %arg7[%add3A_86, %dma_start3A_91] : memref<125x80xi32, #tpu.memory_space<vmem>> -> memref<1x80xi32, #tpu.memory_space<vmem>>
      %dma_start3A_93 = tpu.memref_squeeze %dma_start3A_92 : memref<1x80xi32, #tpu.memory_space<vmem>> -> memref<80xi32, #tpu.memory_space<vmem>>
      %dma_start3A_94 = arith.constant 0 : i32
      %dma_start3A_95 = arith.constant 0 : i32
      %dma_start3A_96 = tpu.memref_slice %arg11[%dma_start3A_94, %dma_start3A_95] : memref<10000x16xf32, #tpu.memory_space<vmem_shared>> -> memref<10000x16xf32, #tpu.memory_space<vmem_shared>>
      %dma_start3A_97 = tpu.memref_slice %arg12[%dma_start3A_87] : memref<5x!tpu.dma_semaphore, #tpu.memory_space<semaphore_mem>> -> memref<1x!tpu.dma_semaphore, #tpu.memory_space<semaphore_mem>>
      %dma_start3A_98 = tpu.memref_squeeze %dma_start3A_97 : memref<1x!tpu.dma_semaphore, #tpu.memory_space<semaphore_mem>> -> memref<!tpu.dma_semaphore, #tpu.memory_space<semaphore_mem>>
      tpu.enqueue_indirect_dma source(%dma_start3A_96 : memref<10000x16xf32, #tpu.memory_space<vmem_shared>>) target(%dma_start3A_90 : memref<80x16xf32, #tpu.memory_space<vmem>>) offsets(%dma_start3A_93 : memref<80xi32, #tpu.memory_space<vmem>>) semaphore(%dma_start3A_98 : memref<!tpu.dma_semaphore, #tpu.memory_space<semaphore_mem>>)
      %dma_wait3A = arith.constant 0 : i32
      %dma_wait3A_99 = arith.constant 0 : i32
      %dma_wait3A_100 = arith.constant 0 : i32
      %dma_wait3A_101 = tpu.memref_slice %arg9[%dma_wait3A_99, %dma_wait3A_100] : memref<400x16xf32, #tpu.memory_space<vmem>> -> memref<80x16xf32, #tpu.memory_space<vmem>>
      %dma_wait3A_102 = arith.constant 0 : i32
      %dma_wait3A_103 = tpu.memref_slice %arg7[%add3A_23, %dma_wait3A_102] : memref<125x80xi32, #tpu.memory_space<vmem>> -> memref<1x80xi32, #tpu.memory_space<vmem>>
      %dma_wait3A_104 = tpu.memref_squeeze %dma_wait3A_103 : memref<1x80xi32, #tpu.memory_space<vmem>> -> memref<80xi32, #tpu.memory_space<vmem>>
      %dma_wait3A_105 = arith.constant 0 : i32
      %dma_wait3A_106 = arith.constant 0 : i32
      %dma_wait3A_107 = tpu.memref_slice %arg11[%dma_wait3A_105, %dma_wait3A_106] : memref<10000x16xf32, #tpu.memory_space<vmem_shared>> -> memref<10000x16xf32, #tpu.memory_space<vmem_shared>>
      %dma_wait3A_108 = tpu.memref_slice %arg12[%dma_wait3A] : memref<5x!tpu.dma_semaphore, #tpu.memory_space<semaphore_mem>> -> memref<1x!tpu.dma_semaphore, #tpu.memory_space<semaphore_mem>>
      %dma_wait3A_109 = tpu.memref_squeeze %dma_wait3A_108 : memref<1x!tpu.dma_semaphore, #tpu.memory_space<semaphore_mem>> -> memref<!tpu.dma_semaphore, #tpu.memory_space<semaphore_mem>>
      tpu.wait_indirect_dma semaphore(%dma_wait3A_109 : memref<!tpu.dma_semaphore, #tpu.memory_space<semaphore_mem>>) src(%dma_wait3A_107 : memref<10000x16xf32, #tpu.memory_space<vmem_shared>>) dst(%dma_wait3A_101 : memref<80x16xf32, #tpu.memory_space<vmem>>)
      %mul3A_110 = arith.constant 5 : i32
      %mul3A_111 = arith.muli %scan3A_19, %mul3A_110 : i32
      %add3A_112 = arith.constant 0 : i32
      %add3A_113 = arith.addi %mul3A_111, %add3A_112 : i32
      %dma_start3A_114 = arith.constant 0 : i32
      %dma_start3A_115 = arith.constant 0 : i32
      %dma_start3A_116 = arith.constant 0 : i32
      %dma_start3A_117 = tpu.memref_slice %arg9[%dma_start3A_115, %dma_start3A_116] : memref<400x16xf32, #tpu.memory_space<vmem>> -> memref<80x16xf32, #tpu.memory_space<vmem>>
      %dma_start3A_118 = arith.constant 0 : i32
      %dma_start3A_119 = tpu.memref_slice %arg8[%add3A_113, %dma_start3A_118] : memref<125x80xi32, #tpu.memory_space<vmem>> -> memref<1x80xi32, #tpu.memory_space<vmem>>
      %dma_start3A_120 = tpu.memref_squeeze %dma_start3A_119 : memref<1x80xi32, #tpu.memory_space<vmem>> -> memref<80xi32, #tpu.memory_space<vmem>>
      %dma_start3A_121 = arith.constant 0 : i32
      %dma_start3A_122 = arith.constant 0 : i32
      %dma_start3A_123 = tpu.memref_slice %arg10[%dma_start3A_121, %dma_start3A_122] : memref<10000x16xf32, #tpu.memory_space<vmem_shared>> -> memref<10000x16xf32, #tpu.memory_space<vmem_shared>>
      %dma_start3A_124 = tpu.memref_slice %arg13[%dma_start3A_114] : memref<5x!tpu.dma_semaphore, #tpu.memory_space<semaphore_mem>> -> memref<1x!tpu.dma_semaphore, #tpu.memory_space<semaphore_mem>>
      %dma_start3A_125 = tpu.memref_squeeze %dma_start3A_124 : memref<1x!tpu.dma_semaphore, #tpu.memory_space<semaphore_mem>> -> memref<!tpu.dma_semaphore, #tpu.memory_space<semaphore_mem>>
      tpu.enqueue_indirect_dma source(%dma_start3A_117 : memref<80x16xf32, #tpu.memory_space<vmem>>) target(%dma_start3A_123 : memref<10000x16xf32, #tpu.memory_space<vmem_shared>>) offsets(%dma_start3A_120 : memref<80xi32, #tpu.memory_space<vmem>>) semaphore(%dma_start3A_125 : memref<!tpu.dma_semaphore, #tpu.memory_space<semaphore_mem>>) {add = true}
      %dma_wait3A_126 = arith.constant 1 : i32
      %dma_wait3A_127 = arith.constant 80 : i32
      %dma_wait3A_128 = arith.constant 0 : i32
      %dma_wait3A_129 = tpu.memref_slice %arg9[%dma_wait3A_127, %dma_wait3A_128] : memref<400x16xf32, #tpu.memory_space<vmem>> -> memref<80x16xf32, #tpu.memory_space<vmem>>
      %dma_wait3A_130 = arith.constant 0 : i32
      %dma_wait3A_131 = tpu.memref_slice %arg7[%add3A_38, %dma_wait3A_130] : memref<125x80xi32, #tpu.memory_space<vmem>> -> memref<1x80xi32, #tpu.memory_space<vmem>>
      %dma_wait3A_132 = tpu.memref_squeeze %dma_wait3A_131 : memref<1x80xi32, #tpu.memory_space<vmem>> -> memref<80xi32, #tpu.memory_space<vmem>>
      %dma_wait3A_133 = arith.constant 0 : i32
      %dma_wait3A_134 = arith.constant 0 : i32
      %dma_wait3A_135 = tpu.memref_slice %arg11[%dma_wait3A_133, %dma_wait3A_134] : memref<10000x16xf32, #tpu.memory_space<vmem_shared>> -> memref<10000x16xf32, #tpu.memory_space<vmem_shared>>
      %dma_wait3A_136 = tpu.memref_slice %arg12[%dma_wait3A_126] : memref<5x!tpu.dma_semaphore, #tpu.memory_space<semaphore_mem>> -> memref<1x!tpu.dma_semaphore, #tpu.memory_space<semaphore_mem>>
      %dma_wait3A_137 = tpu.memref_squeeze %dma_wait3A_136 : memref<1x!tpu.dma_semaphore, #tpu.memory_space<semaphore_mem>> -> memref<!tpu.dma_semaphore, #tpu.memory_space<semaphore_mem>>
      tpu.wait_indirect_dma semaphore(%dma_wait3A_137 : memref<!tpu.dma_semaphore, #tpu.memory_space<semaphore_mem>>) src(%dma_wait3A_135 : memref<10000x16xf32, #tpu.memory_space<vmem_shared>>) dst(%dma_wait3A_129 : memref<80x16xf32, #tpu.memory_space<vmem>>)
      %mul3A_138 = arith.constant 5 : i32
      %mul3A_139 = arith.muli %scan3A_19, %mul3A_138 : i32
      %add3A_140 = arith.constant 1 : i32
      %add3A_141 = arith.addi %mul3A_139, %add3A_140 : i32
      %dma_start3A_142 = arith.constant 1 : i32
      %dma_start3A_143 = arith.constant 80 : i32
      %dma_start3A_144 = arith.constant 0 : i32
      %dma_start3A_145 = tpu.memref_slice %arg9[%dma_start3A_143, %dma_start3A_144] : memref<400x16xf32, #tpu.memory_space<vmem>> -> memref<80x16xf32, #tpu.memory_space<vmem>>
      %dma_start3A_146 = arith.constant 0 : i32
      %dma_start3A_147 = tpu.memref_slice %arg8[%add3A_141, %dma_start3A_146] : memref<125x80xi32, #tpu.memory_space<vmem>> -> memref<1x80xi32, #tpu.memory_space<vmem>>
      %dma_start3A_148 = tpu.memref_squeeze %dma_start3A_147 : memref<1x80xi32, #tpu.memory_space<vmem>> -> memref<80xi32, #tpu.memory_space<vmem>>
      %dma_start3A_149 = arith.constant 0 : i32
      %dma_start3A_150 = arith.constant 0 : i32
      %dma_start3A_151 = tpu.memref_slice %arg10[%dma_start3A_149, %dma_start3A_150] : memref<10000x16xf32, #tpu.memory_space<vmem_shared>> -> memref<10000x16xf32, #tpu.memory_space<vmem_shared>>
      %dma_start3A_152 = tpu.memref_slice %arg13[%dma_start3A_142] : memref<5x!tpu.dma_semaphore, #tpu.memory_space<semaphore_mem>> -> memref<1x!tpu.dma_semaphore, #tpu.memory_space<semaphore_mem>>
      %dma_start3A_153 = tpu.memref_squeeze %dma_start3A_152 : memref<1x!tpu.dma_semaphore, #tpu.memory_space<semaphore_mem>> -> memref<!tpu.dma_semaphore, #tpu.memory_space<semaphore_mem>>
      tpu.enqueue_indirect_dma source(%dma_start3A_145 : memref<80x16xf32, #tpu.memory_space<vmem>>) target(%dma_start3A_151 : memref<10000x16xf32, #tpu.memory_space<vmem_shared>>) offsets(%dma_start3A_148 : memref<80xi32, #tpu.memory_space<vmem>>) semaphore(%dma_start3A_153 : memref<!tpu.dma_semaphore, #tpu.memory_space<semaphore_mem>>) {add = true}
      %dma_wait3A_154 = arith.constant 2 : i32
      %dma_wait3A_155 = arith.constant 160 : i32
      %dma_wait3A_156 = arith.constant 0 : i32
      %dma_wait3A_157 = tpu.memref_slice %arg9[%dma_wait3A_155, %dma_wait3A_156] : memref<400x16xf32, #tpu.memory_space<vmem>> -> memref<80x16xf32, #tpu.memory_space<vmem>>
      %dma_wait3A_158 = arith.constant 0 : i32
      %dma_wait3A_159 = tpu.memref_slice %arg7[%add3A_54, %dma_wait3A_158] : memref<125x80xi32, #tpu.memory_space<vmem>> -> memref<1x80xi32, #tpu.memory_space<vmem>>
      %dma_wait3A_160 = tpu.memref_squeeze %dma_wait3A_159 : memref<1x80xi32, #tpu.memory_space<vmem>> -> memref<80xi32, #tpu.memory_space<vmem>>
      %dma_wait3A_161 = arith.constant 0 : i32
      %dma_wait3A_162 = arith.constant 0 : i32
      %dma_wait3A_163 = tpu.memref_slice %arg11[%dma_wait3A_161, %dma_wait3A_162] : memref<10000x16xf32, #tpu.memory_space<vmem_shared>> -> memref<10000x16xf32, #tpu.memory_space<vmem_shared>>
      %dma_wait3A_164 = tpu.memref_slice %arg12[%dma_wait3A_154] : memref<5x!tpu.dma_semaphore, #tpu.memory_space<semaphore_mem>> -> memref<1x!tpu.dma_semaphore, #tpu.memory_space<semaphore_mem>>
      %dma_wait3A_165 = tpu.memref_squeeze %dma_wait3A_164 : memref<1x!tpu.dma_semaphore, #tpu.memory_space<semaphore_mem>> -> memref<!tpu.dma_semaphore, #tpu.memory_space<semaphore_mem>>
      tpu.wait_indirect_dma semaphore(%dma_wait3A_165 : memref<!tpu.dma_semaphore, #tpu.memory_space<semaphore_mem>>) src(%dma_wait3A_163 : memref<10000x16xf32, #tpu.memory_space<vmem_shared>>) dst(%dma_wait3A_157 : memref<80x16xf32, #tpu.memory_space<vmem>>)
      %mul3A_166 = arith.constant 5 : i32
      %mul3A_167 = arith.muli %scan3A_19, %mul3A_166 : i32
      %add3A_168 = arith.constant 2 : i32
      %add3A_169 = arith.addi %mul3A_167, %add3A_168 : i32
      %dma_start3A_170 = arith.constant 2 : i32
      %dma_start3A_171 = arith.constant 160 : i32
      %dma_start3A_172 = arith.constant 0 : i32
      %dma_start3A_173 = tpu.memref_slice %arg9[%dma_start3A_171, %dma_start3A_172] : memref<400x16xf32, #tpu.memory_space<vmem>> -> memref<80x16xf32, #tpu.memory_space<vmem>>
      %dma_start3A_174 = arith.constant 0 : i32
      %dma_start3A_175 = tpu.memref_slice %arg8[%add3A_169, %dma_start3A_174] : memref<125x80xi32, #tpu.memory_space<vmem>> -> memref<1x80xi32, #tpu.memory_space<vmem>>
      %dma_start3A_176 = tpu.memref_squeeze %dma_start3A_175 : memref<1x80xi32, #tpu.memory_space<vmem>> -> memref<80xi32, #tpu.memory_space<vmem>>
      %dma_start3A_177 = arith.constant 0 : i32
      %dma_start3A_178 = arith.constant 0 : i32
      %dma_start3A_179 = tpu.memref_slice %arg10[%dma_start3A_177, %dma_start3A_178] : memref<10000x16xf32, #tpu.memory_space<vmem_shared>> -> memref<10000x16xf32, #tpu.memory_space<vmem_shared>>
      %dma_start3A_180 = tpu.memref_slice %arg13[%dma_start3A_170] : memref<5x!tpu.dma_semaphore, #tpu.memory_space<semaphore_mem>> -> memref<1x!tpu.dma_semaphore, #tpu.memory_space<semaphore_mem>>
      %dma_start3A_181 = tpu.memref_squeeze %dma_start3A_180 : memref<1x!tpu.dma_semaphore, #tpu.memory_space<semaphore_mem>> -> memref<!tpu.dma_semaphore, #tpu.memory_space<semaphore_mem>>
      tpu.enqueue_indirect_dma source(%dma_start3A_173 : memref<80x16xf32, #tpu.memory_space<vmem>>) target(%dma_start3A_179 : memref<10000x16xf32, #tpu.memory_space<vmem_shared>>) offsets(%dma_start3A_176 : memref<80xi32, #tpu.memory_space<vmem>>) semaphore(%dma_start3A_181 : memref<!tpu.dma_semaphore, #tpu.memory_space<semaphore_mem>>) {add = true}
      %dma_wait3A_182 = arith.constant 3 : i32
      %dma_wait3A_183 = arith.constant 240 : i32
      %dma_wait3A_184 = arith.constant 0 : i32
      %dma_wait3A_185 = tpu.memref_slice %arg9[%dma_wait3A_183, %dma_wait3A_184] : memref<400x16xf32, #tpu.memory_space<vmem>> -> memref<80x16xf32, #tpu.memory_space<vmem>>
      %dma_wait3A_186 = arith.constant 0 : i32
      %dma_wait3A_187 = tpu.memref_slice %arg7[%add3A_70, %dma_wait3A_186] : memref<125x80xi32, #tpu.memory_space<vmem>> -> memref<1x80xi32, #tpu.memory_space<vmem>>
      %dma_wait3A_188 = tpu.memref_squeeze %dma_wait3A_187 : memref<1x80xi32, #tpu.memory_space<vmem>> -> memref<80xi32, #tpu.memory_space<vmem>>
      %dma_wait3A_189 = arith.constant 0 : i32
      %dma_wait3A_190 = arith.constant 0 : i32
      %dma_wait3A_191 = tpu.memref_slice %arg11[%dma_wait3A_189, %dma_wait3A_190] : memref<10000x16xf32, #tpu.memory_space<vmem_shared>> -> memref<10000x16xf32, #tpu.memory_space<vmem_shared>>
      %dma_wait3A_192 = tpu.memref_slice %arg12[%dma_wait3A_182] : memref<5x!tpu.dma_semaphore, #tpu.memory_space<semaphore_mem>> -> memref<1x!tpu.dma_semaphore, #tpu.memory_space<semaphore_mem>>
      %dma_wait3A_193 = tpu.memref_squeeze %dma_wait3A_192 : memref<1x!tpu.dma_semaphore, #tpu.memory_space<semaphore_mem>> -> memref<!tpu.dma_semaphore, #tpu.memory_space<semaphore_mem>>
      tpu.wait_indirect_dma semaphore(%dma_wait3A_193 : memref<!tpu.dma_semaphore, #tpu.memory_space<semaphore_mem>>) src(%dma_wait3A_191 : memref<10000x16xf32, #tpu.memory_space<vmem_shared>>) dst(%dma_wait3A_185 : memref<80x16xf32, #tpu.memory_space<vmem>>)
      %mul3A_194 = arith.constant 5 : i32
      %mul3A_195 = arith.muli %scan3A_19, %mul3A_194 : i32
      %add3A_196 = arith.constant 3 : i32
      %add3A_197 = arith.addi %mul3A_195, %add3A_196 : i32
      %dma_start3A_198 = arith.constant 3 : i32
      %dma_start3A_199 = arith.constant 240 : i32
      %dma_start3A_200 = arith.constant 0 : i32
      %dma_start3A_201 = tpu.memref_slice %arg9[%dma_start3A_199, %dma_start3A_200] : memref<400x16xf32, #tpu.memory_space<vmem>> -> memref<80x16xf32, #tpu.memory_space<vmem>>
      %dma_start3A_202 = arith.constant 0 : i32
      %dma_start3A_203 = tpu.memref_slice %arg8[%add3A_197, %dma_start3A_202] : memref<125x80xi32, #tpu.memory_space<vmem>> -> memref<1x80xi32, #tpu.memory_space<vmem>>
      %dma_start3A_204 = tpu.memref_squeeze %dma_start3A_203 : memref<1x80xi32, #tpu.memory_space<vmem>> -> memref<80xi32, #tpu.memory_space<vmem>>
      %dma_start3A_205 = arith.constant 0 : i32
      %dma_start3A_206 = arith.constant 0 : i32
      %dma_start3A_207 = tpu.memref_slice %arg10[%dma_start3A_205, %dma_start3A_206] : memref<10000x16xf32, #tpu.memory_space<vmem_shared>> -> memref<10000x16xf32, #tpu.memory_space<vmem_shared>>
      %dma_start3A_208 = tpu.memref_slice %arg13[%dma_start3A_198] : memref<5x!tpu.dma_semaphore, #tpu.memory_space<semaphore_mem>> -> memref<1x!tpu.dma_semaphore, #tpu.memory_space<semaphore_mem>>
      %dma_start3A_209 = tpu.memref_squeeze %dma_start3A_208 : memref<1x!tpu.dma_semaphore, #tpu.memory_space<semaphore_mem>> -> memref<!tpu.dma_semaphore, #tpu.memory_space<semaphore_mem>>
      tpu.enqueue_indirect_dma source(%dma_start3A_201 : memref<80x16xf32, #tpu.memory_space<vmem>>) target(%dma_start3A_207 : memref<10000x16xf32, #tpu.memory_space<vmem_shared>>) offsets(%dma_start3A_204 : memref<80xi32, #tpu.memory_space<vmem>>) semaphore(%dma_start3A_209 : memref<!tpu.dma_semaphore, #tpu.memory_space<semaphore_mem>>) {add = true}
      %dma_wait3A_210 = arith.constant 4 : i32
      %dma_wait3A_211 = arith.constant 320 : i32
      %dma_wait3A_212 = arith.constant 0 : i32
      %dma_wait3A_213 = tpu.memref_slice %arg9[%dma_wait3A_211, %dma_wait3A_212] : memref<400x16xf32, #tpu.memory_space<vmem>> -> memref<80x16xf32, #tpu.memory_space<vmem>>
      %dma_wait3A_214 = arith.constant 0 : i32
      %dma_wait3A_215 = tpu.memref_slice %arg7[%add3A_86, %dma_wait3A_214] : memref<125x80xi32, #tpu.memory_space<vmem>> -> memref<1x80xi32, #tpu.memory_space<vmem>>
      %dma_wait3A_216 = tpu.memref_squeeze %dma_wait3A_215 : memref<1x80xi32, #tpu.memory_space<vmem>> -> memref<80xi32, #tpu.memory_space<vmem>>
      %dma_wait3A_217 = arith.constant 0 : i32
      %dma_wait3A_218 = arith.constant 0 : i32
      %dma_wait3A_219 = tpu.memref_slice %arg11[%dma_wait3A_217, %dma_wait3A_218] : memref<10000x16xf32, #tpu.memory_space<vmem_shared>> -> memref<10000x16xf32, #tpu.memory_space<vmem_shared>>
      %dma_wait3A_220 = tpu.memref_slice %arg12[%dma_wait3A_210] : memref<5x!tpu.dma_semaphore, #tpu.memory_space<semaphore_mem>> -> memref<1x!tpu.dma_semaphore, #tpu.memory_space<semaphore_mem>>
      %dma_wait3A_221 = tpu.memref_squeeze %dma_wait3A_220 : memref<1x!tpu.dma_semaphore, #tpu.memory_space<semaphore_mem>> -> memref<!tpu.dma_semaphore, #tpu.memory_space<semaphore_mem>>
      tpu.wait_indirect_dma semaphore(%dma_wait3A_221 : memref<!tpu.dma_semaphore, #tpu.memory_space<semaphore_mem>>) src(%dma_wait3A_219 : memref<10000x16xf32, #tpu.memory_space<vmem_shared>>) dst(%dma_wait3A_213 : memref<80x16xf32, #tpu.memory_space<vmem>>)
      %mul3A_222 = arith.constant 5 : i32
      %mul3A_223 = arith.muli %scan3A_19, %mul3A_222 : i32
      %add3A_224 = arith.constant 4 : i32
      %add3A_225 = arith.addi %mul3A_223, %add3A_224 : i32
      %dma_start3A_226 = arith.constant 4 : i32
      %dma_start3A_227 = arith.constant 320 : i32
      %dma_start3A_228 = arith.constant 0 : i32
      %dma_start3A_229 = tpu.memref_slice %arg9[%dma_start3A_227, %dma_start3A_228] : memref<400x16xf32, #tpu.memory_space<vmem>> -> memref<80x16xf32, #tpu.memory_space<vmem>>
      %dma_start3A_230 = arith.constant 0 : i32
      %dma_start3A_231 = tpu.memref_slice %arg8[%add3A_225, %dma_start3A_230] : memref<125x80xi32, #tpu.memory_space<vmem>> -> memref<1x80xi32, #tpu.memory_space<vmem>>
      %dma_start3A_232 = tpu.memref_squeeze %dma_start3A_231 : memref<1x80xi32, #tpu.memory_space<vmem>> -> memref<80xi32, #tpu.memory_space<vmem>>
      %dma_start3A_233 = arith.constant 0 : i32
      %dma_start3A_234 = arith.constant 0 : i32
      %dma_start3A_235 = tpu.memref_slice %arg10[%dma_start3A_233, %dma_start3A_234] : memref<10000x16xf32, #tpu.memory_space<vmem_shared>> -> memref<10000x16xf32, #tpu.memory_space<vmem_shared>>
      %dma_start3A_236 = tpu.memref_slice %arg13[%dma_start3A_226] : memref<5x!tpu.dma_semaphore, #tpu.memory_space<semaphore_mem>> -> memref<1x!tpu.dma_semaphore, #tpu.memory_space<semaphore_mem>>
      %dma_start3A_237 = tpu.memref_squeeze %dma_start3A_236 : memref<1x!tpu.dma_semaphore, #tpu.memory_space<semaphore_mem>> -> memref<!tpu.dma_semaphore, #tpu.memory_space<semaphore_mem>>
      tpu.enqueue_indirect_dma source(%dma_start3A_229 : memref<80x16xf32, #tpu.memory_space<vmem>>) target(%dma_start3A_235 : memref<10000x16xf32, #tpu.memory_space<vmem_shared>>) offsets(%dma_start3A_232 : memref<80xi32, #tpu.memory_space<vmem>>) semaphore(%dma_start3A_237 : memref<!tpu.dma_semaphore, #tpu.memory_space<semaphore_mem>>) {add = true}
      %dma_wait3A_238 = arith.constant 0 : i32
      %dma_wait3A_239 = arith.constant 0 : i32
      %dma_wait3A_240 = arith.constant 0 : i32
      %dma_wait3A_241 = tpu.memref_slice %arg9[%dma_wait3A_239, %dma_wait3A_240] : memref<400x16xf32, #tpu.memory_space<vmem>> -> memref<80x16xf32, #tpu.memory_space<vmem>>
      %dma_wait3A_242 = arith.constant 0 : i32
      %dma_wait3A_243 = tpu.memref_slice %arg8[%add3A_113, %dma_wait3A_242] : memref<125x80xi32, #tpu.memory_space<vmem>> -> memref<1x80xi32, #tpu.memory_space<vmem>>
      %dma_wait3A_244 = tpu.memref_squeeze %dma_wait3A_243 : memref<1x80xi32, #tpu.memory_space<vmem>> -> memref<80xi32, #tpu.memory_space<vmem>>
      %dma_wait3A_245 = arith.constant 0 : i32
      %dma_wait3A_246 = arith.constant 0 : i32
      %dma_wait3A_247 = tpu.memref_slice %arg10[%dma_wait3A_245, %dma_wait3A_246] : memref<10000x16xf32, #tpu.memory_space<vmem_shared>> -> memref<10000x16xf32, #tpu.memory_space<vmem_shared>>
      %dma_wait3A_248 = tpu.memref_slice %arg13[%dma_wait3A_238] : memref<5x!tpu.dma_semaphore, #tpu.memory_space<semaphore_mem>> -> memref<1x!tpu.dma_semaphore, #tpu.memory_space<semaphore_mem>>
      %dma_wait3A_249 = tpu.memref_squeeze %dma_wait3A_248 : memref<1x!tpu.dma_semaphore, #tpu.memory_space<semaphore_mem>> -> memref<!tpu.dma_semaphore, #tpu.memory_space<semaphore_mem>>
      tpu.wait_indirect_dma semaphore(%dma_wait3A_249 : memref<!tpu.dma_semaphore, #tpu.memory_space<semaphore_mem>>) src(%dma_wait3A_241 : memref<80x16xf32, #tpu.memory_space<vmem>>) dst(%dma_wait3A_247 : memref<10000x16xf32, #tpu.memory_space<vmem_shared>>)
      %dma_wait3A_250 = arith.constant 1 : i32
      %dma_wait3A_251 = arith.constant 80 : i32
      %dma_wait3A_252 = arith.constant 0 : i32
      %dma_wait3A_253 = tpu.memref_slice %arg9[%dma_wait3A_251, %dma_wait3A_252] : memref<400x16xf32, #tpu.memory_space<vmem>> -> memref<80x16xf32, #tpu.memory_space<vmem>>
      %dma_wait3A_254 = arith.constant 0 : i32
      %dma_wait3A_255 = tpu.memref_slice %arg8[%add3A_141, %dma_wait3A_254] : memref<125x80xi32, #tpu.memory_space<vmem>> -> memref<1x80xi32, #tpu.memory_space<vmem>>
      %dma_wait3A_256 = tpu.memref_squeeze %dma_wait3A_255 : memref<1x80xi32, #tpu.memory_space<vmem>> -> memref<80xi32, #tpu.memory_space<vmem>>
      %dma_wait3A_257 = arith.constant 0 : i32
      %dma_wait3A_258 = arith.constant 0 : i32
      %dma_wait3A_259 = tpu.memref_slice %arg10[%dma_wait3A_257, %dma_wait3A_258] : memref<10000x16xf32, #tpu.memory_space<vmem_shared>> -> memref<10000x16xf32, #tpu.memory_space<vmem_shared>>
      %dma_wait3A_260 = tpu.memref_slice %arg13[%dma_wait3A_250] : memref<5x!tpu.dma_semaphore, #tpu.memory_space<semaphore_mem>> -> memref<1x!tpu.dma_semaphore, #tpu.memory_space<semaphore_mem>>
      %dma_wait3A_261 = tpu.memref_squeeze %dma_wait3A_260 : memref<1x!tpu.dma_semaphore, #tpu.memory_space<semaphore_mem>> -> memref<!tpu.dma_semaphore, #tpu.memory_space<semaphore_mem>>
      tpu.wait_indirect_dma semaphore(%dma_wait3A_261 : memref<!tpu.dma_semaphore, #tpu.memory_space<semaphore_mem>>) src(%dma_wait3A_253 : memref<80x16xf32, #tpu.memory_space<vmem>>) dst(%dma_wait3A_259 : memref<10000x16xf32, #tpu.memory_space<vmem_shared>>)
      %dma_wait3A_262 = arith.constant 2 : i32
      %dma_wait3A_263 = arith.constant 160 : i32
      %dma_wait3A_264 = arith.constant 0 : i32
      %dma_wait3A_265 = tpu.memref_slice %arg9[%dma_wait3A_263, %dma_wait3A_264] : memref<400x16xf32, #tpu.memory_space<vmem>> -> memref<80x16xf32, #tpu.memory_space<vmem>>
      %dma_wait3A_266 = arith.constant 0 : i32
      %dma_wait3A_267 = tpu.memref_slice %arg8[%add3A_169, %dma_wait3A_266] : memref<125x80xi32, #tpu.memory_space<vmem>> -> memref<1x80xi32, #tpu.memory_space<vmem>>
      %dma_wait3A_268 = tpu.memref_squeeze %dma_wait3A_267 : memref<1x80xi32, #tpu.memory_space<vmem>> -> memref<80xi32, #tpu.memory_space<vmem>>
      %dma_wait3A_269 = arith.constant 0 : i32
      %dma_wait3A_270 = arith.constant 0 : i32
      %dma_wait3A_271 = tpu.memref_slice %arg10[%dma_wait3A_269, %dma_wait3A_270] : memref<10000x16xf32, #tpu.memory_space<vmem_shared>> -> memref<10000x16xf32, #tpu.memory_space<vmem_shared>>
      %dma_wait3A_272 = tpu.memref_slice %arg13[%dma_wait3A_262] : memref<5x!tpu.dma_semaphore, #tpu.memory_space<semaphore_mem>> -> memref<1x!tpu.dma_semaphore, #tpu.memory_space<semaphore_mem>>
      %dma_wait3A_273 = tpu.memref_squeeze %dma_wait3A_272 : memref<1x!tpu.dma_semaphore, #tpu.memory_space<semaphore_mem>> -> memref<!tpu.dma_semaphore, #tpu.memory_space<semaphore_mem>>
      tpu.wait_indirect_dma semaphore(%dma_wait3A_273 : memref<!tpu.dma_semaphore, #tpu.memory_space<semaphore_mem>>) src(%dma_wait3A_265 : memref<80x16xf32, #tpu.memory_space<vmem>>) dst(%dma_wait3A_271 : memref<10000x16xf32, #tpu.memory_space<vmem_shared>>)
      %dma_wait3A_274 = arith.constant 3 : i32
      %dma_wait3A_275 = arith.constant 240 : i32
      %dma_wait3A_276 = arith.constant 0 : i32
      %dma_wait3A_277 = tpu.memref_slice %arg9[%dma_wait3A_275, %dma_wait3A_276] : memref<400x16xf32, #tpu.memory_space<vmem>> -> memref<80x16xf32, #tpu.memory_space<vmem>>
      %dma_wait3A_278 = arith.constant 0 : i32
      %dma_wait3A_279 = tpu.memref_slice %arg8[%add3A_197, %dma_wait3A_278] : memref<125x80xi32, #tpu.memory_space<vmem>> -> memref<1x80xi32, #tpu.memory_space<vmem>>
      %dma_wait3A_280 = tpu.memref_squeeze %dma_wait3A_279 : memref<1x80xi32, #tpu.memory_space<vmem>> -> memref<80xi32, #tpu.memory_space<vmem>>
      %dma_wait3A_281 = arith.constant 0 : i32
      %dma_wait3A_282 = arith.constant 0 : i32
      %dma_wait3A_283 = tpu.memref_slice %arg10[%dma_wait3A_281, %dma_wait3A_282] : memref<10000x16xf32, #tpu.memory_space<vmem_shared>> -> memref<10000x16xf32, #tpu.memory_space<vmem_shared>>
      %dma_wait3A_284 = tpu.memref_slice %arg13[%dma_wait3A_274] : memref<5x!tpu.dma_semaphore, #tpu.memory_space<semaphore_mem>> -> memref<1x!tpu.dma_semaphore, #tpu.memory_space<semaphore_mem>>
      %dma_wait3A_285 = tpu.memref_squeeze %dma_wait3A_284 : memref<1x!tpu.dma_semaphore, #tpu.memory_space<semaphore_mem>> -> memref<!tpu.dma_semaphore, #tpu.memory_space<semaphore_mem>>
      tpu.wait_indirect_dma semaphore(%dma_wait3A_285 : memref<!tpu.dma_semaphore, #tpu.memory_space<semaphore_mem>>) src(%dma_wait3A_277 : memref<80x16xf32, #tpu.memory_space<vmem>>) dst(%dma_wait3A_283 : memref<10000x16xf32, #tpu.memory_space<vmem_shared>>)
      %dma_wait3A_286 = arith.constant 4 : i32
      %dma_wait3A_287 = arith.constant 320 : i32
      %dma_wait3A_288 = arith.constant 0 : i32
      %dma_wait3A_289 = tpu.memref_slice %arg9[%dma_wait3A_287, %dma_wait3A_288] : memref<400x16xf32, #tpu.memory_space<vmem>> -> memref<80x16xf32, #tpu.memory_space<vmem>>
      %dma_wait3A_290 = arith.constant 0 : i32
      %dma_wait3A_291 = tpu.memref_slice %arg8[%add3A_225, %dma_wait3A_290] : memref<125x80xi32, #tpu.memory_space<vmem>> -> memref<1x80xi32, #tpu.memory_space<vmem>>
      %dma_wait3A_292 = tpu.memref_squeeze %dma_wait3A_291 : memref<1x80xi32, #tpu.memory_space<vmem>> -> memref<80xi32, #tpu.memory_space<vmem>>
      %dma_wait3A_293 = arith.constant 0 : i32
      %dma_wait3A_294 = arith.constant 0 : i32
      %dma_wait3A_295 = tpu.memref_slice %arg10[%dma_wait3A_293, %dma_wait3A_294] : memref<10000x16xf32, #tpu.memory_space<vmem_shared>> -> memref<10000x16xf32, #tpu.memory_space<vmem_shared>>
      %dma_wait3A_296 = tpu.memref_slice %arg13[%dma_wait3A_286] : memref<5x!tpu.dma_semaphore, #tpu.memory_space<semaphore_mem>> -> memref<1x!tpu.dma_semaphore, #tpu.memory_space<semaphore_mem>>
      %dma_wait3A_297 = tpu.memref_squeeze %dma_wait3A_296 : memref<1x!tpu.dma_semaphore, #tpu.memory_space<semaphore_mem>> -> memref<!tpu.dma_semaphore, #tpu.memory_space<semaphore_mem>>
      tpu.wait_indirect_dma semaphore(%dma_wait3A_297 : memref<!tpu.dma_semaphore, #tpu.memory_space<semaphore_mem>>) src(%dma_wait3A_289 : memref<80x16xf32, #tpu.memory_space<vmem>>) dst(%dma_wait3A_295 : memref<10000x16xf32, #tpu.memory_space<vmem_shared>>)
    }
    %scan3A_13 = arith.constant 25 : i32
    %barrier3A_14 = arith.constant 0 : index
    tpu.barrier barrier_id(%barrier3A_14)
    %mul3A_15 = arith.constant 625 : i32
    %mul3A_16 = arith.muli %arg1, %mul3A_15 : i32
    %mul3A_17 = arith.constant 625 : i32
    %mul3A_18 = arith.muli %arg1, %mul3A_17 : i32
    "tpu.region"() ({
      %run_scoped3A = tpu.sem_alloc : memref<!tpu.dma_semaphore, #tpu.memory_space<semaphore_mem>>
      %dma_start3A = arith.constant 0 : i32
      %dma_start3A_19 = arith.constant 0 : i32
      %dma_start3A_20 = tpu.memref_slice %arg6[%arg0, %dma_start3A, %dma_start3A_19] : memref<2x10000x16xf32, #tpu.memory_space<hbm>> -> memref<1x10000x16xf32, #tpu.memory_space<hbm>>
      %dma_start3A_21 = tpu.memref_squeeze %dma_start3A_20 : memref<1x10000x16xf32, #tpu.memory_space<hbm>> -> memref<10000x16xf32, #tpu.memory_space<hbm>>
      %dma_start3A_22 = arith.constant 0 : i32
      %dma_start3A_23 = tpu.memref_slice %dma_start3A_21[%mul3A_18, %dma_start3A_22] : memref<10000x16xf32, #tpu.memory_space<hbm>> -> memref<625x16xf32, #tpu.memory_space<hbm>>
      %dma_start3A_24 = arith.constant 0 : i32
      %dma_start3A_25 = tpu.memref_slice %arg10[%mul3A_16, %dma_start3A_24] : memref<10000x16xf32, #tpu.memory_space<vmem_shared>> -> memref<625x16xf32, #tpu.memory_space<vmem_shared>>
      tpu.enqueue_dma source(%dma_start3A_25 : memref<625x16xf32, #tpu.memory_space<vmem_shared>>) target(%dma_start3A_23 : memref<625x16xf32, #tpu.memory_space<hbm>>) target_semaphore(%run_scoped3A : memref<!tpu.dma_semaphore, #tpu.memory_space<semaphore_mem>>)
      %dma_wait3A = arith.constant 0 : i32
      %dma_wait3A_26 = arith.constant 0 : i32
      %dma_wait3A_27 = tpu.memref_slice %arg6[%arg0, %dma_wait3A, %dma_wait3A_26] : memref<2x10000x16xf32, #tpu.memory_space<hbm>> -> memref<1x10000x16xf32, #tpu.memory_space<hbm>>
      %dma_wait3A_28 = tpu.memref_squeeze %dma_wait3A_27 : memref<1x10000x16xf32, #tpu.memory_space<hbm>> -> memref<10000x16xf32, #tpu.memory_space<hbm>>
      %dma_wait3A_29 = arith.constant 0 : i32
      %dma_wait3A_30 = tpu.memref_slice %dma_wait3A_28[%mul3A_18, %dma_wait3A_29] : memref<10000x16xf32, #tpu.memory_space<hbm>> -> memref<625x16xf32, #tpu.memory_space<hbm>>
      %dma_wait3A_31 = arith.constant 0 : i32
      %dma_wait3A_32 = tpu.memref_slice %arg10[%mul3A_16, %dma_wait3A_31] : memref<10000x16xf32, #tpu.memory_space<vmem_shared>> -> memref<625x16xf32, #tpu.memory_space<vmem_shared>>
      tpu.wait_dma2 semaphore(%run_scoped3A : memref<!tpu.dma_semaphore, #tpu.memory_space<semaphore_mem>>) src(%dma_wait3A_32 : memref<625x16xf32, #tpu.memory_space<vmem_shared>>) dst(%dma_wait3A_30 : memref<625x16xf32, #tpu.memory_space<hbm>>)
      tpu.yield
    }) : () -> ()
    return
  }
}

#map = affine_map<(d0, d1) -> (0, 0)>
#map1 = affine_map<(d0, d1) -> (0, 0, 0)>
module attributes {stable_mosaic.version = 14 : i64} {
  func.func @k(%arg0: i32, %arg1: i32, %arg2: memref<10000x16xf32, #tpu.memory_space<hbm>>, %arg3: memref<32x125x80xi32, #tpu.memory_space<hbm>>, %arg4: memref<32x125x80xi32, #tpu.memory_space<hbm>>, %arg5: memref<320000x32xf32, #tpu.memory_space<hbm>>, %arg6: memref<125x80xi32, #tpu.memory_space<vmem>>, %arg7: memref<125x80xi32, #tpu.memory_space<vmem>>, %arg8: memref<400x16xf32, #tpu.memory_space<vmem>>, %arg9: memref<400x16xf32, #tpu.memory_space<vmem>>, %arg10: memref<10000x16xf32, #tpu.memory_space<vmem_shared>>, %arg11: memref<5x!tpu.dma_semaphore, #tpu.memory_space<semaphore_mem>>, %arg12: memref<5x!tpu.dma_semaphore, #tpu.memory_space<semaphore_mem>>, %arg13: memref<5x!tpu.dma_semaphore, #tpu.memory_space<semaphore_mem>>, %arg14: memref<5x!tpu.dma_semaphore, #tpu.memory_space<semaphore_mem>>) attributes {dimension_semantics = [#tpu.dimension_semantics<core_parallel>, #tpu.dimension_semantics<subcore_parallel>], iteration_bounds = array<i64: 2, 16>, scalar_prefetch = 0 : i64, scratch_operands = 9 : i64, tpu.core_type = #tpu.core_type<sc_vector_subcore>, window_params = [{transform_indices = #map}, {transform_indices = #map1}, {transform_indices = #map1}, {transform_indices = #map}]} {
    %mul3A = arith.constant 16 : i32
    %mul3A_0 = arith.muli %arg0, %mul3A : i32
    %add3A = arith.addi %mul3A_0, %arg1 : i32
    %mul3A_1 = arith.constant 625 : i32
    %mul3A_2 = arith.muli %arg1, %mul3A_1 : i32
    %mul3A_3 = arith.constant 625 : i32
    %mul3A_4 = arith.muli %arg1, %mul3A_3 : i32
    "tpu.region"() ({
      %run_scoped3A = tpu.sem_alloc : memref<!tpu.dma_semaphore, #tpu.memory_space<semaphore_mem>>
      %dma_start3A = arith.constant 0 : i32
      %dma_start3A_10 = tpu.memref_slice %arg10[%mul3A_4, %dma_start3A] : memref<10000x16xf32, #tpu.memory_space<vmem_shared>> -> memref<625x16xf32, #tpu.memory_space<vmem_shared>>
      %dma_start3A_11 = arith.constant 0 : i32
      %dma_start3A_12 = tpu.memref_slice %arg2[%mul3A_2, %dma_start3A_11] : memref<10000x16xf32, #tpu.memory_space<hbm>> -> memref<625x16xf32, #tpu.memory_space<hbm>>
      tpu.enqueue_dma source(%dma_start3A_12 : memref<625x16xf32, #tpu.memory_space<hbm>>) target(%dma_start3A_10 : memref<625x16xf32, #tpu.memory_space<vmem_shared>>) target_semaphore(%run_scoped3A : memref<!tpu.dma_semaphore, #tpu.memory_space<semaphore_mem>>)
      %dma_wait3A = arith.constant 0 : i32
      %dma_wait3A_13 = tpu.memref_slice %arg10[%mul3A_4, %dma_wait3A] : memref<10000x16xf32, #tpu.memory_space<vmem_shared>> -> memref<625x16xf32, #tpu.memory_space<vmem_shared>>
      %dma_wait3A_14 = arith.constant 0 : i32
      %dma_wait3A_15 = tpu.memref_slice %arg2[%mul3A_2, %dma_wait3A_14] : memref<10000x16xf32, #tpu.memory_space<hbm>> -> memref<625x16xf32, #tpu.memory_space<hbm>>
      tpu.wait_dma2 semaphore(%run_scoped3A : memref<!tpu.dma_semaphore, #tpu.memory_space<semaphore_mem>>) src(%dma_wait3A_15 : memref<625x16xf32, #tpu.memory_space<hbm>>) dst(%dma_wait3A_13 : memref<625x16xf32, #tpu.memory_space<vmem_shared>>)
      tpu.yield
    }) : () -> ()
    "tpu.region"() ({
      %run_scoped3A = tpu.sem_alloc : memref<!tpu.dma_semaphore, #tpu.memory_space<semaphore_mem>>
      %dma_start3A = arith.constant 0 : i32
      %dma_start3A_10 = arith.constant 0 : i32
      %dma_start3A_11 = tpu.memref_slice %arg3[%add3A, %dma_start3A, %dma_start3A_10] : memref<32x125x80xi32, #tpu.memory_space<hbm>> -> memref<1x125x80xi32, #tpu.memory_space<hbm>>
      %dma_start3A_12 = tpu.memref_squeeze %dma_start3A_11 : memref<1x125x80xi32, #tpu.memory_space<hbm>> -> memref<125x80xi32, #tpu.memory_space<hbm>>
      %dma_start3A_13 = arith.constant 0 : i32
      %dma_start3A_14 = arith.constant 0 : i32
      %dma_start3A_15 = tpu.memref_slice %arg3[%add3A, %dma_start3A_13, %dma_start3A_14] : memref<32x125x80xi32, #tpu.memory_space<hbm>> -> memref<1x125x80xi32, #tpu.memory_space<hbm>>
      %dma_start3A_16 = tpu.memref_squeeze %dma_start3A_15 : memref<1x125x80xi32, #tpu.memory_space<hbm>> -> memref<125x80xi32, #tpu.memory_space<hbm>>
      tpu.enqueue_dma source(%dma_start3A_16 : memref<125x80xi32, #tpu.memory_space<hbm>>) target(%arg6 : memref<125x80xi32, #tpu.memory_space<vmem>>) target_semaphore(%run_scoped3A : memref<!tpu.dma_semaphore, #tpu.memory_space<semaphore_mem>>)
      %dma_wait3A = arith.constant 0 : i32
      %dma_wait3A_17 = arith.constant 0 : i32
      %dma_wait3A_18 = tpu.memref_slice %arg3[%add3A, %dma_wait3A, %dma_wait3A_17] : memref<32x125x80xi32, #tpu.memory_space<hbm>> -> memref<1x125x80xi32, #tpu.memory_space<hbm>>
      %dma_wait3A_19 = tpu.memref_squeeze %dma_wait3A_18 : memref<1x125x80xi32, #tpu.memory_space<hbm>> -> memref<125x80xi32, #tpu.memory_space<hbm>>
      %dma_wait3A_20 = arith.constant 0 : i32
      %dma_wait3A_21 = arith.constant 0 : i32
      %dma_wait3A_22 = tpu.memref_slice %arg3[%add3A, %dma_wait3A_20, %dma_wait3A_21] : memref<32x125x80xi32, #tpu.memory_space<hbm>> -> memref<1x125x80xi32, #tpu.memory_space<hbm>>
      %dma_wait3A_23 = tpu.memref_squeeze %dma_wait3A_22 : memref<1x125x80xi32, #tpu.memory_space<hbm>> -> memref<125x80xi32, #tpu.memory_space<hbm>>
      tpu.wait_dma2 semaphore(%run_scoped3A : memref<!tpu.dma_semaphore, #tpu.memory_space<semaphore_mem>>) src(%dma_wait3A_23 : memref<125x80xi32, #tpu.memory_space<hbm>>) dst(%arg6 : memref<125x80xi32, #tpu.memory_space<vmem>>)
      tpu.yield
    }) : () -> ()
    "tpu.region"() ({
      %run_scoped3A = tpu.sem_alloc : memref<!tpu.dma_semaphore, #tpu.memory_space<semaphore_mem>>
      %dma_start3A = arith.constant 0 : i32
      %dma_start3A_10 = arith.constant 0 : i32
      %dma_start3A_11 = tpu.memref_slice %arg4[%add3A, %dma_start3A, %dma_start3A_10] : memref<32x125x80xi32, #tpu.memory_space<hbm>> -> memref<1x125x80xi32, #tpu.memory_space<hbm>>
      %dma_start3A_12 = tpu.memref_squeeze %dma_start3A_11 : memref<1x125x80xi32, #tpu.memory_space<hbm>> -> memref<125x80xi32, #tpu.memory_space<hbm>>
      %dma_start3A_13 = arith.constant 0 : i32
      %dma_start3A_14 = arith.constant 0 : i32
      %dma_start3A_15 = tpu.memref_slice %arg4[%add3A, %dma_start3A_13, %dma_start3A_14] : memref<32x125x80xi32, #tpu.memory_space<hbm>> -> memref<1x125x80xi32, #tpu.memory_space<hbm>>
      %dma_start3A_16 = tpu.memref_squeeze %dma_start3A_15 : memref<1x125x80xi32, #tpu.memory_space<hbm>> -> memref<125x80xi32, #tpu.memory_space<hbm>>
      tpu.enqueue_dma source(%dma_start3A_16 : memref<125x80xi32, #tpu.memory_space<hbm>>) target(%arg7 : memref<125x80xi32, #tpu.memory_space<vmem>>) target_semaphore(%run_scoped3A : memref<!tpu.dma_semaphore, #tpu.memory_space<semaphore_mem>>)
      %dma_wait3A = arith.constant 0 : i32
      %dma_wait3A_17 = arith.constant 0 : i32
      %dma_wait3A_18 = tpu.memref_slice %arg4[%add3A, %dma_wait3A, %dma_wait3A_17] : memref<32x125x80xi32, #tpu.memory_space<hbm>> -> memref<1x125x80xi32, #tpu.memory_space<hbm>>
      %dma_wait3A_19 = tpu.memref_squeeze %dma_wait3A_18 : memref<1x125x80xi32, #tpu.memory_space<hbm>> -> memref<125x80xi32, #tpu.memory_space<hbm>>
      %dma_wait3A_20 = arith.constant 0 : i32
      %dma_wait3A_21 = arith.constant 0 : i32
      %dma_wait3A_22 = tpu.memref_slice %arg4[%add3A, %dma_wait3A_20, %dma_wait3A_21] : memref<32x125x80xi32, #tpu.memory_space<hbm>> -> memref<1x125x80xi32, #tpu.memory_space<hbm>>
      %dma_wait3A_23 = tpu.memref_squeeze %dma_wait3A_22 : memref<1x125x80xi32, #tpu.memory_space<hbm>> -> memref<125x80xi32, #tpu.memory_space<hbm>>
      tpu.wait_dma2 semaphore(%run_scoped3A : memref<!tpu.dma_semaphore, #tpu.memory_space<semaphore_mem>>) src(%dma_wait3A_23 : memref<125x80xi32, #tpu.memory_space<hbm>>) dst(%arg7 : memref<125x80xi32, #tpu.memory_space<vmem>>)
      tpu.yield
    }) : () -> ()
    %barrier3A = arith.constant 0 : index
    tpu.barrier barrier_id(%barrier3A)
    %scan3A = arith.constant 0 : i32
    %scan3A_5 = arith.constant 0 : i32
    %scan3A_6 = arith.constant 25 : i32
    %scan3A_7 = arith.addi %scan3A_5, %scan3A_6 : i32
    %scan3A_8 = arith.constant 1 : i32
    scf.for %scan3A_10 = %scan3A_5 to %scan3A_7 step %scan3A_8  : i32 {
      %mul3A_11 = arith.constant 5 : i32
      %mul3A_12 = arith.muli %scan3A_10, %mul3A_11 : i32
      %add3A_13 = arith.constant 0 : i32
      %add3A_14 = arith.addi %mul3A_12, %add3A_13 : i32
      %dma_start3A = arith.constant 0 : i32
      %dma_start3A_15 = arith.constant 0 : i32
      %dma_start3A_16 = arith.constant 0 : i32
      %dma_start3A_17 = tpu.memref_slice %arg8[%dma_start3A_15, %dma_start3A_16] : memref<400x16xf32, #tpu.memory_space<vmem>> -> memref<80x16xf32, #tpu.memory_space<vmem>>
      %dma_start3A_18 = arith.constant 0 : i32
      %dma_start3A_19 = tpu.memref_slice %arg6[%add3A_14, %dma_start3A_18] : memref<125x80xi32, #tpu.memory_space<vmem>> -> memref<1x80xi32, #tpu.memory_space<vmem>>
      %dma_start3A_20 = tpu.memref_squeeze %dma_start3A_19 : memref<1x80xi32, #tpu.memory_space<vmem>> -> memref<80xi32, #tpu.memory_space<vmem>>
      %dma_start3A_21 = arith.constant 0 : i32
      %dma_start3A_22 = arith.constant 0 : i32
      %dma_start3A_23 = tpu.memref_slice %arg10[%dma_start3A_21, %dma_start3A_22] : memref<10000x16xf32, #tpu.memory_space<vmem_shared>> -> memref<10000x16xf32, #tpu.memory_space<vmem_shared>>
      %dma_start3A_24 = tpu.memref_slice %arg11[%dma_start3A] : memref<5x!tpu.dma_semaphore, #tpu.memory_space<semaphore_mem>> -> memref<1x!tpu.dma_semaphore, #tpu.memory_space<semaphore_mem>>
      %dma_start3A_25 = tpu.memref_squeeze %dma_start3A_24 : memref<1x!tpu.dma_semaphore, #tpu.memory_space<semaphore_mem>> -> memref<!tpu.dma_semaphore, #tpu.memory_space<semaphore_mem>>
      tpu.enqueue_indirect_dma source(%dma_start3A_23 : memref<10000x16xf32, #tpu.memory_space<vmem_shared>>) target(%dma_start3A_17 : memref<80x16xf32, #tpu.memory_space<vmem>>) offsets(%dma_start3A_20 : memref<80xi32, #tpu.memory_space<vmem>>) semaphore(%dma_start3A_25 : memref<!tpu.dma_semaphore, #tpu.memory_space<semaphore_mem>>)
      %dma_start3A_26 = arith.constant 0 : i32
      %dma_start3A_27 = arith.constant 0 : i32
      %dma_start3A_28 = arith.constant 0 : i32
      %dma_start3A_29 = tpu.memref_slice %arg9[%dma_start3A_27, %dma_start3A_28] : memref<400x16xf32, #tpu.memory_space<vmem>> -> memref<80x16xf32, #tpu.memory_space<vmem>>
      %dma_start3A_30 = arith.constant 0 : i32
      %dma_start3A_31 = tpu.memref_slice %arg7[%add3A_14, %dma_start3A_30] : memref<125x80xi32, #tpu.memory_space<vmem>> -> memref<1x80xi32, #tpu.memory_space<vmem>>
      %dma_start3A_32 = tpu.memref_squeeze %dma_start3A_31 : memref<1x80xi32, #tpu.memory_space<vmem>> -> memref<80xi32, #tpu.memory_space<vmem>>
      %dma_start3A_33 = arith.constant 0 : i32
      %dma_start3A_34 = arith.constant 0 : i32
      %dma_start3A_35 = tpu.memref_slice %arg10[%dma_start3A_33, %dma_start3A_34] : memref<10000x16xf32, #tpu.memory_space<vmem_shared>> -> memref<10000x16xf32, #tpu.memory_space<vmem_shared>>
      %dma_start3A_36 = tpu.memref_slice %arg12[%dma_start3A_26] : memref<5x!tpu.dma_semaphore, #tpu.memory_space<semaphore_mem>> -> memref<1x!tpu.dma_semaphore, #tpu.memory_space<semaphore_mem>>
      %dma_start3A_37 = tpu.memref_squeeze %dma_start3A_36 : memref<1x!tpu.dma_semaphore, #tpu.memory_space<semaphore_mem>> -> memref<!tpu.dma_semaphore, #tpu.memory_space<semaphore_mem>>
      tpu.enqueue_indirect_dma source(%dma_start3A_35 : memref<10000x16xf32, #tpu.memory_space<vmem_shared>>) target(%dma_start3A_29 : memref<80x16xf32, #tpu.memory_space<vmem>>) offsets(%dma_start3A_32 : memref<80xi32, #tpu.memory_space<vmem>>) semaphore(%dma_start3A_37 : memref<!tpu.dma_semaphore, #tpu.memory_space<semaphore_mem>>)
      %mul3A_38 = arith.constant 5 : i32
      %mul3A_39 = arith.muli %scan3A_10, %mul3A_38 : i32
      %add3A_40 = arith.constant 1 : i32
      %add3A_41 = arith.addi %mul3A_39, %add3A_40 : i32
      %dma_start3A_42 = arith.constant 1 : i32
      %dma_start3A_43 = arith.constant 80 : i32
      %dma_start3A_44 = arith.constant 0 : i32
      %dma_start3A_45 = tpu.memref_slice %arg8[%dma_start3A_43, %dma_start3A_44] : memref<400x16xf32, #tpu.memory_space<vmem>> -> memref<80x16xf32, #tpu.memory_space<vmem>>
      %dma_start3A_46 = arith.constant 0 : i32
      %dma_start3A_47 = tpu.memref_slice %arg6[%add3A_41, %dma_start3A_46] : memref<125x80xi32, #tpu.memory_space<vmem>> -> memref<1x80xi32, #tpu.memory_space<vmem>>
      %dma_start3A_48 = tpu.memref_squeeze %dma_start3A_47 : memref<1x80xi32, #tpu.memory_space<vmem>> -> memref<80xi32, #tpu.memory_space<vmem>>
      %dma_start3A_49 = arith.constant 0 : i32
      %dma_start3A_50 = arith.constant 0 : i32
      %dma_start3A_51 = tpu.memref_slice %arg10[%dma_start3A_49, %dma_start3A_50] : memref<10000x16xf32, #tpu.memory_space<vmem_shared>> -> memref<10000x16xf32, #tpu.memory_space<vmem_shared>>
      %dma_start3A_52 = tpu.memref_slice %arg11[%dma_start3A_42] : memref<5x!tpu.dma_semaphore, #tpu.memory_space<semaphore_mem>> -> memref<1x!tpu.dma_semaphore, #tpu.memory_space<semaphore_mem>>
      %dma_start3A_53 = tpu.memref_squeeze %dma_start3A_52 : memref<1x!tpu.dma_semaphore, #tpu.memory_space<semaphore_mem>> -> memref<!tpu.dma_semaphore, #tpu.memory_space<semaphore_mem>>
      tpu.enqueue_indirect_dma source(%dma_start3A_51 : memref<10000x16xf32, #tpu.memory_space<vmem_shared>>) target(%dma_start3A_45 : memref<80x16xf32, #tpu.memory_space<vmem>>) offsets(%dma_start3A_48 : memref<80xi32, #tpu.memory_space<vmem>>) semaphore(%dma_start3A_53 : memref<!tpu.dma_semaphore, #tpu.memory_space<semaphore_mem>>)
      %dma_start3A_54 = arith.constant 1 : i32
      %dma_start3A_55 = arith.constant 80 : i32
      %dma_start3A_56 = arith.constant 0 : i32
      %dma_start3A_57 = tpu.memref_slice %arg9[%dma_start3A_55, %dma_start3A_56] : memref<400x16xf32, #tpu.memory_space<vmem>> -> memref<80x16xf32, #tpu.memory_space<vmem>>
      %dma_start3A_58 = arith.constant 0 : i32
      %dma_start3A_59 = tpu.memref_slice %arg7[%add3A_41, %dma_start3A_58] : memref<125x80xi32, #tpu.memory_space<vmem>> -> memref<1x80xi32, #tpu.memory_space<vmem>>
      %dma_start3A_60 = tpu.memref_squeeze %dma_start3A_59 : memref<1x80xi32, #tpu.memory_space<vmem>> -> memref<80xi32, #tpu.memory_space<vmem>>
      %dma_start3A_61 = arith.constant 0 : i32
      %dma_start3A_62 = arith.constant 0 : i32
      %dma_start3A_63 = tpu.memref_slice %arg10[%dma_start3A_61, %dma_start3A_62] : memref<10000x16xf32, #tpu.memory_space<vmem_shared>> -> memref<10000x16xf32, #tpu.memory_space<vmem_shared>>
      %dma_start3A_64 = tpu.memref_slice %arg12[%dma_start3A_54] : memref<5x!tpu.dma_semaphore, #tpu.memory_space<semaphore_mem>> -> memref<1x!tpu.dma_semaphore, #tpu.memory_space<semaphore_mem>>
      %dma_start3A_65 = tpu.memref_squeeze %dma_start3A_64 : memref<1x!tpu.dma_semaphore, #tpu.memory_space<semaphore_mem>> -> memref<!tpu.dma_semaphore, #tpu.memory_space<semaphore_mem>>
      tpu.enqueue_indirect_dma source(%dma_start3A_63 : memref<10000x16xf32, #tpu.memory_space<vmem_shared>>) target(%dma_start3A_57 : memref<80x16xf32, #tpu.memory_space<vmem>>) offsets(%dma_start3A_60 : memref<80xi32, #tpu.memory_space<vmem>>) semaphore(%dma_start3A_65 : memref<!tpu.dma_semaphore, #tpu.memory_space<semaphore_mem>>)
      %mul3A_66 = arith.constant 5 : i32
      %mul3A_67 = arith.muli %scan3A_10, %mul3A_66 : i32
      %add3A_68 = arith.constant 2 : i32
      %add3A_69 = arith.addi %mul3A_67, %add3A_68 : i32
      %dma_start3A_70 = arith.constant 2 : i32
      %dma_start3A_71 = arith.constant 160 : i32
      %dma_start3A_72 = arith.constant 0 : i32
      %dma_start3A_73 = tpu.memref_slice %arg8[%dma_start3A_71, %dma_start3A_72] : memref<400x16xf32, #tpu.memory_space<vmem>> -> memref<80x16xf32, #tpu.memory_space<vmem>>
      %dma_start3A_74 = arith.constant 0 : i32
      %dma_start3A_75 = tpu.memref_slice %arg6[%add3A_69, %dma_start3A_74] : memref<125x80xi32, #tpu.memory_space<vmem>> -> memref<1x80xi32, #tpu.memory_space<vmem>>
      %dma_start3A_76 = tpu.memref_squeeze %dma_start3A_75 : memref<1x80xi32, #tpu.memory_space<vmem>> -> memref<80xi32, #tpu.memory_space<vmem>>
      %dma_start3A_77 = arith.constant 0 : i32
      %dma_start3A_78 = arith.constant 0 : i32
      %dma_start3A_79 = tpu.memref_slice %arg10[%dma_start3A_77, %dma_start3A_78] : memref<10000x16xf32, #tpu.memory_space<vmem_shared>> -> memref<10000x16xf32, #tpu.memory_space<vmem_shared>>
      %dma_start3A_80 = tpu.memref_slice %arg11[%dma_start3A_70] : memref<5x!tpu.dma_semaphore, #tpu.memory_space<semaphore_mem>> -> memref<1x!tpu.dma_semaphore, #tpu.memory_space<semaphore_mem>>
      %dma_start3A_81 = tpu.memref_squeeze %dma_start3A_80 : memref<1x!tpu.dma_semaphore, #tpu.memory_space<semaphore_mem>> -> memref<!tpu.dma_semaphore, #tpu.memory_space<semaphore_mem>>
      tpu.enqueue_indirect_dma source(%dma_start3A_79 : memref<10000x16xf32, #tpu.memory_space<vmem_shared>>) target(%dma_start3A_73 : memref<80x16xf32, #tpu.memory_space<vmem>>) offsets(%dma_start3A_76 : memref<80xi32, #tpu.memory_space<vmem>>) semaphore(%dma_start3A_81 : memref<!tpu.dma_semaphore, #tpu.memory_space<semaphore_mem>>)
      %dma_start3A_82 = arith.constant 2 : i32
      %dma_start3A_83 = arith.constant 160 : i32
      %dma_start3A_84 = arith.constant 0 : i32
      %dma_start3A_85 = tpu.memref_slice %arg9[%dma_start3A_83, %dma_start3A_84] : memref<400x16xf32, #tpu.memory_space<vmem>> -> memref<80x16xf32, #tpu.memory_space<vmem>>
      %dma_start3A_86 = arith.constant 0 : i32
      %dma_start3A_87 = tpu.memref_slice %arg7[%add3A_69, %dma_start3A_86] : memref<125x80xi32, #tpu.memory_space<vmem>> -> memref<1x80xi32, #tpu.memory_space<vmem>>
      %dma_start3A_88 = tpu.memref_squeeze %dma_start3A_87 : memref<1x80xi32, #tpu.memory_space<vmem>> -> memref<80xi32, #tpu.memory_space<vmem>>
      %dma_start3A_89 = arith.constant 0 : i32
      %dma_start3A_90 = arith.constant 0 : i32
      %dma_start3A_91 = tpu.memref_slice %arg10[%dma_start3A_89, %dma_start3A_90] : memref<10000x16xf32, #tpu.memory_space<vmem_shared>> -> memref<10000x16xf32, #tpu.memory_space<vmem_shared>>
      %dma_start3A_92 = tpu.memref_slice %arg12[%dma_start3A_82] : memref<5x!tpu.dma_semaphore, #tpu.memory_space<semaphore_mem>> -> memref<1x!tpu.dma_semaphore, #tpu.memory_space<semaphore_mem>>
      %dma_start3A_93 = tpu.memref_squeeze %dma_start3A_92 : memref<1x!tpu.dma_semaphore, #tpu.memory_space<semaphore_mem>> -> memref<!tpu.dma_semaphore, #tpu.memory_space<semaphore_mem>>
      tpu.enqueue_indirect_dma source(%dma_start3A_91 : memref<10000x16xf32, #tpu.memory_space<vmem_shared>>) target(%dma_start3A_85 : memref<80x16xf32, #tpu.memory_space<vmem>>) offsets(%dma_start3A_88 : memref<80xi32, #tpu.memory_space<vmem>>) semaphore(%dma_start3A_93 : memref<!tpu.dma_semaphore, #tpu.memory_space<semaphore_mem>>)
      %mul3A_94 = arith.constant 5 : i32
      %mul3A_95 = arith.muli %scan3A_10, %mul3A_94 : i32
      %add3A_96 = arith.constant 3 : i32
      %add3A_97 = arith.addi %mul3A_95, %add3A_96 : i32
      %dma_start3A_98 = arith.constant 3 : i32
      %dma_start3A_99 = arith.constant 240 : i32
      %dma_start3A_100 = arith.constant 0 : i32
      %dma_start3A_101 = tpu.memref_slice %arg8[%dma_start3A_99, %dma_start3A_100] : memref<400x16xf32, #tpu.memory_space<vmem>> -> memref<80x16xf32, #tpu.memory_space<vmem>>
      %dma_start3A_102 = arith.constant 0 : i32
      %dma_start3A_103 = tpu.memref_slice %arg6[%add3A_97, %dma_start3A_102] : memref<125x80xi32, #tpu.memory_space<vmem>> -> memref<1x80xi32, #tpu.memory_space<vmem>>
      %dma_start3A_104 = tpu.memref_squeeze %dma_start3A_103 : memref<1x80xi32, #tpu.memory_space<vmem>> -> memref<80xi32, #tpu.memory_space<vmem>>
      %dma_start3A_105 = arith.constant 0 : i32
      %dma_start3A_106 = arith.constant 0 : i32
      %dma_start3A_107 = tpu.memref_slice %arg10[%dma_start3A_105, %dma_start3A_106] : memref<10000x16xf32, #tpu.memory_space<vmem_shared>> -> memref<10000x16xf32, #tpu.memory_space<vmem_shared>>
      %dma_start3A_108 = tpu.memref_slice %arg11[%dma_start3A_98] : memref<5x!tpu.dma_semaphore, #tpu.memory_space<semaphore_mem>> -> memref<1x!tpu.dma_semaphore, #tpu.memory_space<semaphore_mem>>
      %dma_start3A_109 = tpu.memref_squeeze %dma_start3A_108 : memref<1x!tpu.dma_semaphore, #tpu.memory_space<semaphore_mem>> -> memref<!tpu.dma_semaphore, #tpu.memory_space<semaphore_mem>>
      tpu.enqueue_indirect_dma source(%dma_start3A_107 : memref<10000x16xf32, #tpu.memory_space<vmem_shared>>) target(%dma_start3A_101 : memref<80x16xf32, #tpu.memory_space<vmem>>) offsets(%dma_start3A_104 : memref<80xi32, #tpu.memory_space<vmem>>) semaphore(%dma_start3A_109 : memref<!tpu.dma_semaphore, #tpu.memory_space<semaphore_mem>>)
      %dma_start3A_110 = arith.constant 3 : i32
      %dma_start3A_111 = arith.constant 240 : i32
      %dma_start3A_112 = arith.constant 0 : i32
      %dma_start3A_113 = tpu.memref_slice %arg9[%dma_start3A_111, %dma_start3A_112] : memref<400x16xf32, #tpu.memory_space<vmem>> -> memref<80x16xf32, #tpu.memory_space<vmem>>
      %dma_start3A_114 = arith.constant 0 : i32
      %dma_start3A_115 = tpu.memref_slice %arg7[%add3A_97, %dma_start3A_114] : memref<125x80xi32, #tpu.memory_space<vmem>> -> memref<1x80xi32, #tpu.memory_space<vmem>>
      %dma_start3A_116 = tpu.memref_squeeze %dma_start3A_115 : memref<1x80xi32, #tpu.memory_space<vmem>> -> memref<80xi32, #tpu.memory_space<vmem>>
      %dma_start3A_117 = arith.constant 0 : i32
      %dma_start3A_118 = arith.constant 0 : i32
      %dma_start3A_119 = tpu.memref_slice %arg10[%dma_start3A_117, %dma_start3A_118] : memref<10000x16xf32, #tpu.memory_space<vmem_shared>> -> memref<10000x16xf32, #tpu.memory_space<vmem_shared>>
      %dma_start3A_120 = tpu.memref_slice %arg12[%dma_start3A_110] : memref<5x!tpu.dma_semaphore, #tpu.memory_space<semaphore_mem>> -> memref<1x!tpu.dma_semaphore, #tpu.memory_space<semaphore_mem>>
      %dma_start3A_121 = tpu.memref_squeeze %dma_start3A_120 : memref<1x!tpu.dma_semaphore, #tpu.memory_space<semaphore_mem>> -> memref<!tpu.dma_semaphore, #tpu.memory_space<semaphore_mem>>
      tpu.enqueue_indirect_dma source(%dma_start3A_119 : memref<10000x16xf32, #tpu.memory_space<vmem_shared>>) target(%dma_start3A_113 : memref<80x16xf32, #tpu.memory_space<vmem>>) offsets(%dma_start3A_116 : memref<80xi32, #tpu.memory_space<vmem>>) semaphore(%dma_start3A_121 : memref<!tpu.dma_semaphore, #tpu.memory_space<semaphore_mem>>)
      %mul3A_122 = arith.constant 5 : i32
      %mul3A_123 = arith.muli %scan3A_10, %mul3A_122 : i32
      %add3A_124 = arith.constant 4 : i32
      %add3A_125 = arith.addi %mul3A_123, %add3A_124 : i32
      %dma_start3A_126 = arith.constant 4 : i32
      %dma_start3A_127 = arith.constant 320 : i32
      %dma_start3A_128 = arith.constant 0 : i32
      %dma_start3A_129 = tpu.memref_slice %arg8[%dma_start3A_127, %dma_start3A_128] : memref<400x16xf32, #tpu.memory_space<vmem>> -> memref<80x16xf32, #tpu.memory_space<vmem>>
      %dma_start3A_130 = arith.constant 0 : i32
      %dma_start3A_131 = tpu.memref_slice %arg6[%add3A_125, %dma_start3A_130] : memref<125x80xi32, #tpu.memory_space<vmem>> -> memref<1x80xi32, #tpu.memory_space<vmem>>
      %dma_start3A_132 = tpu.memref_squeeze %dma_start3A_131 : memref<1x80xi32, #tpu.memory_space<vmem>> -> memref<80xi32, #tpu.memory_space<vmem>>
      %dma_start3A_133 = arith.constant 0 : i32
      %dma_start3A_134 = arith.constant 0 : i32
      %dma_start3A_135 = tpu.memref_slice %arg10[%dma_start3A_133, %dma_start3A_134] : memref<10000x16xf32, #tpu.memory_space<vmem_shared>> -> memref<10000x16xf32, #tpu.memory_space<vmem_shared>>
      %dma_start3A_136 = tpu.memref_slice %arg11[%dma_start3A_126] : memref<5x!tpu.dma_semaphore, #tpu.memory_space<semaphore_mem>> -> memref<1x!tpu.dma_semaphore, #tpu.memory_space<semaphore_mem>>
      %dma_start3A_137 = tpu.memref_squeeze %dma_start3A_136 : memref<1x!tpu.dma_semaphore, #tpu.memory_space<semaphore_mem>> -> memref<!tpu.dma_semaphore, #tpu.memory_space<semaphore_mem>>
      tpu.enqueue_indirect_dma source(%dma_start3A_135 : memref<10000x16xf32, #tpu.memory_space<vmem_shared>>) target(%dma_start3A_129 : memref<80x16xf32, #tpu.memory_space<vmem>>) offsets(%dma_start3A_132 : memref<80xi32, #tpu.memory_space<vmem>>) semaphore(%dma_start3A_137 : memref<!tpu.dma_semaphore, #tpu.memory_space<semaphore_mem>>)
      %dma_start3A_138 = arith.constant 4 : i32
      %dma_start3A_139 = arith.constant 320 : i32
      %dma_start3A_140 = arith.constant 0 : i32
      %dma_start3A_141 = tpu.memref_slice %arg9[%dma_start3A_139, %dma_start3A_140] : memref<400x16xf32, #tpu.memory_space<vmem>> -> memref<80x16xf32, #tpu.memory_space<vmem>>
      %dma_start3A_142 = arith.constant 0 : i32
      %dma_start3A_143 = tpu.memref_slice %arg7[%add3A_125, %dma_start3A_142] : memref<125x80xi32, #tpu.memory_space<vmem>> -> memref<1x80xi32, #tpu.memory_space<vmem>>
      %dma_start3A_144 = tpu.memref_squeeze %dma_start3A_143 : memref<1x80xi32, #tpu.memory_space<vmem>> -> memref<80xi32, #tpu.memory_space<vmem>>
      %dma_start3A_145 = arith.constant 0 : i32
      %dma_start3A_146 = arith.constant 0 : i32
      %dma_start3A_147 = tpu.memref_slice %arg10[%dma_start3A_145, %dma_start3A_146] : memref<10000x16xf32, #tpu.memory_space<vmem_shared>> -> memref<10000x16xf32, #tpu.memory_space<vmem_shared>>
      %dma_start3A_148 = tpu.memref_slice %arg12[%dma_start3A_138] : memref<5x!tpu.dma_semaphore, #tpu.memory_space<semaphore_mem>> -> memref<1x!tpu.dma_semaphore, #tpu.memory_space<semaphore_mem>>
      %dma_start3A_149 = tpu.memref_squeeze %dma_start3A_148 : memref<1x!tpu.dma_semaphore, #tpu.memory_space<semaphore_mem>> -> memref<!tpu.dma_semaphore, #tpu.memory_space<semaphore_mem>>
      tpu.enqueue_indirect_dma source(%dma_start3A_147 : memref<10000x16xf32, #tpu.memory_space<vmem_shared>>) target(%dma_start3A_141 : memref<80x16xf32, #tpu.memory_space<vmem>>) offsets(%dma_start3A_144 : memref<80xi32, #tpu.memory_space<vmem>>) semaphore(%dma_start3A_149 : memref<!tpu.dma_semaphore, #tpu.memory_space<semaphore_mem>>)
      %mul3A_150 = arith.constant 10000 : i32
      %mul3A_151 = arith.muli %add3A, %mul3A_150 : i32
      %mul3A_152 = arith.constant 5 : i32
      %mul3A_153 = arith.muli %scan3A_10, %mul3A_152 : i32
      %add3A_154 = arith.constant 0 : i32
      %add3A_155 = arith.addi %mul3A_153, %add3A_154 : i32
      %mul3A_156 = arith.constant 80 : i32
      %mul3A_157 = arith.muli %add3A_155, %mul3A_156 : i32
      %add3A_158 = arith.addi %mul3A_151, %mul3A_157 : i32
      %dma_wait3A = arith.constant 0 : i32
      %dma_wait3A_159 = arith.constant 0 : i32
      %dma_wait3A_160 = arith.constant 0 : i32
      %dma_wait3A_161 = tpu.memref_slice %arg8[%dma_wait3A_159, %dma_wait3A_160] : memref<400x16xf32, #tpu.memory_space<vmem>> -> memref<80x16xf32, #tpu.memory_space<vmem>>
      %dma_wait3A_162 = arith.constant 0 : i32
      %dma_wait3A_163 = tpu.memref_slice %arg6[%add3A_14, %dma_wait3A_162] : memref<125x80xi32, #tpu.memory_space<vmem>> -> memref<1x80xi32, #tpu.memory_space<vmem>>
      %dma_wait3A_164 = tpu.memref_squeeze %dma_wait3A_163 : memref<1x80xi32, #tpu.memory_space<vmem>> -> memref<80xi32, #tpu.memory_space<vmem>>
      %dma_wait3A_165 = arith.constant 0 : i32
      %dma_wait3A_166 = arith.constant 0 : i32
      %dma_wait3A_167 = tpu.memref_slice %arg10[%dma_wait3A_165, %dma_wait3A_166] : memref<10000x16xf32, #tpu.memory_space<vmem_shared>> -> memref<10000x16xf32, #tpu.memory_space<vmem_shared>>
      %dma_wait3A_168 = tpu.memref_slice %arg11[%dma_wait3A] : memref<5x!tpu.dma_semaphore, #tpu.memory_space<semaphore_mem>> -> memref<1x!tpu.dma_semaphore, #tpu.memory_space<semaphore_mem>>
      %dma_wait3A_169 = tpu.memref_squeeze %dma_wait3A_168 : memref<1x!tpu.dma_semaphore, #tpu.memory_space<semaphore_mem>> -> memref<!tpu.dma_semaphore, #tpu.memory_space<semaphore_mem>>
      tpu.wait_indirect_dma semaphore(%dma_wait3A_169 : memref<!tpu.dma_semaphore, #tpu.memory_space<semaphore_mem>>) src(%dma_wait3A_167 : memref<10000x16xf32, #tpu.memory_space<vmem_shared>>) dst(%dma_wait3A_161 : memref<80x16xf32, #tpu.memory_space<vmem>>)
      %dma_start3A_170 = arith.constant 0 : i32
      %dma_start3A_171 = arith.constant 0 : i32
      %dma_start3A_172 = arith.constant 0 : i32
      %dma_start3A_173 = tpu.memref_slice %arg8[%dma_start3A_171, %dma_start3A_172] : memref<400x16xf32, #tpu.memory_space<vmem>> -> memref<80x16xf32, #tpu.memory_space<vmem>>
      %dma_start3A_174 = arith.constant 0 : i32
      %dma_start3A_175 = tpu.memref_slice %arg5[%add3A_158, %dma_start3A_174] : memref<320000x32xf32, #tpu.memory_space<hbm>> -> memref<80x16xf32, #tpu.memory_space<hbm>>
      %dma_start3A_176 = tpu.memref_slice %arg13[%dma_start3A_170] : memref<5x!tpu.dma_semaphore, #tpu.memory_space<semaphore_mem>> -> memref<1x!tpu.dma_semaphore, #tpu.memory_space<semaphore_mem>>
      %dma_start3A_177 = tpu.memref_squeeze %dma_start3A_176 : memref<1x!tpu.dma_semaphore, #tpu.memory_space<semaphore_mem>> -> memref<!tpu.dma_semaphore, #tpu.memory_space<semaphore_mem>>
      %dma_start3A_178 = arith.constant 0 : i32
      %dma_start3A_179 = tpu.memref_slice %arg5[%add3A_158, %dma_start3A_178] : memref<320000x32xf32, #tpu.memory_space<hbm>> -> memref<80x16xf32, #tpu.memory_space<hbm>>
      %dma_start3A_180 = arith.constant 0 : i32
      %dma_start3A_181 = arith.constant 0 : i32
      %dma_start3A_182 = tpu.memref_slice %arg8[%dma_start3A_180, %dma_start3A_181] : memref<400x16xf32, #tpu.memory_space<vmem>> -> memref<80x16xf32, #tpu.memory_space<vmem>>
      tpu.enqueue_dma source(%dma_start3A_182 : memref<80x16xf32, #tpu.memory_space<vmem>>) target(%dma_start3A_179 : memref<80x16xf32, #tpu.memory_space<hbm>>) target_semaphore(%dma_start3A_177 : memref<!tpu.dma_semaphore, #tpu.memory_space<semaphore_mem>>)
      %dma_wait3A_183 = arith.constant 0 : i32
      %dma_wait3A_184 = arith.constant 0 : i32
      %dma_wait3A_185 = arith.constant 0 : i32
      %dma_wait3A_186 = tpu.memref_slice %arg9[%dma_wait3A_184, %dma_wait3A_185] : memref<400x16xf32, #tpu.memory_space<vmem>> -> memref<80x16xf32, #tpu.memory_space<vmem>>
      %dma_wait3A_187 = arith.constant 0 : i32
      %dma_wait3A_188 = tpu.memref_slice %arg7[%add3A_14, %dma_wait3A_187] : memref<125x80xi32, #tpu.memory_space<vmem>> -> memref<1x80xi32, #tpu.memory_space<vmem>>
      %dma_wait3A_189 = tpu.memref_squeeze %dma_wait3A_188 : memref<1x80xi32, #tpu.memory_space<vmem>> -> memref<80xi32, #tpu.memory_space<vmem>>
      %dma_wait3A_190 = arith.constant 0 : i32
      %dma_wait3A_191 = arith.constant 0 : i32
      %dma_wait3A_192 = tpu.memref_slice %arg10[%dma_wait3A_190, %dma_wait3A_191] : memref<10000x16xf32, #tpu.memory_space<vmem_shared>> -> memref<10000x16xf32, #tpu.memory_space<vmem_shared>>
      %dma_wait3A_193 = tpu.memref_slice %arg12[%dma_wait3A_183] : memref<5x!tpu.dma_semaphore, #tpu.memory_space<semaphore_mem>> -> memref<1x!tpu.dma_semaphore, #tpu.memory_space<semaphore_mem>>
      %dma_wait3A_194 = tpu.memref_squeeze %dma_wait3A_193 : memref<1x!tpu.dma_semaphore, #tpu.memory_space<semaphore_mem>> -> memref<!tpu.dma_semaphore, #tpu.memory_space<semaphore_mem>>
      tpu.wait_indirect_dma semaphore(%dma_wait3A_194 : memref<!tpu.dma_semaphore, #tpu.memory_space<semaphore_mem>>) src(%dma_wait3A_192 : memref<10000x16xf32, #tpu.memory_space<vmem_shared>>) dst(%dma_wait3A_186 : memref<80x16xf32, #tpu.memory_space<vmem>>)
      %dma_start3A_195 = arith.constant 0 : i32
      %dma_start3A_196 = arith.constant 0 : i32
      %dma_start3A_197 = arith.constant 0 : i32
      %dma_start3A_198 = tpu.memref_slice %arg9[%dma_start3A_196, %dma_start3A_197] : memref<400x16xf32, #tpu.memory_space<vmem>> -> memref<80x16xf32, #tpu.memory_space<vmem>>
      %dma_start3A_199 = arith.constant 16 : i32
      %dma_start3A_200 = tpu.memref_slice %arg5[%add3A_158, %dma_start3A_199] : memref<320000x32xf32, #tpu.memory_space<hbm>> -> memref<80x16xf32, #tpu.memory_space<hbm>>
      %dma_start3A_201 = tpu.memref_slice %arg14[%dma_start3A_195] : memref<5x!tpu.dma_semaphore, #tpu.memory_space<semaphore_mem>> -> memref<1x!tpu.dma_semaphore, #tpu.memory_space<semaphore_mem>>
      %dma_start3A_202 = tpu.memref_squeeze %dma_start3A_201 : memref<1x!tpu.dma_semaphore, #tpu.memory_space<semaphore_mem>> -> memref<!tpu.dma_semaphore, #tpu.memory_space<semaphore_mem>>
      %dma_start3A_203 = arith.constant 16 : i32
      %dma_start3A_204 = tpu.memref_slice %arg5[%add3A_158, %dma_start3A_203] : memref<320000x32xf32, #tpu.memory_space<hbm>> -> memref<80x16xf32, #tpu.memory_space<hbm>>
      %dma_start3A_205 = arith.constant 0 : i32
      %dma_start3A_206 = arith.constant 0 : i32
      %dma_start3A_207 = tpu.memref_slice %arg9[%dma_start3A_205, %dma_start3A_206] : memref<400x16xf32, #tpu.memory_space<vmem>> -> memref<80x16xf32, #tpu.memory_space<vmem>>
      tpu.enqueue_dma source(%dma_start3A_207 : memref<80x16xf32, #tpu.memory_space<vmem>>) target(%dma_start3A_204 : memref<80x16xf32, #tpu.memory_space<hbm>>) target_semaphore(%dma_start3A_202 : memref<!tpu.dma_semaphore, #tpu.memory_space<semaphore_mem>>)
      %mul3A_208 = arith.constant 10000 : i32
      %mul3A_209 = arith.muli %add3A, %mul3A_208 : i32
      %mul3A_210 = arith.constant 5 : i32
      %mul3A_211 = arith.muli %scan3A_10, %mul3A_210 : i32
      %add3A_212 = arith.constant 1 : i32
      %add3A_213 = arith.addi %mul3A_211, %add3A_212 : i32
      %mul3A_214 = arith.constant 80 : i32
      %mul3A_215 = arith.muli %add3A_213, %mul3A_214 : i32
      %add3A_216 = arith.addi %mul3A_209, %mul3A_215 : i32
      %dma_wait3A_217 = arith.constant 1 : i32
      %dma_wait3A_218 = arith.constant 80 : i32
      %dma_wait3A_219 = arith.constant 0 : i32
      %dma_wait3A_220 = tpu.memref_slice %arg8[%dma_wait3A_218, %dma_wait3A_219] : memref<400x16xf32, #tpu.memory_space<vmem>> -> memref<80x16xf32, #tpu.memory_space<vmem>>
      %dma_wait3A_221 = arith.constant 0 : i32
      %dma_wait3A_222 = tpu.memref_slice %arg6[%add3A_41, %dma_wait3A_221] : memref<125x80xi32, #tpu.memory_space<vmem>> -> memref<1x80xi32, #tpu.memory_space<vmem>>
      %dma_wait3A_223 = tpu.memref_squeeze %dma_wait3A_222 : memref<1x80xi32, #tpu.memory_space<vmem>> -> memref<80xi32, #tpu.memory_space<vmem>>
      %dma_wait3A_224 = arith.constant 0 : i32
      %dma_wait3A_225 = arith.constant 0 : i32
      %dma_wait3A_226 = tpu.memref_slice %arg10[%dma_wait3A_224, %dma_wait3A_225] : memref<10000x16xf32, #tpu.memory_space<vmem_shared>> -> memref<10000x16xf32, #tpu.memory_space<vmem_shared>>
      %dma_wait3A_227 = tpu.memref_slice %arg11[%dma_wait3A_217] : memref<5x!tpu.dma_semaphore, #tpu.memory_space<semaphore_mem>> -> memref<1x!tpu.dma_semaphore, #tpu.memory_space<semaphore_mem>>
      %dma_wait3A_228 = tpu.memref_squeeze %dma_wait3A_227 : memref<1x!tpu.dma_semaphore, #tpu.memory_space<semaphore_mem>> -> memref<!tpu.dma_semaphore, #tpu.memory_space<semaphore_mem>>
      tpu.wait_indirect_dma semaphore(%dma_wait3A_228 : memref<!tpu.dma_semaphore, #tpu.memory_space<semaphore_mem>>) src(%dma_wait3A_226 : memref<10000x16xf32, #tpu.memory_space<vmem_shared>>) dst(%dma_wait3A_220 : memref<80x16xf32, #tpu.memory_space<vmem>>)
      %dma_start3A_229 = arith.constant 1 : i32
      %dma_start3A_230 = arith.constant 80 : i32
      %dma_start3A_231 = arith.constant 0 : i32
      %dma_start3A_232 = tpu.memref_slice %arg8[%dma_start3A_230, %dma_start3A_231] : memref<400x16xf32, #tpu.memory_space<vmem>> -> memref<80x16xf32, #tpu.memory_space<vmem>>
      %dma_start3A_233 = arith.constant 0 : i32
      %dma_start3A_234 = tpu.memref_slice %arg5[%add3A_216, %dma_start3A_233] : memref<320000x32xf32, #tpu.memory_space<hbm>> -> memref<80x16xf32, #tpu.memory_space<hbm>>
      %dma_start3A_235 = tpu.memref_slice %arg13[%dma_start3A_229] : memref<5x!tpu.dma_semaphore, #tpu.memory_space<semaphore_mem>> -> memref<1x!tpu.dma_semaphore, #tpu.memory_space<semaphore_mem>>
      %dma_start3A_236 = tpu.memref_squeeze %dma_start3A_235 : memref<1x!tpu.dma_semaphore, #tpu.memory_space<semaphore_mem>> -> memref<!tpu.dma_semaphore, #tpu.memory_space<semaphore_mem>>
      %dma_start3A_237 = arith.constant 0 : i32
      %dma_start3A_238 = tpu.memref_slice %arg5[%add3A_216, %dma_start3A_237] : memref<320000x32xf32, #tpu.memory_space<hbm>> -> memref<80x16xf32, #tpu.memory_space<hbm>>
      %dma_start3A_239 = arith.constant 80 : i32
      %dma_start3A_240 = arith.constant 0 : i32
      %dma_start3A_241 = tpu.memref_slice %arg8[%dma_start3A_239, %dma_start3A_240] : memref<400x16xf32, #tpu.memory_space<vmem>> -> memref<80x16xf32, #tpu.memory_space<vmem>>
      tpu.enqueue_dma source(%dma_start3A_241 : memref<80x16xf32, #tpu.memory_space<vmem>>) target(%dma_start3A_238 : memref<80x16xf32, #tpu.memory_space<hbm>>) target_semaphore(%dma_start3A_236 : memref<!tpu.dma_semaphore, #tpu.memory_space<semaphore_mem>>)
      %dma_wait3A_242 = arith.constant 1 : i32
      %dma_wait3A_243 = arith.constant 80 : i32
      %dma_wait3A_244 = arith.constant 0 : i32
      %dma_wait3A_245 = tpu.memref_slice %arg9[%dma_wait3A_243, %dma_wait3A_244] : memref<400x16xf32, #tpu.memory_space<vmem>> -> memref<80x16xf32, #tpu.memory_space<vmem>>
      %dma_wait3A_246 = arith.constant 0 : i32
      %dma_wait3A_247 = tpu.memref_slice %arg7[%add3A_41, %dma_wait3A_246] : memref<125x80xi32, #tpu.memory_space<vmem>> -> memref<1x80xi32, #tpu.memory_space<vmem>>
      %dma_wait3A_248 = tpu.memref_squeeze %dma_wait3A_247 : memref<1x80xi32, #tpu.memory_space<vmem>> -> memref<80xi32, #tpu.memory_space<vmem>>
      %dma_wait3A_249 = arith.constant 0 : i32
      %dma_wait3A_250 = arith.constant 0 : i32
      %dma_wait3A_251 = tpu.memref_slice %arg10[%dma_wait3A_249, %dma_wait3A_250] : memref<10000x16xf32, #tpu.memory_space<vmem_shared>> -> memref<10000x16xf32, #tpu.memory_space<vmem_shared>>
      %dma_wait3A_252 = tpu.memref_slice %arg12[%dma_wait3A_242] : memref<5x!tpu.dma_semaphore, #tpu.memory_space<semaphore_mem>> -> memref<1x!tpu.dma_semaphore, #tpu.memory_space<semaphore_mem>>
      %dma_wait3A_253 = tpu.memref_squeeze %dma_wait3A_252 : memref<1x!tpu.dma_semaphore, #tpu.memory_space<semaphore_mem>> -> memref<!tpu.dma_semaphore, #tpu.memory_space<semaphore_mem>>
      tpu.wait_indirect_dma semaphore(%dma_wait3A_253 : memref<!tpu.dma_semaphore, #tpu.memory_space<semaphore_mem>>) src(%dma_wait3A_251 : memref<10000x16xf32, #tpu.memory_space<vmem_shared>>) dst(%dma_wait3A_245 : memref<80x16xf32, #tpu.memory_space<vmem>>)
      %dma_start3A_254 = arith.constant 1 : i32
      %dma_start3A_255 = arith.constant 80 : i32
      %dma_start3A_256 = arith.constant 0 : i32
      %dma_start3A_257 = tpu.memref_slice %arg9[%dma_start3A_255, %dma_start3A_256] : memref<400x16xf32, #tpu.memory_space<vmem>> -> memref<80x16xf32, #tpu.memory_space<vmem>>
      %dma_start3A_258 = arith.constant 16 : i32
      %dma_start3A_259 = tpu.memref_slice %arg5[%add3A_216, %dma_start3A_258] : memref<320000x32xf32, #tpu.memory_space<hbm>> -> memref<80x16xf32, #tpu.memory_space<hbm>>
      %dma_start3A_260 = tpu.memref_slice %arg14[%dma_start3A_254] : memref<5x!tpu.dma_semaphore, #tpu.memory_space<semaphore_mem>> -> memref<1x!tpu.dma_semaphore, #tpu.memory_space<semaphore_mem>>
      %dma_start3A_261 = tpu.memref_squeeze %dma_start3A_260 : memref<1x!tpu.dma_semaphore, #tpu.memory_space<semaphore_mem>> -> memref<!tpu.dma_semaphore, #tpu.memory_space<semaphore_mem>>
      %dma_start3A_262 = arith.constant 16 : i32
      %dma_start3A_263 = tpu.memref_slice %arg5[%add3A_216, %dma_start3A_262] : memref<320000x32xf32, #tpu.memory_space<hbm>> -> memref<80x16xf32, #tpu.memory_space<hbm>>
      %dma_start3A_264 = arith.constant 80 : i32
      %dma_start3A_265 = arith.constant 0 : i32
      %dma_start3A_266 = tpu.memref_slice %arg9[%dma_start3A_264, %dma_start3A_265] : memref<400x16xf32, #tpu.memory_space<vmem>> -> memref<80x16xf32, #tpu.memory_space<vmem>>
      tpu.enqueue_dma source(%dma_start3A_266 : memref<80x16xf32, #tpu.memory_space<vmem>>) target(%dma_start3A_263 : memref<80x16xf32, #tpu.memory_space<hbm>>) target_semaphore(%dma_start3A_261 : memref<!tpu.dma_semaphore, #tpu.memory_space<semaphore_mem>>)
      %mul3A_267 = arith.constant 10000 : i32
      %mul3A_268 = arith.muli %add3A, %mul3A_267 : i32
      %mul3A_269 = arith.constant 5 : i32
      %mul3A_270 = arith.muli %scan3A_10, %mul3A_269 : i32
      %add3A_271 = arith.constant 2 : i32
      %add3A_272 = arith.addi %mul3A_270, %add3A_271 : i32
      %mul3A_273 = arith.constant 80 : i32
      %mul3A_274 = arith.muli %add3A_272, %mul3A_273 : i32
      %add3A_275 = arith.addi %mul3A_268, %mul3A_274 : i32
      %dma_wait3A_276 = arith.constant 2 : i32
      %dma_wait3A_277 = arith.constant 160 : i32
      %dma_wait3A_278 = arith.constant 0 : i32
      %dma_wait3A_279 = tpu.memref_slice %arg8[%dma_wait3A_277, %dma_wait3A_278] : memref<400x16xf32, #tpu.memory_space<vmem>> -> memref<80x16xf32, #tpu.memory_space<vmem>>
      %dma_wait3A_280 = arith.constant 0 : i32
      %dma_wait3A_281 = tpu.memref_slice %arg6[%add3A_69, %dma_wait3A_280] : memref<125x80xi32, #tpu.memory_space<vmem>> -> memref<1x80xi32, #tpu.memory_space<vmem>>
      %dma_wait3A_282 = tpu.memref_squeeze %dma_wait3A_281 : memref<1x80xi32, #tpu.memory_space<vmem>> -> memref<80xi32, #tpu.memory_space<vmem>>
      %dma_wait3A_283 = arith.constant 0 : i32
      %dma_wait3A_284 = arith.constant 0 : i32
      %dma_wait3A_285 = tpu.memref_slice %arg10[%dma_wait3A_283, %dma_wait3A_284] : memref<10000x16xf32, #tpu.memory_space<vmem_shared>> -> memref<10000x16xf32, #tpu.memory_space<vmem_shared>>
      %dma_wait3A_286 = tpu.memref_slice %arg11[%dma_wait3A_276] : memref<5x!tpu.dma_semaphore, #tpu.memory_space<semaphore_mem>> -> memref<1x!tpu.dma_semaphore, #tpu.memory_space<semaphore_mem>>
      %dma_wait3A_287 = tpu.memref_squeeze %dma_wait3A_286 : memref<1x!tpu.dma_semaphore, #tpu.memory_space<semaphore_mem>> -> memref<!tpu.dma_semaphore, #tpu.memory_space<semaphore_mem>>
      tpu.wait_indirect_dma semaphore(%dma_wait3A_287 : memref<!tpu.dma_semaphore, #tpu.memory_space<semaphore_mem>>) src(%dma_wait3A_285 : memref<10000x16xf32, #tpu.memory_space<vmem_shared>>) dst(%dma_wait3A_279 : memref<80x16xf32, #tpu.memory_space<vmem>>)
      %dma_start3A_288 = arith.constant 2 : i32
      %dma_start3A_289 = arith.constant 160 : i32
      %dma_start3A_290 = arith.constant 0 : i32
      %dma_start3A_291 = tpu.memref_slice %arg8[%dma_start3A_289, %dma_start3A_290] : memref<400x16xf32, #tpu.memory_space<vmem>> -> memref<80x16xf32, #tpu.memory_space<vmem>>
      %dma_start3A_292 = arith.constant 0 : i32
      %dma_start3A_293 = tpu.memref_slice %arg5[%add3A_275, %dma_start3A_292] : memref<320000x32xf32, #tpu.memory_space<hbm>> -> memref<80x16xf32, #tpu.memory_space<hbm>>
      %dma_start3A_294 = tpu.memref_slice %arg13[%dma_start3A_288] : memref<5x!tpu.dma_semaphore, #tpu.memory_space<semaphore_mem>> -> memref<1x!tpu.dma_semaphore, #tpu.memory_space<semaphore_mem>>
      %dma_start3A_295 = tpu.memref_squeeze %dma_start3A_294 : memref<1x!tpu.dma_semaphore, #tpu.memory_space<semaphore_mem>> -> memref<!tpu.dma_semaphore, #tpu.memory_space<semaphore_mem>>
      %dma_start3A_296 = arith.constant 0 : i32
      %dma_start3A_297 = tpu.memref_slice %arg5[%add3A_275, %dma_start3A_296] : memref<320000x32xf32, #tpu.memory_space<hbm>> -> memref<80x16xf32, #tpu.memory_space<hbm>>
      %dma_start3A_298 = arith.constant 160 : i32
      %dma_start3A_299 = arith.constant 0 : i32
      %dma_start3A_300 = tpu.memref_slice %arg8[%dma_start3A_298, %dma_start3A_299] : memref<400x16xf32, #tpu.memory_space<vmem>> -> memref<80x16xf32, #tpu.memory_space<vmem>>
      tpu.enqueue_dma source(%dma_start3A_300 : memref<80x16xf32, #tpu.memory_space<vmem>>) target(%dma_start3A_297 : memref<80x16xf32, #tpu.memory_space<hbm>>) target_semaphore(%dma_start3A_295 : memref<!tpu.dma_semaphore, #tpu.memory_space<semaphore_mem>>)
      %dma_wait3A_301 = arith.constant 2 : i32
      %dma_wait3A_302 = arith.constant 160 : i32
      %dma_wait3A_303 = arith.constant 0 : i32
      %dma_wait3A_304 = tpu.memref_slice %arg9[%dma_wait3A_302, %dma_wait3A_303] : memref<400x16xf32, #tpu.memory_space<vmem>> -> memref<80x16xf32, #tpu.memory_space<vmem>>
      %dma_wait3A_305 = arith.constant 0 : i32
      %dma_wait3A_306 = tpu.memref_slice %arg7[%add3A_69, %dma_wait3A_305] : memref<125x80xi32, #tpu.memory_space<vmem>> -> memref<1x80xi32, #tpu.memory_space<vmem>>
      %dma_wait3A_307 = tpu.memref_squeeze %dma_wait3A_306 : memref<1x80xi32, #tpu.memory_space<vmem>> -> memref<80xi32, #tpu.memory_space<vmem>>
      %dma_wait3A_308 = arith.constant 0 : i32
      %dma_wait3A_309 = arith.constant 0 : i32
      %dma_wait3A_310 = tpu.memref_slice %arg10[%dma_wait3A_308, %dma_wait3A_309] : memref<10000x16xf32, #tpu.memory_space<vmem_shared>> -> memref<10000x16xf32, #tpu.memory_space<vmem_shared>>
      %dma_wait3A_311 = tpu.memref_slice %arg12[%dma_wait3A_301] : memref<5x!tpu.dma_semaphore, #tpu.memory_space<semaphore_mem>> -> memref<1x!tpu.dma_semaphore, #tpu.memory_space<semaphore_mem>>
      %dma_wait3A_312 = tpu.memref_squeeze %dma_wait3A_311 : memref<1x!tpu.dma_semaphore, #tpu.memory_space<semaphore_mem>> -> memref<!tpu.dma_semaphore, #tpu.memory_space<semaphore_mem>>
      tpu.wait_indirect_dma semaphore(%dma_wait3A_312 : memref<!tpu.dma_semaphore, #tpu.memory_space<semaphore_mem>>) src(%dma_wait3A_310 : memref<10000x16xf32, #tpu.memory_space<vmem_shared>>) dst(%dma_wait3A_304 : memref<80x16xf32, #tpu.memory_space<vmem>>)
      %dma_start3A_313 = arith.constant 2 : i32
      %dma_start3A_314 = arith.constant 160 : i32
      %dma_start3A_315 = arith.constant 0 : i32
      %dma_start3A_316 = tpu.memref_slice %arg9[%dma_start3A_314, %dma_start3A_315] : memref<400x16xf32, #tpu.memory_space<vmem>> -> memref<80x16xf32, #tpu.memory_space<vmem>>
      %dma_start3A_317 = arith.constant 16 : i32
      %dma_start3A_318 = tpu.memref_slice %arg5[%add3A_275, %dma_start3A_317] : memref<320000x32xf32, #tpu.memory_space<hbm>> -> memref<80x16xf32, #tpu.memory_space<hbm>>
      %dma_start3A_319 = tpu.memref_slice %arg14[%dma_start3A_313] : memref<5x!tpu.dma_semaphore, #tpu.memory_space<semaphore_mem>> -> memref<1x!tpu.dma_semaphore, #tpu.memory_space<semaphore_mem>>
      %dma_start3A_320 = tpu.memref_squeeze %dma_start3A_319 : memref<1x!tpu.dma_semaphore, #tpu.memory_space<semaphore_mem>> -> memref<!tpu.dma_semaphore, #tpu.memory_space<semaphore_mem>>
      %dma_start3A_321 = arith.constant 16 : i32
      %dma_start3A_322 = tpu.memref_slice %arg5[%add3A_275, %dma_start3A_321] : memref<320000x32xf32, #tpu.memory_space<hbm>> -> memref<80x16xf32, #tpu.memory_space<hbm>>
      %dma_start3A_323 = arith.constant 160 : i32
      %dma_start3A_324 = arith.constant 0 : i32
      %dma_start3A_325 = tpu.memref_slice %arg9[%dma_start3A_323, %dma_start3A_324] : memref<400x16xf32, #tpu.memory_space<vmem>> -> memref<80x16xf32, #tpu.memory_space<vmem>>
      tpu.enqueue_dma source(%dma_start3A_325 : memref<80x16xf32, #tpu.memory_space<vmem>>) target(%dma_start3A_322 : memref<80x16xf32, #tpu.memory_space<hbm>>) target_semaphore(%dma_start3A_320 : memref<!tpu.dma_semaphore, #tpu.memory_space<semaphore_mem>>)
      %mul3A_326 = arith.constant 10000 : i32
      %mul3A_327 = arith.muli %add3A, %mul3A_326 : i32
      %mul3A_328 = arith.constant 5 : i32
      %mul3A_329 = arith.muli %scan3A_10, %mul3A_328 : i32
      %add3A_330 = arith.constant 3 : i32
      %add3A_331 = arith.addi %mul3A_329, %add3A_330 : i32
      %mul3A_332 = arith.constant 80 : i32
      %mul3A_333 = arith.muli %add3A_331, %mul3A_332 : i32
      %add3A_334 = arith.addi %mul3A_327, %mul3A_333 : i32
      %dma_wait3A_335 = arith.constant 3 : i32
      %dma_wait3A_336 = arith.constant 240 : i32
      %dma_wait3A_337 = arith.constant 0 : i32
      %dma_wait3A_338 = tpu.memref_slice %arg8[%dma_wait3A_336, %dma_wait3A_337] : memref<400x16xf32, #tpu.memory_space<vmem>> -> memref<80x16xf32, #tpu.memory_space<vmem>>
      %dma_wait3A_339 = arith.constant 0 : i32
      %dma_wait3A_340 = tpu.memref_slice %arg6[%add3A_97, %dma_wait3A_339] : memref<125x80xi32, #tpu.memory_space<vmem>> -> memref<1x80xi32, #tpu.memory_space<vmem>>
      %dma_wait3A_341 = tpu.memref_squeeze %dma_wait3A_340 : memref<1x80xi32, #tpu.memory_space<vmem>> -> memref<80xi32, #tpu.memory_space<vmem>>
      %dma_wait3A_342 = arith.constant 0 : i32
      %dma_wait3A_343 = arith.constant 0 : i32
      %dma_wait3A_344 = tpu.memref_slice %arg10[%dma_wait3A_342, %dma_wait3A_343] : memref<10000x16xf32, #tpu.memory_space<vmem_shared>> -> memref<10000x16xf32, #tpu.memory_space<vmem_shared>>
      %dma_wait3A_345 = tpu.memref_slice %arg11[%dma_wait3A_335] : memref<5x!tpu.dma_semaphore, #tpu.memory_space<semaphore_mem>> -> memref<1x!tpu.dma_semaphore, #tpu.memory_space<semaphore_mem>>
      %dma_wait3A_346 = tpu.memref_squeeze %dma_wait3A_345 : memref<1x!tpu.dma_semaphore, #tpu.memory_space<semaphore_mem>> -> memref<!tpu.dma_semaphore, #tpu.memory_space<semaphore_mem>>
      tpu.wait_indirect_dma semaphore(%dma_wait3A_346 : memref<!tpu.dma_semaphore, #tpu.memory_space<semaphore_mem>>) src(%dma_wait3A_344 : memref<10000x16xf32, #tpu.memory_space<vmem_shared>>) dst(%dma_wait3A_338 : memref<80x16xf32, #tpu.memory_space<vmem>>)
      %dma_start3A_347 = arith.constant 3 : i32
      %dma_start3A_348 = arith.constant 240 : i32
      %dma_start3A_349 = arith.constant 0 : i32
      %dma_start3A_350 = tpu.memref_slice %arg8[%dma_start3A_348, %dma_start3A_349] : memref<400x16xf32, #tpu.memory_space<vmem>> -> memref<80x16xf32, #tpu.memory_space<vmem>>
      %dma_start3A_351 = arith.constant 0 : i32
      %dma_start3A_352 = tpu.memref_slice %arg5[%add3A_334, %dma_start3A_351] : memref<320000x32xf32, #tpu.memory_space<hbm>> -> memref<80x16xf32, #tpu.memory_space<hbm>>
      %dma_start3A_353 = tpu.memref_slice %arg13[%dma_start3A_347] : memref<5x!tpu.dma_semaphore, #tpu.memory_space<semaphore_mem>> -> memref<1x!tpu.dma_semaphore, #tpu.memory_space<semaphore_mem>>
      %dma_start3A_354 = tpu.memref_squeeze %dma_start3A_353 : memref<1x!tpu.dma_semaphore, #tpu.memory_space<semaphore_mem>> -> memref<!tpu.dma_semaphore, #tpu.memory_space<semaphore_mem>>
      %dma_start3A_355 = arith.constant 0 : i32
      %dma_start3A_356 = tpu.memref_slice %arg5[%add3A_334, %dma_start3A_355] : memref<320000x32xf32, #tpu.memory_space<hbm>> -> memref<80x16xf32, #tpu.memory_space<hbm>>
      %dma_start3A_357 = arith.constant 240 : i32
      %dma_start3A_358 = arith.constant 0 : i32
      %dma_start3A_359 = tpu.memref_slice %arg8[%dma_start3A_357, %dma_start3A_358] : memref<400x16xf32, #tpu.memory_space<vmem>> -> memref<80x16xf32, #tpu.memory_space<vmem>>
      tpu.enqueue_dma source(%dma_start3A_359 : memref<80x16xf32, #tpu.memory_space<vmem>>) target(%dma_start3A_356 : memref<80x16xf32, #tpu.memory_space<hbm>>) target_semaphore(%dma_start3A_354 : memref<!tpu.dma_semaphore, #tpu.memory_space<semaphore_mem>>)
      %dma_wait3A_360 = arith.constant 3 : i32
      %dma_wait3A_361 = arith.constant 240 : i32
      %dma_wait3A_362 = arith.constant 0 : i32
      %dma_wait3A_363 = tpu.memref_slice %arg9[%dma_wait3A_361, %dma_wait3A_362] : memref<400x16xf32, #tpu.memory_space<vmem>> -> memref<80x16xf32, #tpu.memory_space<vmem>>
      %dma_wait3A_364 = arith.constant 0 : i32
      %dma_wait3A_365 = tpu.memref_slice %arg7[%add3A_97, %dma_wait3A_364] : memref<125x80xi32, #tpu.memory_space<vmem>> -> memref<1x80xi32, #tpu.memory_space<vmem>>
      %dma_wait3A_366 = tpu.memref_squeeze %dma_wait3A_365 : memref<1x80xi32, #tpu.memory_space<vmem>> -> memref<80xi32, #tpu.memory_space<vmem>>
      %dma_wait3A_367 = arith.constant 0 : i32
      %dma_wait3A_368 = arith.constant 0 : i32
      %dma_wait3A_369 = tpu.memref_slice %arg10[%dma_wait3A_367, %dma_wait3A_368] : memref<10000x16xf32, #tpu.memory_space<vmem_shared>> -> memref<10000x16xf32, #tpu.memory_space<vmem_shared>>
      %dma_wait3A_370 = tpu.memref_slice %arg12[%dma_wait3A_360] : memref<5x!tpu.dma_semaphore, #tpu.memory_space<semaphore_mem>> -> memref<1x!tpu.dma_semaphore, #tpu.memory_space<semaphore_mem>>
      %dma_wait3A_371 = tpu.memref_squeeze %dma_wait3A_370 : memref<1x!tpu.dma_semaphore, #tpu.memory_space<semaphore_mem>> -> memref<!tpu.dma_semaphore, #tpu.memory_space<semaphore_mem>>
      tpu.wait_indirect_dma semaphore(%dma_wait3A_371 : memref<!tpu.dma_semaphore, #tpu.memory_space<semaphore_mem>>) src(%dma_wait3A_369 : memref<10000x16xf32, #tpu.memory_space<vmem_shared>>) dst(%dma_wait3A_363 : memref<80x16xf32, #tpu.memory_space<vmem>>)
      %dma_start3A_372 = arith.constant 3 : i32
      %dma_start3A_373 = arith.constant 240 : i32
      %dma_start3A_374 = arith.constant 0 : i32
      %dma_start3A_375 = tpu.memref_slice %arg9[%dma_start3A_373, %dma_start3A_374] : memref<400x16xf32, #tpu.memory_space<vmem>> -> memref<80x16xf32, #tpu.memory_space<vmem>>
      %dma_start3A_376 = arith.constant 16 : i32
      %dma_start3A_377 = tpu.memref_slice %arg5[%add3A_334, %dma_start3A_376] : memref<320000x32xf32, #tpu.memory_space<hbm>> -> memref<80x16xf32, #tpu.memory_space<hbm>>
      %dma_start3A_378 = tpu.memref_slice %arg14[%dma_start3A_372] : memref<5x!tpu.dma_semaphore, #tpu.memory_space<semaphore_mem>> -> memref<1x!tpu.dma_semaphore, #tpu.memory_space<semaphore_mem>>
      %dma_start3A_379 = tpu.memref_squeeze %dma_start3A_378 : memref<1x!tpu.dma_semaphore, #tpu.memory_space<semaphore_mem>> -> memref<!tpu.dma_semaphore, #tpu.memory_space<semaphore_mem>>
      %dma_start3A_380 = arith.constant 16 : i32
      %dma_start3A_381 = tpu.memref_slice %arg5[%add3A_334, %dma_start3A_380] : memref<320000x32xf32, #tpu.memory_space<hbm>> -> memref<80x16xf32, #tpu.memory_space<hbm>>
      %dma_start3A_382 = arith.constant 240 : i32
      %dma_start3A_383 = arith.constant 0 : i32
      %dma_start3A_384 = tpu.memref_slice %arg9[%dma_start3A_382, %dma_start3A_383] : memref<400x16xf32, #tpu.memory_space<vmem>> -> memref<80x16xf32, #tpu.memory_space<vmem>>
      tpu.enqueue_dma source(%dma_start3A_384 : memref<80x16xf32, #tpu.memory_space<vmem>>) target(%dma_start3A_381 : memref<80x16xf32, #tpu.memory_space<hbm>>) target_semaphore(%dma_start3A_379 : memref<!tpu.dma_semaphore, #tpu.memory_space<semaphore_mem>>)
      %mul3A_385 = arith.constant 10000 : i32
      %mul3A_386 = arith.muli %add3A, %mul3A_385 : i32
      %mul3A_387 = arith.constant 5 : i32
      %mul3A_388 = arith.muli %scan3A_10, %mul3A_387 : i32
      %add3A_389 = arith.constant 4 : i32
      %add3A_390 = arith.addi %mul3A_388, %add3A_389 : i32
      %mul3A_391 = arith.constant 80 : i32
      %mul3A_392 = arith.muli %add3A_390, %mul3A_391 : i32
      %add3A_393 = arith.addi %mul3A_386, %mul3A_392 : i32
      %dma_wait3A_394 = arith.constant 4 : i32
      %dma_wait3A_395 = arith.constant 320 : i32
      %dma_wait3A_396 = arith.constant 0 : i32
      %dma_wait3A_397 = tpu.memref_slice %arg8[%dma_wait3A_395, %dma_wait3A_396] : memref<400x16xf32, #tpu.memory_space<vmem>> -> memref<80x16xf32, #tpu.memory_space<vmem>>
      %dma_wait3A_398 = arith.constant 0 : i32
      %dma_wait3A_399 = tpu.memref_slice %arg6[%add3A_125, %dma_wait3A_398] : memref<125x80xi32, #tpu.memory_space<vmem>> -> memref<1x80xi32, #tpu.memory_space<vmem>>
      %dma_wait3A_400 = tpu.memref_squeeze %dma_wait3A_399 : memref<1x80xi32, #tpu.memory_space<vmem>> -> memref<80xi32, #tpu.memory_space<vmem>>
      %dma_wait3A_401 = arith.constant 0 : i32
      %dma_wait3A_402 = arith.constant 0 : i32
      %dma_wait3A_403 = tpu.memref_slice %arg10[%dma_wait3A_401, %dma_wait3A_402] : memref<10000x16xf32, #tpu.memory_space<vmem_shared>> -> memref<10000x16xf32, #tpu.memory_space<vmem_shared>>
      %dma_wait3A_404 = tpu.memref_slice %arg11[%dma_wait3A_394] : memref<5x!tpu.dma_semaphore, #tpu.memory_space<semaphore_mem>> -> memref<1x!tpu.dma_semaphore, #tpu.memory_space<semaphore_mem>>
      %dma_wait3A_405 = tpu.memref_squeeze %dma_wait3A_404 : memref<1x!tpu.dma_semaphore, #tpu.memory_space<semaphore_mem>> -> memref<!tpu.dma_semaphore, #tpu.memory_space<semaphore_mem>>
      tpu.wait_indirect_dma semaphore(%dma_wait3A_405 : memref<!tpu.dma_semaphore, #tpu.memory_space<semaphore_mem>>) src(%dma_wait3A_403 : memref<10000x16xf32, #tpu.memory_space<vmem_shared>>) dst(%dma_wait3A_397 : memref<80x16xf32, #tpu.memory_space<vmem>>)
      %dma_start3A_406 = arith.constant 4 : i32
      %dma_start3A_407 = arith.constant 320 : i32
      %dma_start3A_408 = arith.constant 0 : i32
      %dma_start3A_409 = tpu.memref_slice %arg8[%dma_start3A_407, %dma_start3A_408] : memref<400x16xf32, #tpu.memory_space<vmem>> -> memref<80x16xf32, #tpu.memory_space<vmem>>
      %dma_start3A_410 = arith.constant 0 : i32
      %dma_start3A_411 = tpu.memref_slice %arg5[%add3A_393, %dma_start3A_410] : memref<320000x32xf32, #tpu.memory_space<hbm>> -> memref<80x16xf32, #tpu.memory_space<hbm>>
      %dma_start3A_412 = tpu.memref_slice %arg13[%dma_start3A_406] : memref<5x!tpu.dma_semaphore, #tpu.memory_space<semaphore_mem>> -> memref<1x!tpu.dma_semaphore, #tpu.memory_space<semaphore_mem>>
      %dma_start3A_413 = tpu.memref_squeeze %dma_start3A_412 : memref<1x!tpu.dma_semaphore, #tpu.memory_space<semaphore_mem>> -> memref<!tpu.dma_semaphore, #tpu.memory_space<semaphore_mem>>
      %dma_start3A_414 = arith.constant 0 : i32
      %dma_start3A_415 = tpu.memref_slice %arg5[%add3A_393, %dma_start3A_414] : memref<320000x32xf32, #tpu.memory_space<hbm>> -> memref<80x16xf32, #tpu.memory_space<hbm>>
      %dma_start3A_416 = arith.constant 320 : i32
      %dma_start3A_417 = arith.constant 0 : i32
      %dma_start3A_418 = tpu.memref_slice %arg8[%dma_start3A_416, %dma_start3A_417] : memref<400x16xf32, #tpu.memory_space<vmem>> -> memref<80x16xf32, #tpu.memory_space<vmem>>
      tpu.enqueue_dma source(%dma_start3A_418 : memref<80x16xf32, #tpu.memory_space<vmem>>) target(%dma_start3A_415 : memref<80x16xf32, #tpu.memory_space<hbm>>) target_semaphore(%dma_start3A_413 : memref<!tpu.dma_semaphore, #tpu.memory_space<semaphore_mem>>)
      %dma_wait3A_419 = arith.constant 4 : i32
      %dma_wait3A_420 = arith.constant 320 : i32
      %dma_wait3A_421 = arith.constant 0 : i32
      %dma_wait3A_422 = tpu.memref_slice %arg9[%dma_wait3A_420, %dma_wait3A_421] : memref<400x16xf32, #tpu.memory_space<vmem>> -> memref<80x16xf32, #tpu.memory_space<vmem>>
      %dma_wait3A_423 = arith.constant 0 : i32
      %dma_wait3A_424 = tpu.memref_slice %arg7[%add3A_125, %dma_wait3A_423] : memref<125x80xi32, #tpu.memory_space<vmem>> -> memref<1x80xi32, #tpu.memory_space<vmem>>
      %dma_wait3A_425 = tpu.memref_squeeze %dma_wait3A_424 : memref<1x80xi32, #tpu.memory_space<vmem>> -> memref<80xi32, #tpu.memory_space<vmem>>
      %dma_wait3A_426 = arith.constant 0 : i32
      %dma_wait3A_427 = arith.constant 0 : i32
      %dma_wait3A_428 = tpu.memref_slice %arg10[%dma_wait3A_426, %dma_wait3A_427] : memref<10000x16xf32, #tpu.memory_space<vmem_shared>> -> memref<10000x16xf32, #tpu.memory_space<vmem_shared>>
      %dma_wait3A_429 = tpu.memref_slice %arg12[%dma_wait3A_419] : memref<5x!tpu.dma_semaphore, #tpu.memory_space<semaphore_mem>> -> memref<1x!tpu.dma_semaphore, #tpu.memory_space<semaphore_mem>>
      %dma_wait3A_430 = tpu.memref_squeeze %dma_wait3A_429 : memref<1x!tpu.dma_semaphore, #tpu.memory_space<semaphore_mem>> -> memref<!tpu.dma_semaphore, #tpu.memory_space<semaphore_mem>>
      tpu.wait_indirect_dma semaphore(%dma_wait3A_430 : memref<!tpu.dma_semaphore, #tpu.memory_space<semaphore_mem>>) src(%dma_wait3A_428 : memref<10000x16xf32, #tpu.memory_space<vmem_shared>>) dst(%dma_wait3A_422 : memref<80x16xf32, #tpu.memory_space<vmem>>)
      %dma_start3A_431 = arith.constant 4 : i32
      %dma_start3A_432 = arith.constant 320 : i32
      %dma_start3A_433 = arith.constant 0 : i32
      %dma_start3A_434 = tpu.memref_slice %arg9[%dma_start3A_432, %dma_start3A_433] : memref<400x16xf32, #tpu.memory_space<vmem>> -> memref<80x16xf32, #tpu.memory_space<vmem>>
      %dma_start3A_435 = arith.constant 16 : i32
      %dma_start3A_436 = tpu.memref_slice %arg5[%add3A_393, %dma_start3A_435] : memref<320000x32xf32, #tpu.memory_space<hbm>> -> memref<80x16xf32, #tpu.memory_space<hbm>>
      %dma_start3A_437 = tpu.memref_slice %arg14[%dma_start3A_431] : memref<5x!tpu.dma_semaphore, #tpu.memory_space<semaphore_mem>> -> memref<1x!tpu.dma_semaphore, #tpu.memory_space<semaphore_mem>>
      %dma_start3A_438 = tpu.memref_squeeze %dma_start3A_437 : memref<1x!tpu.dma_semaphore, #tpu.memory_space<semaphore_mem>> -> memref<!tpu.dma_semaphore, #tpu.memory_space<semaphore_mem>>
      %dma_start3A_439 = arith.constant 16 : i32
      %dma_start3A_440 = tpu.memref_slice %arg5[%add3A_393, %dma_start3A_439] : memref<320000x32xf32, #tpu.memory_space<hbm>> -> memref<80x16xf32, #tpu.memory_space<hbm>>
      %dma_start3A_441 = arith.constant 320 : i32
      %dma_start3A_442 = arith.constant 0 : i32
      %dma_start3A_443 = tpu.memref_slice %arg9[%dma_start3A_441, %dma_start3A_442] : memref<400x16xf32, #tpu.memory_space<vmem>> -> memref<80x16xf32, #tpu.memory_space<vmem>>
      tpu.enqueue_dma source(%dma_start3A_443 : memref<80x16xf32, #tpu.memory_space<vmem>>) target(%dma_start3A_440 : memref<80x16xf32, #tpu.memory_space<hbm>>) target_semaphore(%dma_start3A_438 : memref<!tpu.dma_semaphore, #tpu.memory_space<semaphore_mem>>)
      %dma_wait3A_444 = arith.constant 0 : i32
      %dma_wait3A_445 = arith.constant 0 : i32
      %dma_wait3A_446 = arith.constant 0 : i32
      %dma_wait3A_447 = tpu.memref_slice %arg8[%dma_wait3A_445, %dma_wait3A_446] : memref<400x16xf32, #tpu.memory_space<vmem>> -> memref<80x16xf32, #tpu.memory_space<vmem>>
      %dma_wait3A_448 = arith.constant 0 : i32
      %dma_wait3A_449 = tpu.memref_slice %arg5[%add3A_158, %dma_wait3A_448] : memref<320000x32xf32, #tpu.memory_space<hbm>> -> memref<80x16xf32, #tpu.memory_space<hbm>>
      %dma_wait3A_450 = tpu.memref_slice %arg13[%dma_wait3A_444] : memref<5x!tpu.dma_semaphore, #tpu.memory_space<semaphore_mem>> -> memref<1x!tpu.dma_semaphore, #tpu.memory_space<semaphore_mem>>
      %dma_wait3A_451 = tpu.memref_squeeze %dma_wait3A_450 : memref<1x!tpu.dma_semaphore, #tpu.memory_space<semaphore_mem>> -> memref<!tpu.dma_semaphore, #tpu.memory_space<semaphore_mem>>
      %dma_wait3A_452 = arith.constant 0 : i32
      %dma_wait3A_453 = tpu.memref_slice %arg5[%add3A_158, %dma_wait3A_452] : memref<320000x32xf32, #tpu.memory_space<hbm>> -> memref<80x16xf32, #tpu.memory_space<hbm>>
      %dma_wait3A_454 = arith.constant 0 : i32
      %dma_wait3A_455 = arith.constant 0 : i32
      %dma_wait3A_456 = tpu.memref_slice %arg8[%dma_wait3A_454, %dma_wait3A_455] : memref<400x16xf32, #tpu.memory_space<vmem>> -> memref<80x16xf32, #tpu.memory_space<vmem>>
      tpu.wait_dma2 semaphore(%dma_wait3A_451 : memref<!tpu.dma_semaphore, #tpu.memory_space<semaphore_mem>>) src(%dma_wait3A_456 : memref<80x16xf32, #tpu.memory_space<vmem>>) dst(%dma_wait3A_453 : memref<80x16xf32, #tpu.memory_space<hbm>>)
      %dma_wait3A_457 = arith.constant 0 : i32
      %dma_wait3A_458 = arith.constant 0 : i32
      %dma_wait3A_459 = arith.constant 0 : i32
      %dma_wait3A_460 = tpu.memref_slice %arg9[%dma_wait3A_458, %dma_wait3A_459] : memref<400x16xf32, #tpu.memory_space<vmem>> -> memref<80x16xf32, #tpu.memory_space<vmem>>
      %dma_wait3A_461 = arith.constant 16 : i32
      %dma_wait3A_462 = tpu.memref_slice %arg5[%add3A_158, %dma_wait3A_461] : memref<320000x32xf32, #tpu.memory_space<hbm>> -> memref<80x16xf32, #tpu.memory_space<hbm>>
      %dma_wait3A_463 = tpu.memref_slice %arg14[%dma_wait3A_457] : memref<5x!tpu.dma_semaphore, #tpu.memory_space<semaphore_mem>> -> memref<1x!tpu.dma_semaphore, #tpu.memory_space<semaphore_mem>>
      %dma_wait3A_464 = tpu.memref_squeeze %dma_wait3A_463 : memref<1x!tpu.dma_semaphore, #tpu.memory_space<semaphore_mem>> -> memref<!tpu.dma_semaphore, #tpu.memory_space<semaphore_mem>>
      %dma_wait3A_465 = arith.constant 16 : i32
      %dma_wait3A_466 = tpu.memref_slice %arg5[%add3A_158, %dma_wait3A_465] : memref<320000x32xf32, #tpu.memory_space<hbm>> -> memref<80x16xf32, #tpu.memory_space<hbm>>
      %dma_wait3A_467 = arith.constant 0 : i32
      %dma_wait3A_468 = arith.constant 0 : i32
      %dma_wait3A_469 = tpu.memref_slice %arg9[%dma_wait3A_467, %dma_wait3A_468] : memref<400x16xf32, #tpu.memory_space<vmem>> -> memref<80x16xf32, #tpu.memory_space<vmem>>
      tpu.wait_dma2 semaphore(%dma_wait3A_464 : memref<!tpu.dma_semaphore, #tpu.memory_space<semaphore_mem>>) src(%dma_wait3A_469 : memref<80x16xf32, #tpu.memory_space<vmem>>) dst(%dma_wait3A_466 : memref<80x16xf32, #tpu.memory_space<hbm>>)
      %dma_wait3A_470 = arith.constant 1 : i32
      %dma_wait3A_471 = arith.constant 80 : i32
      %dma_wait3A_472 = arith.constant 0 : i32
      %dma_wait3A_473 = tpu.memref_slice %arg8[%dma_wait3A_471, %dma_wait3A_472] : memref<400x16xf32, #tpu.memory_space<vmem>> -> memref<80x16xf32, #tpu.memory_space<vmem>>
      %dma_wait3A_474 = arith.constant 0 : i32
      %dma_wait3A_475 = tpu.memref_slice %arg5[%add3A_216, %dma_wait3A_474] : memref<320000x32xf32, #tpu.memory_space<hbm>> -> memref<80x16xf32, #tpu.memory_space<hbm>>
      %dma_wait3A_476 = tpu.memref_slice %arg13[%dma_wait3A_470] : memref<5x!tpu.dma_semaphore, #tpu.memory_space<semaphore_mem>> -> memref<1x!tpu.dma_semaphore, #tpu.memory_space<semaphore_mem>>
      %dma_wait3A_477 = tpu.memref_squeeze %dma_wait3A_476 : memref<1x!tpu.dma_semaphore, #tpu.memory_space<semaphore_mem>> -> memref<!tpu.dma_semaphore, #tpu.memory_space<semaphore_mem>>
      %dma_wait3A_478 = arith.constant 0 : i32
      %dma_wait3A_479 = tpu.memref_slice %arg5[%add3A_216, %dma_wait3A_478] : memref<320000x32xf32, #tpu.memory_space<hbm>> -> memref<80x16xf32, #tpu.memory_space<hbm>>
      %dma_wait3A_480 = arith.constant 80 : i32
      %dma_wait3A_481 = arith.constant 0 : i32
      %dma_wait3A_482 = tpu.memref_slice %arg8[%dma_wait3A_480, %dma_wait3A_481] : memref<400x16xf32, #tpu.memory_space<vmem>> -> memref<80x16xf32, #tpu.memory_space<vmem>>
      tpu.wait_dma2 semaphore(%dma_wait3A_477 : memref<!tpu.dma_semaphore, #tpu.memory_space<semaphore_mem>>) src(%dma_wait3A_482 : memref<80x16xf32, #tpu.memory_space<vmem>>) dst(%dma_wait3A_479 : memref<80x16xf32, #tpu.memory_space<hbm>>)
      %dma_wait3A_483 = arith.constant 1 : i32
      %dma_wait3A_484 = arith.constant 80 : i32
      %dma_wait3A_485 = arith.constant 0 : i32
      %dma_wait3A_486 = tpu.memref_slice %arg9[%dma_wait3A_484, %dma_wait3A_485] : memref<400x16xf32, #tpu.memory_space<vmem>> -> memref<80x16xf32, #tpu.memory_space<vmem>>
      %dma_wait3A_487 = arith.constant 16 : i32
      %dma_wait3A_488 = tpu.memref_slice %arg5[%add3A_216, %dma_wait3A_487] : memref<320000x32xf32, #tpu.memory_space<hbm>> -> memref<80x16xf32, #tpu.memory_space<hbm>>
      %dma_wait3A_489 = tpu.memref_slice %arg14[%dma_wait3A_483] : memref<5x!tpu.dma_semaphore, #tpu.memory_space<semaphore_mem>> -> memref<1x!tpu.dma_semaphore, #tpu.memory_space<semaphore_mem>>
      %dma_wait3A_490 = tpu.memref_squeeze %dma_wait3A_489 : memref<1x!tpu.dma_semaphore, #tpu.memory_space<semaphore_mem>> -> memref<!tpu.dma_semaphore, #tpu.memory_space<semaphore_mem>>
      %dma_wait3A_491 = arith.constant 16 : i32
      %dma_wait3A_492 = tpu.memref_slice %arg5[%add3A_216, %dma_wait3A_491] : memref<320000x32xf32, #tpu.memory_space<hbm>> -> memref<80x16xf32, #tpu.memory_space<hbm>>
      %dma_wait3A_493 = arith.constant 80 : i32
      %dma_wait3A_494 = arith.constant 0 : i32
      %dma_wait3A_495 = tpu.memref_slice %arg9[%dma_wait3A_493, %dma_wait3A_494] : memref<400x16xf32, #tpu.memory_space<vmem>> -> memref<80x16xf32, #tpu.memory_space<vmem>>
      tpu.wait_dma2 semaphore(%dma_wait3A_490 : memref<!tpu.dma_semaphore, #tpu.memory_space<semaphore_mem>>) src(%dma_wait3A_495 : memref<80x16xf32, #tpu.memory_space<vmem>>) dst(%dma_wait3A_492 : memref<80x16xf32, #tpu.memory_space<hbm>>)
      %dma_wait3A_496 = arith.constant 2 : i32
      %dma_wait3A_497 = arith.constant 160 : i32
      %dma_wait3A_498 = arith.constant 0 : i32
      %dma_wait3A_499 = tpu.memref_slice %arg8[%dma_wait3A_497, %dma_wait3A_498] : memref<400x16xf32, #tpu.memory_space<vmem>> -> memref<80x16xf32, #tpu.memory_space<vmem>>
      %dma_wait3A_500 = arith.constant 0 : i32
      %dma_wait3A_501 = tpu.memref_slice %arg5[%add3A_275, %dma_wait3A_500] : memref<320000x32xf32, #tpu.memory_space<hbm>> -> memref<80x16xf32, #tpu.memory_space<hbm>>
      %dma_wait3A_502 = tpu.memref_slice %arg13[%dma_wait3A_496] : memref<5x!tpu.dma_semaphore, #tpu.memory_space<semaphore_mem>> -> memref<1x!tpu.dma_semaphore, #tpu.memory_space<semaphore_mem>>
      %dma_wait3A_503 = tpu.memref_squeeze %dma_wait3A_502 : memref<1x!tpu.dma_semaphore, #tpu.memory_space<semaphore_mem>> -> memref<!tpu.dma_semaphore, #tpu.memory_space<semaphore_mem>>
      %dma_wait3A_504 = arith.constant 0 : i32
      %dma_wait3A_505 = tpu.memref_slice %arg5[%add3A_275, %dma_wait3A_504] : memref<320000x32xf32, #tpu.memory_space<hbm>> -> memref<80x16xf32, #tpu.memory_space<hbm>>
      %dma_wait3A_506 = arith.constant 160 : i32
      %dma_wait3A_507 = arith.constant 0 : i32
      %dma_wait3A_508 = tpu.memref_slice %arg8[%dma_wait3A_506, %dma_wait3A_507] : memref<400x16xf32, #tpu.memory_space<vmem>> -> memref<80x16xf32, #tpu.memory_space<vmem>>
      tpu.wait_dma2 semaphore(%dma_wait3A_503 : memref<!tpu.dma_semaphore, #tpu.memory_space<semaphore_mem>>) src(%dma_wait3A_508 : memref<80x16xf32, #tpu.memory_space<vmem>>) dst(%dma_wait3A_505 : memref<80x16xf32, #tpu.memory_space<hbm>>)
      %dma_wait3A_509 = arith.constant 2 : i32
      %dma_wait3A_510 = arith.constant 160 : i32
      %dma_wait3A_511 = arith.constant 0 : i32
      %dma_wait3A_512 = tpu.memref_slice %arg9[%dma_wait3A_510, %dma_wait3A_511] : memref<400x16xf32, #tpu.memory_space<vmem>> -> memref<80x16xf32, #tpu.memory_space<vmem>>
      %dma_wait3A_513 = arith.constant 16 : i32
      %dma_wait3A_514 = tpu.memref_slice %arg5[%add3A_275, %dma_wait3A_513] : memref<320000x32xf32, #tpu.memory_space<hbm>> -> memref<80x16xf32, #tpu.memory_space<hbm>>
      %dma_wait3A_515 = tpu.memref_slice %arg14[%dma_wait3A_509] : memref<5x!tpu.dma_semaphore, #tpu.memory_space<semaphore_mem>> -> memref<1x!tpu.dma_semaphore, #tpu.memory_space<semaphore_mem>>
      %dma_wait3A_516 = tpu.memref_squeeze %dma_wait3A_515 : memref<1x!tpu.dma_semaphore, #tpu.memory_space<semaphore_mem>> -> memref<!tpu.dma_semaphore, #tpu.memory_space<semaphore_mem>>
      %dma_wait3A_517 = arith.constant 16 : i32
      %dma_wait3A_518 = tpu.memref_slice %arg5[%add3A_275, %dma_wait3A_517] : memref<320000x32xf32, #tpu.memory_space<hbm>> -> memref<80x16xf32, #tpu.memory_space<hbm>>
      %dma_wait3A_519 = arith.constant 160 : i32
      %dma_wait3A_520 = arith.constant 0 : i32
      %dma_wait3A_521 = tpu.memref_slice %arg9[%dma_wait3A_519, %dma_wait3A_520] : memref<400x16xf32, #tpu.memory_space<vmem>> -> memref<80x16xf32, #tpu.memory_space<vmem>>
      tpu.wait_dma2 semaphore(%dma_wait3A_516 : memref<!tpu.dma_semaphore, #tpu.memory_space<semaphore_mem>>) src(%dma_wait3A_521 : memref<80x16xf32, #tpu.memory_space<vmem>>) dst(%dma_wait3A_518 : memref<80x16xf32, #tpu.memory_space<hbm>>)
      %dma_wait3A_522 = arith.constant 3 : i32
      %dma_wait3A_523 = arith.constant 240 : i32
      %dma_wait3A_524 = arith.constant 0 : i32
      %dma_wait3A_525 = tpu.memref_slice %arg8[%dma_wait3A_523, %dma_wait3A_524] : memref<400x16xf32, #tpu.memory_space<vmem>> -> memref<80x16xf32, #tpu.memory_space<vmem>>
      %dma_wait3A_526 = arith.constant 0 : i32
      %dma_wait3A_527 = tpu.memref_slice %arg5[%add3A_334, %dma_wait3A_526] : memref<320000x32xf32, #tpu.memory_space<hbm>> -> memref<80x16xf32, #tpu.memory_space<hbm>>
      %dma_wait3A_528 = tpu.memref_slice %arg13[%dma_wait3A_522] : memref<5x!tpu.dma_semaphore, #tpu.memory_space<semaphore_mem>> -> memref<1x!tpu.dma_semaphore, #tpu.memory_space<semaphore_mem>>
      %dma_wait3A_529 = tpu.memref_squeeze %dma_wait3A_528 : memref<1x!tpu.dma_semaphore, #tpu.memory_space<semaphore_mem>> -> memref<!tpu.dma_semaphore, #tpu.memory_space<semaphore_mem>>
      %dma_wait3A_530 = arith.constant 0 : i32
      %dma_wait3A_531 = tpu.memref_slice %arg5[%add3A_334, %dma_wait3A_530] : memref<320000x32xf32, #tpu.memory_space<hbm>> -> memref<80x16xf32, #tpu.memory_space<hbm>>
      %dma_wait3A_532 = arith.constant 240 : i32
      %dma_wait3A_533 = arith.constant 0 : i32
      %dma_wait3A_534 = tpu.memref_slice %arg8[%dma_wait3A_532, %dma_wait3A_533] : memref<400x16xf32, #tpu.memory_space<vmem>> -> memref<80x16xf32, #tpu.memory_space<vmem>>
      tpu.wait_dma2 semaphore(%dma_wait3A_529 : memref<!tpu.dma_semaphore, #tpu.memory_space<semaphore_mem>>) src(%dma_wait3A_534 : memref<80x16xf32, #tpu.memory_space<vmem>>) dst(%dma_wait3A_531 : memref<80x16xf32, #tpu.memory_space<hbm>>)
      %dma_wait3A_535 = arith.constant 3 : i32
      %dma_wait3A_536 = arith.constant 240 : i32
      %dma_wait3A_537 = arith.constant 0 : i32
      %dma_wait3A_538 = tpu.memref_slice %arg9[%dma_wait3A_536, %dma_wait3A_537] : memref<400x16xf32, #tpu.memory_space<vmem>> -> memref<80x16xf32, #tpu.memory_space<vmem>>
      %dma_wait3A_539 = arith.constant 16 : i32
      %dma_wait3A_540 = tpu.memref_slice %arg5[%add3A_334, %dma_wait3A_539] : memref<320000x32xf32, #tpu.memory_space<hbm>> -> memref<80x16xf32, #tpu.memory_space<hbm>>
      %dma_wait3A_541 = tpu.memref_slice %arg14[%dma_wait3A_535] : memref<5x!tpu.dma_semaphore, #tpu.memory_space<semaphore_mem>> -> memref<1x!tpu.dma_semaphore, #tpu.memory_space<semaphore_mem>>
      %dma_wait3A_542 = tpu.memref_squeeze %dma_wait3A_541 : memref<1x!tpu.dma_semaphore, #tpu.memory_space<semaphore_mem>> -> memref<!tpu.dma_semaphore, #tpu.memory_space<semaphore_mem>>
      %dma_wait3A_543 = arith.constant 16 : i32
      %dma_wait3A_544 = tpu.memref_slice %arg5[%add3A_334, %dma_wait3A_543] : memref<320000x32xf32, #tpu.memory_space<hbm>> -> memref<80x16xf32, #tpu.memory_space<hbm>>
      %dma_wait3A_545 = arith.constant 240 : i32
      %dma_wait3A_546 = arith.constant 0 : i32
      %dma_wait3A_547 = tpu.memref_slice %arg9[%dma_wait3A_545, %dma_wait3A_546] : memref<400x16xf32, #tpu.memory_space<vmem>> -> memref<80x16xf32, #tpu.memory_space<vmem>>
      tpu.wait_dma2 semaphore(%dma_wait3A_542 : memref<!tpu.dma_semaphore, #tpu.memory_space<semaphore_mem>>) src(%dma_wait3A_547 : memref<80x16xf32, #tpu.memory_space<vmem>>) dst(%dma_wait3A_544 : memref<80x16xf32, #tpu.memory_space<hbm>>)
      %dma_wait3A_548 = arith.constant 4 : i32
      %dma_wait3A_549 = arith.constant 320 : i32
      %dma_wait3A_550 = arith.constant 0 : i32
      %dma_wait3A_551 = tpu.memref_slice %arg8[%dma_wait3A_549, %dma_wait3A_550] : memref<400x16xf32, #tpu.memory_space<vmem>> -> memref<80x16xf32, #tpu.memory_space<vmem>>
      %dma_wait3A_552 = arith.constant 0 : i32
      %dma_wait3A_553 = tpu.memref_slice %arg5[%add3A_393, %dma_wait3A_552] : memref<320000x32xf32, #tpu.memory_space<hbm>> -> memref<80x16xf32, #tpu.memory_space<hbm>>
      %dma_wait3A_554 = tpu.memref_slice %arg13[%dma_wait3A_548] : memref<5x!tpu.dma_semaphore, #tpu.memory_space<semaphore_mem>> -> memref<1x!tpu.dma_semaphore, #tpu.memory_space<semaphore_mem>>
      %dma_wait3A_555 = tpu.memref_squeeze %dma_wait3A_554 : memref<1x!tpu.dma_semaphore, #tpu.memory_space<semaphore_mem>> -> memref<!tpu.dma_semaphore, #tpu.memory_space<semaphore_mem>>
      %dma_wait3A_556 = arith.constant 0 : i32
      %dma_wait3A_557 = tpu.memref_slice %arg5[%add3A_393, %dma_wait3A_556] : memref<320000x32xf32, #tpu.memory_space<hbm>> -> memref<80x16xf32, #tpu.memory_space<hbm>>
      %dma_wait3A_558 = arith.constant 320 : i32
      %dma_wait3A_559 = arith.constant 0 : i32
      %dma_wait3A_560 = tpu.memref_slice %arg8[%dma_wait3A_558, %dma_wait3A_559] : memref<400x16xf32, #tpu.memory_space<vmem>> -> memref<80x16xf32, #tpu.memory_space<vmem>>
      tpu.wait_dma2 semaphore(%dma_wait3A_555 : memref<!tpu.dma_semaphore, #tpu.memory_space<semaphore_mem>>) src(%dma_wait3A_560 : memref<80x16xf32, #tpu.memory_space<vmem>>) dst(%dma_wait3A_557 : memref<80x16xf32, #tpu.memory_space<hbm>>)
      %dma_wait3A_561 = arith.constant 4 : i32
      %dma_wait3A_562 = arith.constant 320 : i32
      %dma_wait3A_563 = arith.constant 0 : i32
      %dma_wait3A_564 = tpu.memref_slice %arg9[%dma_wait3A_562, %dma_wait3A_563] : memref<400x16xf32, #tpu.memory_space<vmem>> -> memref<80x16xf32, #tpu.memory_space<vmem>>
      %dma_wait3A_565 = arith.constant 16 : i32
      %dma_wait3A_566 = tpu.memref_slice %arg5[%add3A_393, %dma_wait3A_565] : memref<320000x32xf32, #tpu.memory_space<hbm>> -> memref<80x16xf32, #tpu.memory_space<hbm>>
      %dma_wait3A_567 = tpu.memref_slice %arg14[%dma_wait3A_561] : memref<5x!tpu.dma_semaphore, #tpu.memory_space<semaphore_mem>> -> memref<1x!tpu.dma_semaphore, #tpu.memory_space<semaphore_mem>>
      %dma_wait3A_568 = tpu.memref_squeeze %dma_wait3A_567 : memref<1x!tpu.dma_semaphore, #tpu.memory_space<semaphore_mem>> -> memref<!tpu.dma_semaphore, #tpu.memory_space<semaphore_mem>>
      %dma_wait3A_569 = arith.constant 16 : i32
      %dma_wait3A_570 = tpu.memref_slice %arg5[%add3A_393, %dma_wait3A_569] : memref<320000x32xf32, #tpu.memory_space<hbm>> -> memref<80x16xf32, #tpu.memory_space<hbm>>
      %dma_wait3A_571 = arith.constant 320 : i32
      %dma_wait3A_572 = arith.constant 0 : i32
      %dma_wait3A_573 = tpu.memref_slice %arg9[%dma_wait3A_571, %dma_wait3A_572] : memref<400x16xf32, #tpu.memory_space<vmem>> -> memref<80x16xf32, #tpu.memory_space<vmem>>
      tpu.wait_dma2 semaphore(%dma_wait3A_568 : memref<!tpu.dma_semaphore, #tpu.memory_space<semaphore_mem>>) src(%dma_wait3A_573 : memref<80x16xf32, #tpu.memory_space<vmem>>) dst(%dma_wait3A_570 : memref<80x16xf32, #tpu.memory_space<hbm>>)
    }
    %scan3A_9 = arith.constant 25 : i32
    return
  }
}

module attributes {stable_mosaic.version = 14 : i64} {
  func.func @body(%arg0: i32, %arg1: memref<2000x128xf32, #tpu.memory_space<vmem>>, %arg2: memref<128x16xf32, #tpu.memory_space<vmem>>, %arg3: memref<2000x16xf32, #tpu.memory_space<vmem>>) attributes {dimension_semantics = [#tpu.dimension_semantics<arbitrary>], iteration_bounds = array<i64: 5>, scalar_prefetch = 0 : i64, scratch_operands = 0 : i64, tpu.core_type = #tpu.core_type<tc>, window_params = [{transform_indices = @transform_0, window_bounds = array<i64: 2000, 128>}, {pipeline_mode = #tpu.pipeline_mode<synchronous>, transform_indices = @transform_1, window_bounds = array<i64: 128, 16>}, {transform_indices = @transform_2, window_bounds = array<i64: 2000, 16>}]} {
    %get3A = arith.constant 0 : index
    %get3A_0 = arith.constant 0 : index
    %get3A_1 = vector.load %arg1[%get3A, %get3A_0] : memref<2000x128xf32, #tpu.memory_space<vmem>>, vector<2000x128xf32>
    %get3A_2 = arith.constant 0 : index
    %get3A_3 = arith.constant 0 : index
    %get3A_4 = vector.load %arg2[%get3A_2, %get3A_3] : memref<128x16xf32, #tpu.memory_space<vmem>>, vector<128x16xf32>
    %dot_general3A = arith.constant dense<0.000000e+00> : vector<2000x16xf32>
    %dot_general3A_5 = tpu.matmul %get3A_1, %get3A_4, %dot_general3A {dimension_numbers = #tpu.dot_dimension_numbers<[1], [0], [0], [1], [0, 0, 1, 1], [], []>, transpose_lhs_hint = false} : vector<2000x128xf32>, vector<128x16xf32>, vector<2000x16xf32> -> vector<2000x16xf32>
    %swap3A = arith.constant 0 : index
    %swap3A_6 = arith.constant 0 : index
    %swap3A_7 = vector.load %arg3[%swap3A, %swap3A_6] : memref<2000x16xf32, #tpu.memory_space<vmem>>, vector<2000x16xf32>
    tpu.vector_store %arg3[%swap3A, %swap3A_6], %dot_general3A_5 {strides = array<i32>} : memref<2000x16xf32, #tpu.memory_space<vmem>>, vector<2000x16xf32>,
    return
  }
  func.func @transform_0(%arg0: i32) -> (i32, i32) {
    %c0_i32 = arith.constant 0 : i32
    %c0_i32_0 = arith.constant 0 : i32
    return %arg0, %c0_i32 : i32, i32
  }
  func.func @transform_1(%arg0: i32) -> (i32, i32) {
    %c0_i32 = arith.constant 0 : i32
    %c0_i32_0 = arith.constant 0 : i32
    %c0_i32_1 = arith.constant 0 : i32
    return %c0_i32, %c0_i32_0 : i32, i32
  }
  func.func @transform_2(%arg0: i32) -> (i32, i32) {
    %c0_i32 = arith.constant 0 : i32
    %c0_i32_0 = arith.constant 0 : i32
    return %arg0, %c0_i32 : i32, i32
  }
}

module attributes {stable_mosaic.version = 14 : i64} {
  func.func @body(%arg0: i32, %arg1: memref<2000x16xf32, #tpu.memory_space<vmem>>, %arg2: memref<2x2000x16xf32, #tpu.memory_space<vmem>>, %arg3: memref<1x16xf32, #tpu.memory_space<vmem>>, %arg4: memref<16x16xf32, #tpu.memory_space<vmem>>, %arg5: memref<1x16xf32, #tpu.memory_space<vmem>>, %arg6: memref<16x16xf32, #tpu.memory_space<vmem>>, %arg7: memref<2000x16xf32, #tpu.memory_space<vmem>>) attributes {dimension_semantics = [#tpu.dimension_semantics<arbitrary>], iteration_bounds = array<i64: 5>, scalar_prefetch = 0 : i64, scratch_operands = 0 : i64, tpu.core_type = #tpu.core_type<tc>, window_params = [{transform_indices = @transform_0, window_bounds = array<i64: 2000, 16>}, {transform_indices = @transform_1, window_bounds = array<i64: 2, 2000, 16>}, {pipeline_mode = #tpu.pipeline_mode<synchronous>, transform_indices = @transform_2, window_bounds = array<i64: 1, 16>}, {pipeline_mode = #tpu.pipeline_mode<synchronous>, transform_indices = @transform_3, window_bounds = array<i64: 16, 16>}, {pipeline_mode = #tpu.pipeline_mode<synchronous>, transform_indices = @transform_4, window_bounds = array<i64: 1, 16>}, {pipeline_mode = #tpu.pipeline_mode<synchronous>, transform_indices = @transform_5, window_bounds = array<i64: 16, 16>}, {transform_indices = @transform_6, window_bounds = array<i64: 2000, 16>}]} {
    %get3A = arith.constant 0 : index
    %get3A_0 = arith.constant 0 : index
    %get3A_1 = vector.load %arg1[%get3A, %get3A_0] : memref<2000x16xf32, #tpu.memory_space<vmem>>, vector<2000x16xf32>
    %get3A_2 = arith.constant 0 : index
    %get3A_3 = arith.constant 0 : index
    %get3A_4 = arith.constant 0 : index
    %get3A_5 = vector.load %arg2[%get3A_2, %get3A_3, %get3A_4] : memref<2x2000x16xf32, #tpu.memory_space<vmem>>, vector<1x2000x16xf32>
    %get3A_6 = vector.shape_cast %get3A_5 : vector<1x2000x16xf32> to vector<2000x16xf32>
    %add3A = arith.addf %get3A_1, %get3A_6 : vector<2000x16xf32>
    %get3A_7 = arith.constant 1 : index
    %get3A_8 = arith.constant 0 : index
    %get3A_9 = arith.constant 0 : index
    %get3A_10 = vector.load %arg2[%get3A_7, %get3A_8, %get3A_9] : memref<2x2000x16xf32, #tpu.memory_space<vmem>>, vector<1x2000x16xf32>
    %get3A_11 = vector.shape_cast %get3A_10 : vector<1x2000x16xf32> to vector<2000x16xf32>
    %add3A_12 = arith.addf %add3A, %get3A_11 : vector<2000x16xf32>
    %get3A_13 = arith.constant 0 : index
    %get3A_14 = arith.constant 0 : index
    %get3A_15 = vector.load %arg3[%get3A_13, %get3A_14] : memref<1x16xf32, #tpu.memory_space<vmem>>, vector<1x16xf32>
    %add3A_16 = vector.broadcast %get3A_15 : vector<1x16xf32> to vector<2000x16xf32>
    %add3A_17 = arith.addf %add3A_12, %add3A_16 : vector<2000x16xf32>
    %max3A = arith.constant 0.000000e+00 : f32
    %max3A_18 = vector.broadcast %max3A : f32 to vector<2000x16xf32>
    %max3A_19 = arith.maximumf %add3A_17, %max3A_18 : vector<2000x16xf32>
    %get3A_20 = arith.constant 0 : index
    %get3A_21 = arith.constant 0 : index
    %get3A_22 = vector.load %arg4[%get3A_20, %get3A_21] : memref<16x16xf32, #tpu.memory_space<vmem>>, vector<16x16xf32>
    %dot_general3A = arith.constant dense<0.000000e+00> : vector<2000x16xf32>
    %dot_general3A_23 = tpu.matmul %max3A_19, %get3A_22, %dot_general3A {dimension_numbers = #tpu.dot_dimension_numbers<[1], [0], [0], [1], [0, 0, 1, 1], [], []>, transpose_lhs_hint = false} : vector<2000x16xf32>, vector<16x16xf32>, vector<2000x16xf32> -> vector<2000x16xf32>
    %get3A_24 = arith.constant 0 : index
    %get3A_25 = arith.constant 0 : index
    %get3A_26 = vector.load %arg5[%get3A_24, %get3A_25] : memref<1x16xf32, #tpu.memory_space<vmem>>, vector<1x16xf32>
    %add3A_27 = vector.broadcast %get3A_26 : vector<1x16xf32> to vector<2000x16xf32>
    %add3A_28 = arith.addf %dot_general3A_23, %add3A_27 : vector<2000x16xf32>
    %max3A_29 = arith.constant 0.000000e+00 : f32
    %max3A_30 = vector.broadcast %max3A_29 : f32 to vector<2000x16xf32>
    %max3A_31 = arith.maximumf %add3A_28, %max3A_30 : vector<2000x16xf32>
    %get3A_32 = arith.constant 0 : index
    %get3A_33 = arith.constant 0 : index
    %get3A_34 = vector.load %arg6[%get3A_32, %get3A_33] : memref<16x16xf32, #tpu.memory_space<vmem>>, vector<16x16xf32>
    %dot_general3A_35 = arith.constant dense<0.000000e+00> : vector<2000x16xf32>
    %dot_general3A_36 = tpu.matmul %max3A_31, %get3A_34, %dot_general3A_35 {dimension_numbers = #tpu.dot_dimension_numbers<[1], [0], [0], [1], [0, 0, 1, 1], [], []>, transpose_lhs_hint = false} : vector<2000x16xf32>, vector<16x16xf32>, vector<2000x16xf32> -> vector<2000x16xf32>
    %swap3A = arith.constant 0 : index
    %swap3A_37 = arith.constant 0 : index
    %swap3A_38 = vector.load %arg7[%swap3A, %swap3A_37] : memref<2000x16xf32, #tpu.memory_space<vmem>>, vector<2000x16xf32>
    tpu.vector_store %arg7[%swap3A, %swap3A_37], %dot_general3A_36 {strides = array<i32>} : memref<2000x16xf32, #tpu.memory_space<vmem>>, vector<2000x16xf32>,
    return
  }
  func.func @transform_0(%arg0: i32) -> (i32, i32) {
    %c0_i32 = arith.constant 0 : i32
    %c0_i32_0 = arith.constant 0 : i32
    return %arg0, %c0_i32 : i32, i32
  }
  func.func @transform_1(%arg0: i32) -> (i32, i32, i32) {
    %c0_i32 = arith.constant 0 : i32
    %c0_i32_0 = arith.constant 0 : i32
    %c0_i32_1 = arith.constant 0 : i32
    return %c0_i32, %arg0, %c0_i32_0 : i32, i32, i32
  }
  func.func @transform_2(%arg0: i32) -> (i32, i32) {
    %c0_i32 = arith.constant 0 : i32
    %c0_i32_0 = arith.constant 0 : i32
    %c0_i32_1 = arith.constant 0 : i32
    return %c0_i32, %c0_i32_0 : i32, i32
  }
  func.func @transform_3(%arg0: i32) -> (i32, i32) {
    %c0_i32 = arith.constant 0 : i32
    %c0_i32_0 = arith.constant 0 : i32
    %c0_i32_1 = arith.constant 0 : i32
    return %c0_i32, %c0_i32_0 : i32, i32
  }
  func.func @transform_4(%arg0: i32) -> (i32, i32) {
    %c0_i32 = arith.constant 0 : i32
    %c0_i32_0 = arith.constant 0 : i32
    %c0_i32_1 = arith.constant 0 : i32
    return %c0_i32, %c0_i32_0 : i32, i32
  }
  func.func @transform_5(%arg0: i32) -> (i32, i32) {
    %c0_i32 = arith.constant 0 : i32
    %c0_i32_0 = arith.constant 0 : i32
    %c0_i32_1 = arith.constant 0 : i32
    return %c0_i32, %c0_i32_0 : i32, i32
  }
  func.func @transform_6(%arg0: i32) -> (i32, i32) {
    %c0_i32 = arith.constant 0 : i32
    %c0_i32_0 = arith.constant 0 : i32
    return %arg0, %c0_i32 : i32, i32
  }
}

module attributes {stable_mosaic.version = 14 : i64} {
  func.func @body(%arg0: i32, %arg1: memref<2000x16xf32, #tpu.memory_space<vmem>>, %arg2: memref<2x2000x16xf32, #tpu.memory_space<vmem>>, %arg3: memref<1x16xf32, #tpu.memory_space<vmem>>, %arg4: memref<16x16xf32, #tpu.memory_space<vmem>>, %arg5: memref<1x16xf32, #tpu.memory_space<vmem>>, %arg6: memref<16x16xf32, #tpu.memory_space<vmem>>, %arg7: memref<1x16xf32, #tpu.memory_space<vmem>>, %arg8: memref<2000x16xf32, #tpu.memory_space<vmem>>) attributes {dimension_semantics = [#tpu.dimension_semantics<arbitrary>], iteration_bounds = array<i64: 5>, scalar_prefetch = 0 : i64, scratch_operands = 0 : i64, tpu.core_type = #tpu.core_type<tc>, window_params = [{transform_indices = @transform_0, window_bounds = array<i64: 2000, 16>}, {transform_indices = @transform_1, window_bounds = array<i64: 2, 2000, 16>}, {pipeline_mode = #tpu.pipeline_mode<synchronous>, transform_indices = @transform_2, window_bounds = array<i64: 1, 16>}, {pipeline_mode = #tpu.pipeline_mode<synchronous>, transform_indices = @transform_3, window_bounds = array<i64: 16, 16>}, {pipeline_mode = #tpu.pipeline_mode<synchronous>, transform_indices = @transform_4, window_bounds = array<i64: 1, 16>}, {pipeline_mode = #tpu.pipeline_mode<synchronous>, transform_indices = @transform_5, window_bounds = array<i64: 16, 16>}, {pipeline_mode = #tpu.pipeline_mode<synchronous>, transform_indices = @transform_6, window_bounds = array<i64: 1, 16>}, {transform_indices = @transform_7, window_bounds = array<i64: 2000, 16>}]} {
    %get3A = arith.constant 0 : index
    %get3A_0 = arith.constant 0 : index
    %get3A_1 = vector.load %arg1[%get3A, %get3A_0] : memref<2000x16xf32, #tpu.memory_space<vmem>>, vector<2000x16xf32>
    %get3A_2 = arith.constant 0 : index
    %get3A_3 = arith.constant 0 : index
    %get3A_4 = arith.constant 0 : index
    %get3A_5 = vector.load %arg2[%get3A_2, %get3A_3, %get3A_4] : memref<2x2000x16xf32, #tpu.memory_space<vmem>>, vector<1x2000x16xf32>
    %get3A_6 = vector.shape_cast %get3A_5 : vector<1x2000x16xf32> to vector<2000x16xf32>
    %add3A = arith.addf %get3A_1, %get3A_6 : vector<2000x16xf32>
    %get3A_7 = arith.constant 1 : index
    %get3A_8 = arith.constant 0 : index
    %get3A_9 = arith.constant 0 : index
    %get3A_10 = vector.load %arg2[%get3A_7, %get3A_8, %get3A_9] : memref<2x2000x16xf32, #tpu.memory_space<vmem>>, vector<1x2000x16xf32>
    %get3A_11 = vector.shape_cast %get3A_10 : vector<1x2000x16xf32> to vector<2000x16xf32>
    %add3A_12 = arith.addf %add3A, %get3A_11 : vector<2000x16xf32>
    %get3A_13 = arith.constant 0 : index
    %get3A_14 = arith.constant 0 : index
    %get3A_15 = vector.load %arg3[%get3A_13, %get3A_14] : memref<1x16xf32, #tpu.memory_space<vmem>>, vector<1x16xf32>
    %add3A_16 = vector.broadcast %get3A_15 : vector<1x16xf32> to vector<2000x16xf32>
    %add3A_17 = arith.addf %add3A_12, %add3A_16 : vector<2000x16xf32>
    %max3A = arith.constant 0.000000e+00 : f32
    %max3A_18 = vector.broadcast %max3A : f32 to vector<2000x16xf32>
    %max3A_19 = arith.maximumf %add3A_17, %max3A_18 : vector<2000x16xf32>
    %get3A_20 = arith.constant 0 : index
    %get3A_21 = arith.constant 0 : index
    %get3A_22 = vector.load %arg4[%get3A_20, %get3A_21] : memref<16x16xf32, #tpu.memory_space<vmem>>, vector<16x16xf32>
    %dot_general3A = arith.constant dense<0.000000e+00> : vector<2000x16xf32>
    %dot_general3A_23 = tpu.matmul %max3A_19, %get3A_22, %dot_general3A {dimension_numbers = #tpu.dot_dimension_numbers<[1], [0], [0], [1], [0, 0, 1, 1], [], []>, transpose_lhs_hint = false} : vector<2000x16xf32>, vector<16x16xf32>, vector<2000x16xf32> -> vector<2000x16xf32>
    %get3A_24 = arith.constant 0 : index
    %get3A_25 = arith.constant 0 : index
    %get3A_26 = vector.load %arg5[%get3A_24, %get3A_25] : memref<1x16xf32, #tpu.memory_space<vmem>>, vector<1x16xf32>
    %add3A_27 = vector.broadcast %get3A_26 : vector<1x16xf32> to vector<2000x16xf32>
    %add3A_28 = arith.addf %dot_general3A_23, %add3A_27 : vector<2000x16xf32>
    %max3A_29 = arith.constant 0.000000e+00 : f32
    %max3A_30 = vector.broadcast %max3A_29 : f32 to vector<2000x16xf32>
    %max3A_31 = arith.maximumf %add3A_28, %max3A_30 : vector<2000x16xf32>
    %get3A_32 = arith.constant 0 : index
    %get3A_33 = arith.constant 0 : index
    %get3A_34 = vector.load %arg6[%get3A_32, %get3A_33] : memref<16x16xf32, #tpu.memory_space<vmem>>, vector<16x16xf32>
    %dot_general3A_35 = arith.constant dense<0.000000e+00> : vector<2000x16xf32>
    %dot_general3A_36 = tpu.matmul %max3A_31, %get3A_34, %dot_general3A_35 {dimension_numbers = #tpu.dot_dimension_numbers<[1], [0], [0], [1], [0, 0, 1, 1], [], []>, transpose_lhs_hint = false} : vector<2000x16xf32>, vector<16x16xf32>, vector<2000x16xf32> -> vector<2000x16xf32>
    %get3A_37 = arith.constant 0 : index
    %get3A_38 = arith.constant 0 : index
    %get3A_39 = vector.load %arg7[%get3A_37, %get3A_38] : memref<1x16xf32, #tpu.memory_space<vmem>>, vector<1x16xf32>
    %add3A_40 = vector.broadcast %get3A_39 : vector<1x16xf32> to vector<2000x16xf32>
    %add3A_41 = arith.addf %dot_general3A_36, %add3A_40 : vector<2000x16xf32>
    %max3A_42 = arith.constant 0.000000e+00 : f32
    %max3A_43 = vector.broadcast %max3A_42 : f32 to vector<2000x16xf32>
    %max3A_44 = arith.maximumf %add3A_41, %max3A_43 : vector<2000x16xf32>
    %swap3A = arith.constant 0 : index
    %swap3A_45 = arith.constant 0 : index
    %swap3A_46 = vector.load %arg8[%swap3A, %swap3A_45] : memref<2000x16xf32, #tpu.memory_space<vmem>>, vector<2000x16xf32>
    tpu.vector_store %arg8[%swap3A, %swap3A_45], %max3A_44 {strides = array<i32>} : memref<2000x16xf32, #tpu.memory_space<vmem>>, vector<2000x16xf32>,
    return
  }
  func.func @transform_0(%arg0: i32) -> (i32, i32) {
    %c0_i32 = arith.constant 0 : i32
    %c0_i32_0 = arith.constant 0 : i32
    return %arg0, %c0_i32 : i32, i32
  }
  func.func @transform_1(%arg0: i32) -> (i32, i32, i32) {
    %c0_i32 = arith.constant 0 : i32
    %c0_i32_0 = arith.constant 0 : i32
    %c0_i32_1 = arith.constant 0 : i32
    return %c0_i32, %arg0, %c0_i32_0 : i32, i32, i32
  }
  func.func @transform_2(%arg0: i32) -> (i32, i32) {
    %c0_i32 = arith.constant 0 : i32
    %c0_i32_0 = arith.constant 0 : i32
    %c0_i32_1 = arith.constant 0 : i32
    return %c0_i32, %c0_i32_0 : i32, i32
  }
  func.func @transform_3(%arg0: i32) -> (i32, i32) {
    %c0_i32 = arith.constant 0 : i32
    %c0_i32_0 = arith.constant 0 : i32
    %c0_i32_1 = arith.constant 0 : i32
    return %c0_i32, %c0_i32_0 : i32, i32
  }
  func.func @transform_4(%arg0: i32) -> (i32, i32) {
    %c0_i32 = arith.constant 0 : i32
    %c0_i32_0 = arith.constant 0 : i32
    %c0_i32_1 = arith.constant 0 : i32
    return %c0_i32, %c0_i32_0 : i32, i32
  }
  func.func @transform_5(%arg0: i32) -> (i32, i32) {
    %c0_i32 = arith.constant 0 : i32
    %c0_i32_0 = arith.constant 0 : i32
    %c0_i32_1 = arith.constant 0 : i32
    return %c0_i32, %c0_i32_0 : i32, i32
  }
  func.func @transform_6(%arg0: i32) -> (i32, i32) {
    %c0_i32 = arith.constant 0 : i32
    %c0_i32_0 = arith.constant 0 : i32
    %c0_i32_1 = arith.constant 0 : i32
    return %c0_i32, %c0_i32_0 : i32, i32
  }
  func.func @transform_7(%arg0: i32) -> (i32, i32) {
    %c0_i32 = arith.constant 0 : i32
    %c0_i32_0 = arith.constant 0 : i32
    return %arg0, %c0_i32 : i32, i32
  }
}

module attributes {stable_mosaic.version = 14 : i64} {
  func.func @body(%arg0: i32, %arg1: memref<4000x32xf32, #tpu.memory_space<vmem>>, %arg2: memref<32x10xf32, #tpu.memory_space<vmem>>, %arg3: memref<1x10xf32, #tpu.memory_space<vmem>>, %arg4: memref<4000x10xf32, #tpu.memory_space<vmem>>) attributes {dimension_semantics = [#tpu.dimension_semantics<arbitrary>], iteration_bounds = array<i64: 80>, scalar_prefetch = 0 : i64, scratch_operands = 0 : i64, tpu.core_type = #tpu.core_type<tc>, window_params = [{transform_indices = @transform_0, window_bounds = array<i64: 4000, 32>}, {pipeline_mode = #tpu.pipeline_mode<synchronous>, transform_indices = @transform_1, window_bounds = array<i64: 32, 10>}, {pipeline_mode = #tpu.pipeline_mode<synchronous>, transform_indices = @transform_2, window_bounds = array<i64: 1, 10>}, {transform_indices = @transform_3, window_bounds = array<i64: 4000, 10>}]} {
    %get3A = arith.constant 0 : index
    %get3A_0 = arith.constant 0 : index
    %get3A_1 = vector.load %arg1[%get3A, %get3A_0] : memref<4000x32xf32, #tpu.memory_space<vmem>>, vector<4000x32xf32>
    %get3A_2 = arith.constant 0 : index
    %get3A_3 = arith.constant 0 : index
    %get3A_4 = vector.load %arg2[%get3A_2, %get3A_3] : memref<32x10xf32, #tpu.memory_space<vmem>>, vector<32x10xf32>
    %dot_general3A = arith.constant dense<0.000000e+00> : vector<4000x10xf32>
    %dot_general3A_5 = tpu.matmul %get3A_1, %get3A_4, %dot_general3A {dimension_numbers = #tpu.dot_dimension_numbers<[1], [0], [0], [1], [0, 0, 1, 1], [], []>, transpose_lhs_hint = false} : vector<4000x32xf32>, vector<32x10xf32>, vector<4000x10xf32> -> vector<4000x10xf32>
    %get3A_6 = arith.constant 0 : index
    %get3A_7 = arith.constant 0 : index
    %get3A_8 = vector.load %arg3[%get3A_6, %get3A_7] : memref<1x10xf32, #tpu.memory_space<vmem>>, vector<1x10xf32>
    %add3A = vector.broadcast %get3A_8 : vector<1x10xf32> to vector<4000x10xf32>
    %add3A_9 = arith.addf %dot_general3A_5, %add3A : vector<4000x10xf32>
    %swap3A = arith.constant 0 : index
    %swap3A_10 = arith.constant 0 : index
    %swap3A_11 = vector.load %arg4[%swap3A, %swap3A_10] : memref<4000x10xf32, #tpu.memory_space<vmem>>, vector<4000x10xf32>
    tpu.vector_store %arg4[%swap3A, %swap3A_10], %add3A_9 {strides = array<i32>} : memref<4000x10xf32, #tpu.memory_space<vmem>>, vector<4000x10xf32>,
    return
  }
  func.func @transform_0(%arg0: i32) -> (i32, i32) {
    %c0_i32 = arith.constant 0 : i32
    %c0_i32_0 = arith.constant 0 : i32
    return %arg0, %c0_i32 : i32, i32
  }
  func.func @transform_1(%arg0: i32) -> (i32, i32) {
    %c0_i32 = arith.constant 0 : i32
    %c0_i32_0 = arith.constant 0 : i32
    %c0_i32_1 = arith.constant 0 : i32
    return %c0_i32, %c0_i32_0 : i32, i32
  }
  func.func @transform_2(%arg0: i32) -> (i32, i32) {
    %c0_i32 = arith.constant 0 : i32
    %c0_i32_0 = arith.constant 0 : i32
    %c0_i32_1 = arith.constant 0 : i32
    return %c0_i32, %c0_i32_0 : i32, i32
  }
  func.func @transform_3(%arg0: i32) -> (i32, i32) {
    %c0_i32 = arith.constant 0 : i32
    %c0_i32_0 = arith.constant 0 : i32
    return %arg0, %c0_i32 : i32, i32
  }
}

</mosaic_0001>

<sc_bundles>
// kernel: kernel.13.cloned.1.call-start
scs
__scs_entry_jumppad:
0x0: {  	(pc) =	sbr.rel $0x88, $3  }
0x1: {  	(tag) =	ssettag $0x0;
	lr =	simm.s32 $0x1  }
0x2: {  	[smem:$0x3F7B] =	sst lr;
	_ =	strace $0xD0000000  }
0x3: {  	_ = 	snop  }
0x4: {  	_ = 	snop  }
0x5: {  	_ = 	snop  }
0x6: {  	_ = 	snop  }
0x7: {  	_ = 	snop  }
__scs_overlays_trampoline_lowered:
0x8: {  	[smem:$0x3F8A] =	sst s0  }
0x9: {  	[smem:$0x3F8B] =	sst s1  }
0xa: {  	[smem:$0x3F8C] =	sst s2  }
0xb: {  	[smem:$0x3F8D] =	sst s3  }
0xc: {  	[smem:$0x3F8E] =	sst s4  }
0xd: {  	[smem:$0x3F8F] =	sst s5  }
0xe: {  	[smem:$0x3F90] =	sst s6  }
0xf: {  	[smem:$0x3F91] =	sst s7  }
0x10: {  	[smem:$0x3F92] =	sst s8  }
0x11: {  	[smem:$0x3F93] =	sst s9;
	s0 =	simm.s32 @!p0 $0x0  }
0x12: {  	s1 =	sld [smem:$0x3F79];
	s0 =	simm.s32 @p0 $0x1  }
0x13: {  	[smem:$0x3F94] =	sst s0;
	s0 =	simm.s32 @!p1 $0x0  }
0x14: {  	s2 =	sld [smem:$0x3F78];
	s0 =	simm.s32 @p1 $0x1  }
0x15: {  	[smem:$0x3F95] =	sst s0;
	s0 =	simm.s32 @!p2 $0x0  }
0x16: {  	s3 =	sld [smem:$0x3FDB];
	s0 =	simm.s32 @p2 $0x1  }
0x17: {  	s4 =	simm.s32 $0x1BF5;
	[smem:$0x3F97] =	sst s0  }
0x18: {  	s0 =	sld [smem:$0x3F7A];
	_ =	swait.ge [sflag:s4], $0x0  }
0x19: {  	s7 =	sld [smem:$0x3F7B]  }
0x1a: {  	s8 =	sadd.s32 $0xFFFFE003, lr  }
0x1b: {  	s9 =	sadd.s32 $0xFFFFFEF7, lr;
	s5 =	simm.s32 $0xFFFFFFFF;
	p2 =	slt.u32 s8, $0xFFFFF086  }
0x1c: {  	p1 =	slt.u32 s9, $0xF7A;
	s5 =	simm.s32 @!p2 $0x0  }
0x1d: {  	s5 =	simm.s32 @p1 $0x1;
	p0 =	seq.s32 s7, s2  }
0x1e: {  	s7 =	smul.u32 @!p0 $0xF7A, s2;
	p2 =	seq.s32 @!p0 s5, $0x0  }
0x1f: {  	s9 =	smul.u32 $0xF7A, s1;
	s8 =	simm.s32 @!p0 $0x1BF5;
	p2 =	por !p2, p0  }
0x20: {  	[sflag:s8] =	ssyncset.s32 @!p0 $0xFFFFF086;
	s6 =	sadd.s32 @!p0 s3, s7;
	s7 =	simm.s32 @!p0 $0x108  }
0x21: {  	s3 =	sadd.s32 s3, s9;
	s6 =	sadd.s32 @!p0 $0x88, s6;
	s7 =	simm.s32 @p2 $0x1082  }
0x22: {  	[simem:s7], [sflag:s8] =	dma.local @!p0 [hbm:s6], $0xF7A  }
0x23: {  	s9 =	sor.u32 $0xD0000000, s2;
	s6 =	simm.s32 $0x108;
	_ =	swait.ge @!p0 [sflag:s8], $0x0  }
0x24: {  	s3 =	sadd.s32 $0x88, s3;
	s6 =	simm.s32 @!p1 $0x1082;
	[sflag:s4] =	ssyncset.s32 $0xFFFFF086  }
0x25: {  	[simem:s6], [sflag:s4] =	dma.local [hbm:s3], $0xF7A  }
0x26: {  	[smem:$0x3F7B] =	sst s1;
	(tag) =	ssettag s2;
	_ =	strace s9  }
0x27: {  	s1 =	sld [smem:$0x3F8B]  }
0x28: {  	s2 =	sld [smem:$0x3F8C]  }
0x29: {  	s4 =	sld [smem:$0x3F8E]  }
0x2a: {  	p0 =	seq.s32 s5, $0x0;
	s5 =	sld [smem:$0x3F8F]  }
0x2b: {  	s6 =	sld [smem:$0x3F90]  }
0x2c: {  	s7 =	sld [smem:$0x3F91]  }
0x2d: {  	s3 =	simm.s32 $0x108;
	s8 =	sld [smem:$0x3F92]  }
0x2e: {  	s3 =	simm.s32 @!p0 $0x1082;
	s9 =	sld [smem:$0x3F93]  }
0x2f: {  	lr =	sadd.s32 s0, s3;
	s0 =	sld [smem:$0x3F8A]  }
0x30: {  	s3 =	sld [smem:$0x3F8D]  }
0x31: {  	[smem:$0x3F96] =	sst s10  }
0x32: {  	s10 =	sld [smem:$0x3F94];
	_ =	sdelay $0x3  }
0x33: {  	p0 =	seq.s32 s10, $0x1;
	s10 =	sld [smem:$0x3F96];
	_ =	sdelay $0x3  }
0x34: {  	[smem:$0x3F96] =	sst s10  }
0x35: {  	s10 =	sld [smem:$0x3F95];
	_ =	sdelay $0x3  }
0x36: {  	p1 =	seq.s32 s10, $0x1;
	s10 =	sld [smem:$0x3F96];
	_ =	sdelay $0x3  }
0x37: {  	[smem:$0x3F96] =	sst s10  }
0x38: {  	s10 =	sld [smem:$0x3F97]  }
0x39: {  	_ = 	snop;
	(pc) =	sbr.ind lr, $3  }
0x3a: {  	_ = 	snop  }
0x3b: {  	_ = 	snop  }
0x3c: {  	p2 =	seq.s32 s10, $0x1;
	s10 =	sld [smem:$0x3F96]  }
0x3d: {  	_ =	shalt  }
0x3e: {  	_ =	shalt  }
0x3f: {  	_ =	shalt  }
0x40: {  	_ =	shalt  }
0x41: {  	_ =	shalt  }
0x42: {  	_ =	shalt  }
0x43: {  	_ =	shalt  }
0x44: {  	_ =	shalt  }
0x45: {  	_ =	shalt  }
0x46: {  	_ =	shalt  }
0x47: {  	_ =	shalt  }
0x48: {  	_ =	shalt  }
0x49: {  	_ =	shalt  }
0x4a: {  	_ =	shalt  }
0x4b: {  	_ =	shalt  }
0x4c: {  	_ =	shalt  }
0x4d: {  	_ =	shalt  }
0x4e: {  	_ =	shalt  }
0x4f: {  	_ =	shalt  }
0x50: {  	_ =	shalt  }
0x51: {  	_ =	shalt  }
0x52: {  	_ =	shalt  }
0x53: {  	_ =	shalt  }
0x54: {  	_ =	shalt  }
0x55: {  	_ =	shalt  }
0x56: {  	_ =	shalt  }
0x57: {  	_ =	shalt  }
0x58: {  	_ =	shalt  }
0x59: {  	_ =	shalt  }
0x5a: {  	_ =	shalt  }
0x5b: {  	_ =	shalt  }
0x5c: {  	_ =	shalt  }
0x5d: {  	_ =	shalt  }
0x5e: {  	_ =	shalt  }
0x5f: {  	_ =	shalt  }
0x60: {  	_ =	shalt  }
0x61: {  	_ =	shalt  }
0x62: {  	_ =	shalt  }
0x63: {  	_ =	shalt  }
0x64: {  	_ =	shalt  }
0x65: {  	_ =	shalt  }
0x66: {  	_ =	shalt  }
0x67: {  	_ =	shalt  }
0x68: {  	_ =	shalt  }
0x69: {  	_ =	shalt  }
0x6a: {  	_ =	shalt  }
0x6b: {  	_ =	shalt  }
0x6c: {  	_ =	shalt  }
0x6d: {  	_ =	shalt  }
0x6e: {  	_ =	shalt  }
0x6f: {  	_ =	shalt  }
0x70: {  	_ =	shalt  }
0x71: {  	_ =	shalt  }
0x72: {  	_ =	shalt  }
0x73: {  	_ =	shalt  }
0x74: {  	_ =	shalt  }
0x75: {  	_ =	shalt  }
0x76: {  	_ =	shalt  }
0x77: {  	_ =	shalt  }
0x78: {  	_ =	shalt  }
0x79: {  	_ =	shalt  }
0x7a: {  	_ =	shalt  }
0x7b: {  	_ =	shalt  }
0x7c: {  	_ =	shalt  }
0x7d: {  	_ =	shalt  }
0x7e: {  	_ =	shalt  }
0x7f: {  	_ =	shalt  }
0x80: {  	_ =	shalt  }
0x81: {  	_ =	shalt  }
0x82: {  	_ =	shalt  }
0x83: {  	_ =	shalt  }
0x84: {  	_ =	shalt  }
0x85: {  	_ =	shalt  }
0x86: {  	_ =	shalt  }
0x87: {  	_ =	shalt  }
.Lfunc_end0:
.L_simem_size_0:
called_computation.1_lowered:
.L_overlay_start_0:
0x88: {  	s2 =	sld [smem:$0x3FD9]  }
0x89: {  	s3 =	sld [smem:$0x3FFE];
	_ =	sdelay $0x1  }
0x8a: {  	s1 =	srdreg.scid  }
0x8b: {  	s0 =	sand.u32 $0x1, s1  }
0x8c: {  	s14 =	sshll.u32 s0, $0xA;
	s2 =	sadd.s32 s3, s2  }
0x8d: {  	s2 =	sadd.s32 s2, s14  }
0x8e: {  	[smem:$0x3FA2] =	sst s2  }
0x8f: {  	_ = 	snop  }
0x90: {  	s2 =	sld [smem:$0x3FD0];
	_ =	sdelay $0x2  }
0x91: {  	s15 =	simm.s32 $0xA;
	s4 =	simm.s32 $0x10  }
0x92: {  	[smem:s4], [sflag:s15] =	dma.local [hbm:s2], $0x1  }
0x93: {  	_ =	swait.eq [sflag:s15], $0x1  }
0x94: {  	[sflag:s15] =	ssyncset.done $0x0  }
0x95: {  	s16 =	sld [smem:$0x10];
	[sflag:s15] =	ssyncadd.s32 $0xFFFFFFFF  }
0x96: {  	s17 =	sld [smem:$0x11];
	(tm) =	ssettm $0x1  }
0x97: {  	s18 =	sld [smem:$0x3FFB];
	_ =	sdelay $0x3  }
0x98: {  	_ =	strace s18  }
0x99: {  	s4 =	sld [smem:$0x3FFC];
	_ =	sdelay $0x3  }
0x9a: {  	_ =	strace s4  }
0x9b: {  	s4 =	sld [smem:$0x3FFD];
	_ =	sdelay $0x3  }
0x9c: {  	_ =	strace s4  }
0x9d: {  	_ =	strace $0x8FFFFFFF  }
0x9e: {  	s19 =	sld [smem:$0x3FDB];
	_ =	sdelay $0x1  }
0x9f: {  	s5 =	simm.s32 $_scs_section_size  }
0xa0: {  	s6 =	simm.s32 $_size__tile_overlayer_lowered;
	s7 =	simm.s32 $_tile_overlayer_lowered  }
0xa1: {  	s22 =	simm.s32 $0x1BFF;
	s21 =	sshll.u32 s7, $0x1;
	s4 =	sadd.s32 s5, s19  }
0xa2: {  	s8 =	simm.s32 $0x0;
	s20 =	sshll.u32 s6, $0x1;
	s6 =	sadd.s32 s21, s4  }
0xa3: {  	[timem:s8], [sflag:s22] =	dma.local [hbm:s6], s20  }
0xa4: {  	_ =	swait.ge [sflag:s22], s20  }
0xa5: {  	s5 =	ssub.s32 $0x0, s20;
	[sflag:s22] =	ssyncset.done $0x0  }
0xa6: {  	[sflag:s22] =	ssyncadd.s32 s5;
	_ =	sdelay $0x1  }
0xa7: {  	s23 =	simm.s32 $0x1B8B  }
0xa8: {  	_ =	swait.ge [sflag:s23], $0x1  }
0xa9: {  	[sflag:s23] =	ssyncset.done $0x0  }
0xaa: {  	s25 =	simm.s32 $0x1B8E;
	s24 =	sld [smem:$0x3FFE];
	[sflag:s23] =	ssyncadd.s32 $0xFFFFFFFF  }
0xab: {  	s26 =	simm.s32 $execute0_lowered;
	[smem:$0x3FD2] =	sst s25  }
0xac: {  	s6 =	sshll.u32 s26, $0x1;
	_ =	strace $0x80000046;
	[dreg:$0x1] =	wrdreg $0xFFFFFFFF  }
0xad: {  	s28 =	simm.s32 $_size_execute0_lowered;
	s4 =	sadd.s32 s4, s6;
	[dreg:$0x0] =	wrdreg $0x0  }
0xae: {  	s6 =	sshll.u32 s28, $0x1;
	[dreg:$0x2] =	wrdreg s4  }
0xaf: {  	[dreg:$0x3] =	wrdreg s6  }
0xb0: {  	[dreg:$0x4] =	wrdreg $0xC0  }
0xb1: {  	_ =	task [dreg:s8], $0x5FFFF  }
0xb2: {  	[dreg:$0x1] =	wrdreg $0xFFFFFFFF  }
0xb3: {  	[dreg:$0x0] =	wrdreg $0x60  }
0xb4: {  	[dreg:$0x2] =	wrdreg s24  }
0xb5: {  	[dreg:$0x3] =	wrdreg s16  }
0xb6: {  	[dreg:$0x4] =	wrdreg s17  }
0xb7: {  	[dreg:$0x5] =	wrdreg $0x67200  }
0xb8: {  	[dreg:$0x6] =	wrdreg $0x8E300  }
0xb9: {  	[dreg:$0x7] =	wrdreg $0x9  }
0xba: {  	_ =	task.clear_ibuf [dreg:s8], $0x8FFFF;
	_ =	strace $0x90000046  }
0xbb: {  	s29 =	simm.s32 $0x9;
	_ =	strace $0x80000048  }
0xbc: {  	_ =	swait.ge [sflag:s29], $0x1  }
0xbd: {  	[sflag:s29] =	ssyncadd.s32 $0xFFFFFFFF  }
0xbe: {  	_ =	strace $0x90000048  }
0xbf: {  	_ =	sfence  }
0xc0: {  	s30 =	sld [smem:$0x0];
	_ =	sdelay $0x2  }
0xc1: {  	s31 =	sshll.u32 s1, $0xD;
	s1 =	sshrl.u32 s1, $0x2  }
0xc2: {  	s3 =	sand.u32 $0x4000, s31;
	s1 =	sadd.s32 s1, s30  }
0xc3: {  	s0 =	sor.u32 s3, s0;
	s1 =	sshll.u32 s1, $0x11  }
0xc4: {  	s0 =	sor.u32 s1, s0  }
0xc5: {  	s0 =	sadd.s32 $0x8F2B, s0  }
0xc6: {  	[sflag:s0] =	ssyncadd.remote.s32 $0x1  }
0xc7: {  	_ =	sfence.sel $0xFFFF  }
0xc8: {  	[dreg:$0x0] =	wrdreg $0xFFFFFFFF;
	(pc) =	sbr.abs _section_cstart, $3  }
0xc9: {  	[dreg:$0x1] =	wrdreg $0xFFFFFFFF  }
0xca: {  	_ =	task.clear_ibuf [dreg:s8], $0x2FFFF;
	_ =	strace $0x9FFFFFFF  }
0xcb: {  	(tm) =	ssettm $0x7FFFFFFF  }
tec
execute0_lowered:
.L_overlay_start_1:
0x0: {  	(tag) =	ssettag $0x1  }
0x1: {  	s0 =	rddreg [dreg:$0x0]  }
0x2: {  	s2 =	rddreg [dreg:$0x1]  }
0x3: {  	s4 =	rddreg [dreg:$0x2]  }
0x4: {  	s1 =	rddreg [dreg:$0x3];
	s5 =	srdreg.scid  }
0x5: {  	s3 =	rddreg [dreg:$0x4];
	s13 =	stileid.u32  }
0x6: {  	s8 =	simm.s32 $0x0;
	s15 =	simm.s32 $0x50;
	s16 =	simm.s32 $0x4E20  }
0x7: {  	s17 =	simm.s32 $0x5320;
	s18 =	simm.s32 $0x5820;
	s19 =	simm.s32 $0x5D20  }
0x8: {  	s20 =	simm.s32 $0x6220;
	s28 =	simm.s32 $0x6;
	s29 =	simm.s32 $0x7  }
0x9: {  	s30 =	simm.s32 $0x8;
	s31 =	simm.s32 $0x9;
	s5 =	sand.u32 $0x1, s5  }
0xa: {  	s7 =	smul.u32 $0x2710, s13;
	[smem:$0x7FF] =	sst s8;
	s24 =	sshll.u32 s13, $0x6  }
0xb: {  	s6 =	sshll.u32 s5, $0x4;
	s21 =	ssub.s32 $0x2, s5;
	_ =	strace $0x80000047  }
0xc: {  	s5 =	smul.u32 $0x4E20, s5;
	s6 =	sor.u32 s13, s6;
	s14 =	sshrl.u32 s7, $0x3  }
0xd: {  	s22 =	sshrl.u32 s21, $0x1;
	s12 =	sadd.s32 s7, s1;
	s7 =	sadd.s32 s7, s3  }
0xe: {  	s9 =	smul.u32 $0x4E2, s6;
	s10 =	sadd.s32 s14, s0;
	s11 =	ssub.s32 s21, s22  }
0xf: {  	s6 =	sor.u32 $0x1C0B, s24;
	s26 =	sadd.s32 s4, s5;
	s13 =	sshrl.u32 s7, $0x3  }
0x10: {  	s21 =	simm.s32 $0x1;
	s22 =	simm.s32 $0x2;
	s23 =	sadd.s32 $0x15000, s10  }
0x11: {  	s25 =	sadd.s32 $0x10000, s10;
	s10 =	smax.u32 s11, $0x1;
	s11 =	sshrl.u32 s12, $0x3  }
0x12: {  	s12 =	simm.s32 $0xB;
	s24 =	sadd.s32 s14, s26;
	[dreg:$0x6] =	wrdreg s23  }
0x13: {  	s26 =	simm.s32 $0x5;
	s0 =	sadd.s32 s9, s0;
	[dreg:$0x7] =	wrdreg s25  }
0x14: {  	s9 =	sadd.s32 s2, s9;
	s23 =	simm.s32 $0x3;
	s25 =	simm.s32 $0x4  }
0x15: {  	s2 =	simm.s32 $0x0;
	s8 =	sadd.s32 $0x6200, s0;
	s0 =	simm.s32 $0xA  }
.LBB2_1:
0x16: {  	s4 =	rddreg [dreg:$0x6]  }
0x17: {  	[spmem:s11], [sflag:s6] =	dma.local [hbm:s4], $0x4E2  }
0x18: {  	_ =	swait.ge [sflag:s12], $0x4E2  }
0x19: {  	[sflag:s12] =	ssyncset.done $0x0  }
0x1a: {  	s5 =	rddreg [dreg:$0x7];
	[sflag:s12] =	ssyncadd.s32 $0xFFFFFB1E  }
0x1b: {  	[spmem:s13], [sflag:s6] =	dma.local [hbm:s5], $0x4E2  }
0x1c: {  	_ =	swait.ge [sflag:s12], $0x4E2  }
0x1d: {  	[sflag:s12] =	ssyncset.done $0x0  }
0x1e: {  	s7 =	simm.s32 $0x0;
	[sflag:s12] =	ssyncadd.s32 $0xFFFFFB1E  }
0x1f: {  	[tilespmem:s7], [sflag:$0xB] =	stream.linear.gather [hbm4b:s8+s7], $0x2710, $0x38;
	[tilespmem:$0xB540] =	vst v63  }
0x20: {  	_ =	swait.ge [sflag:s12], $0x2710  }
0x21: {  	[sflag:s12] =	ssyncset.done $0x0  }
0x22: {  	s5 =	simm.s32 $0x2710;
	[sflag:s12] =	ssyncadd.s32 $0xFFFFD8F0  }
0x23: {  	[tilespmem:s5], [sflag:$0xB] =	stream.linear.gather [hbm4b:s9+s7], $0x2710, $0x38;
	[tilespmem:$0xB540] =	vst v63  }
0x24: {  	_ =	swait.ge [sflag:s12], $0x2710  }
0x25: {  	[sflag:s12] =	ssyncset.done $0x0  }
0x26: {  	[sflag:s12] =	ssyncadd.s32 $0xFFFFD8F0  }
0x27: {  	s14 =	simm.s32 $0x0;
	[bflag:$0x0] =	sbarrier.arrive $0xFFFF  }
0x28: {  	[tilespmem:s16], [sflag:$0x1] =	stream.indirect.gather [spmem:s3], $0x10, s14, s15, $0xb8;
	[tilespmem:$0xB540] =	vst v63  }
0x29: {  	s5 =	simm.s32 $0x50  }
0x2a: {  	[tilespmem:s17], [sflag:$0x2] =	stream.indirect.gather [spmem:s3], $0x10, s5, s15, $0xb8;
	[tilespmem:$0xB540] =	vst v63  }
0x2b: {  	s7 =	simm.s32 $0xA0  }
0x2c: {  	[tilespmem:s18], [sflag:$0x3] =	stream.indirect.gather [spmem:s3], $0x10, s7, s15, $0xb8;
	[tilespmem:$0xB540] =	vst v63  }
0x2d: {  	s14 =	simm.s32 $0xF0  }
0x2e: {  	[tilespmem:s19], [sflag:$0x4] =	stream.indirect.gather [spmem:s3], $0x10, s14, s15, $0xb8;
	[tilespmem:$0xB540] =	vst v63  }
0x2f: {  	s5 =	simm.s32 $0x140  }
0x30: {  	[tilespmem:s20], [sflag:$0x5] =	stream.indirect.gather [spmem:s3], $0x10, s5, s15, $0xb8;
	[tilespmem:$0xB540] =	vst v63  }
0x31: {  	_ =	swait.ge [sflag:s21], $0x500  }
0x32: {  	[sflag:s21] =	ssyncset.done $0x0  }
0x33: {  	s7 =	simm.s32 $0x2710;
	[sflag:s21] =	ssyncadd.s32 $0xFFFFFB00  }
0x34: {  	[spmem:s1] =	stream.indirect.scatter.add.f32 [tilespmem:s16], [sflag:$0x6], $0x10, s7, s15, $0xb8;
	[tilespmem:$0xB540] =	vst v63  }
0x35: {  	_ =	swait.ge [sflag:s22], $0x500  }
0x36: {  	[sflag:s22] =	ssyncset.done $0x0  }
0x37: {  	s14 =	simm.s32 $0x2760;
	[sflag:s22] =	ssyncadd.s32 $0xFFFFFB00  }
0x38: {  	[spmem:s1] =	stream.indirect.scatter.add.f32 [tilespmem:s17], [sflag:$0x7], $0x10, s14, s15, $0xb8;
	[tilespmem:$0xB540] =	vst v63  }
0x39: {  	_ =	swait.ge [sflag:s23], $0x500  }
0x3a: {  	[sflag:s23] =	ssyncset.done $0x0  }
0x3b: {  	s5 =	simm.s32 $0x27B0;
	[sflag:s23] =	ssyncadd.s32 $0xFFFFFB00  }
0x3c: {  	[spmem:s1] =	stream.indirect.scatter.add.f32 [tilespmem:s18], [sflag:$0x8], $0x10, s5, s15, $0xb8;
	[tilespmem:$0xB540] =	vst v63  }
0x3d: {  	_ =	swait.ge [sflag:s25], $0x500  }
0x3e: {  	[sflag:s25] =	ssyncset.done $0x0  }
0x3f: {  	s7 =	simm.s32 $0x2800;
	[sflag:s25] =	ssyncadd.s32 $0xFFFFFB00  }
0x40: {  	[spmem:s1] =	stream.indirect.scatter.add.f32 [tilespmem:s19], [sflag:$0x9], $0x10, s7, s15, $0xb8;
	[tilespmem:$0xB540] =	vst v63  }
0x41: {  	_ =	swait.ge [sflag:s26], $0x500  }
0x42: {  	[sflag:s26] =	ssyncset.done $0x0  }
0x43: {  	s14 =	simm.s32 $0x2850;
	[sflag:s26] =	ssyncadd.s32 $0xFFFFFB00  }
0x44: {  	[spmem:s1] =	stream.indirect.scatter.add.f32 [tilespmem:s20], [sflag:$0xA], $0x10, s14, s15, $0xb8;
	[tilespmem:$0xB540] =	vst v63  }
0x45: {  	_ =	swait.ge [sflag:s28], $0x500  }
0x46: {  	[sflag:s28] =	ssyncset.done $0x0  }
0x47: {  	[sflag:s28] =	ssyncadd.s32 $0xFFFFFB00  }
0x48: {  	_ =	swait.ge [sflag:s29], $0x500  }
0x49: {  	[sflag:s29] =	ssyncset.done $0x0  }
0x4a: {  	[sflag:s29] =	ssyncadd.s32 $0xFFFFFB00  }
0x4b: {  	_ =	swait.ge [sflag:s30], $0x500  }
0x4c: {  	[sflag:s30] =	ssyncset.done $0x0  }
0x4d: {  	[sflag:s30] =	ssyncadd.s32 $0xFFFFFB00  }
0x4e: {  	_ =	swait.ge [sflag:s31], $0x500  }
0x4f: {  	[sflag:s31] =	ssyncset.done $0x0  }
0x50: {  	[sflag:s31] =	ssyncadd.s32 $0xFFFFFB00  }
0x51: {  	_ =	swait.ge [sflag:s0], $0x500  }
0x52: {  	s4 =	simm.s32 $0xC80;
	s14 =	simm.s32 $0x640;
	[sflag:s0] =	ssyncset.done $0x0  }
.LBB2_2:
0x53: {  	s5 =	sshra.s32 s14, $0x2  }
0x54: {  	[sflag:s0] =	ssyncadd.s32 $0xFFFFFB00;
	s14 =	smov.u32 s4;
	s7 =	sadd.s32 $0x640, s4  }
0x55: {  	[tilespmem:s16], [sflag:$0x1] =	stream.indirect.gather [spmem:s3], $0x10, s5, s15, $0xb8;
	[tilespmem:$0xB540] =	vst v63  }
0x56: {  	p0 =	sne.s32 s4, $0x9600;
	s4 =	sadd.s32 $0x50, s5  }
0x57: {  	[tilespmem:s17], [sflag:$0x2] =	stream.indirect.gather [spmem:s3], $0x10, s4, s15, $0xb8;
	[tilespmem:$0xB540] =	vst v63  }
0x58: {  	s4 =	sadd.s32 $0xA0, s5  }
0x59: {  	[tilespmem:s18], [sflag:$0x3] =	stream.indirect.gather [spmem:s3], $0x10, s4, s15, $0xb8;
	[tilespmem:$0xB540] =	vst v63  }
0x5a: {  	s4 =	sadd.s32 $0xF0, s5  }
0x5b: {  	[tilespmem:s19], [sflag:$0x4] =	stream.indirect.gather [spmem:s3], $0x10, s4, s15, $0xb8;
	[tilespmem:$0xB540] =	vst v63  }
0x5c: {  	s4 =	sadd.s32 $0x140, s5  }
0x5d: {  	[tilespmem:s20], [sflag:$0x5] =	stream.indirect.gather [spmem:s3], $0x10, s4, s15, $0xb8;
	[tilespmem:$0xB540] =	vst v63  }
0x5e: {  	_ =	swait.ge [sflag:s21], $0x500  }
0x5f: {  	[sflag:s21] =	ssyncset.done $0x0  }
0x60: {  	s4 =	sadd.s32 $0x2710, s5;
	[sflag:s21] =	ssyncadd.s32 $0xFFFFFB00  }
0x61: {  	[spmem:s1] =	stream.indirect.scatter.add.f32 [tilespmem:s16], [sflag:$0x6], $0x10, s4, s15, $0xb8;
	[tilespmem:$0xB540] =	vst v63  }
0x62: {  	_ =	swait.ge [sflag:s22], $0x500  }
0x63: {  	[sflag:s22] =	ssyncset.done $0x0  }
0x64: {  	s4 =	sadd.s32 $0x2760, s5;
	[sflag:s22] =	ssyncadd.s32 $0xFFFFFB00  }
0x65: {  	[spmem:s1] =	stream.indirect.scatter.add.f32 [tilespmem:s17], [sflag:$0x7], $0x10, s4, s15, $0xb8;
	[tilespmem:$0xB540] =	vst v63  }
0x66: {  	_ =	swait.ge [sflag:s23], $0x500  }
0x67: {  	[sflag:s23] =	ssyncset.done $0x0  }
0x68: {  	s4 =	sadd.s32 $0x27B0, s5;
	[sflag:s23] =	ssyncadd.s32 $0xFFFFFB00  }
0x69: {  	[spmem:s1] =	stream.indirect.scatter.add.f32 [tilespmem:s18], [sflag:$0x8], $0x10, s4, s15, $0xb8;
	[tilespmem:$0xB540] =	vst v63  }
0x6a: {  	_ =	swait.ge [sflag:s25], $0x500  }
0x6b: {  	[sflag:s25] =	ssyncset.done $0x0  }
0x6c: {  	s4 =	sadd.s32 $0x2800, s5;
	[sflag:s25] =	ssyncadd.s32 $0xFFFFFB00  }
0x6d: {  	[spmem:s1] =	stream.indirect.scatter.add.f32 [tilespmem:s19], [sflag:$0x9], $0x10, s4, s15, $0xb8;
	[tilespmem:$0xB540] =	vst v63  }
0x6e: {  	_ =	swait.ge [sflag:s26], $0x500  }
0x6f: {  	[sflag:s26] =	ssyncset.done $0x0  }
0x70: {  	s4 =	sadd.s32 $0x2850, s5;
	[sflag:s26] =	ssyncadd.s32 $0xFFFFFB00  }
0x71: {  	[spmem:s1] =	stream.indirect.scatter.add.f32 [tilespmem:s20], [sflag:$0xA], $0x10, s4, s15, $0xb8;
	[tilespmem:$0xB540] =	vst v63  }
0x72: {  	_ =	swait.ge [sflag:s28], $0x500  }
0x73: {  	[sflag:s28] =	ssyncset.done $0x0  }
0x74: {  	[sflag:s28] =	ssyncadd.s32 $0xFFFFFB00  }
0x75: {  	_ =	swait.ge [sflag:s29], $0x500  }
0x76: {  	[sflag:s29] =	ssyncset.done $0x0  }
0x77: {  	[sflag:s29] =	ssyncadd.s32 $0xFFFFFB00  }
0x78: {  	_ =	swait.ge [sflag:s30], $0x500  }
0x79: {  	[sflag:s30] =	ssyncset.done $0x0  }
0x7a: {  	[sflag:s30] =	ssyncadd.s32 $0xFFFFFB00  }
.Ltmp0:
0x7b: {  	_ =	swait.ge [sflag:s31], $0x500;
	(pc) =	sbr.rel @p0 .LBB2_2-.Ltmp0, $4  }
0x7c: {  	[sflag:s31] =	ssyncset.done $0x0  }
0x7d: {  	[sflag:s31] =	ssyncadd.s32 $0xFFFFFB00  }
0x7e: {  	_ =	swait.ge [sflag:s0], $0x500  }
0x7f: {  	s4 =	smov.u32 s7;
	[sflag:s0] =	ssyncset.done $0x0  }
0x80: {  	s4 =	sshra.s32 s14, $0x2;
	[sflag:s0] =	ssyncadd.s32 $0xFFFFFB00  }
0x81: {  	[tilespmem:s16], [sflag:$0x1] =	stream.indirect.gather [spmem:s3], $0x10, s4, s15, $0xb8;
	[tilespmem:$0xB540] =	vst v63  }
0x82: {  	s5 =	sadd.s32 $0x50, s4  }
0x83: {  	[tilespmem:s17], [sflag:$0x2] =	stream.indirect.gather [spmem:s3], $0x10, s5, s15, $0xb8;
	[tilespmem:$0xB540] =	vst v63  }
0x84: {  	s14 =	sadd.s32 $0xA0, s4  }
0x85: {  	[tilespmem:s18], [sflag:$0x3] =	stream.indirect.gather [spmem:s3], $0x10, s14, s15, $0xb8;
	[tilespmem:$0xB540] =	vst v63  }
0x86: {  	s7 =	sadd.s32 $0xF0, s4  }
0x87: {  	[tilespmem:s19], [sflag:$0x4] =	stream.indirect.gather [spmem:s3], $0x10, s7, s15, $0xb8;
	[tilespmem:$0xB540] =	vst v63  }
0x88: {  	s14 =	sadd.s32 $0x140, s4  }
0x89: {  	[tilespmem:s20], [sflag:$0x5] =	stream.indirect.gather [spmem:s3], $0x10, s14, s15, $0xb8;
	[tilespmem:$0xB540] =	vst v63  }
0x8a: {  	_ =	swait.ge [sflag:s21], $0x500  }
0x8b: {  	[sflag:s21] =	ssyncset.done $0x0  }
0x8c: {  	s7 =	sadd.s32 $0x2710, s4;
	[sflag:s21] =	ssyncadd.s32 $0xFFFFFB00  }
0x8d: {  	[spmem:s1] =	stream.indirect.scatter.add.f32 [tilespmem:s16], [sflag:$0x6], $0x10, s7, s15, $0xb8;
	[tilespmem:$0xB540] =	vst v63  }
0x8e: {  	_ =	swait.ge [sflag:s22], $0x500  }
0x8f: {  	[sflag:s22] =	ssyncset.done $0x0  }
0x90: {  	s14 =	sadd.s32 $0x2760, s4;
	[sflag:s22] =	ssyncadd.s32 $0xFFFFFB00  }
0x91: {  	[spmem:s1] =	stream.indirect.scatter.add.f32 [tilespmem:s17], [sflag:$0x7], $0x10, s14, s15, $0xb8;
	[tilespmem:$0xB540] =	vst v63  }
0x92: {  	_ =	swait.ge [sflag:s23], $0x500  }
0x93: {  	[sflag:s23] =	ssyncset.done $0x0  }
0x94: {  	s7 =	sadd.s32 $0x27B0, s4;
	[sflag:s23] =	ssyncadd.s32 $0xFFFFFB00  }
0x95: {  	[spmem:s1] =	stream.indirect.scatter.add.f32 [tilespmem:s18], [sflag:$0x8], $0x10, s7, s15, $0xb8;
	[tilespmem:$0xB540] =	vst v63  }
0x96: {  	_ =	swait.ge [sflag:s25], $0x500  }
0x97: {  	[sflag:s25] =	ssyncset.done $0x0  }
0x98: {  	s14 =	sadd.s32 $0x2800, s4;
	[sflag:s25] =	ssyncadd.s32 $0xFFFFFB00  }
0x99: {  	[spmem:s1] =	stream.indirect.scatter.add.f32 [tilespmem:s19], [sflag:$0x9], $0x10, s14, s15, $0xb8;
	[tilespmem:$0xB540] =	vst v63  }
0x9a: {  	_ =	swait.ge [sflag:s26], $0x500  }
0x9b: {  	[sflag:s26] =	ssyncset.done $0x0  }
0x9c: {  	s4 =	sadd.s32 $0x2850, s4;
	[sflag:s26] =	ssyncadd.s32 $0xFFFFFB00  }
0x9d: {  	[spmem:s1] =	stream.indirect.scatter.add.f32 [tilespmem:s20], [sflag:$0xA], $0x10, s4, s15, $0xb8;
	[tilespmem:$0xB540] =	vst v63  }
0x9e: {  	_ =	swait.ge [sflag:s28], $0x500  }
0x9f: {  	[sflag:s28] =	ssyncset.done $0x0  }
0xa0: {  	[sflag:s28] =	ssyncadd.s32 $0xFFFFFB00  }
0xa1: {  	_ =	swait.ge [sflag:s29], $0x500  }
0xa2: {  	[sflag:s29] =	ssyncset.done $0x0  }
0xa3: {  	[sflag:s29] =	ssyncadd.s32 $0xFFFFFB00  }
0xa4: {  	_ =	swait.ge [sflag:s30], $0x500  }
0xa5: {  	[sflag:s30] =	ssyncset.done $0x0  }
0xa6: {  	[sflag:s30] =	ssyncadd.s32 $0xFFFFFB00  }
0xa7: {  	_ =	swait.ge [sflag:s31], $0x500  }
0xa8: {  	[sflag:s31] =	ssyncset.done $0x0  }
0xa9: {  	[sflag:s31] =	ssyncadd.s32 $0xFFFFFB00  }
0xaa: {  	_ =	swait.ge [sflag:s0], $0x500  }
0xab: {  	s2 =	sadd.s32 $0x1, s2;
	[sflag:s0] =	ssyncset.done $0x0  }
0xac: {  	p0 =	sne.s32 s2, s10;
	[sflag:s0] =	ssyncadd.s32 $0xFFFFFB00  }
.Ltmp1:
0xad: {  	[bflag:$0x0] =	sbarrier.arrive $0xFFFF;
	(pc) =	sbr.rel @p0 .LBB2_1-.Ltmp1, $4  }
0xae: {  	[hbm:s24], [sflag:s6] =	dma.local [spmem:s11], $0x4E2  }
0xaf: {  	_ =	swait.ge [sflag:s12], $0x4E2  }
0xb0: {  	[sflag:s12] =	ssyncset.done $0x0  }
0xb1: {  	[sflag:s12] =	ssyncadd.s32 $0xFFFFFB1E  }
0xb2: {  	_ =	sfence.sel $0x180000  }
0xb3: {  	[bflag:$0x0] =	sbarrier.arrive $0xFFFF  }
0xb4: {  	_ =	strace $0x90000047  }
0xb5: {  	s0 =	stileid.u32;
	[bflag:$0x2] =	sbarrier.arrive $0xFFFF  }
0xb6: {  	p0 =	sne.s32 s0, $0x0;
	s0 =	rddreg [dreg:$0x5]  }
0xb7: {  	s0 =	sadd.s32 @!p0 $0x100000, s0  }
0xb8: {  	[sflag:s0] =	ssyncadd.tile.s32 @!p0 $0x1;
	_ =	shalt  }
.Lfunc_end2:
_tile_overlayer_lowered:
.L_overlay_start_2:
0xb9: {  	(tag) =	ssettag $0x2  }
0xba: {  	s0 =	rddreg [dreg:$0x0];
	s2 =	stileid.u32  }
0xbb: {  	s1 =	rddreg [dreg:$0x1];
	p0 =	sne.s32 s2, $0x0  }
0xbc: {  	s3 =	rddreg [dreg:$0x2];
	[bflag:$0x3] =	sbarrier.arrive $0xFFFF;
	s2 =	simm.s32 @!p0 $0x1C0B  }
0xbd: {  	[timem:s3], [sflag:s2] =	dma.local @!p0 [hbm:s0], s1  }
0xbe: {  	s0 =	simm.s32 @!p0 $0xB  }
0xbf: {  	_ =	swait.ge @!p0 [sflag:s0], s1  }
0xc0: {  	s1 =	ssub.s32 @!p0 $0x0, s1;
	[sflag:s0] =	ssyncset.done @!p0 $0x0  }
0xc1: {  	[sflag:s0] =	ssyncadd.s32 @!p0 s1  }
0xc2: {  	[bflag:$0x3] =	sbarrier.arrive $0xFFFF  }
0xc3: {  	_ =	shalt  }

// kernel: kernel.16.cloned.1.call-start
scs
__scs_entry_jumppad:
0x0: {  	(pc) =	sbr.rel $0x88, $3  }
0x1: {  	(tag) =	ssettag $0x0;
	lr =	simm.s32 $0x1  }
0x2: {  	[smem:$0x3F7B] =	sst lr;
	_ =	strace $0xD0000000  }
0x3: {  	_ = 	snop  }
0x4: {  	_ = 	snop  }
0x5: {  	_ = 	snop  }
0x6: {  	_ = 	snop  }
0x7: {  	_ = 	snop  }
__scs_overlays_trampoline_lowered:
0x8: {  	[smem:$0x3F8A] =	sst s0  }
0x9: {  	[smem:$0x3F8B] =	sst s1  }
0xa: {  	[smem:$0x3F8C] =	sst s2  }
0xb: {  	[smem:$0x3F8D] =	sst s3  }
0xc: {  	[smem:$0x3F8E] =	sst s4  }
0xd: {  	[smem:$0x3F8F] =	sst s5  }
0xe: {  	[smem:$0x3F90] =	sst s6  }
0xf: {  	[smem:$0x3F91] =	sst s7  }
0x10: {  	[smem:$0x3F92] =	sst s8  }
0x11: {  	[smem:$0x3F93] =	sst s9;
	s0 =	simm.s32 @!p0 $0x0  }
0x12: {  	s1 =	sld [smem:$0x3F79];
	s0 =	simm.s32 @p0 $0x1  }
0x13: {  	[smem:$0x3F94] =	sst s0;
	s0 =	simm.s32 @!p1 $0x0  }
0x14: {  	s2 =	sld [smem:$0x3F78];
	s0 =	simm.s32 @p1 $0x1  }
0x15: {  	[smem:$0x3F95] =	sst s0;
	s0 =	simm.s32 @!p2 $0x0  }
0x16: {  	s3 =	sld [smem:$0x3FDB];
	s0 =	simm.s32 @p2 $0x1  }
0x17: {  	s4 =	simm.s32 $0x1BF5;
	[smem:$0x3F97] =	sst s0  }
0x18: {  	s0 =	sld [smem:$0x3F7A];
	_ =	swait.ge [sflag:s4], $0x0  }
0x19: {  	s7 =	sld [smem:$0x3F7B]  }
0x1a: {  	s8 =	sadd.s32 $0xFFFFE003, lr  }
0x1b: {  	s9 =	sadd.s32 $0xFFFFFEF7, lr;
	s5 =	simm.s32 $0xFFFFFFFF;
	p2 =	slt.u32 s8, $0xFFFFF086  }
0x1c: {  	p1 =	slt.u32 s9, $0xF7A;
	s5 =	simm.s32 @!p2 $0x0  }
0x1d: {  	s5 =	simm.s32 @p1 $0x1;
	p0 =	seq.s32 s7, s2  }
0x1e: {  	s7 =	smul.u32 @!p0 $0xF7A, s2;
	p2 =	seq.s32 @!p0 s5, $0x0  }
0x1f: {  	s9 =	smul.u32 $0xF7A, s1;
	s8 =	simm.s32 @!p0 $0x1BF5;
	p2 =	por !p2, p0  }
0x20: {  	[sflag:s8] =	ssyncset.s32 @!p0 $0xFFFFF086;
	s6 =	sadd.s32 @!p0 s3, s7;
	s7 =	simm.s32 @!p0 $0x108  }
0x21: {  	s3 =	sadd.s32 s3, s9;
	s6 =	sadd.s32 @!p0 $0x88, s6;
	s7 =	simm.s32 @p2 $0x1082  }
0x22: {  	[simem:s7], [sflag:s8] =	dma.local @!p0 [hbm:s6], $0xF7A  }
0x23: {  	s9 =	sor.u32 $0xD0000000, s2;
	s6 =	simm.s32 $0x108;
	_ =	swait.ge @!p0 [sflag:s8], $0x0  }
0x24: {  	s3 =	sadd.s32 $0x88, s3;
	s6 =	simm.s32 @!p1 $0x1082;
	[sflag:s4] =	ssyncset.s32 $0xFFFFF086  }
0x25: {  	[simem:s6], [sflag:s4] =	dma.local [hbm:s3], $0xF7A  }
0x26: {  	[smem:$0x3F7B] =	sst s1;
	(tag) =	ssettag s2;
	_ =	strace s9  }
0x27: {  	s1 =	sld [smem:$0x3F8B]  }
0x28: {  	s2 =	sld [smem:$0x3F8C]  }
0x29: {  	s4 =	sld [smem:$0x3F8E]  }
0x2a: {  	p0 =	seq.s32 s5, $0x0;
	s5 =	sld [smem:$0x3F8F]  }
0x2b: {  	s6 =	sld [smem:$0x3F90]  }
0x2c: {  	s7 =	sld [smem:$0x3F91]  }
0x2d: {  	s3 =	simm.s32 $0x108;
	s8 =	sld [smem:$0x3F92]  }
0x2e: {  	s3 =	simm.s32 @!p0 $0x1082;
	s9 =	sld [smem:$0x3F93]  }
0x2f: {  	lr =	sadd.s32 s0, s3;
	s0 =	sld [smem:$0x3F8A]  }
0x30: {  	s3 =	sld [smem:$0x3F8D]  }
0x31: {  	[smem:$0x3F96] =	sst s10  }
0x32: {  	s10 =	sld [smem:$0x3F94];
	_ =	sdelay $0x3  }
0x33: {  	p0 =	seq.s32 s10, $0x1;
	s10 =	sld [smem:$0x3F96];
	_ =	sdelay $0x3  }
0x34: {  	[smem:$0x3F96] =	sst s10  }
0x35: {  	s10 =	sld [smem:$0x3F95];
	_ =	sdelay $0x3  }
0x36: {  	p1 =	seq.s32 s10, $0x1;
	s10 =	sld [smem:$0x3F96];
	_ =	sdelay $0x3  }
0x37: {  	[smem:$0x3F96] =	sst s10  }
0x38: {  	s10 =	sld [smem:$0x3F97]  }
0x39: {  	_ = 	snop;
	(pc) =	sbr.ind lr, $3  }
0x3a: {  	_ = 	snop  }
0x3b: {  	_ = 	snop  }
0x3c: {  	p2 =	seq.s32 s10, $0x1;
	s10 =	sld [smem:$0x3F96]  }
0x3d: {  	_ =	shalt  }
0x3e: {  	_ =	shalt  }
0x3f: {  	_ =	shalt  }
0x40: {  	_ =	shalt  }
0x41: {  	_ =	shalt  }
0x42: {  	_ =	shalt  }
0x43: {  	_ =	shalt  }
0x44: {  	_ =	shalt  }
0x45: {  	_ =	shalt  }
0x46: {  	_ =	shalt  }
0x47: {  	_ =	shalt  }
0x48: {  	_ =	shalt  }
0x49: {  	_ =	shalt  }
0x4a: {  	_ =	shalt  }
0x4b: {  	_ =	shalt  }
0x4c: {  	_ =	shalt  }
0x4d: {  	_ =	shalt  }
0x4e: {  	_ =	shalt  }
0x4f: {  	_ =	shalt  }
0x50: {  	_ =	shalt  }
0x51: {  	_ =	shalt  }
0x52: {  	_ =	shalt  }
0x53: {  	_ =	shalt  }
0x54: {  	_ =	shalt  }
0x55: {  	_ =	shalt  }
0x56: {  	_ =	shalt  }
0x57: {  	_ =	shalt  }
0x58: {  	_ =	shalt  }
0x59: {  	_ =	shalt  }
0x5a: {  	_ =	shalt  }
0x5b: {  	_ =	shalt  }
0x5c: {  	_ =	shalt  }
0x5d: {  	_ =	shalt  }
0x5e: {  	_ =	shalt  }
0x5f: {  	_ =	shalt  }
0x60: {  	_ =	shalt  }
0x61: {  	_ =	shalt  }
0x62: {  	_ =	shalt  }
0x63: {  	_ =	shalt  }
0x64: {  	_ =	shalt  }
0x65: {  	_ =	shalt  }
0x66: {  	_ =	shalt  }
0x67: {  	_ =	shalt  }
0x68: {  	_ =	shalt  }
0x69: {  	_ =	shalt  }
0x6a: {  	_ =	shalt  }
0x6b: {  	_ =	shalt  }
0x6c: {  	_ =	shalt  }
0x6d: {  	_ =	shalt  }
0x6e: {  	_ =	shalt  }
0x6f: {  	_ =	shalt  }
0x70: {  	_ =	shalt  }
0x71: {  	_ =	shalt  }
0x72: {  	_ =	shalt  }
0x73: {  	_ =	shalt  }
0x74: {  	_ =	shalt  }
0x75: {  	_ =	shalt  }
0x76: {  	_ =	shalt  }
0x77: {  	_ =	shalt  }
0x78: {  	_ =	shalt  }
0x79: {  	_ =	shalt  }
0x7a: {  	_ =	shalt  }
0x7b: {  	_ =	shalt  }
0x7c: {  	_ =	shalt  }
0x7d: {  	_ =	shalt  }
0x7e: {  	_ =	shalt  }
0x7f: {  	_ =	shalt  }
0x80: {  	_ =	shalt  }
0x81: {  	_ =	shalt  }
0x82: {  	_ =	shalt  }
0x83: {  	_ =	shalt  }
0x84: {  	_ =	shalt  }
0x85: {  	_ =	shalt  }
0x86: {  	_ =	shalt  }
0x87: {  	_ =	shalt  }
.Lfunc_end0:
.L_simem_size_0:
called_computation.2_lowered:
.L_overlay_start_0:
0x88: {  	s2 =	sld [smem:$0x3FD9]  }
0x89: {  	s3 =	sld [smem:$0x3FFE];
	_ =	sdelay $0x1  }
0x8a: {  	s1 =	srdreg.scid  }
0x8b: {  	s0 =	sand.u32 $0x1, s1  }
0x8c: {  	s14 =	sshll.u32 s0, $0xA;
	s2 =	sadd.s32 s3, s2  }
0x8d: {  	s2 =	sadd.s32 s2, s14  }
0x8e: {  	[smem:$0x3FA2] =	sst s2  }
0x8f: {  	_ = 	snop  }
0x90: {  	s2 =	sld [smem:$0x3FD0];
	_ =	sdelay $0x2  }
0x91: {  	s15 =	simm.s32 $0xA;
	s4 =	simm.s32 $0x10  }
0x92: {  	[smem:s4], [sflag:s15] =	dma.local [hbm:s2], $0x1  }
0x93: {  	_ =	swait.eq [sflag:s15], $0x1  }
0x94: {  	[sflag:s15] =	ssyncset.done $0x0  }
0x95: {  	s16 =	sld [smem:$0x10];
	[sflag:s15] =	ssyncadd.s32 $0xFFFFFFFF  }
0x96: {  	s17 =	sld [smem:$0x11];
	(tm) =	ssettm $0x1  }
0x97: {  	s18 =	sld [smem:$0x3FFB];
	_ =	sdelay $0x3  }
0x98: {  	_ =	strace s18  }
0x99: {  	s4 =	sld [smem:$0x3FFC];
	_ =	sdelay $0x3  }
0x9a: {  	_ =	strace s4  }
0x9b: {  	s4 =	sld [smem:$0x3FFD];
	_ =	sdelay $0x3  }
0x9c: {  	_ =	strace s4  }
0x9d: {  	_ =	strace $0x8FFFFFFF  }
0x9e: {  	s19 =	sld [smem:$0x3FDB];
	_ =	sdelay $0x1  }
0x9f: {  	s5 =	simm.s32 $_scs_section_size  }
0xa0: {  	s6 =	simm.s32 $_size__tile_overlayer_lowered;
	s7 =	simm.s32 $_tile_overlayer_lowered  }
0xa1: {  	s22 =	simm.s32 $0x1BFF;
	s21 =	sshll.u32 s7, $0x1;
	s4 =	sadd.s32 s5, s19  }
0xa2: {  	s8 =	simm.s32 $0x0;
	s20 =	sshll.u32 s6, $0x1;
	s6 =	sadd.s32 s21, s4  }
0xa3: {  	[timem:s8], [sflag:s22] =	dma.local [hbm:s6], s20  }
0xa4: {  	_ =	swait.ge [sflag:s22], s20  }
0xa5: {  	s5 =	ssub.s32 $0x0, s20;
	[sflag:s22] =	ssyncset.done $0x0  }
0xa6: {  	[sflag:s22] =	ssyncadd.s32 s5;
	_ =	sdelay $0x1  }
0xa7: {  	s23 =	simm.s32 $0x1B8B  }
0xa8: {  	_ =	swait.ge [sflag:s23], $0x1  }
0xa9: {  	[sflag:s23] =	ssyncset.done $0x0  }
0xaa: {  	s25 =	simm.s32 $0x1B8E;
	s24 =	sld [smem:$0x3FFE];
	[sflag:s23] =	ssyncadd.s32 $0xFFFFFFFF  }
0xab: {  	s26 =	simm.s32 $execute0_lowered;
	[smem:$0x3FD2] =	sst s25  }
0xac: {  	s6 =	sshll.u32 s26, $0x1;
	_ =	strace $0x80000049;
	[dreg:$0x1] =	wrdreg $0xFFFFFFFF  }
0xad: {  	s28 =	simm.s32 $_size_execute0_lowered;
	s4 =	sadd.s32 s4, s6;
	[dreg:$0x0] =	wrdreg $0x0  }
0xae: {  	s6 =	sshll.u32 s28, $0x1;
	[dreg:$0x2] =	wrdreg s4  }
0xaf: {  	[dreg:$0x3] =	wrdreg s6  }
0xb0: {  	[dreg:$0x4] =	wrdreg $0xC0  }
0xb1: {  	_ =	task [dreg:s8], $0x5FFFF  }
0xb2: {  	[dreg:$0x1] =	wrdreg $0xFFFFFFFF  }
0xb3: {  	[dreg:$0x0] =	wrdreg $0x60  }
0xb4: {  	[dreg:$0x2] =	wrdreg s24  }
0xb5: {  	[dreg:$0x3] =	wrdreg s16  }
0xb6: {  	[dreg:$0x4] =	wrdreg s17  }
0xb7: {  	[dreg:$0x5] =	wrdreg $0x67200  }
0xb8: {  	[dreg:$0x6] =	wrdreg $0x8E300  }
0xb9: {  	[dreg:$0x7] =	wrdreg $0x9  }
0xba: {  	_ =	task.clear_ibuf [dreg:s8], $0x8FFFF;
	_ =	strace $0x90000049  }
0xbb: {  	s29 =	simm.s32 $0x9;
	_ =	strace $0x8000004B  }
0xbc: {  	_ =	swait.ge [sflag:s29], $0x1  }
0xbd: {  	[sflag:s29] =	ssyncadd.s32 $0xFFFFFFFF  }
0xbe: {  	_ =	strace $0x9000004B  }
0xbf: {  	_ =	sfence  }
0xc0: {  	s30 =	sld [smem:$0x0];
	_ =	sdelay $0x2  }
0xc1: {  	s31 =	sshll.u32 s1, $0xD;
	s1 =	sshrl.u32 s1, $0x2  }
0xc2: {  	s3 =	sand.u32 $0x4000, s31;
	s1 =	sadd.s32 s1, s30  }
0xc3: {  	s0 =	sor.u32 s3, s0;
	s1 =	sshll.u32 s1, $0x11  }
0xc4: {  	s0 =	sor.u32 s1, s0  }
0xc5: {  	s0 =	sadd.s32 $0x8F2B, s0  }
0xc6: {  	[sflag:s0] =	ssyncadd.remote.s32 $0x1  }
0xc7: {  	_ =	sfence.sel $0xFFFF  }
0xc8: {  	[dreg:$0x0] =	wrdreg $0xFFFFFFFF;
	(pc) =	sbr.abs _section_cstart, $3  }
0xc9: {  	[dreg:$0x1] =	wrdreg $0xFFFFFFFF  }
0xca: {  	_ =	task.clear_ibuf [dreg:s8], $0x2FFFF;
	_ =	strace $0x9FFFFFFF  }
0xcb: {  	(tm) =	ssettm $0x7FFFFFFF  }
tec
execute0_lowered:
.L_overlay_start_1:
0x0: {  	(tag) =	ssettag $0x1  }
0x1: {  	s0 =	rddreg [dreg:$0x0]  }
0x2: {  	s2 =	rddreg [dreg:$0x1]  }
0x3: {  	s4 =	rddreg [dreg:$0x2]  }
0x4: {  	s1 =	rddreg [dreg:$0x3];
	s5 =	srdreg.scid  }
0x5: {  	s3 =	rddreg [dreg:$0x4];
	s13 =	stileid.u32  }
0x6: {  	s8 =	simm.s32 $0x0;
	s15 =	simm.s32 $0x50;
	s16 =	simm.s32 $0x4E20  }
0x7: {  	s17 =	simm.s32 $0x5320;
	s18 =	simm.s32 $0x5820;
	s19 =	simm.s32 $0x5D20  }
0x8: {  	s20 =	simm.s32 $0x6220;
	s28 =	simm.s32 $0x6;
	s29 =	simm.s32 $0x7  }
0x9: {  	s30 =	simm.s32 $0x8;
	s31 =	simm.s32 $0x9;
	s5 =	sand.u32 $0x1, s5  }
0xa: {  	s7 =	smul.u32 $0x2710, s13;
	[smem:$0x7FF] =	sst s8;
	s24 =	sshll.u32 s13, $0x6  }
0xb: {  	s6 =	sshll.u32 s5, $0x4;
	s21 =	ssub.s32 $0x2, s5;
	_ =	strace $0x8000004A  }
0xc: {  	s5 =	smul.u32 $0x4E20, s5;
	s6 =	sor.u32 s13, s6;
	s14 =	sshrl.u32 s7, $0x3  }
0xd: {  	s22 =	sshrl.u32 s21, $0x1;
	s12 =	sadd.s32 s7, s1;
	s7 =	sadd.s32 s7, s3  }
0xe: {  	s9 =	smul.u32 $0x4E2, s6;
	s10 =	sadd.s32 s14, s0;
	s11 =	ssub.s32 s21, s22  }
0xf: {  	s6 =	sor.u32 $0x1C0B, s24;
	s26 =	sadd.s32 s4, s5;
	s13 =	sshrl.u32 s7, $0x3  }
0x10: {  	s21 =	simm.s32 $0x1;
	s22 =	simm.s32 $0x2;
	s23 =	sadd.s32 $0x15000, s10  }
0x11: {  	s25 =	sadd.s32 $0x10000, s10;
	s10 =	smax.u32 s11, $0x1;
	s11 =	sshrl.u32 s12, $0x3  }
0x12: {  	s12 =	simm.s32 $0xB;
	s24 =	sadd.s32 s14, s26;
	[dreg:$0x6] =	wrdreg s23  }
0x13: {  	s26 =	simm.s32 $0x5;
	s0 =	sadd.s32 s9, s0;
	[dreg:$0x7] =	wrdreg s25  }
0x14: {  	s9 =	sadd.s32 s2, s9;
	s23 =	simm.s32 $0x3;
	s25 =	simm.s32 $0x4  }
0x15: {  	s2 =	simm.s32 $0x0;
	s8 =	sadd.s32 $0x6200, s0;
	s0 =	simm.s32 $0xA  }
.LBB2_1:
0x16: {  	s4 =	rddreg [dreg:$0x6]  }
0x17: {  	[spmem:s11], [sflag:s6] =	dma.local [hbm:s4], $0x4E2  }
0x18: {  	_ =	swait.ge [sflag:s12], $0x4E2  }
0x19: {  	[sflag:s12] =	ssyncset.done $0x0  }
0x1a: {  	s5 =	rddreg [dreg:$0x7];
	[sflag:s12] =	ssyncadd.s32 $0xFFFFFB1E  }
0x1b: {  	[spmem:s13], [sflag:s6] =	dma.local [hbm:s5], $0x4E2  }
0x1c: {  	_ =	swait.ge [sflag:s12], $0x4E2  }
0x1d: {  	[sflag:s12] =	ssyncset.done $0x0  }
0x1e: {  	s7 =	simm.s32 $0x0;
	[sflag:s12] =	ssyncadd.s32 $0xFFFFFB1E  }
0x1f: {  	[tilespmem:s7], [sflag:$0xB] =	stream.linear.gather [hbm4b:s8+s7], $0x2710, $0x38;
	[tilespmem:$0xB540] =	vst v63  }
0x20: {  	_ =	swait.ge [sflag:s12], $0x2710  }
0x21: {  	[sflag:s12] =	ssyncset.done $0x0  }
0x22: {  	s5 =	simm.s32 $0x2710;
	[sflag:s12] =	ssyncadd.s32 $0xFFFFD8F0  }
0x23: {  	[tilespmem:s5], [sflag:$0xB] =	stream.linear.gather [hbm4b:s9+s7], $0x2710, $0x38;
	[tilespmem:$0xB540] =	vst v63  }
0x24: {  	_ =	swait.ge [sflag:s12], $0x2710  }
0x25: {  	[sflag:s12] =	ssyncset.done $0x0  }
0x26: {  	[sflag:s12] =	ssyncadd.s32 $0xFFFFD8F0  }
0x27: {  	s14 =	simm.s32 $0x0;
	[bflag:$0x0] =	sbarrier.arrive $0xFFFF  }
0x28: {  	[tilespmem:s16], [sflag:$0x1] =	stream.indirect.gather [spmem:s3], $0x10, s14, s15, $0xb8;
	[tilespmem:$0xB540] =	vst v63  }
0x29: {  	s5 =	simm.s32 $0x50  }
0x2a: {  	[tilespmem:s17], [sflag:$0x2] =	stream.indirect.gather [spmem:s3], $0x10, s5, s15, $0xb8;
	[tilespmem:$0xB540] =	vst v63  }
0x2b: {  	s7 =	simm.s32 $0xA0  }
0x2c: {  	[tilespmem:s18], [sflag:$0x3] =	stream.indirect.gather [spmem:s3], $0x10, s7, s15, $0xb8;
	[tilespmem:$0xB540] =	vst v63  }
0x2d: {  	s14 =	simm.s32 $0xF0  }
0x2e: {  	[tilespmem:s19], [sflag:$0x4] =	stream.indirect.gather [spmem:s3], $0x10, s14, s15, $0xb8;
	[tilespmem:$0xB540] =	vst v63  }
0x2f: {  	s5 =	simm.s32 $0x140  }
0x30: {  	[tilespmem:s20], [sflag:$0x5] =	stream.indirect.gather [spmem:s3], $0x10, s5, s15, $0xb8;
	[tilespmem:$0xB540] =	vst v63  }
0x31: {  	_ =	swait.ge [sflag:s21], $0x500  }
0x32: {  	[sflag:s21] =	ssyncset.done $0x0  }
0x33: {  	s7 =	simm.s32 $0x2710;
	[sflag:s21] =	ssyncadd.s32 $0xFFFFFB00  }
0x34: {  	[spmem:s1] =	stream.indirect.scatter.add.f32 [tilespmem:s16], [sflag:$0x6], $0x10, s7, s15, $0xb8;
	[tilespmem:$0xB540] =	vst v63  }
0x35: {  	_ =	swait.ge [sflag:s22], $0x500  }
0x36: {  	[sflag:s22] =	ssyncset.done $0x0  }
0x37: {  	s14 =	simm.s32 $0x2760;
	[sflag:s22] =	ssyncadd.s32 $0xFFFFFB00  }
0x38: {  	[spmem:s1] =	stream.indirect.scatter.add.f32 [tilespmem:s17], [sflag:$0x7], $0x10, s14, s15, $0xb8;
	[tilespmem:$0xB540] =	vst v63  }
0x39: {  	_ =	swait.ge [sflag:s23], $0x500  }
0x3a: {  	[sflag:s23] =	ssyncset.done $0x0  }
0x3b: {  	s5 =	simm.s32 $0x27B0;
	[sflag:s23] =	ssyncadd.s32 $0xFFFFFB00  }
0x3c: {  	[spmem:s1] =	stream.indirect.scatter.add.f32 [tilespmem:s18], [sflag:$0x8], $0x10, s5, s15, $0xb8;
	[tilespmem:$0xB540] =	vst v63  }
0x3d: {  	_ =	swait.ge [sflag:s25], $0x500  }
0x3e: {  	[sflag:s25] =	ssyncset.done $0x0  }
0x3f: {  	s7 =	simm.s32 $0x2800;
	[sflag:s25] =	ssyncadd.s32 $0xFFFFFB00  }
0x40: {  	[spmem:s1] =	stream.indirect.scatter.add.f32 [tilespmem:s19], [sflag:$0x9], $0x10, s7, s15, $0xb8;
	[tilespmem:$0xB540] =	vst v63  }
0x41: {  	_ =	swait.ge [sflag:s26], $0x500  }
0x42: {  	[sflag:s26] =	ssyncset.done $0x0  }
0x43: {  	s14 =	simm.s32 $0x2850;
	[sflag:s26] =	ssyncadd.s32 $0xFFFFFB00  }
0x44: {  	[spmem:s1] =	stream.indirect.scatter.add.f32 [tilespmem:s20], [sflag:$0xA], $0x10, s14, s15, $0xb8;
	[tilespmem:$0xB540] =	vst v63  }
0x45: {  	_ =	swait.ge [sflag:s28], $0x500  }
0x46: {  	[sflag:s28] =	ssyncset.done $0x0  }
0x47: {  	[sflag:s28] =	ssyncadd.s32 $0xFFFFFB00  }
0x48: {  	_ =	swait.ge [sflag:s29], $0x500  }
0x49: {  	[sflag:s29] =	ssyncset.done $0x0  }
0x4a: {  	[sflag:s29] =	ssyncadd.s32 $0xFFFFFB00  }
0x4b: {  	_ =	swait.ge [sflag:s30], $0x500  }
0x4c: {  	[sflag:s30] =	ssyncset.done $0x0  }
0x4d: {  	[sflag:s30] =	ssyncadd.s32 $0xFFFFFB00  }
0x4e: {  	_ =	swait.ge [sflag:s31], $0x500  }
0x4f: {  	[sflag:s31] =	ssyncset.done $0x0  }
0x50: {  	[sflag:s31] =	ssyncadd.s32 $0xFFFFFB00  }
0x51: {  	_ =	swait.ge [sflag:s0], $0x500  }
0x52: {  	s4 =	simm.s32 $0xC80;
	s14 =	simm.s32 $0x640;
	[sflag:s0] =	ssyncset.done $0x0  }
.LBB2_2:
0x53: {  	s5 =	sshra.s32 s14, $0x2  }
0x54: {  	[sflag:s0] =	ssyncadd.s32 $0xFFFFFB00;
	s14 =	smov.u32 s4;
	s7 =	sadd.s32 $0x640, s4  }
0x55: {  	[tilespmem:s16], [sflag:$0x1] =	stream.indirect.gather [spmem:s3], $0x10, s5, s15, $0xb8;
	[tilespmem:$0xB540] =	vst v63  }
0x56: {  	p0 =	sne.s32 s4, $0x9600;
	s4 =	sadd.s32 $0x50, s5  }
0x57: {  	[tilespmem:s17], [sflag:$0x2] =	stream.indirect.gather [spmem:s3], $0x10, s4, s15, $0xb8;
	[tilespmem:$0xB540] =	vst v63  }
0x58: {  	s4 =	sadd.s32 $0xA0, s5  }
0x59: {  	[tilespmem:s18], [sflag:$0x3] =	stream.indirect.gather [spmem:s3], $0x10, s4, s15, $0xb8;
	[tilespmem:$0xB540] =	vst v63  }
0x5a: {  	s4 =	sadd.s32 $0xF0, s5  }
0x5b: {  	[tilespmem:s19], [sflag:$0x4] =	stream.indirect.gather [spmem:s3], $0x10, s4, s15, $0xb8;
	[tilespmem:$0xB540] =	vst v63  }
0x5c: {  	s4 =	sadd.s32 $0x140, s5  }
0x5d: {  	[tilespmem:s20], [sflag:$0x5] =	stream.indirect.gather [spmem:s3], $0x10, s4, s15, $0xb8;
	[tilespmem:$0xB540] =	vst v63  }
0x5e: {  	_ =	swait.ge [sflag:s21], $0x500  }
0x5f: {  	[sflag:s21] =	ssyncset.done $0x0  }
0x60: {  	s4 =	sadd.s32 $0x2710, s5;
	[sflag:s21] =	ssyncadd.s32 $0xFFFFFB00  }
0x61: {  	[spmem:s1] =	stream.indirect.scatter.add.f32 [tilespmem:s16], [sflag:$0x6], $0x10, s4, s15, $0xb8;
	[tilespmem:$0xB540] =	vst v63  }
0x62: {  	_ =	swait.ge [sflag:s22], $0x500  }
0x63: {  	[sflag:s22] =	ssyncset.done $0x0  }
0x64: {  	s4 =	sadd.s32 $0x2760, s5;
	[sflag:s22] =	ssyncadd.s32 $0xFFFFFB00  }
0x65: {  	[spmem:s1] =	stream.indirect.scatter.add.f32 [tilespmem:s17], [sflag:$0x7], $0x10, s4, s15, $0xb8;
	[tilespmem:$0xB540] =	vst v63  }
0x66: {  	_ =	swait.ge [sflag:s23], $0x500  }
0x67: {  	[sflag:s23] =	ssyncset.done $0x0  }
0x68: {  	s4 =	sadd.s32 $0x27B0, s5;
	[sflag:s23] =	ssyncadd.s32 $0xFFFFFB00  }
0x69: {  	[spmem:s1] =	stream.indirect.scatter.add.f32 [tilespmem:s18], [sflag:$0x8], $0x10, s4, s15, $0xb8;
	[tilespmem:$0xB540] =	vst v63  }
0x6a: {  	_ =	swait.ge [sflag:s25], $0x500  }
0x6b: {  	[sflag:s25] =	ssyncset.done $0x0  }
0x6c: {  	s4 =	sadd.s32 $0x2800, s5;
	[sflag:s25] =	ssyncadd.s32 $0xFFFFFB00  }
0x6d: {  	[spmem:s1] =	stream.indirect.scatter.add.f32 [tilespmem:s19], [sflag:$0x9], $0x10, s4, s15, $0xb8;
	[tilespmem:$0xB540] =	vst v63  }
0x6e: {  	_ =	swait.ge [sflag:s26], $0x500  }
0x6f: {  	[sflag:s26] =	ssyncset.done $0x0  }
0x70: {  	s4 =	sadd.s32 $0x2850, s5;
	[sflag:s26] =	ssyncadd.s32 $0xFFFFFB00  }
0x71: {  	[spmem:s1] =	stream.indirect.scatter.add.f32 [tilespmem:s20], [sflag:$0xA], $0x10, s4, s15, $0xb8;
	[tilespmem:$0xB540] =	vst v63  }
0x72: {  	_ =	swait.ge [sflag:s28], $0x500  }
0x73: {  	[sflag:s28] =	ssyncset.done $0x0  }
0x74: {  	[sflag:s28] =	ssyncadd.s32 $0xFFFFFB00  }
0x75: {  	_ =	swait.ge [sflag:s29], $0x500  }
0x76: {  	[sflag:s29] =	ssyncset.done $0x0  }
0x77: {  	[sflag:s29] =	ssyncadd.s32 $0xFFFFFB00  }
0x78: {  	_ =	swait.ge [sflag:s30], $0x500  }
0x79: {  	[sflag:s30] =	ssyncset.done $0x0  }
0x7a: {  	[sflag:s30] =	ssyncadd.s32 $0xFFFFFB00  }
.Ltmp0:
0x7b: {  	_ =	swait.ge [sflag:s31], $0x500;
	(pc) =	sbr.rel @p0 .LBB2_2-.Ltmp0, $4  }
0x7c: {  	[sflag:s31] =	ssyncset.done $0x0  }
0x7d: {  	[sflag:s31] =	ssyncadd.s32 $0xFFFFFB00  }
0x7e: {  	_ =	swait.ge [sflag:s0], $0x500  }
0x7f: {  	s4 =	smov.u32 s7;
	[sflag:s0] =	ssyncset.done $0x0  }
0x80: {  	s4 =	sshra.s32 s14, $0x2;
	[sflag:s0] =	ssyncadd.s32 $0xFFFFFB00  }
0x81: {  	[tilespmem:s16], [sflag:$0x1] =	stream.indirect.gather [spmem:s3], $0x10, s4, s15, $0xb8;
	[tilespmem:$0xB540] =	vst v63  }
0x82: {  	s5 =	sadd.s32 $0x50, s4  }
0x83: {  	[tilespmem:s17], [sflag:$0x2] =	stream.indirect.gather [spmem:s3], $0x10, s5, s15, $0xb8;
	[tilespmem:$0xB540] =	vst v63  }
0x84: {  	s14 =	sadd.s32 $0xA0, s4  }
0x85: {  	[tilespmem:s18], [sflag:$0x3] =	stream.indirect.gather [spmem:s3], $0x10, s14, s15, $0xb8;
	[tilespmem:$0xB540] =	vst v63  }
0x86: {  	s7 =	sadd.s32 $0xF0, s4  }
0x87: {  	[tilespmem:s19], [sflag:$0x4] =	stream.indirect.gather [spmem:s3], $0x10, s7, s15, $0xb8;
	[tilespmem:$0xB540] =	vst v63  }
0x88: {  	s14 =	sadd.s32 $0x140, s4  }
0x89: {  	[tilespmem:s20], [sflag:$0x5] =	stream.indirect.gather [spmem:s3], $0x10, s14, s15, $0xb8;
	[tilespmem:$0xB540] =	vst v63  }
0x8a: {  	_ =	swait.ge [sflag:s21], $0x500  }
0x8b: {  	[sflag:s21] =	ssyncset.done $0x0  }
0x8c: {  	s7 =	sadd.s32 $0x2710, s4;
	[sflag:s21] =	ssyncadd.s32 $0xFFFFFB00  }
0x8d: {  	[spmem:s1] =	stream.indirect.scatter.add.f32 [tilespmem:s16], [sflag:$0x6], $0x10, s7, s15, $0xb8;
	[tilespmem:$0xB540] =	vst v63  }
0x8e: {  	_ =	swait.ge [sflag:s22], $0x500  }
0x8f: {  	[sflag:s22] =	ssyncset.done $0x0  }
0x90: {  	s14 =	sadd.s32 $0x2760, s4;
	[sflag:s22] =	ssyncadd.s32 $0xFFFFFB00  }
0x91: {  	[spmem:s1] =	stream.indirect.scatter.add.f32 [tilespmem:s17], [sflag:$0x7], $0x10, s14, s15, $0xb8;
	[tilespmem:$0xB540] =	vst v63  }
0x92: {  	_ =	swait.ge [sflag:s23], $0x500  }
0x93: {  	[sflag:s23] =	ssyncset.done $0x0  }
0x94: {  	s7 =	sadd.s32 $0x27B0, s4;
	[sflag:s23] =	ssyncadd.s32 $0xFFFFFB00  }
0x95: {  	[spmem:s1] =	stream.indirect.scatter.add.f32 [tilespmem:s18], [sflag:$0x8], $0x10, s7, s15, $0xb8;
	[tilespmem:$0xB540] =	vst v63  }
0x96: {  	_ =	swait.ge [sflag:s25], $0x500  }
0x97: {  	[sflag:s25] =	ssyncset.done $0x0  }
0x98: {  	s14 =	sadd.s32 $0x2800, s4;
	[sflag:s25] =	ssyncadd.s32 $0xFFFFFB00  }
0x99: {  	[spmem:s1] =	stream.indirect.scatter.add.f32 [tilespmem:s19], [sflag:$0x9], $0x10, s14, s15, $0xb8;
	[tilespmem:$0xB540] =	vst v63  }
0x9a: {  	_ =	swait.ge [sflag:s26], $0x500  }
0x9b: {  	[sflag:s26] =	ssyncset.done $0x0  }
0x9c: {  	s4 =	sadd.s32 $0x2850, s4;
	[sflag:s26] =	ssyncadd.s32 $0xFFFFFB00  }
0x9d: {  	[spmem:s1] =	stream.indirect.scatter.add.f32 [tilespmem:s20], [sflag:$0xA], $0x10, s4, s15, $0xb8;
	[tilespmem:$0xB540] =	vst v63  }
0x9e: {  	_ =	swait.ge [sflag:s28], $0x500  }
0x9f: {  	[sflag:s28] =	ssyncset.done $0x0  }
0xa0: {  	[sflag:s28] =	ssyncadd.s32 $0xFFFFFB00  }
0xa1: {  	_ =	swait.ge [sflag:s29], $0x500  }
0xa2: {  	[sflag:s29] =	ssyncset.done $0x0  }
0xa3: {  	[sflag:s29] =	ssyncadd.s32 $0xFFFFFB00  }
0xa4: {  	_ =	swait.ge [sflag:s30], $0x500  }
0xa5: {  	[sflag:s30] =	ssyncset.done $0x0  }
0xa6: {  	[sflag:s30] =	ssyncadd.s32 $0xFFFFFB00  }
0xa7: {  	_ =	swait.ge [sflag:s31], $0x500  }
0xa8: {  	[sflag:s31] =	ssyncset.done $0x0  }
0xa9: {  	[sflag:s31] =	ssyncadd.s32 $0xFFFFFB00  }
0xaa: {  	_ =	swait.ge [sflag:s0], $0x500  }
0xab: {  	s2 =	sadd.s32 $0x1, s2;
	[sflag:s0] =	ssyncset.done $0x0  }
0xac: {  	p0 =	sne.s32 s2, s10;
	[sflag:s0] =	ssyncadd.s32 $0xFFFFFB00  }
.Ltmp1:
0xad: {  	[bflag:$0x0] =	sbarrier.arrive $0xFFFF;
	(pc) =	sbr.rel @p0 .LBB2_1-.Ltmp1, $4  }
0xae: {  	[hbm:s24], [sflag:s6] =	dma.local [spmem:s11], $0x4E2  }
0xaf: {  	_ =	swait.ge [sflag:s12], $0x4E2  }
0xb0: {  	[sflag:s12] =	ssyncset.done $0x0  }
0xb1: {  	[sflag:s12] =	ssyncadd.s32 $0xFFFFFB1E  }
0xb2: {  	_ =	sfence.sel $0x180000  }
0xb3: {  	[bflag:$0x0] =	sbarrier.arrive $0xFFFF  }
0xb4: {  	_ =	strace $0x9000004A  }
0xb5: {  	s0 =	stileid.u32;
	[bflag:$0x2] =	sbarrier.arrive $0xFFFF  }
0xb6: {  	p0 =	sne.s32 s0, $0x0;
	s0 =	rddreg [dreg:$0x5]  }
0xb7: {  	s0 =	sadd.s32 @!p0 $0x100000, s0  }
0xb8: {  	[sflag:s0] =	ssyncadd.tile.s32 @!p0 $0x1;
	_ =	shalt  }
.Lfunc_end2:
_tile_overlayer_lowered:
.L_overlay_start_2:
0xb9: {  	(tag) =	ssettag $0x2  }
0xba: {  	s0 =	rddreg [dreg:$0x0];
	s2 =	stileid.u32  }
0xbb: {  	s1 =	rddreg [dreg:$0x1];
	p0 =	sne.s32 s2, $0x0  }
0xbc: {  	s3 =	rddreg [dreg:$0x2];
	[bflag:$0x3] =	sbarrier.arrive $0xFFFF;
	s2 =	simm.s32 @!p0 $0x1C0B  }
0xbd: {  	[timem:s3], [sflag:s2] =	dma.local @!p0 [hbm:s0], s1  }
0xbe: {  	s0 =	simm.s32 @!p0 $0xB  }
0xbf: {  	_ =	swait.ge @!p0 [sflag:s0], s1  }
0xc0: {  	s1 =	ssub.s32 @!p0 $0x0, s1;
	[sflag:s0] =	ssyncset.done @!p0 $0x0  }
0xc1: {  	[sflag:s0] =	ssyncadd.s32 @!p0 s1  }
0xc2: {  	[bflag:$0x3] =	sbarrier.arrive $0xFFFF  }
0xc3: {  	_ =	shalt  }

// kernel: kernel.19.cloned.1.call-start
scs
__scs_entry_jumppad:
0x0: {  	(pc) =	sbr.rel $0x88, $3  }
0x1: {  	(tag) =	ssettag $0x0;
	lr =	simm.s32 $0x1  }
0x2: {  	[smem:$0x3F7B] =	sst lr;
	_ =	strace $0xD0000000  }
0x3: {  	_ = 	snop  }
0x4: {  	_ = 	snop  }
0x5: {  	_ = 	snop  }
0x6: {  	_ = 	snop  }
0x7: {  	_ = 	snop  }
__scs_overlays_trampoline_lowered:
0x8: {  	[smem:$0x3F8A] =	sst s0  }
0x9: {  	[smem:$0x3F8B] =	sst s1  }
0xa: {  	[smem:$0x3F8C] =	sst s2  }
0xb: {  	[smem:$0x3F8D] =	sst s3  }
0xc: {  	[smem:$0x3F8E] =	sst s4  }
0xd: {  	[smem:$0x3F8F] =	sst s5  }
0xe: {  	[smem:$0x3F90] =	sst s6  }
0xf: {  	[smem:$0x3F91] =	sst s7  }
0x10: {  	[smem:$0x3F92] =	sst s8  }
0x11: {  	[smem:$0x3F93] =	sst s9;
	s0 =	simm.s32 @!p0 $0x0  }
0x12: {  	s1 =	sld [smem:$0x3F79];
	s0 =	simm.s32 @p0 $0x1  }
0x13: {  	[smem:$0x3F94] =	sst s0;
	s0 =	simm.s32 @!p1 $0x0  }
0x14: {  	s2 =	sld [smem:$0x3F78];
	s0 =	simm.s32 @p1 $0x1  }
0x15: {  	[smem:$0x3F95] =	sst s0;
	s0 =	simm.s32 @!p2 $0x0  }
0x16: {  	s3 =	sld [smem:$0x3FDB];
	s0 =	simm.s32 @p2 $0x1  }
0x17: {  	s4 =	simm.s32 $0x1BF5;
	[smem:$0x3F97] =	sst s0  }
0x18: {  	s0 =	sld [smem:$0x3F7A];
	_ =	swait.ge [sflag:s4], $0x0  }
0x19: {  	s7 =	sld [smem:$0x3F7B]  }
0x1a: {  	s8 =	sadd.s32 $0xFFFFE003, lr  }
0x1b: {  	s9 =	sadd.s32 $0xFFFFFEF7, lr;
	s5 =	simm.s32 $0xFFFFFFFF;
	p2 =	slt.u32 s8, $0xFFFFF086  }
0x1c: {  	p1 =	slt.u32 s9, $0xF7A;
	s5 =	simm.s32 @!p2 $0x0  }
0x1d: {  	s5 =	simm.s32 @p1 $0x1;
	p0 =	seq.s32 s7, s2  }
0x1e: {  	s7 =	smul.u32 @!p0 $0xF7A, s2;
	p2 =	seq.s32 @!p0 s5, $0x0  }
0x1f: {  	s9 =	smul.u32 $0xF7A, s1;
	s8 =	simm.s32 @!p0 $0x1BF5;
	p2 =	por !p2, p0  }
0x20: {  	[sflag:s8] =	ssyncset.s32 @!p0 $0xFFFFF086;
	s6 =	sadd.s32 @!p0 s3, s7;
	s7 =	simm.s32 @!p0 $0x108  }
0x21: {  	s3 =	sadd.s32 s3, s9;
	s6 =	sadd.s32 @!p0 $0x88, s6;
	s7 =	simm.s32 @p2 $0x1082  }
0x22: {  	[simem:s7], [sflag:s8] =	dma.local @!p0 [hbm:s6], $0xF7A  }
0x23: {  	s9 =	sor.u32 $0xD0000000, s2;
	s6 =	simm.s32 $0x108;
	_ =	swait.ge @!p0 [sflag:s8], $0x0  }
0x24: {  	s3 =	sadd.s32 $0x88, s3;
	s6 =	simm.s32 @!p1 $0x1082;
	[sflag:s4] =	ssyncset.s32 $0xFFFFF086  }
0x25: {  	[simem:s6], [sflag:s4] =	dma.local [hbm:s3], $0xF7A  }
0x26: {  	[smem:$0x3F7B] =	sst s1;
	(tag) =	ssettag s2;
	_ =	strace s9  }
0x27: {  	s1 =	sld [smem:$0x3F8B]  }
0x28: {  	s2 =	sld [smem:$0x3F8C]  }
0x29: {  	s4 =	sld [smem:$0x3F8E]  }
0x2a: {  	p0 =	seq.s32 s5, $0x0;
	s5 =	sld [smem:$0x3F8F]  }
0x2b: {  	s6 =	sld [smem:$0x3F90]  }
0x2c: {  	s7 =	sld [smem:$0x3F91]  }
0x2d: {  	s3 =	simm.s32 $0x108;
	s8 =	sld [smem:$0x3F92]  }
0x2e: {  	s3 =	simm.s32 @!p0 $0x1082;
	s9 =	sld [smem:$0x3F93]  }
0x2f: {  	lr =	sadd.s32 s0, s3;
	s0 =	sld [smem:$0x3F8A]  }
0x30: {  	s3 =	sld [smem:$0x3F8D]  }
0x31: {  	[smem:$0x3F96] =	sst s10  }
0x32: {  	s10 =	sld [smem:$0x3F94];
	_ =	sdelay $0x3  }
0x33: {  	p0 =	seq.s32 s10, $0x1;
	s10 =	sld [smem:$0x3F96];
	_ =	sdelay $0x3  }
0x34: {  	[smem:$0x3F96] =	sst s10  }
0x35: {  	s10 =	sld [smem:$0x3F95];
	_ =	sdelay $0x3  }
0x36: {  	p1 =	seq.s32 s10, $0x1;
	s10 =	sld [smem:$0x3F96];
	_ =	sdelay $0x3  }
0x37: {  	[smem:$0x3F96] =	sst s10  }
0x38: {  	s10 =	sld [smem:$0x3F97]  }
0x39: {  	_ = 	snop;
	(pc) =	sbr.ind lr, $3  }
0x3a: {  	_ = 	snop  }
0x3b: {  	_ = 	snop  }
0x3c: {  	p2 =	seq.s32 s10, $0x1;
	s10 =	sld [smem:$0x3F96]  }
0x3d: {  	_ =	shalt  }
0x3e: {  	_ =	shalt  }
0x3f: {  	_ =	shalt  }
0x40: {  	_ =	shalt  }
0x41: {  	_ =	shalt  }
0x42: {  	_ =	shalt  }
0x43: {  	_ =	shalt  }
0x44: {  	_ =	shalt  }
0x45: {  	_ =	shalt  }
0x46: {  	_ =	shalt  }
0x47: {  	_ =	shalt  }
0x48: {  	_ =	shalt  }
0x49: {  	_ =	shalt  }
0x4a: {  	_ =	shalt  }
0x4b: {  	_ =	shalt  }
0x4c: {  	_ =	shalt  }
0x4d: {  	_ =	shalt  }
0x4e: {  	_ =	shalt  }
0x4f: {  	_ =	shalt  }
0x50: {  	_ =	shalt  }
0x51: {  	_ =	shalt  }
0x52: {  	_ =	shalt  }
0x53: {  	_ =	shalt  }
0x54: {  	_ =	shalt  }
0x55: {  	_ =	shalt  }
0x56: {  	_ =	shalt  }
0x57: {  	_ =	shalt  }
0x58: {  	_ =	shalt  }
0x59: {  	_ =	shalt  }
0x5a: {  	_ =	shalt  }
0x5b: {  	_ =	shalt  }
0x5c: {  	_ =	shalt  }
0x5d: {  	_ =	shalt  }
0x5e: {  	_ =	shalt  }
0x5f: {  	_ =	shalt  }
0x60: {  	_ =	shalt  }
0x61: {  	_ =	shalt  }
0x62: {  	_ =	shalt  }
0x63: {  	_ =	shalt  }
0x64: {  	_ =	shalt  }
0x65: {  	_ =	shalt  }
0x66: {  	_ =	shalt  }
0x67: {  	_ =	shalt  }
0x68: {  	_ =	shalt  }
0x69: {  	_ =	shalt  }
0x6a: {  	_ =	shalt  }
0x6b: {  	_ =	shalt  }
0x6c: {  	_ =	shalt  }
0x6d: {  	_ =	shalt  }
0x6e: {  	_ =	shalt  }
0x6f: {  	_ =	shalt  }
0x70: {  	_ =	shalt  }
0x71: {  	_ =	shalt  }
0x72: {  	_ =	shalt  }
0x73: {  	_ =	shalt  }
0x74: {  	_ =	shalt  }
0x75: {  	_ =	shalt  }
0x76: {  	_ =	shalt  }
0x77: {  	_ =	shalt  }
0x78: {  	_ =	shalt  }
0x79: {  	_ =	shalt  }
0x7a: {  	_ =	shalt  }
0x7b: {  	_ =	shalt  }
0x7c: {  	_ =	shalt  }
0x7d: {  	_ =	shalt  }
0x7e: {  	_ =	shalt  }
0x7f: {  	_ =	shalt  }
0x80: {  	_ =	shalt  }
0x81: {  	_ =	shalt  }
0x82: {  	_ =	shalt  }
0x83: {  	_ =	shalt  }
0x84: {  	_ =	shalt  }
0x85: {  	_ =	shalt  }
0x86: {  	_ =	shalt  }
0x87: {  	_ =	shalt  }
.Lfunc_end0:
.L_simem_size_0:
called_computation.3_lowered:
.L_overlay_start_0:
0x88: {  	s2 =	sld [smem:$0x3FD9]  }
0x89: {  	s3 =	sld [smem:$0x3FFE];
	_ =	sdelay $0x1  }
0x8a: {  	s1 =	srdreg.scid  }
0x8b: {  	s0 =	sand.u32 $0x1, s1  }
0x8c: {  	s14 =	sshll.u32 s0, $0xA;
	s2 =	sadd.s32 s3, s2  }
0x8d: {  	s2 =	sadd.s32 s2, s14  }
0x8e: {  	[smem:$0x3FA2] =	sst s2  }
0x8f: {  	_ = 	snop  }
0x90: {  	s2 =	sld [smem:$0x3FD0];
	_ =	sdelay $0x2  }
0x91: {  	s15 =	simm.s32 $0xA;
	s4 =	simm.s32 $0x10  }
0x92: {  	[smem:s4], [sflag:s15] =	dma.local [hbm:s2], $0x1  }
0x93: {  	_ =	swait.eq [sflag:s15], $0x1  }
0x94: {  	[sflag:s15] =	ssyncset.done $0x0  }
0x95: {  	s16 =	sld [smem:$0x10];
	[sflag:s15] =	ssyncadd.s32 $0xFFFFFFFF  }
0x96: {  	s17 =	sld [smem:$0x11];
	(tm) =	ssettm $0x1  }
0x97: {  	s18 =	sld [smem:$0x3FFB];
	_ =	sdelay $0x3  }
0x98: {  	_ =	strace s18  }
0x99: {  	s4 =	sld [smem:$0x3FFC];
	_ =	sdelay $0x3  }
0x9a: {  	_ =	strace s4  }
0x9b: {  	s4 =	sld [smem:$0x3FFD];
	_ =	sdelay $0x3  }
0x9c: {  	_ =	strace s4  }
0x9d: {  	_ =	strace $0x8FFFFFFF  }
0x9e: {  	s19 =	sld [smem:$0x3FDB];
	_ =	sdelay $0x1  }
0x9f: {  	s5 =	simm.s32 $_scs_section_size  }
0xa0: {  	s6 =	simm.s32 $_size__tile_overlayer_lowered;
	s7 =	simm.s32 $_tile_overlayer_lowered  }
0xa1: {  	s22 =	simm.s32 $0x1BFF;
	s21 =	sshll.u32 s7, $0x1;
	s4 =	sadd.s32 s5, s19  }
0xa2: {  	s8 =	simm.s32 $0x0;
	s20 =	sshll.u32 s6, $0x1;
	s6 =	sadd.s32 s21, s4  }
0xa3: {  	[timem:s8], [sflag:s22] =	dma.local [hbm:s6], s20  }
0xa4: {  	_ =	swait.ge [sflag:s22], s20  }
0xa5: {  	s5 =	ssub.s32 $0x0, s20;
	[sflag:s22] =	ssyncset.done $0x0  }
0xa6: {  	[sflag:s22] =	ssyncadd.s32 s5;
	_ =	sdelay $0x1  }
0xa7: {  	s23 =	simm.s32 $0x1B8B  }
0xa8: {  	_ =	swait.ge [sflag:s23], $0x1  }
0xa9: {  	[sflag:s23] =	ssyncset.done $0x0  }
0xaa: {  	s25 =	simm.s32 $0x1B8E;
	s24 =	sld [smem:$0x3FFE];
	[sflag:s23] =	ssyncadd.s32 $0xFFFFFFFF  }
0xab: {  	s26 =	simm.s32 $execute0_lowered;
	[smem:$0x3FD2] =	sst s25  }
0xac: {  	s6 =	sshll.u32 s26, $0x1;
	_ =	strace $0x8000004C;
	[dreg:$0x1] =	wrdreg $0xFFFFFFFF  }
0xad: {  	s28 =	simm.s32 $_size_execute0_lowered;
	s4 =	sadd.s32 s4, s6;
	[dreg:$0x0] =	wrdreg $0x0  }
0xae: {  	s6 =	sshll.u32 s28, $0x1;
	[dreg:$0x2] =	wrdreg s4  }
0xaf: {  	[dreg:$0x3] =	wrdreg s6  }
0xb0: {  	[dreg:$0x4] =	wrdreg $0xC0  }
0xb1: {  	_ =	task [dreg:s8], $0x5FFFF  }
0xb2: {  	[dreg:$0x1] =	wrdreg $0xFFFFFFFF  }
0xb3: {  	[dreg:$0x0] =	wrdreg $0x60  }
0xb4: {  	[dreg:$0x2] =	wrdreg s24  }
0xb5: {  	[dreg:$0x3] =	wrdreg s16  }
0xb6: {  	[dreg:$0x4] =	wrdreg s17  }
0xb7: {  	[dreg:$0x5] =	wrdreg $0x67200  }
0xb8: {  	[dreg:$0x6] =	wrdreg $0x8E300  }
0xb9: {  	[dreg:$0x7] =	wrdreg $0x9  }
0xba: {  	_ =	task.clear_ibuf [dreg:s8], $0x8FFFF;
	_ =	strace $0x9000004C  }
0xbb: {  	s29 =	simm.s32 $0x9;
	_ =	strace $0x8000004E  }
0xbc: {  	_ =	swait.ge [sflag:s29], $0x1  }
0xbd: {  	[sflag:s29] =	ssyncadd.s32 $0xFFFFFFFF  }
0xbe: {  	_ =	strace $0x9000004E  }
0xbf: {  	_ =	sfence  }
0xc0: {  	s30 =	sld [smem:$0x0];
	_ =	sdelay $0x2  }
0xc1: {  	s31 =	sshll.u32 s1, $0xD;
	s1 =	sshrl.u32 s1, $0x2  }
0xc2: {  	s3 =	sand.u32 $0x4000, s31;
	s1 =	sadd.s32 s1, s30  }
0xc3: {  	s0 =	sor.u32 s3, s0;
	s1 =	sshll.u32 s1, $0x11  }
0xc4: {  	s0 =	sor.u32 s1, s0  }
0xc5: {  	s0 =	sadd.s32 $0x8F2B, s0  }
0xc6: {  	[sflag:s0] =	ssyncadd.remote.s32 $0x1  }
0xc7: {  	_ =	sfence.sel $0xFFFF  }
0xc8: {  	[dreg:$0x0] =	wrdreg $0xFFFFFFFF;
	(pc) =	sbr.abs _section_cstart, $3  }
0xc9: {  	[dreg:$0x1] =	wrdreg $0xFFFFFFFF  }
0xca: {  	_ =	task.clear_ibuf [dreg:s8], $0x2FFFF;
	_ =	strace $0x9FFFFFFF  }
0xcb: {  	(tm) =	ssettm $0x7FFFFFFF  }
tec
execute0_lowered:
.L_overlay_start_1:
0x0: {  	(tag) =	ssettag $0x1  }
0x1: {  	s0 =	rddreg [dreg:$0x0]  }
0x2: {  	s2 =	rddreg [dreg:$0x1]  }
0x3: {  	s4 =	rddreg [dreg:$0x2]  }
0x4: {  	s1 =	rddreg [dreg:$0x3];
	s5 =	srdreg.scid  }
0x5: {  	s3 =	rddreg [dreg:$0x4];
	s13 =	stileid.u32  }
0x6: {  	s8 =	simm.s32 $0x0;
	s15 =	simm.s32 $0x50;
	s16 =	simm.s32 $0x4E20  }
0x7: {  	s17 =	simm.s32 $0x5320;
	s18 =	simm.s32 $0x5820;
	s19 =	simm.s32 $0x5D20  }
0x8: {  	s20 =	simm.s32 $0x6220;
	s28 =	simm.s32 $0x6;
	s29 =	simm.s32 $0x7  }
0x9: {  	s30 =	simm.s32 $0x8;
	s31 =	simm.s32 $0x9;
	s5 =	sand.u32 $0x1, s5  }
0xa: {  	s7 =	smul.u32 $0x2710, s13;
	[smem:$0x7FF] =	sst s8;
	s24 =	sshll.u32 s13, $0x6  }
0xb: {  	s6 =	sshll.u32 s5, $0x4;
	s21 =	ssub.s32 $0x2, s5;
	_ =	strace $0x8000004D  }
0xc: {  	s5 =	smul.u32 $0x4E20, s5;
	s6 =	sor.u32 s13, s6;
	s14 =	sshrl.u32 s7, $0x3  }
0xd: {  	s22 =	sshrl.u32 s21, $0x1;
	s12 =	sadd.s32 s7, s1;
	s7 =	sadd.s32 s7, s3  }
0xe: {  	s9 =	smul.u32 $0x4E2, s6;
	s10 =	sadd.s32 s14, s0;
	s11 =	ssub.s32 s21, s22  }
0xf: {  	s6 =	sor.u32 $0x1C0B, s24;
	s26 =	sadd.s32 s4, s5;
	s13 =	sshrl.u32 s7, $0x3  }
0x10: {  	s21 =	simm.s32 $0x1;
	s22 =	simm.s32 $0x2;
	s23 =	sadd.s32 $0x15000, s10  }
0x11: {  	s25 =	sadd.s32 $0x10000, s10;
	s10 =	smax.u32 s11, $0x1;
	s11 =	sshrl.u32 s12, $0x3  }
0x12: {  	s12 =	simm.s32 $0xB;
	s24 =	sadd.s32 s14, s26;
	[dreg:$0x6] =	wrdreg s23  }
0x13: {  	s26 =	simm.s32 $0x5;
	s0 =	sadd.s32 s9, s0;
	[dreg:$0x7] =	wrdreg s25  }
0x14: {  	s9 =	sadd.s32 s2, s9;
	s23 =	simm.s32 $0x3;
	s25 =	simm.s32 $0x4  }
0x15: {  	s2 =	simm.s32 $0x0;
	s8 =	sadd.s32 $0x6200, s0;
	s0 =	simm.s32 $0xA  }
.LBB2_1:
0x16: {  	s4 =	rddreg [dreg:$0x6]  }
0x17: {  	[spmem:s11], [sflag:s6] =	dma.local [hbm:s4], $0x4E2  }
0x18: {  	_ =	swait.ge [sflag:s12], $0x4E2  }
0x19: {  	[sflag:s12] =	ssyncset.done $0x0  }
0x1a: {  	s5 =	rddreg [dreg:$0x7];
	[sflag:s12] =	ssyncadd.s32 $0xFFFFFB1E  }
0x1b: {  	[spmem:s13], [sflag:s6] =	dma.local [hbm:s5], $0x4E2  }
0x1c: {  	_ =	swait.ge [sflag:s12], $0x4E2  }
0x1d: {  	[sflag:s12] =	ssyncset.done $0x0  }
0x1e: {  	s7 =	simm.s32 $0x0;
	[sflag:s12] =	ssyncadd.s32 $0xFFFFFB1E  }
0x1f: {  	[tilespmem:s7], [sflag:$0xB] =	stream.linear.gather [hbm4b:s8+s7], $0x2710, $0x38;
	[tilespmem:$0xB540] =	vst v63  }
0x20: {  	_ =	swait.ge [sflag:s12], $0x2710  }
0x21: {  	[sflag:s12] =	ssyncset.done $0x0  }
0x22: {  	s5 =	simm.s32 $0x2710;
	[sflag:s12] =	ssyncadd.s32 $0xFFFFD8F0  }
0x23: {  	[tilespmem:s5], [sflag:$0xB] =	stream.linear.gather [hbm4b:s9+s7], $0x2710, $0x38;
	[tilespmem:$0xB540] =	vst v63  }
0x24: {  	_ =	swait.ge [sflag:s12], $0x2710  }
0x25: {  	[sflag:s12] =	ssyncset.done $0x0  }
0x26: {  	[sflag:s12] =	ssyncadd.s32 $0xFFFFD8F0  }
0x27: {  	s14 =	simm.s32 $0x0;
	[bflag:$0x0] =	sbarrier.arrive $0xFFFF  }
0x28: {  	[tilespmem:s16], [sflag:$0x1] =	stream.indirect.gather [spmem:s3], $0x10, s14, s15, $0xb8;
	[tilespmem:$0xB540] =	vst v63  }
0x29: {  	s5 =	simm.s32 $0x50  }
0x2a: {  	[tilespmem:s17], [sflag:$0x2] =	stream.indirect.gather [spmem:s3], $0x10, s5, s15, $0xb8;
	[tilespmem:$0xB540] =	vst v63  }
0x2b: {  	s7 =	simm.s32 $0xA0  }
0x2c: {  	[tilespmem:s18], [sflag:$0x3] =	stream.indirect.gather [spmem:s3], $0x10, s7, s15, $0xb8;
	[tilespmem:$0xB540] =	vst v63  }
0x2d: {  	s14 =	simm.s32 $0xF0  }
0x2e: {  	[tilespmem:s19], [sflag:$0x4] =	stream.indirect.gather [spmem:s3], $0x10, s14, s15, $0xb8;
	[tilespmem:$0xB540] =	vst v63  }
0x2f: {  	s5 =	simm.s32 $0x140  }
0x30: {  	[tilespmem:s20], [sflag:$0x5] =	stream.indirect.gather [spmem:s3], $0x10, s5, s15, $0xb8;
	[tilespmem:$0xB540] =	vst v63  }
0x31: {  	_ =	swait.ge [sflag:s21], $0x500  }
0x32: {  	[sflag:s21] =	ssyncset.done $0x0  }
0x33: {  	s7 =	simm.s32 $0x2710;
	[sflag:s21] =	ssyncadd.s32 $0xFFFFFB00  }
0x34: {  	[spmem:s1] =	stream.indirect.scatter.add.f32 [tilespmem:s16], [sflag:$0x6], $0x10, s7, s15, $0xb8;
	[tilespmem:$0xB540] =	vst v63  }
0x35: {  	_ =	swait.ge [sflag:s22], $0x500  }
0x36: {  	[sflag:s22] =	ssyncset.done $0x0  }
0x37: {  	s14 =	simm.s32 $0x2760;
	[sflag:s22] =	ssyncadd.s32 $0xFFFFFB00  }
0x38: {  	[spmem:s1] =	stream.indirect.scatter.add.f32 [tilespmem:s17], [sflag:$0x7], $0x10, s14, s15, $0xb8;
	[tilespmem:$0xB540] =	vst v63  }
0x39: {  	_ =	swait.ge [sflag:s23], $0x500  }
0x3a: {  	[sflag:s23] =	ssyncset.done $0x0  }
0x3b: {  	s5 =	simm.s32 $0x27B0;
	[sflag:s23] =	ssyncadd.s32 $0xFFFFFB00  }
0x3c: {  	[spmem:s1] =	stream.indirect.scatter.add.f32 [tilespmem:s18], [sflag:$0x8], $0x10, s5, s15, $0xb8;
	[tilespmem:$0xB540] =	vst v63  }
0x3d: {  	_ =	swait.ge [sflag:s25], $0x500  }
0x3e: {  	[sflag:s25] =	ssyncset.done $0x0  }
0x3f: {  	s7 =	simm.s32 $0x2800;
	[sflag:s25] =	ssyncadd.s32 $0xFFFFFB00  }
0x40: {  	[spmem:s1] =	stream.indirect.scatter.add.f32 [tilespmem:s19], [sflag:$0x9], $0x10, s7, s15, $0xb8;
	[tilespmem:$0xB540] =	vst v63  }
0x41: {  	_ =	swait.ge [sflag:s26], $0x500  }
0x42: {  	[sflag:s26] =	ssyncset.done $0x0  }
0x43: {  	s14 =	simm.s32 $0x2850;
	[sflag:s26] =	ssyncadd.s32 $0xFFFFFB00  }
0x44: {  	[spmem:s1] =	stream.indirect.scatter.add.f32 [tilespmem:s20], [sflag:$0xA], $0x10, s14, s15, $0xb8;
	[tilespmem:$0xB540] =	vst v63  }
0x45: {  	_ =	swait.ge [sflag:s28], $0x500  }
0x46: {  	[sflag:s28] =	ssyncset.done $0x0  }
0x47: {  	[sflag:s28] =	ssyncadd.s32 $0xFFFFFB00  }
0x48: {  	_ =	swait.ge [sflag:s29], $0x500  }
0x49: {  	[sflag:s29] =	ssyncset.done $0x0  }
0x4a: {  	[sflag:s29] =	ssyncadd.s32 $0xFFFFFB00  }
0x4b: {  	_ =	swait.ge [sflag:s30], $0x500  }
0x4c: {  	[sflag:s30] =	ssyncset.done $0x0  }
0x4d: {  	[sflag:s30] =	ssyncadd.s32 $0xFFFFFB00  }
0x4e: {  	_ =	swait.ge [sflag:s31], $0x500  }
0x4f: {  	[sflag:s31] =	ssyncset.done $0x0  }
0x50: {  	[sflag:s31] =	ssyncadd.s32 $0xFFFFFB00  }
0x51: {  	_ =	swait.ge [sflag:s0], $0x500  }
0x52: {  	s4 =	simm.s32 $0xC80;
	s14 =	simm.s32 $0x640;
	[sflag:s0] =	ssyncset.done $0x0  }
.LBB2_2:
0x53: {  	s5 =	sshra.s32 s14, $0x2  }
0x54: {  	[sflag:s0] =	ssyncadd.s32 $0xFFFFFB00;
	s14 =	smov.u32 s4;
	s7 =	sadd.s32 $0x640, s4  }
0x55: {  	[tilespmem:s16], [sflag:$0x1] =	stream.indirect.gather [spmem:s3], $0x10, s5, s15, $0xb8;
	[tilespmem:$0xB540] =	vst v63  }
0x56: {  	p0 =	sne.s32 s4, $0x9600;
	s4 =	sadd.s32 $0x50, s5  }
0x57: {  	[tilespmem:s17], [sflag:$0x2] =	stream.indirect.gather [spmem:s3], $0x10, s4, s15, $0xb8;
	[tilespmem:$0xB540] =	vst v63  }
0x58: {  	s4 =	sadd.s32 $0xA0, s5  }
0x59: {  	[tilespmem:s18], [sflag:$0x3] =	stream.indirect.gather [spmem:s3], $0x10, s4, s15, $0xb8;
	[tilespmem:$0xB540] =	vst v63  }
0x5a: {  	s4 =	sadd.s32 $0xF0, s5  }
0x5b: {  	[tilespmem:s19], [sflag:$0x4] =	stream.indirect.gather [spmem:s3], $0x10, s4, s15, $0xb8;
	[tilespmem:$0xB540] =	vst v63  }
0x5c: {  	s4 =	sadd.s32 $0x140, s5  }
0x5d: {  	[tilespmem:s20], [sflag:$0x5] =	stream.indirect.gather [spmem:s3], $0x10, s4, s15, $0xb8;
	[tilespmem:$0xB540] =	vst v63  }
0x5e: {  	_ =	swait.ge [sflag:s21], $0x500  }
0x5f: {  	[sflag:s21] =	ssyncset.done $0x0  }
0x60: {  	s4 =	sadd.s32 $0x2710, s5;
	[sflag:s21] =	ssyncadd.s32 $0xFFFFFB00  }
0x61: {  	[spmem:s1] =	stream.indirect.scatter.add.f32 [tilespmem:s16], [sflag:$0x6], $0x10, s4, s15, $0xb8;
	[tilespmem:$0xB540] =	vst v63  }
0x62: {  	_ =	swait.ge [sflag:s22], $0x500  }
0x63: {  	[sflag:s22] =	ssyncset.done $0x0  }
0x64: {  	s4 =	sadd.s32 $0x2760, s5;
	[sflag:s22] =	ssyncadd.s32 $0xFFFFFB00  }
0x65: {  	[spmem:s1] =	stream.indirect.scatter.add.f32 [tilespmem:s17], [sflag:$0x7], $0x10, s4, s15, $0xb8;
	[tilespmem:$0xB540] =	vst v63  }
0x66: {  	_ =	swait.ge [sflag:s23], $0x500  }
0x67: {  	[sflag:s23] =	ssyncset.done $0x0  }
0x68: {  	s4 =	sadd.s32 $0x27B0, s5;
	[sflag:s23] =	ssyncadd.s32 $0xFFFFFB00  }
0x69: {  	[spmem:s1] =	stream.indirect.scatter.add.f32 [tilespmem:s18], [sflag:$0x8], $0x10, s4, s15, $0xb8;
	[tilespmem:$0xB540] =	vst v63  }
0x6a: {  	_ =	swait.ge [sflag:s25], $0x500  }
0x6b: {  	[sflag:s25] =	ssyncset.done $0x0  }
0x6c: {  	s4 =	sadd.s32 $0x2800, s5;
	[sflag:s25] =	ssyncadd.s32 $0xFFFFFB00  }
0x6d: {  	[spmem:s1] =	stream.indirect.scatter.add.f32 [tilespmem:s19], [sflag:$0x9], $0x10, s4, s15, $0xb8;
	[tilespmem:$0xB540] =	vst v63  }
0x6e: {  	_ =	swait.ge [sflag:s26], $0x500  }
0x6f: {  	[sflag:s26] =	ssyncset.done $0x0  }
0x70: {  	s4 =	sadd.s32 $0x2850, s5;
	[sflag:s26] =	ssyncadd.s32 $0xFFFFFB00  }
0x71: {  	[spmem:s1] =	stream.indirect.scatter.add.f32 [tilespmem:s20], [sflag:$0xA], $0x10, s4, s15, $0xb8;
	[tilespmem:$0xB540] =	vst v63  }
0x72: {  	_ =	swait.ge [sflag:s28], $0x500  }
0x73: {  	[sflag:s28] =	ssyncset.done $0x0  }
0x74: {  	[sflag:s28] =	ssyncadd.s32 $0xFFFFFB00  }
0x75: {  	_ =	swait.ge [sflag:s29], $0x500  }
0x76: {  	[sflag:s29] =	ssyncset.done $0x0  }
0x77: {  	[sflag:s29] =	ssyncadd.s32 $0xFFFFFB00  }
0x78: {  	_ =	swait.ge [sflag:s30], $0x500  }
0x79: {  	[sflag:s30] =	ssyncset.done $0x0  }
0x7a: {  	[sflag:s30] =	ssyncadd.s32 $0xFFFFFB00  }
.Ltmp0:
0x7b: {  	_ =	swait.ge [sflag:s31], $0x500;
	(pc) =	sbr.rel @p0 .LBB2_2-.Ltmp0, $4  }
0x7c: {  	[sflag:s31] =	ssyncset.done $0x0  }
0x7d: {  	[sflag:s31] =	ssyncadd.s32 $0xFFFFFB00  }
0x7e: {  	_ =	swait.ge [sflag:s0], $0x500  }
0x7f: {  	s4 =	smov.u32 s7;
	[sflag:s0] =	ssyncset.done $0x0  }
0x80: {  	s4 =	sshra.s32 s14, $0x2;
	[sflag:s0] =	ssyncadd.s32 $0xFFFFFB00  }
0x81: {  	[tilespmem:s16], [sflag:$0x1] =	stream.indirect.gather [spmem:s3], $0x10, s4, s15, $0xb8;
	[tilespmem:$0xB540] =	vst v63  }
0x82: {  	s5 =	sadd.s32 $0x50, s4  }
0x83: {  	[tilespmem:s17], [sflag:$0x2] =	stream.indirect.gather [spmem:s3], $0x10, s5, s15, $0xb8;
	[tilespmem:$0xB540] =	vst v63  }
0x84: {  	s14 =	sadd.s32 $0xA0, s4  }
0x85: {  	[tilespmem:s18], [sflag:$0x3] =	stream.indirect.gather [spmem:s3], $0x10, s14, s15, $0xb8;
	[tilespmem:$0xB540] =	vst v63  }
0x86: {  	s7 =	sadd.s32 $0xF0, s4  }
0x87: {  	[tilespmem:s19], [sflag:$0x4] =	stream.indirect.gather [spmem:s3], $0x10, s7, s15, $0xb8;
	[tilespmem:$0xB540] =	vst v63  }
0x88: {  	s14 =	sadd.s32 $0x140, s4  }
0x89: {  	[tilespmem:s20], [sflag:$0x5] =	stream.indirect.gather [spmem:s3], $0x10, s14, s15, $0xb8;
	[tilespmem:$0xB540] =	vst v63  }
0x8a: {  	_ =	swait.ge [sflag:s21], $0x500  }
0x8b: {  	[sflag:s21] =	ssyncset.done $0x0  }
0x8c: {  	s7 =	sadd.s32 $0x2710, s4;
	[sflag:s21] =	ssyncadd.s32 $0xFFFFFB00  }
0x8d: {  	[spmem:s1] =	stream.indirect.scatter.add.f32 [tilespmem:s16], [sflag:$0x6], $0x10, s7, s15, $0xb8;
	[tilespmem:$0xB540] =	vst v63  }
0x8e: {  	_ =	swait.ge [sflag:s22], $0x500  }
0x8f: {  	[sflag:s22] =	ssyncset.done $0x0  }
0x90: {  	s14 =	sadd.s32 $0x2760, s4;
	[sflag:s22] =	ssyncadd.s32 $0xFFFFFB00  }
0x91: {  	[spmem:s1] =	stream.indirect.scatter.add.f32 [tilespmem:s17], [sflag:$0x7], $0x10, s14, s15, $0xb8;
	[tilespmem:$0xB540] =	vst v63  }
0x92: {  	_ =	swait.ge [sflag:s23], $0x500  }
0x93: {  	[sflag:s23] =	ssyncset.done $0x0  }
0x94: {  	s7 =	sadd.s32 $0x27B0, s4;
	[sflag:s23] =	ssyncadd.s32 $0xFFFFFB00  }
0x95: {  	[spmem:s1] =	stream.indirect.scatter.add.f32 [tilespmem:s18], [sflag:$0x8], $0x10, s7, s15, $0xb8;
	[tilespmem:$0xB540] =	vst v63  }
0x96: {  	_ =	swait.ge [sflag:s25], $0x500  }
0x97: {  	[sflag:s25] =	ssyncset.done $0x0  }
0x98: {  	s14 =	sadd.s32 $0x2800, s4;
	[sflag:s25] =	ssyncadd.s32 $0xFFFFFB00  }
0x99: {  	[spmem:s1] =	stream.indirect.scatter.add.f32 [tilespmem:s19], [sflag:$0x9], $0x10, s14, s15, $0xb8;
	[tilespmem:$0xB540] =	vst v63  }
0x9a: {  	_ =	swait.ge [sflag:s26], $0x500  }
0x9b: {  	[sflag:s26] =	ssyncset.done $0x0  }
0x9c: {  	s4 =	sadd.s32 $0x2850, s4;
	[sflag:s26] =	ssyncadd.s32 $0xFFFFFB00  }
0x9d: {  	[spmem:s1] =	stream.indirect.scatter.add.f32 [tilespmem:s20], [sflag:$0xA], $0x10, s4, s15, $0xb8;
	[tilespmem:$0xB540] =	vst v63  }
0x9e: {  	_ =	swait.ge [sflag:s28], $0x500  }
0x9f: {  	[sflag:s28] =	ssyncset.done $0x0  }
0xa0: {  	[sflag:s28] =	ssyncadd.s32 $0xFFFFFB00  }
0xa1: {  	_ =	swait.ge [sflag:s29], $0x500  }
0xa2: {  	[sflag:s29] =	ssyncset.done $0x0  }
0xa3: {  	[sflag:s29] =	ssyncadd.s32 $0xFFFFFB00  }
0xa4: {  	_ =	swait.ge [sflag:s30], $0x500  }
0xa5: {  	[sflag:s30] =	ssyncset.done $0x0  }
0xa6: {  	[sflag:s30] =	ssyncadd.s32 $0xFFFFFB00  }
0xa7: {  	_ =	swait.ge [sflag:s31], $0x500  }
0xa8: {  	[sflag:s31] =	ssyncset.done $0x0  }
0xa9: {  	[sflag:s31] =	ssyncadd.s32 $0xFFFFFB00  }
0xaa: {  	_ =	swait.ge [sflag:s0], $0x500  }
0xab: {  	s2 =	sadd.s32 $0x1, s2;
	[sflag:s0] =	ssyncset.done $0x0  }
0xac: {  	p0 =	sne.s32 s2, s10;
	[sflag:s0] =	ssyncadd.s32 $0xFFFFFB00  }
.Ltmp1:
0xad: {  	[bflag:$0x0] =	sbarrier.arrive $0xFFFF;
	(pc) =	sbr.rel @p0 .LBB2_1-.Ltmp1, $4  }
0xae: {  	[hbm:s24], [sflag:s6] =	dma.local [spmem:s11], $0x4E2  }
0xaf: {  	_ =	swait.ge [sflag:s12], $0x4E2  }
0xb0: {  	[sflag:s12] =	ssyncset.done $0x0  }
0xb1: {  	[sflag:s12] =	ssyncadd.s32 $0xFFFFFB1E  }
0xb2: {  	_ =	sfence.sel $0x180000  }
0xb3: {  	[bflag:$0x0] =	sbarrier.arrive $0xFFFF  }
0xb4: {  	_ =	strace $0x9000004D  }
0xb5: {  	s0 =	stileid.u32;
	[bflag:$0x2] =	sbarrier.arrive $0xFFFF  }
0xb6: {  	p0 =	sne.s32 s0, $0x0;
	s0 =	rddreg [dreg:$0x5]  }
0xb7: {  	s0 =	sadd.s32 @!p0 $0x100000, s0  }
0xb8: {  	[sflag:s0] =	ssyncadd.tile.s32 @!p0 $0x1;
	_ =	shalt  }
.Lfunc_end2:
_tile_overlayer_lowered:
.L_overlay_start_2:
0xb9: {  	(tag) =	ssettag $0x2  }
0xba: {  	s0 =	rddreg [dreg:$0x0];
	s2 =	stileid.u32  }
0xbb: {  	s1 =	rddreg [dreg:$0x1];
	p0 =	sne.s32 s2, $0x0  }
0xbc: {  	s3 =	rddreg [dreg:$0x2];
	[bflag:$0x3] =	sbarrier.arrive $0xFFFF;
	s2 =	simm.s32 @!p0 $0x1C0B  }
0xbd: {  	[timem:s3], [sflag:s2] =	dma.local @!p0 [hbm:s0], s1  }
0xbe: {  	s0 =	simm.s32 @!p0 $0xB  }
0xbf: {  	_ =	swait.ge @!p0 [sflag:s0], s1  }
0xc0: {  	s1 =	ssub.s32 @!p0 $0x0, s1;
	[sflag:s0] =	ssyncset.done @!p0 $0x0  }
0xc1: {  	[sflag:s0] =	ssyncadd.s32 @!p0 s1  }
0xc2: {  	[bflag:$0x3] =	sbarrier.arrive $0xFFFF  }
0xc3: {  	_ =	shalt  }

// kernel: kernel.22.cloned.1.call-start
scs
__scs_entry_jumppad:
0x0: {  	(pc) =	sbr.rel $0x88, $3  }
0x1: {  	(tag) =	ssettag $0x0;
	lr =	simm.s32 $0x1  }
0x2: {  	[smem:$0x3F7B] =	sst lr;
	_ =	strace $0xD0000000  }
0x3: {  	_ = 	snop  }
0x4: {  	_ = 	snop  }
0x5: {  	_ = 	snop  }
0x6: {  	_ = 	snop  }
0x7: {  	_ = 	snop  }
__scs_overlays_trampoline_lowered:
0x8: {  	[smem:$0x3F8A] =	sst s0  }
0x9: {  	[smem:$0x3F8B] =	sst s1  }
0xa: {  	[smem:$0x3F8C] =	sst s2  }
0xb: {  	[smem:$0x3F8D] =	sst s3  }
0xc: {  	[smem:$0x3F8E] =	sst s4  }
0xd: {  	[smem:$0x3F8F] =	sst s5  }
0xe: {  	[smem:$0x3F90] =	sst s6  }
0xf: {  	[smem:$0x3F91] =	sst s7  }
0x10: {  	[smem:$0x3F92] =	sst s8  }
0x11: {  	[smem:$0x3F93] =	sst s9;
	s0 =	simm.s32 @!p0 $0x0  }
0x12: {  	s1 =	sld [smem:$0x3F79];
	s0 =	simm.s32 @p0 $0x1  }
0x13: {  	[smem:$0x3F94] =	sst s0;
	s0 =	simm.s32 @!p1 $0x0  }
0x14: {  	s2 =	sld [smem:$0x3F78];
	s0 =	simm.s32 @p1 $0x1  }
0x15: {  	[smem:$0x3F95] =	sst s0;
	s0 =	simm.s32 @!p2 $0x0  }
0x16: {  	s3 =	sld [smem:$0x3FDB];
	s0 =	simm.s32 @p2 $0x1  }
0x17: {  	s4 =	simm.s32 $0x1BF5;
	[smem:$0x3F97] =	sst s0  }
0x18: {  	s0 =	sld [smem:$0x3F7A];
	_ =	swait.ge [sflag:s4], $0x0  }
0x19: {  	s7 =	sld [smem:$0x3F7B]  }
0x1a: {  	s8 =	sadd.s32 $0xFFFFE003, lr  }
0x1b: {  	s9 =	sadd.s32 $0xFFFFFEF7, lr;
	s5 =	simm.s32 $0xFFFFFFFF;
	p2 =	slt.u32 s8, $0xFFFFF086  }
0x1c: {  	p1 =	slt.u32 s9, $0xF7A;
	s5 =	simm.s32 @!p2 $0x0  }
0x1d: {  	s5 =	simm.s32 @p1 $0x1;
	p0 =	seq.s32 s7, s2  }
0x1e: {  	s7 =	smul.u32 @!p0 $0xF7A, s2;
	p2 =	seq.s32 @!p0 s5, $0x0  }
0x1f: {  	s9 =	smul.u32 $0xF7A, s1;
	s8 =	simm.s32 @!p0 $0x1BF5;
	p2 =	por !p2, p0  }
0x20: {  	[sflag:s8] =	ssyncset.s32 @!p0 $0xFFFFF086;
	s6 =	sadd.s32 @!p0 s3, s7;
	s7 =	simm.s32 @!p0 $0x108  }
0x21: {  	s3 =	sadd.s32 s3, s9;
	s6 =	sadd.s32 @!p0 $0x88, s6;
	s7 =	simm.s32 @p2 $0x1082  }
0x22: {  	[simem:s7], [sflag:s8] =	dma.local @!p0 [hbm:s6], $0xF7A  }
0x23: {  	s9 =	sor.u32 $0xD0000000, s2;
	s6 =	simm.s32 $0x108;
	_ =	swait.ge @!p0 [sflag:s8], $0x0  }
0x24: {  	s3 =	sadd.s32 $0x88, s3;
	s6 =	simm.s32 @!p1 $0x1082;
	[sflag:s4] =	ssyncset.s32 $0xFFFFF086  }
0x25: {  	[simem:s6], [sflag:s4] =	dma.local [hbm:s3], $0xF7A  }
0x26: {  	[smem:$0x3F7B] =	sst s1;
	(tag) =	ssettag s2;
	_ =	strace s9  }
0x27: {  	s1 =	sld [smem:$0x3F8B]  }
0x28: {  	s2 =	sld [smem:$0x3F8C]  }
0x29: {  	s4 =	sld [smem:$0x3F8E]  }
0x2a: {  	p0 =	seq.s32 s5, $0x0;
	s5 =	sld [smem:$0x3F8F]  }
0x2b: {  	s6 =	sld [smem:$0x3F90]  }
0x2c: {  	s7 =	sld [smem:$0x3F91]  }
0x2d: {  	s3 =	simm.s32 $0x108;
	s8 =	sld [smem:$0x3F92]  }
0x2e: {  	s3 =	simm.s32 @!p0 $0x1082;
	s9 =	sld [smem:$0x3F93]  }
0x2f: {  	lr =	sadd.s32 s0, s3;
	s0 =	sld [smem:$0x3F8A]  }
0x30: {  	s3 =	sld [smem:$0x3F8D]  }
0x31: {  	[smem:$0x3F96] =	sst s10  }
0x32: {  	s10 =	sld [smem:$0x3F94];
	_ =	sdelay $0x3  }
0x33: {  	p0 =	seq.s32 s10, $0x1;
	s10 =	sld [smem:$0x3F96];
	_ =	sdelay $0x3  }
0x34: {  	[smem:$0x3F96] =	sst s10  }
0x35: {  	s10 =	sld [smem:$0x3F95];
	_ =	sdelay $0x3  }
0x36: {  	p1 =	seq.s32 s10, $0x1;
	s10 =	sld [smem:$0x3F96];
	_ =	sdelay $0x3  }
0x37: {  	[smem:$0x3F96] =	sst s10  }
0x38: {  	s10 =	sld [smem:$0x3F97]  }
0x39: {  	_ = 	snop;
	(pc) =	sbr.ind lr, $3  }
0x3a: {  	_ = 	snop  }
0x3b: {  	_ = 	snop  }
0x3c: {  	p2 =	seq.s32 s10, $0x1;
	s10 =	sld [smem:$0x3F96]  }
0x3d: {  	_ =	shalt  }
0x3e: {  	_ =	shalt  }
0x3f: {  	_ =	shalt  }
0x40: {  	_ =	shalt  }
0x41: {  	_ =	shalt  }
0x42: {  	_ =	shalt  }
0x43: {  	_ =	shalt  }
0x44: {  	_ =	shalt  }
0x45: {  	_ =	shalt  }
0x46: {  	_ =	shalt  }
0x47: {  	_ =	shalt  }
0x48: {  	_ =	shalt  }
0x49: {  	_ =	shalt  }
0x4a: {  	_ =	shalt  }
0x4b: {  	_ =	shalt  }
0x4c: {  	_ =	shalt  }
0x4d: {  	_ =	shalt  }
0x4e: {  	_ =	shalt  }
0x4f: {  	_ =	shalt  }
0x50: {  	_ =	shalt  }
0x51: {  	_ =	shalt  }
0x52: {  	_ =	shalt  }
0x53: {  	_ =	shalt  }
0x54: {  	_ =	shalt  }
0x55: {  	_ =	shalt  }
0x56: {  	_ =	shalt  }
0x57: {  	_ =	shalt  }
0x58: {  	_ =	shalt  }
0x59: {  	_ =	shalt  }
0x5a: {  	_ =	shalt  }
0x5b: {  	_ =	shalt  }
0x5c: {  	_ =	shalt  }
0x5d: {  	_ =	shalt  }
0x5e: {  	_ =	shalt  }
0x5f: {  	_ =	shalt  }
0x60: {  	_ =	shalt  }
0x61: {  	_ =	shalt  }
0x62: {  	_ =	shalt  }
0x63: {  	_ =	shalt  }
0x64: {  	_ =	shalt  }
0x65: {  	_ =	shalt  }
0x66: {  	_ =	shalt  }
0x67: {  	_ =	shalt  }
0x68: {  	_ =	shalt  }
0x69: {  	_ =	shalt  }
0x6a: {  	_ =	shalt  }
0x6b: {  	_ =	shalt  }
0x6c: {  	_ =	shalt  }
0x6d: {  	_ =	shalt  }
0x6e: {  	_ =	shalt  }
0x6f: {  	_ =	shalt  }
0x70: {  	_ =	shalt  }
0x71: {  	_ =	shalt  }
0x72: {  	_ =	shalt  }
0x73: {  	_ =	shalt  }
0x74: {  	_ =	shalt  }
0x75: {  	_ =	shalt  }
0x76: {  	_ =	shalt  }
0x77: {  	_ =	shalt  }
0x78: {  	_ =	shalt  }
0x79: {  	_ =	shalt  }
0x7a: {  	_ =	shalt  }
0x7b: {  	_ =	shalt  }
0x7c: {  	_ =	shalt  }
0x7d: {  	_ =	shalt  }
0x7e: {  	_ =	shalt  }
0x7f: {  	_ =	shalt  }
0x80: {  	_ =	shalt  }
0x81: {  	_ =	shalt  }
0x82: {  	_ =	shalt  }
0x83: {  	_ =	shalt  }
0x84: {  	_ =	shalt  }
0x85: {  	_ =	shalt  }
0x86: {  	_ =	shalt  }
0x87: {  	_ =	shalt  }
.Lfunc_end0:
.L_simem_size_0:
called_computation.4_lowered:
.L_overlay_start_0:
0x88: {  	s2 =	sld [smem:$0x3FD9]  }
0x89: {  	s3 =	sld [smem:$0x3FFE];
	_ =	sdelay $0x1  }
0x8a: {  	s1 =	srdreg.scid  }
0x8b: {  	s0 =	sand.u32 $0x1, s1  }
0x8c: {  	s14 =	sshll.u32 s0, $0xA;
	s2 =	sadd.s32 s3, s2  }
0x8d: {  	s2 =	sadd.s32 s2, s14  }
0x8e: {  	[smem:$0x3FA2] =	sst s2  }
0x8f: {  	_ = 	snop  }
0x90: {  	s2 =	sld [smem:$0x3FD0];
	_ =	sdelay $0x2  }
0x91: {  	s15 =	simm.s32 $0xA;
	s4 =	simm.s32 $0x10  }
0x92: {  	[smem:s4], [sflag:s15] =	dma.local [hbm:s2], $0x1  }
0x93: {  	_ =	swait.eq [sflag:s15], $0x1  }
0x94: {  	[sflag:s15] =	ssyncset.done $0x0  }
0x95: {  	s16 =	sld [smem:$0x10];
	[sflag:s15] =	ssyncadd.s32 $0xFFFFFFFF  }
0x96: {  	s17 =	sld [smem:$0x11];
	(tm) =	ssettm $0x1  }
0x97: {  	s18 =	sld [smem:$0x3FFB];
	_ =	sdelay $0x3  }
0x98: {  	_ =	strace s18  }
0x99: {  	s4 =	sld [smem:$0x3FFC];
	_ =	sdelay $0x3  }
0x9a: {  	_ =	strace s4  }
0x9b: {  	s4 =	sld [smem:$0x3FFD];
	_ =	sdelay $0x3  }
0x9c: {  	_ =	strace s4  }
0x9d: {  	_ =	strace $0x8FFFFFFF  }
0x9e: {  	s19 =	sld [smem:$0x3FDB];
	_ =	sdelay $0x1  }
0x9f: {  	s5 =	simm.s32 $_scs_section_size  }
0xa0: {  	s6 =	simm.s32 $_size__tile_overlayer_lowered;
	s7 =	simm.s32 $_tile_overlayer_lowered  }
0xa1: {  	s22 =	simm.s32 $0x1BFF;
	s21 =	sshll.u32 s7, $0x1;
	s4 =	sadd.s32 s5, s19  }
0xa2: {  	s8 =	simm.s32 $0x0;
	s20 =	sshll.u32 s6, $0x1;
	s6 =	sadd.s32 s21, s4  }
0xa3: {  	[timem:s8], [sflag:s22] =	dma.local [hbm:s6], s20  }
0xa4: {  	_ =	swait.ge [sflag:s22], s20  }
0xa5: {  	s5 =	ssub.s32 $0x0, s20;
	[sflag:s22] =	ssyncset.done $0x0  }
0xa6: {  	[sflag:s22] =	ssyncadd.s32 s5;
	_ =	sdelay $0x1  }
0xa7: {  	s23 =	simm.s32 $0x1B8B  }
0xa8: {  	_ =	swait.ge [sflag:s23], $0x1  }
0xa9: {  	[sflag:s23] =	ssyncset.done $0x0  }
0xaa: {  	s25 =	simm.s32 $0x1B8E;
	s24 =	sld [smem:$0x3FFE];
	[sflag:s23] =	ssyncadd.s32 $0xFFFFFFFF  }
0xab: {  	s26 =	simm.s32 $execute0_lowered;
	[smem:$0x3FD2] =	sst s25  }
0xac: {  	s6 =	sshll.u32 s26, $0x1;
	_ =	strace $0x8000004F;
	[dreg:$0x1] =	wrdreg $0xFFFFFFFF  }
0xad: {  	s28 =	simm.s32 $_size_execute0_lowered;
	s4 =	sadd.s32 s4, s6;
	[dreg:$0x0] =	wrdreg $0x0  }
0xae: {  	s6 =	sshll.u32 s28, $0x1;
	[dreg:$0x2] =	wrdreg s4  }
0xaf: {  	[dreg:$0x3] =	wrdreg s6  }
0xb0: {  	[dreg:$0x4] =	wrdreg $0xC0  }
0xb1: {  	_ =	task [dreg:s8], $0x5FFFF  }
0xb2: {  	[dreg:$0x1] =	wrdreg $0xFFFFFFFF  }
0xb3: {  	[dreg:$0x0] =	wrdreg $0x60  }
0xb4: {  	[dreg:$0x2] =	wrdreg s24  }
0xb5: {  	[dreg:$0x3] =	wrdreg s16  }
0xb6: {  	[dreg:$0x4] =	wrdreg s17  }
0xb7: {  	[dreg:$0x5] =	wrdreg $0x67200  }
0xb8: {  	[dreg:$0x6] =	wrdreg $0x8E300  }
0xb9: {  	[dreg:$0x7] =	wrdreg $0x9  }
0xba: {  	_ =	task.clear_ibuf [dreg:s8], $0x8FFFF;
	_ =	strace $0x9000004F  }
0xbb: {  	s29 =	simm.s32 $0x9;
	_ =	strace $0x80000051  }
0xbc: {  	_ =	swait.ge [sflag:s29], $0x1  }
0xbd: {  	[sflag:s29] =	ssyncadd.s32 $0xFFFFFFFF  }
0xbe: {  	_ =	strace $0x90000051  }
0xbf: {  	_ =	sfence  }
0xc0: {  	s30 =	sld [smem:$0x0];
	_ =	sdelay $0x2  }
0xc1: {  	s31 =	sshll.u32 s1, $0xD;
	s1 =	sshrl.u32 s1, $0x2  }
0xc2: {  	s3 =	sand.u32 $0x4000, s31;
	s1 =	sadd.s32 s1, s30  }
0xc3: {  	s0 =	sor.u32 s3, s0;
	s1 =	sshll.u32 s1, $0x11  }
0xc4: {  	s0 =	sor.u32 s1, s0  }
0xc5: {  	s0 =	sadd.s32 $0x8F2B, s0  }
0xc6: {  	[sflag:s0] =	ssyncadd.remote.s32 $0x1  }
0xc7: {  	_ =	sfence.sel $0xFFFF  }
0xc8: {  	[dreg:$0x0] =	wrdreg $0xFFFFFFFF;
	(pc) =	sbr.abs _section_cstart, $3  }
0xc9: {  	[dreg:$0x1] =	wrdreg $0xFFFFFFFF  }
0xca: {  	_ =	task.clear_ibuf [dreg:s8], $0x2FFFF;
	_ =	strace $0x9FFFFFFF  }
0xcb: {  	(tm) =	ssettm $0x7FFFFFFF  }
tec
execute0_lowered:
.L_overlay_start_1:
0x0: {  	(tag) =	ssettag $0x1  }
0x1: {  	s0 =	rddreg [dreg:$0x0]  }
0x2: {  	s2 =	rddreg [dreg:$0x1]  }
0x3: {  	s4 =	rddreg [dreg:$0x2]  }
0x4: {  	s1 =	rddreg [dreg:$0x3];
	s5 =	srdreg.scid  }
0x5: {  	s3 =	rddreg [dreg:$0x4];
	s13 =	stileid.u32  }
0x6: {  	s8 =	simm.s32 $0x0;
	s15 =	simm.s32 $0x50;
	s16 =	simm.s32 $0x4E20  }
0x7: {  	s17 =	simm.s32 $0x5320;
	s18 =	simm.s32 $0x5820;
	s19 =	simm.s32 $0x5D20  }
0x8: {  	s20 =	simm.s32 $0x6220;
	s28 =	simm.s32 $0x6;
	s29 =	simm.s32 $0x7  }
0x9: {  	s30 =	simm.s32 $0x8;
	s31 =	simm.s32 $0x9;
	s5 =	sand.u32 $0x1, s5  }
0xa: {  	s7 =	smul.u32 $0x2710, s13;
	[smem:$0x7FF] =	sst s8;
	s24 =	sshll.u32 s13, $0x6  }
0xb: {  	s6 =	sshll.u32 s5, $0x4;
	s21 =	ssub.s32 $0x2, s5;
	_ =	strace $0x80000050  }
0xc: {  	s5 =	smul.u32 $0x4E20, s5;
	s6 =	sor.u32 s13, s6;
	s14 =	sshrl.u32 s7, $0x3  }
0xd: {  	s22 =	sshrl.u32 s21, $0x1;
	s12 =	sadd.s32 s7, s1;
	s7 =	sadd.s32 s7, s3  }
0xe: {  	s9 =	smul.u32 $0x4E2, s6;
	s10 =	sadd.s32 s14, s0;
	s11 =	ssub.s32 s21, s22  }
0xf: {  	s6 =	sor.u32 $0x1C0B, s24;
	s26 =	sadd.s32 s4, s5;
	s13 =	sshrl.u32 s7, $0x3  }
0x10: {  	s21 =	simm.s32 $0x1;
	s22 =	simm.s32 $0x2;
	s23 =	sadd.s32 $0x15000, s10  }
0x11: {  	s25 =	sadd.s32 $0x10000, s10;
	s10 =	smax.u32 s11, $0x1;
	s11 =	sshrl.u32 s12, $0x3  }
0x12: {  	s12 =	simm.s32 $0xB;
	s24 =	sadd.s32 s14, s26;
	[dreg:$0x6] =	wrdreg s23  }
0x13: {  	s26 =	simm.s32 $0x5;
	s0 =	sadd.s32 s9, s0;
	[dreg:$0x7] =	wrdreg s25  }
0x14: {  	s9 =	sadd.s32 s2, s9;
	s23 =	simm.s32 $0x3;
	s25 =	simm.s32 $0x4  }
0x15: {  	s2 =	simm.s32 $0x0;
	s8 =	sadd.s32 $0x6200, s0;
	s0 =	simm.s32 $0xA  }
.LBB2_1:
0x16: {  	s4 =	rddreg [dreg:$0x6]  }
0x17: {  	[spmem:s11], [sflag:s6] =	dma.local [hbm:s4], $0x4E2  }
0x18: {  	_ =	swait.ge [sflag:s12], $0x4E2  }
0x19: {  	[sflag:s12] =	ssyncset.done $0x0  }
0x1a: {  	s5 =	rddreg [dreg:$0x7];
	[sflag:s12] =	ssyncadd.s32 $0xFFFFFB1E  }
0x1b: {  	[spmem:s13], [sflag:s6] =	dma.local [hbm:s5], $0x4E2  }
0x1c: {  	_ =	swait.ge [sflag:s12], $0x4E2  }
0x1d: {  	[sflag:s12] =	ssyncset.done $0x0  }
0x1e: {  	s7 =	simm.s32 $0x0;
	[sflag:s12] =	ssyncadd.s32 $0xFFFFFB1E  }
0x1f: {  	[tilespmem:s7], [sflag:$0xB] =	stream.linear.gather [hbm4b:s8+s7], $0x2710, $0x38;
	[tilespmem:$0xB540] =	vst v63  }
0x20: {  	_ =	swait.ge [sflag:s12], $0x2710  }
0x21: {  	[sflag:s12] =	ssyncset.done $0x0  }
0x22: {  	s5 =	simm.s32 $0x2710;
	[sflag:s12] =	ssyncadd.s32 $0xFFFFD8F0  }
0x23: {  	[tilespmem:s5], [sflag:$0xB] =	stream.linear.gather [hbm4b:s9+s7], $0x2710, $0x38;
	[tilespmem:$0xB540] =	vst v63  }
0x24: {  	_ =	swait.ge [sflag:s12], $0x2710  }
0x25: {  	[sflag:s12] =	ssyncset.done $0x0  }
0x26: {  	[sflag:s12] =	ssyncadd.s32 $0xFFFFD8F0  }
0x27: {  	s14 =	simm.s32 $0x0;
	[bflag:$0x0] =	sbarrier.arrive $0xFFFF  }
0x28: {  	[tilespmem:s16], [sflag:$0x1] =	stream.indirect.gather [spmem:s3], $0x10, s14, s15, $0xb8;
	[tilespmem:$0xB540] =	vst v63  }
0x29: {  	s5 =	simm.s32 $0x50  }
0x2a: {  	[tilespmem:s17], [sflag:$0x2] =	stream.indirect.gather [spmem:s3], $0x10, s5, s15, $0xb8;
	[tilespmem:$0xB540] =	vst v63  }
0x2b: {  	s7 =	simm.s32 $0xA0  }
0x2c: {  	[tilespmem:s18], [sflag:$0x3] =	stream.indirect.gather [spmem:s3], $0x10, s7, s15, $0xb8;
	[tilespmem:$0xB540] =	vst v63  }
0x2d: {  	s14 =	simm.s32 $0xF0  }
0x2e: {  	[tilespmem:s19], [sflag:$0x4] =	stream.indirect.gather [spmem:s3], $0x10, s14, s15, $0xb8;
	[tilespmem:$0xB540] =	vst v63  }
0x2f: {  	s5 =	simm.s32 $0x140  }
0x30: {  	[tilespmem:s20], [sflag:$0x5] =	stream.indirect.gather [spmem:s3], $0x10, s5, s15, $0xb8;
	[tilespmem:$0xB540] =	vst v63  }
0x31: {  	_ =	swait.ge [sflag:s21], $0x500  }
0x32: {  	[sflag:s21] =	ssyncset.done $0x0  }
0x33: {  	s7 =	simm.s32 $0x2710;
	[sflag:s21] =	ssyncadd.s32 $0xFFFFFB00  }
0x34: {  	[spmem:s1] =	stream.indirect.scatter.add.f32 [tilespmem:s16], [sflag:$0x6], $0x10, s7, s15, $0xb8;
	[tilespmem:$0xB540] =	vst v63  }
0x35: {  	_ =	swait.ge [sflag:s22], $0x500  }
0x36: {  	[sflag:s22] =	ssyncset.done $0x0  }
0x37: {  	s14 =	simm.s32 $0x2760;
	[sflag:s22] =	ssyncadd.s32 $0xFFFFFB00  }
0x38: {  	[spmem:s1] =	stream.indirect.scatter.add.f32 [tilespmem:s17], [sflag:$0x7], $0x10, s14, s15, $0xb8;
	[tilespmem:$0xB540] =	vst v63  }
0x39: {  	_ =	swait.ge [sflag:s23], $0x500  }
0x3a: {  	[sflag:s23] =	ssyncset.done $0x0  }
0x3b: {  	s5 =	simm.s32 $0x27B0;
	[sflag:s23] =	ssyncadd.s32 $0xFFFFFB00  }
0x3c: {  	[spmem:s1] =	stream.indirect.scatter.add.f32 [tilespmem:s18], [sflag:$0x8], $0x10, s5, s15, $0xb8;
	[tilespmem:$0xB540] =	vst v63  }
0x3d: {  	_ =	swait.ge [sflag:s25], $0x500  }
0x3e: {  	[sflag:s25] =	ssyncset.done $0x0  }
0x3f: {  	s7 =	simm.s32 $0x2800;
	[sflag:s25] =	ssyncadd.s32 $0xFFFFFB00  }
0x40: {  	[spmem:s1] =	stream.indirect.scatter.add.f32 [tilespmem:s19], [sflag:$0x9], $0x10, s7, s15, $0xb8;
	[tilespmem:$0xB540] =	vst v63  }
0x41: {  	_ =	swait.ge [sflag:s26], $0x500  }
0x42: {  	[sflag:s26] =	ssyncset.done $0x0  }
0x43: {  	s14 =	simm.s32 $0x2850;
	[sflag:s26] =	ssyncadd.s32 $0xFFFFFB00  }
0x44: {  	[spmem:s1] =	stream.indirect.scatter.add.f32 [tilespmem:s20], [sflag:$0xA], $0x10, s14, s15, $0xb8;
	[tilespmem:$0xB540] =	vst v63  }
0x45: {  	_ =	swait.ge [sflag:s28], $0x500  }
0x46: {  	[sflag:s28] =	ssyncset.done $0x0  }
0x47: {  	[sflag:s28] =	ssyncadd.s32 $0xFFFFFB00  }
0x48: {  	_ =	swait.ge [sflag:s29], $0x500  }
0x49: {  	[sflag:s29] =	ssyncset.done $0x0  }
0x4a: {  	[sflag:s29] =	ssyncadd.s32 $0xFFFFFB00  }
0x4b: {  	_ =	swait.ge [sflag:s30], $0x500  }
0x4c: {  	[sflag:s30] =	ssyncset.done $0x0  }
0x4d: {  	[sflag:s30] =	ssyncadd.s32 $0xFFFFFB00  }
0x4e: {  	_ =	swait.ge [sflag:s31], $0x500  }
0x4f: {  	[sflag:s31] =	ssyncset.done $0x0  }
0x50: {  	[sflag:s31] =	ssyncadd.s32 $0xFFFFFB00  }
0x51: {  	_ =	swait.ge [sflag:s0], $0x500  }
0x52: {  	s4 =	simm.s32 $0xC80;
	s14 =	simm.s32 $0x640;
	[sflag:s0] =	ssyncset.done $0x0  }
.LBB2_2:
0x53: {  	s5 =	sshra.s32 s14, $0x2  }
0x54: {  	[sflag:s0] =	ssyncadd.s32 $0xFFFFFB00;
	s14 =	smov.u32 s4;
	s7 =	sadd.s32 $0x640, s4  }
0x55: {  	[tilespmem:s16], [sflag:$0x1] =	stream.indirect.gather [spmem:s3], $0x10, s5, s15, $0xb8;
	[tilespmem:$0xB540] =	vst v63  }
0x56: {  	p0 =	sne.s32 s4, $0x9600;
	s4 =	sadd.s32 $0x50, s5  }
0x57: {  	[tilespmem:s17], [sflag:$0x2] =	stream.indirect.gather [spmem:s3], $0x10, s4, s15, $0xb8;
	[tilespmem:$0xB540] =	vst v63  }
0x58: {  	s4 =	sadd.s32 $0xA0, s5  }
0x59: {  	[tilespmem:s18], [sflag:$0x3] =	stream.indirect.gather [spmem:s3], $0x10, s4, s15, $0xb8;
	[tilespmem:$0xB540] =	vst v63  }
0x5a: {  	s4 =	sadd.s32 $0xF0, s5  }
0x5b: {  	[tilespmem:s19], [sflag:$0x4] =	stream.indirect.gather [spmem:s3], $0x10, s4, s15, $0xb8;
	[tilespmem:$0xB540] =	vst v63  }
0x5c: {  	s4 =	sadd.s32 $0x140, s5  }
0x5d: {  	[tilespmem:s20], [sflag:$0x5] =	stream.indirect.gather [spmem:s3], $0x10, s4, s15, $0xb8;
	[tilespmem:$0xB540] =	vst v63  }
0x5e: {  	_ =	swait.ge [sflag:s21], $0x500  }
0x5f: {  	[sflag:s21] =	ssyncset.done $0x0  }
0x60: {  	s4 =	sadd.s32 $0x2710, s5;
	[sflag:s21] =	ssyncadd.s32 $0xFFFFFB00  }
0x61: {  	[spmem:s1] =	stream.indirect.scatter.add.f32 [tilespmem:s16], [sflag:$0x6], $0x10, s4, s15, $0xb8;
	[tilespmem:$0xB540] =	vst v63  }
0x62: {  	_ =	swait.ge [sflag:s22], $0x500  }
0x63: {  	[sflag:s22] =	ssyncset.done $0x0  }
0x64: {  	s4 =	sadd.s32 $0x2760, s5;
	[sflag:s22] =	ssyncadd.s32 $0xFFFFFB00  }
0x65: {  	[spmem:s1] =	stream.indirect.scatter.add.f32 [tilespmem:s17], [sflag:$0x7], $0x10, s4, s15, $0xb8;
	[tilespmem:$0xB540] =	vst v63  }
0x66: {  	_ =	swait.ge [sflag:s23], $0x500  }
0x67: {  	[sflag:s23] =	ssyncset.done $0x0  }
0x68: {  	s4 =	sadd.s32 $0x27B0, s5;
	[sflag:s23] =	ssyncadd.s32 $0xFFFFFB00  }
0x69: {  	[spmem:s1] =	stream.indirect.scatter.add.f32 [tilespmem:s18], [sflag:$0x8], $0x10, s4, s15, $0xb8;
	[tilespmem:$0xB540] =	vst v63  }
0x6a: {  	_ =	swait.ge [sflag:s25], $0x500  }
0x6b: {  	[sflag:s25] =	ssyncset.done $0x0  }
0x6c: {  	s4 =	sadd.s32 $0x2800, s5;
	[sflag:s25] =	ssyncadd.s32 $0xFFFFFB00  }
0x6d: {  	[spmem:s1] =	stream.indirect.scatter.add.f32 [tilespmem:s19], [sflag:$0x9], $0x10, s4, s15, $0xb8;
	[tilespmem:$0xB540] =	vst v63  }
0x6e: {  	_ =	swait.ge [sflag:s26], $0x500  }
0x6f: {  	[sflag:s26] =	ssyncset.done $0x0  }
0x70: {  	s4 =	sadd.s32 $0x2850, s5;
	[sflag:s26] =	ssyncadd.s32 $0xFFFFFB00  }
0x71: {  	[spmem:s1] =	stream.indirect.scatter.add.f32 [tilespmem:s20], [sflag:$0xA], $0x10, s4, s15, $0xb8;
	[tilespmem:$0xB540] =	vst v63  }
0x72: {  	_ =	swait.ge [sflag:s28], $0x500  }
0x73: {  	[sflag:s28] =	ssyncset.done $0x0  }
0x74: {  	[sflag:s28] =	ssyncadd.s32 $0xFFFFFB00  }
0x75: {  	_ =	swait.ge [sflag:s29], $0x500  }
0x76: {  	[sflag:s29] =	ssyncset.done $0x0  }
0x77: {  	[sflag:s29] =	ssyncadd.s32 $0xFFFFFB00  }
0x78: {  	_ =	swait.ge [sflag:s30], $0x500  }
0x79: {  	[sflag:s30] =	ssyncset.done $0x0  }
0x7a: {  	[sflag:s30] =	ssyncadd.s32 $0xFFFFFB00  }
.Ltmp0:
0x7b: {  	_ =	swait.ge [sflag:s31], $0x500;
	(pc) =	sbr.rel @p0 .LBB2_2-.Ltmp0, $4  }
0x7c: {  	[sflag:s31] =	ssyncset.done $0x0  }
0x7d: {  	[sflag:s31] =	ssyncadd.s32 $0xFFFFFB00  }
0x7e: {  	_ =	swait.ge [sflag:s0], $0x500  }
0x7f: {  	s4 =	smov.u32 s7;
	[sflag:s0] =	ssyncset.done $0x0  }
0x80: {  	s4 =	sshra.s32 s14, $0x2;
	[sflag:s0] =	ssyncadd.s32 $0xFFFFFB00  }
0x81: {  	[tilespmem:s16], [sflag:$0x1] =	stream.indirect.gather [spmem:s3], $0x10, s4, s15, $0xb8;
	[tilespmem:$0xB540] =	vst v63  }
0x82: {  	s5 =	sadd.s32 $0x50, s4  }
0x83: {  	[tilespmem:s17], [sflag:$0x2] =	stream.indirect.gather [spmem:s3], $0x10, s5, s15, $0xb8;
	[tilespmem:$0xB540] =	vst v63  }
0x84: {  	s14 =	sadd.s32 $0xA0, s4  }
0x85: {  	[tilespmem:s18], [sflag:$0x3] =	stream.indirect.gather [spmem:s3], $0x10, s14, s15, $0xb8;
	[tilespmem:$0xB540] =	vst v63  }
0x86: {  	s7 =	sadd.s32 $0xF0, s4  }
0x87: {  	[tilespmem:s19], [sflag:$0x4] =	stream.indirect.gather [spmem:s3], $0x10, s7, s15, $0xb8;
	[tilespmem:$0xB540] =	vst v63  }
0x88: {  	s14 =	sadd.s32 $0x140, s4  }
0x89: {  	[tilespmem:s20], [sflag:$0x5] =	stream.indirect.gather [spmem:s3], $0x10, s14, s15, $0xb8;
	[tilespmem:$0xB540] =	vst v63  }
0x8a: {  	_ =	swait.ge [sflag:s21], $0x500  }
0x8b: {  	[sflag:s21] =	ssyncset.done $0x0  }
0x8c: {  	s7 =	sadd.s32 $0x2710, s4;
	[sflag:s21] =	ssyncadd.s32 $0xFFFFFB00  }
0x8d: {  	[spmem:s1] =	stream.indirect.scatter.add.f32 [tilespmem:s16], [sflag:$0x6], $0x10, s7, s15, $0xb8;
	[tilespmem:$0xB540] =	vst v63  }
0x8e: {  	_ =	swait.ge [sflag:s22], $0x500  }
0x8f: {  	[sflag:s22] =	ssyncset.done $0x0  }
0x90: {  	s14 =	sadd.s32 $0x2760, s4;
	[sflag:s22] =	ssyncadd.s32 $0xFFFFFB00  }
0x91: {  	[spmem:s1] =	stream.indirect.scatter.add.f32 [tilespmem:s17], [sflag:$0x7], $0x10, s14, s15, $0xb8;
	[tilespmem:$0xB540] =	vst v63  }
0x92: {  	_ =	swait.ge [sflag:s23], $0x500  }
0x93: {  	[sflag:s23] =	ssyncset.done $0x0  }
0x94: {  	s7 =	sadd.s32 $0x27B0, s4;
	[sflag:s23] =	ssyncadd.s32 $0xFFFFFB00  }
0x95: {  	[spmem:s1] =	stream.indirect.scatter.add.f32 [tilespmem:s18], [sflag:$0x8], $0x10, s7, s15, $0xb8;
	[tilespmem:$0xB540] =	vst v63  }
0x96: {  	_ =	swait.ge [sflag:s25], $0x500  }
0x97: {  	[sflag:s25] =	ssyncset.done $0x0  }
0x98: {  	s14 =	sadd.s32 $0x2800, s4;
	[sflag:s25] =	ssyncadd.s32 $0xFFFFFB00  }
0x99: {  	[spmem:s1] =	stream.indirect.scatter.add.f32 [tilespmem:s19], [sflag:$0x9], $0x10, s14, s15, $0xb8;
	[tilespmem:$0xB540] =	vst v63  }
0x9a: {  	_ =	swait.ge [sflag:s26], $0x500  }
0x9b: {  	[sflag:s26] =	ssyncset.done $0x0  }
0x9c: {  	s4 =	sadd.s32 $0x2850, s4;
	[sflag:s26] =	ssyncadd.s32 $0xFFFFFB00  }
0x9d: {  	[spmem:s1] =	stream.indirect.scatter.add.f32 [tilespmem:s20], [sflag:$0xA], $0x10, s4, s15, $0xb8;
	[tilespmem:$0xB540] =	vst v63  }
0x9e: {  	_ =	swait.ge [sflag:s28], $0x500  }
0x9f: {  	[sflag:s28] =	ssyncset.done $0x0  }
0xa0: {  	[sflag:s28] =	ssyncadd.s32 $0xFFFFFB00  }
0xa1: {  	_ =	swait.ge [sflag:s29], $0x500  }
0xa2: {  	[sflag:s29] =	ssyncset.done $0x0  }
0xa3: {  	[sflag:s29] =	ssyncadd.s32 $0xFFFFFB00  }
0xa4: {  	_ =	swait.ge [sflag:s30], $0x500  }
0xa5: {  	[sflag:s30] =	ssyncset.done $0x0  }
0xa6: {  	[sflag:s30] =	ssyncadd.s32 $0xFFFFFB00  }
0xa7: {  	_ =	swait.ge [sflag:s31], $0x500  }
0xa8: {  	[sflag:s31] =	ssyncset.done $0x0  }
0xa9: {  	[sflag:s31] =	ssyncadd.s32 $0xFFFFFB00  }
0xaa: {  	_ =	swait.ge [sflag:s0], $0x500  }
0xab: {  	s2 =	sadd.s32 $0x1, s2;
	[sflag:s0] =	ssyncset.done $0x0  }
0xac: {  	p0 =	sne.s32 s2, s10;
	[sflag:s0] =	ssyncadd.s32 $0xFFFFFB00  }
.Ltmp1:
0xad: {  	[bflag:$0x0] =	sbarrier.arrive $0xFFFF;
	(pc) =	sbr.rel @p0 .LBB2_1-.Ltmp1, $4  }
0xae: {  	[hbm:s24], [sflag:s6] =	dma.local [spmem:s11], $0x4E2  }
0xaf: {  	_ =	swait.ge [sflag:s12], $0x4E2  }
0xb0: {  	[sflag:s12] =	ssyncset.done $0x0  }
0xb1: {  	[sflag:s12] =	ssyncadd.s32 $0xFFFFFB1E  }
0xb2: {  	_ =	sfence.sel $0x180000  }
0xb3: {  	[bflag:$0x0] =	sbarrier.arrive $0xFFFF  }
0xb4: {  	_ =	strace $0x90000050  }
0xb5: {  	s0 =	stileid.u32;
	[bflag:$0x2] =	sbarrier.arrive $0xFFFF  }
0xb6: {  	p0 =	sne.s32 s0, $0x0;
	s0 =	rddreg [dreg:$0x5]  }
0xb7: {  	s0 =	sadd.s32 @!p0 $0x100000, s0  }
0xb8: {  	[sflag:s0] =	ssyncadd.tile.s32 @!p0 $0x1;
	_ =	shalt  }
.Lfunc_end2:
_tile_overlayer_lowered:
.L_overlay_start_2:
0xb9: {  	(tag) =	ssettag $0x2  }
0xba: {  	s0 =	rddreg [dreg:$0x0];
	s2 =	stileid.u32  }
0xbb: {  	s1 =	rddreg [dreg:$0x1];
	p0 =	sne.s32 s2, $0x0  }
0xbc: {  	s3 =	rddreg [dreg:$0x2];
	[bflag:$0x3] =	sbarrier.arrive $0xFFFF;
	s2 =	simm.s32 @!p0 $0x1C0B  }
0xbd: {  	[timem:s3], [sflag:s2] =	dma.local @!p0 [hbm:s0], s1  }
0xbe: {  	s0 =	simm.s32 @!p0 $0xB  }
0xbf: {  	_ =	swait.ge @!p0 [sflag:s0], s1  }
0xc0: {  	s1 =	ssub.s32 @!p0 $0x0, s1;
	[sflag:s0] =	ssyncset.done @!p0 $0x0  }
0xc1: {  	[sflag:s0] =	ssyncadd.s32 @!p0 s1  }
0xc2: {  	[bflag:$0x3] =	sbarrier.arrive $0xFFFF  }
0xc3: {  	_ =	shalt  }

// kernel: kernel.25.cloned.1.call-start
scs
__scs_entry_jumppad:
0x0: {  	(pc) =	sbr.rel $0x88, $3  }
0x1: {  	(tag) =	ssettag $0x0;
	lr =	simm.s32 $0x1  }
0x2: {  	[smem:$0x3F7B] =	sst lr;
	_ =	strace $0xD0000000  }
0x3: {  	_ = 	snop  }
0x4: {  	_ = 	snop  }
0x5: {  	_ = 	snop  }
0x6: {  	_ = 	snop  }
0x7: {  	_ = 	snop  }
__scs_overlays_trampoline_lowered:
0x8: {  	[smem:$0x3F8A] =	sst s0  }
0x9: {  	[smem:$0x3F8B] =	sst s1  }
0xa: {  	[smem:$0x3F8C] =	sst s2  }
0xb: {  	[smem:$0x3F8D] =	sst s3  }
0xc: {  	[smem:$0x3F8E] =	sst s4  }
0xd: {  	[smem:$0x3F8F] =	sst s5  }
0xe: {  	[smem:$0x3F90] =	sst s6  }
0xf: {  	[smem:$0x3F91] =	sst s7  }
0x10: {  	[smem:$0x3F92] =	sst s8  }
0x11: {  	[smem:$0x3F93] =	sst s9;
	s0 =	simm.s32 @!p0 $0x0  }
0x12: {  	s1 =	sld [smem:$0x3F79];
	s0 =	simm.s32 @p0 $0x1  }
0x13: {  	[smem:$0x3F94] =	sst s0;
	s0 =	simm.s32 @!p1 $0x0  }
0x14: {  	s2 =	sld [smem:$0x3F78];
	s0 =	simm.s32 @p1 $0x1  }
0x15: {  	[smem:$0x3F95] =	sst s0;
	s0 =	simm.s32 @!p2 $0x0  }
0x16: {  	s3 =	sld [smem:$0x3FDB];
	s0 =	simm.s32 @p2 $0x1  }
0x17: {  	s4 =	simm.s32 $0x1BF5;
	[smem:$0x3F97] =	sst s0  }
0x18: {  	s0 =	sld [smem:$0x3F7A];
	_ =	swait.ge [sflag:s4], $0x0  }
0x19: {  	s7 =	sld [smem:$0x3F7B]  }
0x1a: {  	s8 =	sadd.s32 $0xFFFFE003, lr  }
0x1b: {  	s9 =	sadd.s32 $0xFFFFFEF7, lr;
	s5 =	simm.s32 $0xFFFFFFFF;
	p2 =	slt.u32 s8, $0xFFFFF086  }
0x1c: {  	p1 =	slt.u32 s9, $0xF7A;
	s5 =	simm.s32 @!p2 $0x0  }
0x1d: {  	s5 =	simm.s32 @p1 $0x1;
	p0 =	seq.s32 s7, s2  }
0x1e: {  	s7 =	smul.u32 @!p0 $0xF7A, s2;
	p2 =	seq.s32 @!p0 s5, $0x0  }
0x1f: {  	s9 =	smul.u32 $0xF7A, s1;
	s8 =	simm.s32 @!p0 $0x1BF5;
	p2 =	por !p2, p0  }
0x20: {  	[sflag:s8] =	ssyncset.s32 @!p0 $0xFFFFF086;
	s6 =	sadd.s32 @!p0 s3, s7;
	s7 =	simm.s32 @!p0 $0x108  }
0x21: {  	s3 =	sadd.s32 s3, s9;
	s6 =	sadd.s32 @!p0 $0x88, s6;
	s7 =	simm.s32 @p2 $0x1082  }
0x22: {  	[simem:s7], [sflag:s8] =	dma.local @!p0 [hbm:s6], $0xF7A  }
0x23: {  	s9 =	sor.u32 $0xD0000000, s2;
	s6 =	simm.s32 $0x108;
	_ =	swait.ge @!p0 [sflag:s8], $0x0  }
0x24: {  	s3 =	sadd.s32 $0x88, s3;
	s6 =	simm.s32 @!p1 $0x1082;
	[sflag:s4] =	ssyncset.s32 $0xFFFFF086  }
0x25: {  	[simem:s6], [sflag:s4] =	dma.local [hbm:s3], $0xF7A  }
0x26: {  	[smem:$0x3F7B] =	sst s1;
	(tag) =	ssettag s2;
	_ =	strace s9  }
0x27: {  	s1 =	sld [smem:$0x3F8B]  }
0x28: {  	s2 =	sld [smem:$0x3F8C]  }
0x29: {  	s4 =	sld [smem:$0x3F8E]  }
0x2a: {  	p0 =	seq.s32 s5, $0x0;
	s5 =	sld [smem:$0x3F8F]  }
0x2b: {  	s6 =	sld [smem:$0x3F90]  }
0x2c: {  	s7 =	sld [smem:$0x3F91]  }
0x2d: {  	s3 =	simm.s32 $0x108;
	s8 =	sld [smem:$0x3F92]  }
0x2e: {  	s3 =	simm.s32 @!p0 $0x1082;
	s9 =	sld [smem:$0x3F93]  }
0x2f: {  	lr =	sadd.s32 s0, s3;
	s0 =	sld [smem:$0x3F8A]  }
0x30: {  	s3 =	sld [smem:$0x3F8D]  }
0x31: {  	[smem:$0x3F96] =	sst s10  }
0x32: {  	s10 =	sld [smem:$0x3F94];
	_ =	sdelay $0x3  }
0x33: {  	p0 =	seq.s32 s10, $0x1;
	s10 =	sld [smem:$0x3F96];
	_ =	sdelay $0x3  }
0x34: {  	[smem:$0x3F96] =	sst s10  }
0x35: {  	s10 =	sld [smem:$0x3F95];
	_ =	sdelay $0x3  }
0x36: {  	p1 =	seq.s32 s10, $0x1;
	s10 =	sld [smem:$0x3F96];
	_ =	sdelay $0x3  }
0x37: {  	[smem:$0x3F96] =	sst s10  }
0x38: {  	s10 =	sld [smem:$0x3F97]  }
0x39: {  	_ = 	snop;
	(pc) =	sbr.ind lr, $3  }
0x3a: {  	_ = 	snop  }
0x3b: {  	_ = 	snop  }
0x3c: {  	p2 =	seq.s32 s10, $0x1;
	s10 =	sld [smem:$0x3F96]  }
0x3d: {  	_ =	shalt  }
0x3e: {  	_ =	shalt  }
0x3f: {  	_ =	shalt  }
0x40: {  	_ =	shalt  }
0x41: {  	_ =	shalt  }
0x42: {  	_ =	shalt  }
0x43: {  	_ =	shalt  }
0x44: {  	_ =	shalt  }
0x45: {  	_ =	shalt  }
0x46: {  	_ =	shalt  }
0x47: {  	_ =	shalt  }
0x48: {  	_ =	shalt  }
0x49: {  	_ =	shalt  }
0x4a: {  	_ =	shalt  }
0x4b: {  	_ =	shalt  }
0x4c: {  	_ =	shalt  }
0x4d: {  	_ =	shalt  }
0x4e: {  	_ =	shalt  }
0x4f: {  	_ =	shalt  }
0x50: {  	_ =	shalt  }
0x51: {  	_ =	shalt  }
0x52: {  	_ =	shalt  }
0x53: {  	_ =	shalt  }
0x54: {  	_ =	shalt  }
0x55: {  	_ =	shalt  }
0x56: {  	_ =	shalt  }
0x57: {  	_ =	shalt  }
0x58: {  	_ =	shalt  }
0x59: {  	_ =	shalt  }
0x5a: {  	_ =	shalt  }
0x5b: {  	_ =	shalt  }
0x5c: {  	_ =	shalt  }
0x5d: {  	_ =	shalt  }
0x5e: {  	_ =	shalt  }
0x5f: {  	_ =	shalt  }
0x60: {  	_ =	shalt  }
0x61: {  	_ =	shalt  }
0x62: {  	_ =	shalt  }
0x63: {  	_ =	shalt  }
0x64: {  	_ =	shalt  }
0x65: {  	_ =	shalt  }
0x66: {  	_ =	shalt  }
0x67: {  	_ =	shalt  }
0x68: {  	_ =	shalt  }
0x69: {  	_ =	shalt  }
0x6a: {  	_ =	shalt  }
0x6b: {  	_ =	shalt  }
0x6c: {  	_ =	shalt  }
0x6d: {  	_ =	shalt  }
0x6e: {  	_ =	shalt  }
0x6f: {  	_ =	shalt  }
0x70: {  	_ =	shalt  }
0x71: {  	_ =	shalt  }
0x72: {  	_ =	shalt  }
0x73: {  	_ =	shalt  }
0x74: {  	_ =	shalt  }
0x75: {  	_ =	shalt  }
0x76: {  	_ =	shalt  }
0x77: {  	_ =	shalt  }
0x78: {  	_ =	shalt  }
0x79: {  	_ =	shalt  }
0x7a: {  	_ =	shalt  }
0x7b: {  	_ =	shalt  }
0x7c: {  	_ =	shalt  }
0x7d: {  	_ =	shalt  }
0x7e: {  	_ =	shalt  }
0x7f: {  	_ =	shalt  }
0x80: {  	_ =	shalt  }
0x81: {  	_ =	shalt  }
0x82: {  	_ =	shalt  }
0x83: {  	_ =	shalt  }
0x84: {  	_ =	shalt  }
0x85: {  	_ =	shalt  }
0x86: {  	_ =	shalt  }
0x87: {  	_ =	shalt  }
.Lfunc_end0:
.L_simem_size_0:
called_computation.5_lowered:
.L_overlay_start_0:
0x88: {  	s2 =	sld [smem:$0x3FD9]  }
0x89: {  	s3 =	sld [smem:$0x3FFE];
	_ =	sdelay $0x1  }
0x8a: {  	s1 =	srdreg.scid  }
0x8b: {  	s0 =	sand.u32 $0x1, s1  }
0x8c: {  	s14 =	sshll.u32 s0, $0xA;
	s2 =	sadd.s32 s3, s2  }
0x8d: {  	s2 =	sadd.s32 s2, s14  }
0x8e: {  	[smem:$0x3FA2] =	sst s2  }
0x8f: {  	_ = 	snop  }
0x90: {  	s2 =	sld [smem:$0x3FD0];
	_ =	sdelay $0x2  }
0x91: {  	s15 =	simm.s32 $0xA;
	s4 =	simm.s32 $0x10  }
0x92: {  	[smem:s4], [sflag:s15] =	dma.local [hbm:s2], $0x1  }
0x93: {  	_ =	swait.eq [sflag:s15], $0x1  }
0x94: {  	[sflag:s15] =	ssyncset.done $0x0  }
0x95: {  	s16 =	sld [smem:$0x10];
	[sflag:s15] =	ssyncadd.s32 $0xFFFFFFFF  }
0x96: {  	s17 =	sld [smem:$0x11];
	(tm) =	ssettm $0x1  }
0x97: {  	s18 =	sld [smem:$0x3FFB];
	_ =	sdelay $0x3  }
0x98: {  	_ =	strace s18  }
0x99: {  	s4 =	sld [smem:$0x3FFC];
	_ =	sdelay $0x3  }
0x9a: {  	_ =	strace s4  }
0x9b: {  	s4 =	sld [smem:$0x3FFD];
	_ =	sdelay $0x3  }
0x9c: {  	_ =	strace s4  }
0x9d: {  	_ =	strace $0x8FFFFFFF  }
0x9e: {  	s19 =	sld [smem:$0x3FDB];
	_ =	sdelay $0x1  }
0x9f: {  	s5 =	simm.s32 $_scs_section_size  }
0xa0: {  	s6 =	simm.s32 $_size__tile_overlayer_lowered;
	s7 =	simm.s32 $_tile_overlayer_lowered  }
0xa1: {  	s22 =	simm.s32 $0x1BFF;
	s21 =	sshll.u32 s7, $0x1;
	s4 =	sadd.s32 s5, s19  }
0xa2: {  	s8 =	simm.s32 $0x0;
	s20 =	sshll.u32 s6, $0x1;
	s6 =	sadd.s32 s21, s4  }
0xa3: {  	[timem:s8], [sflag:s22] =	dma.local [hbm:s6], s20  }
0xa4: {  	_ =	swait.ge [sflag:s22], s20  }
0xa5: {  	s5 =	ssub.s32 $0x0, s20;
	[sflag:s22] =	ssyncset.done $0x0  }
0xa6: {  	[sflag:s22] =	ssyncadd.s32 s5;
	_ =	sdelay $0x1  }
0xa7: {  	s23 =	simm.s32 $0x1B8B  }
0xa8: {  	_ =	swait.ge [sflag:s23], $0x1  }
0xa9: {  	[sflag:s23] =	ssyncset.done $0x0  }
0xaa: {  	s25 =	simm.s32 $0x1B8E;
	s24 =	sld [smem:$0x3FFE];
	[sflag:s23] =	ssyncadd.s32 $0xFFFFFFFF  }
0xab: {  	s26 =	simm.s32 $execute0_lowered;
	[smem:$0x3FD2] =	sst s25  }
0xac: {  	s6 =	sshll.u32 s26, $0x1;
	_ =	strace $0x80000052;
	[dreg:$0x1] =	wrdreg $0xFFFFFFFF  }
0xad: {  	s28 =	simm.s32 $_size_execute0_lowered;
	s4 =	sadd.s32 s4, s6;
	[dreg:$0x0] =	wrdreg $0x0  }
0xae: {  	s6 =	sshll.u32 s28, $0x1;
	[dreg:$0x2] =	wrdreg s4  }
0xaf: {  	[dreg:$0x3] =	wrdreg s6  }
0xb0: {  	[dreg:$0x4] =	wrdreg $0xC0  }
0xb1: {  	_ =	task [dreg:s8], $0x5FFFF  }
0xb2: {  	[dreg:$0x1] =	wrdreg $0xFFFFFFFF  }
0xb3: {  	[dreg:$0x0] =	wrdreg $0x60  }
0xb4: {  	[dreg:$0x2] =	wrdreg s24  }
0xb5: {  	[dreg:$0x3] =	wrdreg s16  }
0xb6: {  	[dreg:$0x4] =	wrdreg s17  }
0xb7: {  	[dreg:$0x5] =	wrdreg $0x80200  }
0xb8: {  	[dreg:$0x6] =	wrdreg $0x9  }
0xb9: {  	_ =	task.clear_ibuf [dreg:s8], $0x7FFFF;
	_ =	strace $0x90000052  }
0xba: {  	s29 =	simm.s32 $0x9;
	_ =	strace $0x80000054  }
0xbb: {  	_ =	swait.ge [sflag:s29], $0x1  }
0xbc: {  	[sflag:s29] =	ssyncadd.s32 $0xFFFFFFFF  }
0xbd: {  	_ =	strace $0x90000054  }
0xbe: {  	_ =	sfence  }
0xbf: {  	s30 =	sld [smem:$0x0];
	_ =	sdelay $0x2  }
0xc0: {  	s31 =	sshll.u32 s1, $0xD;
	s1 =	sshrl.u32 s1, $0x2  }
0xc1: {  	s3 =	sand.u32 $0x4000, s31;
	s1 =	sadd.s32 s1, s30  }
0xc2: {  	s0 =	sor.u32 s3, s0;
	s1 =	sshll.u32 s1, $0x11  }
0xc3: {  	s0 =	sor.u32 s1, s0  }
0xc4: {  	s0 =	sadd.s32 $0x8F2B, s0  }
0xc5: {  	[sflag:s0] =	ssyncadd.remote.s32 $0x1  }
0xc6: {  	_ =	sfence.sel $0xFFFF  }
0xc7: {  	[dreg:$0x0] =	wrdreg $0xFFFFFFFF;
	(pc) =	sbr.abs _section_cstart, $3  }
0xc8: {  	[dreg:$0x1] =	wrdreg $0xFFFFFFFF  }
0xc9: {  	_ =	task.clear_ibuf [dreg:s8], $0x2FFFF;
	_ =	strace $0x9FFFFFFF  }
0xca: {  	(tm) =	ssettm $0x7FFFFFFF  }
0xcb: {  	_ =	shalt  }
tec
execute0_lowered:
.L_overlay_start_1:
0x0: {  	(tag) =	ssettag $0x1  }
0x1: {  	s0 =	rddreg [dreg:$0x0]  }
0x2: {  	s1 =	rddreg [dreg:$0x1]  }
0x3: {  	s3 =	rddreg [dreg:$0x2];
	s4 =	srdreg.scid  }
0x4: {  	s2 =	rddreg [dreg:$0x3];
	s10 =	stileid.u32;
	s7 =	simm.s32 $0x0  }
0x5: {  	s12 =	simm.s32 $0x50;
	s11 =	simm.s32 $0x5;
	s13 =	simm.s32 $0xF  }
0x6: {  	s14 =	simm.s32 $0x14;
	s30 =	simm.s32 $0x7620;
	s31 =	simm.s32 $0x6220  }
0x7: {  	s4 =	sand.u32 $0x1, s4;
	s6 =	smul.u32 $0x2710, s10;
	[smem:$0x7FF] =	sst s7  }
0x8: {  	s23 =	smul.u32 $0x9C40, s10;
	s24 =	sshll.u32 s10, $0x6;
	s5 =	sshll.u32 s4, $0x4  }
0x9: {  	_ =	strace $0x80000053;
	s8 =	ssub.s32 $0x2, s4;
	s4 =	smul.u32 $0x9C400, s4  }
0xa: {  	s25 =	sor.u32 $0x1C15, s24;
	s24 =	simm.s32 $0x10;
	s5 =	sor.u32 s10, s5  }
0xb: {  	s22 =	sshrl.u32 s6, $0x3;
	s9 =	sshrl.u32 s8, $0x1;
	s6 =	sadd.s32 s6, s2  }
0xc: {  	[dreg:$0x7] =	wrdreg s25;
	s25 =	simm.s32 $0x20;
	s10 =	simm.s32 $0x13  }
0xd: {  	s5 =	smul.u32 $0x2710, s5;
	s7 =	sadd.s32 s22, s0;
	s8 =	ssub.s32 s8, s9  }
0xe: {  	s3 =	sadd.s32 s4, s3;
	s29 =	sshrl.u32 s6, $0x3;
	s4 =	simm.s32 $0xB  }
0xf: {  	s6 =	simm.s32 $0x11;
	s7 =	sadd.s32 $0x10000, s7;
	[dreg:$0xb] =	wrdreg s29  }
0x10: {  	s9 =	simm.s32 $0xE;
	s28 =	smax.u32 s8, $0x1;
	[dreg:$0x6] =	wrdreg s7  }
0x11: {  	s26 =	sadd.s32 s23, s3;
	s3 =	simm.s32 $0xA;
	[dreg:$0xa] =	wrdreg s28  }
0x12: {  	s8 =	simm.s32 $0x12;
	s5 =	sshrl.u32 s5, $0x3;
	[dreg:$0x5] =	wrdreg s26  }
0x13: {  	s7 =	simm.s32 $0xD;
	s0 =	sadd.s32 s5, s0;
	s1 =	sadd.s32 s1, s5  }
0x14: {  	s5 =	simm.s32 $0xC;
	s0 =	sadd.s32 $0x6200, s0;
	[dreg:$0x9] =	wrdreg s1  }
0x15: {  	s1 =	simm.s32 $0x9;
	[dreg:$0x8] =	wrdreg s0;
	s0 =	simm.s32 $0x0  }
.LBB2_1:
0x16: {  	[dreg:$0xc] =	wrdreg s0  }
0x17: {  	s15 =	rddreg [dreg:$0x6]  }
0x18: {  	s16 =	rddreg [dreg:$0x7]  }
0x19: {  	s17 =	rddreg [dreg:$0xb];
	s26 =	simm.s32 $0x15  }
0x1a: {  	[spmem:s17], [sflag:s16] =	dma.local [hbm:s15], $0x4E2  }
0x1b: {  	_ =	swait.ge [sflag:s26], $0x4E2  }
0x1c: {  	[sflag:s26] =	ssyncset.done $0x0  }
0x1d: {  	s28 =	simm.s32 $0x0;
	s29 =	rddreg [dreg:$0x8];
	[sflag:s26] =	ssyncadd.s32 $0xFFFFFB1E  }
0x1e: {  	[tilespmem:s28], [sflag:$0x15] =	stream.linear.gather [hbm4b:s29+s28], $0x2710, $0x38;
	[tilespmem:$0xA730] =	vst v63  }
0x1f: {  	_ =	swait.ge [sflag:s26], $0x2710  }
0x20: {  	[sflag:s26] =	ssyncset.done $0x0  }
0x21: {  	s18 =	simm.s32 $0x2710;
	s0 =	rddreg [dreg:$0x9];
	[sflag:s26] =	ssyncadd.s32 $0xFFFFD8F0  }
0x22: {  	[tilespmem:s18], [sflag:$0x15] =	stream.linear.gather [hbm4b:s0+s28], $0x2710, $0x38;
	[tilespmem:$0xA730] =	vst v63  }
0x23: {  	_ =	swait.ge [sflag:s26], $0x2710  }
0x24: {  	[sflag:s26] =	ssyncset.done $0x0  }
0x25: {  	[sflag:s26] =	ssyncadd.s32 $0xFFFFD8F0  }
0x26: {  	s19 =	simm.s32 $0x0;
	s16 =	simm.s32 $0x4E20;
	[bflag:$0x0] =	sbarrier.arrive $0xFFFF  }
0x27: {  	[tilespmem:s16], [sflag:$0x1] =	stream.indirect.gather [spmem:s2], $0x10, s19, s12, $0xb8;
	[tilespmem:$0xA730] =	vst v63  }
0x28: {  	s20 =	simm.s32 $0x2710;
	s17 =	simm.s32 $0x6720  }
0x29: {  	[tilespmem:s17], [sflag:$0x6] =	stream.indirect.gather [spmem:s2], $0x10, s20, s12, $0xb8;
	[tilespmem:$0xA730] =	vst v63  }
0x2a: {  	s21 =	simm.s32 $0x50;
	s18 =	simm.s32 $0x5320  }
0x2b: {  	[tilespmem:s18], [sflag:$0x2] =	stream.indirect.gather [spmem:s2], $0x10, s21, s12, $0xb8;
	[tilespmem:$0xA730] =	vst v63  }
0x2c: {  	s22 =	simm.s32 $0x2760;
	s19 =	simm.s32 $0x6C20  }
0x2d: {  	[tilespmem:s19], [sflag:$0x7] =	stream.indirect.gather [spmem:s2], $0x10, s22, s12, $0xb8;
	[tilespmem:$0xA730] =	vst v63  }
0x2e: {  	s23 =	simm.s32 $0xA0;
	s20 =	simm.s32 $0x5820  }
0x2f: {  	[tilespmem:s20], [sflag:$0x3] =	stream.indirect.gather [spmem:s2], $0x10, s23, s12, $0xb8;
	[tilespmem:$0xA730] =	vst v63  }
0x30: {  	s26 =	simm.s32 $0x27B0;
	s21 =	simm.s32 $0x7120  }
0x31: {  	[tilespmem:s21], [sflag:$0x8] =	stream.indirect.gather [spmem:s2], $0x10, s26, s12, $0xb8;
	[tilespmem:$0xA730] =	vst v63  }
0x32: {  	s28 =	simm.s32 $0xF0;
	s22 =	simm.s32 $0x5D20  }
0x33: {  	[tilespmem:s22], [sflag:$0x4] =	stream.indirect.gather [spmem:s2], $0x10, s28, s12, $0xb8;
	[tilespmem:$0xA730] =	vst v63  }
0x34: {  	s29 =	simm.s32 $0x2800;
	s23 =	simm.s32 $0x7620  }
0x35: {  	[tilespmem:s23], [sflag:$0x9] =	stream.indirect.gather [spmem:s2], $0x10, s29, s12, $0xb8;
	[tilespmem:$0xA730] =	vst v63  }
0x36: {  	s0 =	simm.s32 $0x140;
	s26 =	simm.s32 $0x6220  }
0x37: {  	[tilespmem:s26], [sflag:$0x5] =	stream.indirect.gather [spmem:s2], $0x10, s0, s12, $0xb8;
	[tilespmem:$0xA730] =	vst v63  }
0x38: {  	s28 =	simm.s32 $0x2850;
	s0 =	simm.s32 $0x7B20  }
0x39: {  	[tilespmem:s0], [sflag:$0xA] =	stream.indirect.gather [spmem:s2], $0x10, s28, s12, $0xb8;
	[tilespmem:$0xA730] =	vst v63  }
0x3a: {  	s28 =	simm.s32 $0x1  }
0x3b: {  	_ =	swait.ge [sflag:s28], $0x500  }
0x3c: {  	s29 =	rddreg [dreg:$0x5];
	[sflag:s28] =	ssyncset.done $0x0  }
0x3d: {  	[sflag:s28] =	ssyncadd.s32 $0xFFFFFB00;
	s15 =	sadd.s32 $0x0, s29;
	s29 =	simm.s32 $0x6  }
0x3e: {  	[hbm4b:s15+s24] =	stream.strided.scatter [tilespmem:s16], [sflag:$0xB], $0x500, s25, s24, $0x38;
	[tilespmem:$0xA730] =	vst v63  }
0x3f: {  	_ =	swait.ge [sflag:s29], $0x500  }
0x40: {  	[sflag:s29] =	ssyncset.done $0x0  }
0x41: {  	s28 =	sadd.s32 $0x2, s15;
	[sflag:s29] =	ssyncadd.s32 $0xFFFFFB00;
	s29 =	simm.s32 $0x2  }
0x42: {  	[hbm4b:s28+s24] =	stream.strided.scatter [tilespmem:s17], [sflag:$0x10], $0x500, s25, s24, $0x38;
	[tilespmem:$0xA730] =	vst v63  }
0x43: {  	_ =	swait.ge [sflag:s29], $0x500  }
0x44: {  	[sflag:s29] =	ssyncset.done $0x0  }
0x45: {  	s17 =	sadd.s32 $0x140, s15;
	[sflag:s29] =	ssyncadd.s32 $0xFFFFFB00  }
0x46: {  	[hbm4b:s17+s24] =	stream.strided.scatter [tilespmem:s18], [sflag:$0xC], $0x500, s25, s24, $0x38;
	[tilespmem:$0xA730] =	vst v63  }
0x47: {  	s18 =	simm.s32 $0x7  }
0x48: {  	_ =	swait.ge [sflag:s18], $0x500  }
0x49: {  	[sflag:s18] =	ssyncset.done $0x0  }
0x4a: {  	s28 =	sadd.s32 $0x142, s15;
	s29 =	simm.s32 $0x3;
	[sflag:s18] =	ssyncadd.s32 $0xFFFFFB00  }
0x4b: {  	[hbm4b:s28+s24] =	stream.strided.scatter [tilespmem:s19], [sflag:$0x11], $0x500, s25, s24, $0x38;
	[tilespmem:$0xA730] =	vst v63  }
0x4c: {  	_ =	swait.ge [sflag:s29], $0x500  }
0x4d: {  	[sflag:s29] =	ssyncset.done $0x0  }
0x4e: {  	s17 =	sadd.s32 $0x280, s15;
	s18 =	simm.s32 $0x8;
	[sflag:s29] =	ssyncadd.s32 $0xFFFFFB00  }
0x4f: {  	[hbm4b:s17+s24] =	stream.strided.scatter [tilespmem:s20], [sflag:$0xD], $0x500, s25, s24, $0x38;
	[tilespmem:$0xA730] =	vst v63  }
0x50: {  	_ =	swait.ge [sflag:s18], $0x500  }
0x51: {  	[sflag:s18] =	ssyncset.done $0x0  }
0x52: {  	s19 =	sadd.s32 $0x282, s15;
	s20 =	simm.s32 $0x4;
	[sflag:s18] =	ssyncadd.s32 $0xFFFFFB00  }
0x53: {  	[hbm4b:s19+s24] =	stream.strided.scatter [tilespmem:s21], [sflag:$0x12], $0x500, s25, s24, $0x38;
	[tilespmem:$0xA730] =	vst v63  }
0x54: {  	_ =	swait.ge [sflag:s20], $0x500  }
0x55: {  	[sflag:s20] =	ssyncset.done $0x0  }
0x56: {  	s21 =	sadd.s32 $0x3C0, s15;
	[sflag:s20] =	ssyncadd.s32 $0xFFFFFB00  }
0x57: {  	[hbm4b:s21+s24] =	stream.strided.scatter [tilespmem:s22], [sflag:$0xE], $0x500, s25, s24, $0x38;
	[tilespmem:$0xA730] =	vst v63  }
0x58: {  	_ =	swait.ge [sflag:s1], $0x500  }
0x59: {  	[sflag:s1] =	ssyncset.done $0x0  }
0x5a: {  	s28 =	sadd.s32 $0x3C2, s15;
	[sflag:s1] =	ssyncadd.s32 $0xFFFFFB00  }
0x5b: {  	[hbm4b:s28+s24] =	stream.strided.scatter [tilespmem:s23], [sflag:$0x13], $0x500, s25, s24, $0x38;
	[tilespmem:$0xA730] =	vst v63  }
0x5c: {  	_ =	swait.ge [sflag:s11], $0x500  }
0x5d: {  	[sflag:s11] =	ssyncset.done $0x0  }
0x5e: {  	s29 =	sadd.s32 $0x500, s15;
	[sflag:s11] =	ssyncadd.s32 $0xFFFFFB00  }
0x5f: {  	[hbm4b:s29+s24] =	stream.strided.scatter [tilespmem:s26], [sflag:$0xF], $0x500, s25, s24, $0x38;
	[tilespmem:$0xA730] =	vst v63  }
0x60: {  	_ =	swait.ge [sflag:s3], $0x500  }
0x61: {  	[sflag:s3] =	ssyncset.done $0x0  }
0x62: {  	s15 =	sadd.s32 $0x502, s15;
	[sflag:s3] =	ssyncadd.s32 $0xFFFFFB00  }
0x63: {  	[hbm4b:s15+s24] =	stream.strided.scatter [tilespmem:s0], [sflag:$0x14], $0x500, s25, s24, $0x38;
	[tilespmem:$0xA730] =	vst v63  }
0x64: {  	_ =	swait.ge [sflag:s4], $0x500  }
0x65: {  	[sflag:s4] =	ssyncset.done $0x0  }
0x66: {  	[sflag:s4] =	ssyncadd.s32 $0xFFFFFB00  }
0x67: {  	_ =	swait.ge [sflag:s24], $0x500  }
0x68: {  	[sflag:s24] =	ssyncset.done $0x0  }
0x69: {  	[sflag:s24] =	ssyncadd.s32 $0xFFFFFB00  }
0x6a: {  	_ =	swait.ge [sflag:s5], $0x500  }
0x6b: {  	[sflag:s5] =	ssyncset.done $0x0  }
0x6c: {  	[sflag:s5] =	ssyncadd.s32 $0xFFFFFB00  }
0x6d: {  	_ =	swait.ge [sflag:s6], $0x500  }
0x6e: {  	[sflag:s6] =	ssyncset.done $0x0  }
0x6f: {  	[sflag:s6] =	ssyncadd.s32 $0xFFFFFB00  }
0x70: {  	_ =	swait.ge [sflag:s7], $0x500  }
0x71: {  	[sflag:s7] =	ssyncset.done $0x0  }
0x72: {  	[sflag:s7] =	ssyncadd.s32 $0xFFFFFB00  }
0x73: {  	_ =	swait.ge [sflag:s8], $0x500  }
0x74: {  	[sflag:s8] =	ssyncset.done $0x0  }
0x75: {  	[sflag:s8] =	ssyncadd.s32 $0xFFFFFB00  }
0x76: {  	_ =	swait.ge [sflag:s9], $0x500  }
0x77: {  	[sflag:s9] =	ssyncset.done $0x0  }
0x78: {  	[sflag:s9] =	ssyncadd.s32 $0xFFFFFB00  }
0x79: {  	_ =	swait.ge [sflag:s10], $0x500  }
0x7a: {  	[sflag:s10] =	ssyncset.done $0x0  }
0x7b: {  	[sflag:s10] =	ssyncadd.s32 $0xFFFFFB00  }
0x7c: {  	_ =	swait.ge [sflag:s13], $0x500  }
0x7d: {  	[sflag:s13] =	ssyncset.done $0x0  }
0x7e: {  	[sflag:s13] =	ssyncadd.s32 $0xFFFFFB00  }
0x7f: {  	_ =	swait.ge [sflag:s14], $0x500  }
0x80: {  	s17 =	simm.s32 $0xC80;
	s15 =	simm.s32 $0x640;
	[sflag:s14] =	ssyncset.done $0x0  }
.LBB2_2:
0x81: {  	s18 =	sshra.s32 s15, $0x2;
	[sflag:s14] =	ssyncadd.s32 $0xFFFFFB00;
	s20 =	simm.s32 $0x4E20  }
0x82: {  	[tilespmem:s20], [sflag:$0x1] =	stream.indirect.gather [spmem:s2], $0x10, s18, s12, $0xb8;
	[tilespmem:$0xA730] =	vst v63  }
0x83: {  	s21 =	simm.s32 $0x6720;
	s22 =	sadd.s32 $0x2710, s18  }
0x84: {  	[tilespmem:s21], [sflag:$0x6] =	stream.indirect.gather [spmem:s2], $0x10, s22, s12, $0xb8;
	[tilespmem:$0xA730] =	vst v63  }
0x85: {  	s23 =	sadd.s32 $0x50, s18;
	s22 =	simm.s32 $0x5320  }
0x86: {  	[tilespmem:s22], [sflag:$0x2] =	stream.indirect.gather [spmem:s2], $0x10, s23, s12, $0xb8;
	[tilespmem:$0xA730] =	vst v63  }
0x87: {  	s26 =	sadd.s32 $0x2760, s18;
	s23 =	simm.s32 $0x6C20  }
0x88: {  	[tilespmem:s23], [sflag:$0x7] =	stream.indirect.gather [spmem:s2], $0x10, s26, s12, $0xb8;
	[tilespmem:$0xA730] =	vst v63  }
0x89: {  	s28 =	sadd.s32 $0xA0, s18;
	s26 =	simm.s32 $0x5820  }
0x8a: {  	[tilespmem:s26], [sflag:$0x3] =	stream.indirect.gather [spmem:s2], $0x10, s28, s12, $0xb8;
	[tilespmem:$0xA730] =	vst v63  }
0x8b: {  	s29 =	sadd.s32 $0x27B0, s18;
	s28 =	simm.s32 $0x7120  }
0x8c: {  	[tilespmem:s28], [sflag:$0x8] =	stream.indirect.gather [spmem:s2], $0x10, s29, s12, $0xb8;
	[tilespmem:$0xA730] =	vst v63  }
0x8d: {  	s0 =	sadd.s32 $0xF0, s18;
	s29 =	simm.s32 $0x5D20  }
0x8e: {  	[tilespmem:s29], [sflag:$0x4] =	stream.indirect.gather [spmem:s2], $0x10, s0, s12, $0xb8;
	[tilespmem:$0xA730] =	vst v63  }
0x8f: {  	s0 =	sadd.s32 $0x2800, s18  }
0x90: {  	[tilespmem:s30], [sflag:$0x9] =	stream.indirect.gather [spmem:s2], $0x10, s0, s12, $0xb8;
	[tilespmem:$0xA730] =	vst v63  }
0x91: {  	s0 =	sadd.s32 $0x140, s18  }
0x92: {  	[tilespmem:s31], [sflag:$0x5] =	stream.indirect.gather [spmem:s2], $0x10, s0, s12, $0xb8;
	[tilespmem:$0xA730] =	vst v63  }
0x93: {  	s18 =	sadd.s32 $0x2850, s18;
	s0 =	simm.s32 $0x7B20  }
0x94: {  	[tilespmem:s0], [sflag:$0xA] =	stream.indirect.gather [spmem:s2], $0x10, s18, s12, $0xb8;
	[tilespmem:$0xA730] =	vst v63  }
0x95: {  	s18 =	simm.s32 $0x1  }
0x96: {  	_ =	swait.ge [sflag:s18], $0x500  }
0x97: {  	s19 =	smov.u32 s17;
	s16 =	sadd.s32 $0x640, s17;
	[sflag:s18] =	ssyncset.done $0x0  }
0x98: {  	p0 =	sne.s32 s17, $0x9600;
	s17 =	rddreg [dreg:$0x5];
	[sflag:s18] =	ssyncadd.s32 $0xFFFFFB00  }
0x99: {  	s17 =	sadd.s32 s15, s17;
	s15 =	smov.u32 s19;
	s19 =	simm.s32 $0x6  }
0x9a: {  	[hbm4b:s17+s24] =	stream.strided.scatter [tilespmem:s20], [sflag:$0xB], $0x500, s25, s24, $0x38;
	[tilespmem:$0xA730] =	vst v63  }
0x9b: {  	_ =	swait.ge [sflag:s19], $0x500  }
0x9c: {  	[sflag:s19] =	ssyncset.done $0x0  }
0x9d: {  	s20 =	sadd.s32 $0x2, s17;
	[sflag:s19] =	ssyncadd.s32 $0xFFFFFB00;
	s19 =	simm.s32 $0x2  }
0x9e: {  	[hbm4b:s20+s24] =	stream.strided.scatter [tilespmem:s21], [sflag:$0x10], $0x500, s25, s24, $0x38;
	[tilespmem:$0xA730] =	vst v63  }
0x9f: {  	_ =	swait.ge [sflag:s19], $0x500  }
0xa0: {  	[sflag:s19] =	ssyncset.done $0x0  }
0xa1: {  	s20 =	sadd.s32 $0x140, s17;
	s21 =	simm.s32 $0x7;
	[sflag:s19] =	ssyncadd.s32 $0xFFFFFB00  }
0xa2: {  	[hbm4b:s20+s24] =	stream.strided.scatter [tilespmem:s22], [sflag:$0xC], $0x500, s25, s24, $0x38;
	[tilespmem:$0xA730] =	vst v63  }
0xa3: {  	_ =	swait.ge [sflag:s21], $0x500  }
0xa4: {  	[sflag:s21] =	ssyncset.done $0x0  }
0xa5: {  	s19 =	simm.s32 $0x3;
	s22 =	sadd.s32 $0x142, s17;
	[sflag:s21] =	ssyncadd.s32 $0xFFFFFB00  }
0xa6: {  	[hbm4b:s22+s24] =	stream.strided.scatter [tilespmem:s23], [sflag:$0x11], $0x500, s25, s24, $0x38;
	[tilespmem:$0xA730] =	vst v63  }
0xa7: {  	_ =	swait.ge [sflag:s19], $0x500  }
0xa8: {  	[sflag:s19] =	ssyncset.done $0x0  }
0xa9: {  	s20 =	sadd.s32 $0x280, s17;
	s21 =	simm.s32 $0x8;
	[sflag:s19] =	ssyncadd.s32 $0xFFFFFB00  }
0xaa: {  	[hbm4b:s20+s24] =	stream.strided.scatter [tilespmem:s26], [sflag:$0xD], $0x500, s25, s24, $0x38;
	[tilespmem:$0xA730] =	vst v63  }
0xab: {  	_ =	swait.ge [sflag:s21], $0x500  }
0xac: {  	[sflag:s21] =	ssyncset.done $0x0  }
0xad: {  	s22 =	sadd.s32 $0x282, s17;
	s23 =	simm.s32 $0x4;
	[sflag:s21] =	ssyncadd.s32 $0xFFFFFB00  }
0xae: {  	[hbm4b:s22+s24] =	stream.strided.scatter [tilespmem:s28], [sflag:$0x12], $0x500, s25, s24, $0x38;
	[tilespmem:$0xA730] =	vst v63  }
0xaf: {  	_ =	swait.ge [sflag:s23], $0x500  }
0xb0: {  	[sflag:s23] =	ssyncset.done $0x0  }
0xb1: {  	s26 =	sadd.s32 $0x3C0, s17;
	[sflag:s23] =	ssyncadd.s32 $0xFFFFFB00  }
0xb2: {  	[hbm4b:s26+s24] =	stream.strided.scatter [tilespmem:s29], [sflag:$0xE], $0x500, s25, s24, $0x38;
	[tilespmem:$0xA730] =	vst v63  }
0xb3: {  	_ =	swait.ge [sflag:s1], $0x500  }
0xb4: {  	[sflag:s1] =	ssyncset.done $0x0  }
0xb5: {  	s28 =	sadd.s32 $0x3C2, s17;
	[sflag:s1] =	ssyncadd.s32 $0xFFFFFB00  }
0xb6: {  	[hbm4b:s28+s24] =	stream.strided.scatter [tilespmem:s30], [sflag:$0x13], $0x500, s25, s24, $0x38;
	[tilespmem:$0xA730] =	vst v63  }
0xb7: {  	_ =	swait.ge [sflag:s11], $0x500  }
0xb8: {  	[sflag:s11] =	ssyncset.done $0x0  }
0xb9: {  	s29 =	sadd.s32 $0x500, s17;
	[sflag:s11] =	ssyncadd.s32 $0xFFFFFB00  }
0xba: {  	[hbm4b:s29+s24] =	stream.strided.scatter [tilespmem:s31], [sflag:$0xF], $0x500, s25, s24, $0x38;
	[tilespmem:$0xA730] =	vst v63  }
0xbb: {  	_ =	swait.ge [sflag:s3], $0x500  }
0xbc: {  	[sflag:s3] =	ssyncset.done $0x0  }
0xbd: {  	s17 =	sadd.s32 $0x502, s17;
	[sflag:s3] =	ssyncadd.s32 $0xFFFFFB00  }
0xbe: {  	[hbm4b:s17+s24] =	stream.strided.scatter [tilespmem:s0], [sflag:$0x14], $0x500, s25, s24, $0x38;
	[tilespmem:$0xA730] =	vst v63  }
0xbf: {  	_ =	swait.ge [sflag:s4], $0x500  }
0xc0: {  	[sflag:s4] =	ssyncset.done $0x0  }
0xc1: {  	[sflag:s4] =	ssyncadd.s32 $0xFFFFFB00  }
0xc2: {  	_ =	swait.ge [sflag:s24], $0x500  }
0xc3: {  	[sflag:s24] =	ssyncset.done $0x0  }
0xc4: {  	[sflag:s24] =	ssyncadd.s32 $0xFFFFFB00  }
0xc5: {  	_ =	swait.ge [sflag:s5], $0x500  }
0xc6: {  	[sflag:s5] =	ssyncset.done $0x0  }
0xc7: {  	[sflag:s5] =	ssyncadd.s32 $0xFFFFFB00  }
0xc8: {  	_ =	swait.ge [sflag:s6], $0x500  }
0xc9: {  	[sflag:s6] =	ssyncset.done $0x0  }
0xca: {  	[sflag:s6] =	ssyncadd.s32 $0xFFFFFB00  }
0xcb: {  	_ =	swait.ge [sflag:s7], $0x500  }
0xcc: {  	[sflag:s7] =	ssyncset.done $0x0  }
0xcd: {  	[sflag:s7] =	ssyncadd.s32 $0xFFFFFB00  }
0xce: {  	_ =	swait.ge [sflag:s8], $0x500  }
0xcf: {  	[sflag:s8] =	ssyncset.done $0x0  }
0xd0: {  	[sflag:s8] =	ssyncadd.s32 $0xFFFFFB00  }
0xd1: {  	_ =	swait.ge [sflag:s9], $0x500  }
0xd2: {  	[sflag:s9] =	ssyncset.done $0x0  }
0xd3: {  	[sflag:s9] =	ssyncadd.s32 $0xFFFFFB00  }
0xd4: {  	_ =	swait.ge [sflag:s10], $0x500  }
0xd5: {  	[sflag:s10] =	ssyncset.done $0x0  }
0xd6: {  	[sflag:s10] =	ssyncadd.s32 $0xFFFFFB00  }
.Ltmp0:
0xd7: {  	_ =	swait.ge [sflag:s13], $0x500;
	(pc) =	sbr.rel @p0 .LBB2_2-.Ltmp0, $4  }
0xd8: {  	[sflag:s13] =	ssyncset.done $0x0  }
0xd9: {  	[sflag:s13] =	ssyncadd.s32 $0xFFFFFB00  }
0xda: {  	_ =	swait.ge [sflag:s14], $0x500  }
0xdb: {  	s17 =	smov.u32 s16;
	[sflag:s14] =	ssyncset.done $0x0  }
0xdc: {  	s16 =	sshra.s32 s15, $0x2;
	[sflag:s14] =	ssyncadd.s32 $0xFFFFFB00;
	s18 =	simm.s32 $0x4E20  }
0xdd: {  	[tilespmem:s18], [sflag:$0x1] =	stream.indirect.gather [spmem:s2], $0x10, s16, s12, $0xb8;
	[tilespmem:$0xA730] =	vst v63  }
0xde: {  	s19 =	simm.s32 $0x6720;
	s17 =	sadd.s32 $0x2710, s16  }
0xdf: {  	[tilespmem:s19], [sflag:$0x6] =	stream.indirect.gather [spmem:s2], $0x10, s17, s12, $0xb8;
	[tilespmem:$0xA730] =	vst v63  }
0xe0: {  	s20 =	simm.s32 $0x5320;
	s21 =	sadd.s32 $0x50, s16  }
0xe1: {  	[tilespmem:s20], [sflag:$0x2] =	stream.indirect.gather [spmem:s2], $0x10, s21, s12, $0xb8;
	[tilespmem:$0xA730] =	vst v63  }
0xe2: {  	s22 =	sadd.s32 $0x2760, s16;
	s21 =	simm.s32 $0x6C20  }
0xe3: {  	[tilespmem:s21], [sflag:$0x7] =	stream.indirect.gather [spmem:s2], $0x10, s22, s12, $0xb8;
	[tilespmem:$0xA730] =	vst v63  }
0xe4: {  	s23 =	sadd.s32 $0xA0, s16;
	s22 =	simm.s32 $0x5820  }
0xe5: {  	[tilespmem:s22], [sflag:$0x3] =	stream.indirect.gather [spmem:s2], $0x10, s23, s12, $0xb8;
	[tilespmem:$0xA730] =	vst v63  }
0xe6: {  	s26 =	sadd.s32 $0x27B0, s16;
	s23 =	simm.s32 $0x7120  }
0xe7: {  	[tilespmem:s23], [sflag:$0x8] =	stream.indirect.gather [spmem:s2], $0x10, s26, s12, $0xb8;
	[tilespmem:$0xA730] =	vst v63  }
0xe8: {  	s28 =	sadd.s32 $0xF0, s16;
	s26 =	simm.s32 $0x5D20  }
0xe9: {  	[tilespmem:s26], [sflag:$0x4] =	stream.indirect.gather [spmem:s2], $0x10, s28, s12, $0xb8;
	[tilespmem:$0xA730] =	vst v63  }
0xea: {  	s29 =	sadd.s32 $0x2800, s16;
	s28 =	simm.s32 $0x7620  }
0xeb: {  	[tilespmem:s28], [sflag:$0x9] =	stream.indirect.gather [spmem:s2], $0x10, s29, s12, $0xb8;
	[tilespmem:$0xA730] =	vst v63  }
0xec: {  	s0 =	sadd.s32 $0x140, s16;
	s29 =	simm.s32 $0x6220  }
0xed: {  	[tilespmem:s29], [sflag:$0x5] =	stream.indirect.gather [spmem:s2], $0x10, s0, s12, $0xb8;
	[tilespmem:$0xA730] =	vst v63  }
0xee: {  	s16 =	sadd.s32 $0x2850, s16;
	s17 =	simm.s32 $0x1;
	s0 =	simm.s32 $0x7B20  }
0xef: {  	[tilespmem:s0], [sflag:$0xA] =	stream.indirect.gather [spmem:s2], $0x10, s16, s12, $0xb8;
	[tilespmem:$0xA730] =	vst v63  }
0xf0: {  	_ =	swait.ge [sflag:s17], $0x500  }
0xf1: {  	s16 =	rddreg [dreg:$0x5];
	[sflag:s17] =	ssyncset.done $0x0  }
0xf2: {  	[sflag:s17] =	ssyncadd.s32 $0xFFFFFB00;
	s15 =	sadd.s32 s15, s16;
	s17 =	simm.s32 $0x6  }
0xf3: {  	[hbm4b:s15+s24] =	stream.strided.scatter [tilespmem:s18], [sflag:$0xB], $0x500, s25, s24, $0x38;
	[tilespmem:$0xA730] =	vst v63  }
0xf4: {  	_ =	swait.ge [sflag:s17], $0x500  }
0xf5: {  	[sflag:s17] =	ssyncset.done $0x0  }
0xf6: {  	s18 =	sadd.s32 $0x2, s15;
	[sflag:s17] =	ssyncadd.s32 $0xFFFFFB00;
	s17 =	simm.s32 $0x2  }
0xf7: {  	[hbm4b:s18+s24] =	stream.strided.scatter [tilespmem:s19], [sflag:$0x10], $0x500, s25, s24, $0x38;
	[tilespmem:$0xA730] =	vst v63  }
0xf8: {  	_ =	swait.ge [sflag:s17], $0x500  }
0xf9: {  	[sflag:s17] =	ssyncset.done $0x0  }
0xfa: {  	s18 =	sadd.s32 $0x140, s15;
	s19 =	simm.s32 $0x7;
	[sflag:s17] =	ssyncadd.s32 $0xFFFFFB00  }
0xfb: {  	[hbm4b:s18+s24] =	stream.strided.scatter [tilespmem:s20], [sflag:$0xC], $0x500, s25, s24, $0x38;
	[tilespmem:$0xA730] =	vst v63  }
0xfc: {  	_ =	swait.ge [sflag:s19], $0x500  }
0xfd: {  	[sflag:s19] =	ssyncset.done $0x0  }
0xfe: {  	s17 =	simm.s32 $0x3;
	s20 =	sadd.s32 $0x142, s15;
	[sflag:s19] =	ssyncadd.s32 $0xFFFFFB00  }
0xff: {  	[hbm4b:s20+s24] =	stream.strided.scatter [tilespmem:s21], [sflag:$0x11], $0x500, s25, s24, $0x38;
	[tilespmem:$0xA730] =	vst v63  }
0x100: {  	_ =	swait.ge [sflag:s17], $0x500  }
0x101: {  	[sflag:s17] =	ssyncset.done $0x0  }
0x102: {  	s18 =	sadd.s32 $0x280, s15;
	s19 =	simm.s32 $0x8;
	[sflag:s17] =	ssyncadd.s32 $0xFFFFFB00  }
0x103: {  	[hbm4b:s18+s24] =	stream.strided.scatter [tilespmem:s22], [sflag:$0xD], $0x500, s25, s24, $0x38;
	[tilespmem:$0xA730] =	vst v63  }
0x104: {  	_ =	swait.ge [sflag:s19], $0x500  }
0x105: {  	[sflag:s19] =	ssyncset.done $0x0  }
0x106: {  	s20 =	sadd.s32 $0x282, s15;
	s21 =	simm.s32 $0x4;
	[sflag:s19] =	ssyncadd.s32 $0xFFFFFB00  }
0x107: {  	[hbm4b:s20+s24] =	stream.strided.scatter [tilespmem:s23], [sflag:$0x12], $0x500, s25, s24, $0x38;
	[tilespmem:$0xA730] =	vst v63  }
0x108: {  	_ =	swait.ge [sflag:s21], $0x500  }
0x109: {  	[sflag:s21] =	ssyncset.done $0x0  }
0x10a: {  	s22 =	sadd.s32 $0x3C0, s15;
	[sflag:s21] =	ssyncadd.s32 $0xFFFFFB00  }
0x10b: {  	[hbm4b:s22+s24] =	stream.strided.scatter [tilespmem:s26], [sflag:$0xE], $0x500, s25, s24, $0x38;
	[tilespmem:$0xA730] =	vst v63  }
0x10c: {  	_ =	swait.ge [sflag:s1], $0x500  }
0x10d: {  	[sflag:s1] =	ssyncset.done $0x0  }
0x10e: {  	s23 =	sadd.s32 $0x3C2, s15;
	[sflag:s1] =	ssyncadd.s32 $0xFFFFFB00  }
0x10f: {  	[hbm4b:s23+s24] =	stream.strided.scatter [tilespmem:s28], [sflag:$0x13], $0x500, s25, s24, $0x38;
	[tilespmem:$0xA730] =	vst v63  }
0x110: {  	_ =	swait.ge [sflag:s11], $0x500  }
0x111: {  	[sflag:s11] =	ssyncset.done $0x0  }
0x112: {  	s26 =	sadd.s32 $0x500, s15;
	[sflag:s11] =	ssyncadd.s32 $0xFFFFFB00  }
0x113: {  	[hbm4b:s26+s24] =	stream.strided.scatter [tilespmem:s29], [sflag:$0xF], $0x500, s25, s24, $0x38;
	[tilespmem:$0xA730] =	vst v63  }
0x114: {  	_ =	swait.ge [sflag:s3], $0x500  }
0x115: {  	[sflag:s3] =	ssyncset.done $0x0  }
0x116: {  	s15 =	sadd.s32 $0x502, s15;
	[sflag:s3] =	ssyncadd.s32 $0xFFFFFB00  }
0x117: {  	[hbm4b:s15+s24] =	stream.strided.scatter [tilespmem:s0], [sflag:$0x14], $0x500, s25, s24, $0x38;
	[tilespmem:$0xA730] =	vst v63  }
0x118: {  	_ =	swait.ge [sflag:s4], $0x500  }
0x119: {  	[sflag:s4] =	ssyncset.done $0x0  }
0x11a: {  	[sflag:s4] =	ssyncadd.s32 $0xFFFFFB00  }
0x11b: {  	_ =	swait.ge [sflag:s24], $0x500  }
0x11c: {  	[sflag:s24] =	ssyncset.done $0x0  }
0x11d: {  	[sflag:s24] =	ssyncadd.s32 $0xFFFFFB00  }
0x11e: {  	_ =	swait.ge [sflag:s5], $0x500  }
0x11f: {  	[sflag:s5] =	ssyncset.done $0x0  }
0x120: {  	[sflag:s5] =	ssyncadd.s32 $0xFFFFFB00  }
0x121: {  	_ =	swait.ge [sflag:s6], $0x500  }
0x122: {  	[sflag:s6] =	ssyncset.done $0x0  }
0x123: {  	[sflag:s6] =	ssyncadd.s32 $0xFFFFFB00  }
0x124: {  	_ =	swait.ge [sflag:s7], $0x500  }
0x125: {  	[sflag:s7] =	ssyncset.done $0x0  }
0x126: {  	[sflag:s7] =	ssyncadd.s32 $0xFFFFFB00  }
0x127: {  	_ =	swait.ge [sflag:s8], $0x500  }
0x128: {  	[sflag:s8] =	ssyncset.done $0x0  }
0x129: {  	[sflag:s8] =	ssyncadd.s32 $0xFFFFFB00  }
0x12a: {  	_ =	swait.ge [sflag:s9], $0x500  }
0x12b: {  	[sflag:s9] =	ssyncset.done $0x0  }
0x12c: {  	[sflag:s9] =	ssyncadd.s32 $0xFFFFFB00  }
0x12d: {  	_ =	swait.ge [sflag:s10], $0x500  }
0x12e: {  	[sflag:s10] =	ssyncset.done $0x0  }
0x12f: {  	[sflag:s10] =	ssyncadd.s32 $0xFFFFFB00  }
0x130: {  	_ =	swait.ge [sflag:s13], $0x500  }
0x131: {  	[sflag:s13] =	ssyncset.done $0x0  }
0x132: {  	[sflag:s13] =	ssyncadd.s32 $0xFFFFFB00  }
0x133: {  	_ =	swait.ge [sflag:s14], $0x500  }
0x134: {  	s28 =	rddreg [dreg:$0xc]  }
0x135: {  	s29 =	rddreg [dreg:$0xa];
	s0 =	sadd.s32 $0x1, s28  }
0x136: {  	p0 =	sne.s32 s0, s29  }
.Ltmp1:
0x137: {  	_ = 	snop;
	(pc) =	sbr.rel @p0 .LBB2_1-.Ltmp1, $3  }
0x138: {  	_ =	sdelay $0x1  }
0x139: {  	[sflag:s14] =	ssyncset.done $0x0  }
0x13a: {  	[sflag:s14] =	ssyncadd.s32 $0xFFFFFB00  }
0x13b: {  	_ =	sfence.sel $0x180000  }
0x13c: {  	[bflag:$0x0] =	sbarrier.arrive $0xFFFF  }
0x13d: {  	_ =	strace $0x90000053  }
0x13e: {  	s0 =	stileid.u32;
	[bflag:$0x2] =	sbarrier.arrive $0xFFFF  }
0x13f: {  	p0 =	sne.s32 s0, $0x0;
	s0 =	rddreg [dreg:$0x4]  }
0x140: {  	s0 =	sadd.s32 @!p0 $0x100000, s0  }
0x141: {  	[sflag:s0] =	ssyncadd.tile.s32 @!p0 $0x1;
	_ =	shalt  }
.Lfunc_end2:
_tile_overlayer_lowered:
.L_overlay_start_2:
0x142: {  	(tag) =	ssettag $0x2  }
0x143: {  	s0 =	rddreg [dreg:$0x0];
	s2 =	stileid.u32  }
0x144: {  	s1 =	rddreg [dreg:$0x1];
	p0 =	sne.s32 s2, $0x0  }
0x145: {  	s3 =	rddreg [dreg:$0x2];
	[bflag:$0x3] =	sbarrier.arrive $0xFFFF;
	s2 =	simm.s32 @!p0 $0x1C15  }
0x146: {  	[timem:s3], [sflag:s2] =	dma.local @!p0 [hbm:s0], s1  }
0x147: {  	s0 =	simm.s32 @!p0 $0x15  }
0x148: {  	_ =	swait.ge @!p0 [sflag:s0], s1  }
0x149: {  	s1 =	ssub.s32 @!p0 $0x0, s1;
	[sflag:s0] =	ssyncset.done @!p0 $0x0  }
0x14a: {  	[sflag:s0] =	ssyncadd.s32 @!p0 s1  }
0x14b: {  	[bflag:$0x3] =	sbarrier.arrive $0xFFFF  }
0x14c: {  	_ =	shalt  }

// kernel: sparse-core-data-format-call.cloned.1.call-start
scs
called_computation_lowered:
.L_overlay_start_0:
0x0: {  	s2 =	sld [smem:$0x3FD9]  }
0x1: {  	s3 =	sld [smem:$0x3FFE];
	_ =	sdelay $0x1  }
0x2: {  	s1 =	srdreg.scid  }
0x3: {  	s0 =	sand.u32 $0x1, s1  }
0x4: {  	s15 =	sshll.u32 s0, $0xA;
	s2 =	sadd.s32 s3, s2  }
0x5: {  	s2 =	sadd.s32 s2, s15  }
0x6: {  	[smem:$0x3FA2] =	sst s2  }
0x7: {  	_ = 	snop  }
0x8: {  	s2 =	sld [smem:$0x3FD0];
	_ =	sdelay $0x2  }
0x9: {  	s16 =	simm.s32 $0xA;
	s4 =	simm.s32 $0x10  }
0xa: {  	[smem:s4], [sflag:s16] =	dma.local [hbm:s2], $0x1  }
0xb: {  	_ =	swait.eq [sflag:s16], $0x1  }
0xc: {  	[sflag:s16] =	ssyncset.done $0x0  }
0xd: {  	[sflag:s16] =	ssyncadd.s32 $0xFFFFFFFF  }
0xe: {  	s17 =	sld [smem:$0x11];
	(tm) =	ssettm $0x1  }
0xf: {  	s18 =	sld [smem:$0x3FFB];
	_ =	sdelay $0x3  }
0x10: {  	_ =	strace s18  }
0x11: {  	s3 =	sld [smem:$0x3FFC];
	_ =	sdelay $0x3  }
0x12: {  	_ =	strace s3  }
0x13: {  	s3 =	sld [smem:$0x3FFD];
	_ =	sdelay $0x3  }
0x14: {  	_ =	strace s3  }
0x15: {  	_ =	strace $0x8FFFFFFF  }
0x16: {  	s19 =	sld [smem:$0x3FDB];
	_ =	sdelay $0x1  }
0x17: {  	s20 =	simm.s32 $_scs_section_size  }
0x18: {  	s5 =	simm.s32 $_size__tile_overlayer_lowered;
	s6 =	simm.s32 $_tile_overlayer_lowered  }
0x19: {  	s23 =	simm.s32 $0x1BFF;
	s22 =	sshll.u32 s6, $0x1;
	s3 =	sadd.s32 s20, s19  }
0x1a: {  	s7 =	simm.s32 $0x0;
	s21 =	sshll.u32 s5, $0x1;
	s5 =	sadd.s32 s22, s3  }
0x1b: {  	[timem:s7], [sflag:s23] =	dma.local [hbm:s5], s21  }
0x1c: {  	_ =	swait.ge [sflag:s23], s21  }
0x1d: {  	s4 =	ssub.s32 $0x0, s21;
	[sflag:s23] =	ssyncset.done $0x0  }
0x1e: {  	[sflag:s23] =	ssyncadd.s32 s4;
	_ =	sdelay $0x1  }
0x1f: {  	s24 =	simm.s32 $0x1B8B  }
0x20: {  	_ =	swait.ge [sflag:s24], $0x1  }
0x21: {  	[sflag:s24] =	ssyncset.done $0x0  }
0x22: {  	s26 =	simm.s32 $0x1B8E;
	s25 =	sld [smem:$0x3FFE];
	[sflag:s24] =	ssyncadd.s32 $0xFFFFFFFF  }
0x23: {  	s27 =	simm.s32 $execute0_lowered;
	[smem:$0x3FD2] =	sst s26  }
0x24: {  	s5 =	sshll.u32 s27, $0x1;
	_ =	strace $0x80000055;
	[dreg:$0x1] =	wrdreg $0xFFFFFFFF  }
0x25: {  	s28 =	simm.s32 $_size_execute0_lowered;
	s3 =	sadd.s32 s3, s5;
	[dreg:$0x0] =	wrdreg $0x0  }
0x26: {  	s5 =	sshll.u32 s28, $0x1;
	[dreg:$0x2] =	wrdreg s3  }
0x27: {  	[dreg:$0x3] =	wrdreg s5  }
0x28: {  	[dreg:$0x4] =	wrdreg $0xC0  }
0x29: {  	_ =	task [dreg:s7], $0x5FFFF  }
0x2a: {  	[dreg:$0x1] =	wrdreg $0xFFFFFFFF  }
0x2b: {  	[dreg:$0x0] =	wrdreg $0x60  }
0x2c: {  	[dreg:$0x2] =	wrdreg s25  }
0x2d: {  	[dreg:$0x3] =	wrdreg s17  }
0x2e: {  	[dreg:$0x4] =	wrdreg $0x9  }
0x2f: {  	_ =	task.clear_ibuf [dreg:s7], $0x5FFFF;
	_ =	strace $0x90000055  }
0x30: {  	s29 =	simm.s32 $0x9;
	_ =	strace $0x80000057  }
0x31: {  	_ =	swait.ge [sflag:s29], $0x1  }
0x32: {  	[sflag:s29] =	ssyncadd.s32 $0xFFFFFFFF  }
0x33: {  	_ =	strace $0x90000057  }
0x34: {  	_ =	sfence  }
0x35: {  	s30 =	sld [smem:$0x0];
	_ =	sdelay $0x2  }
0x36: {  	s31 =	sshll.u32 s1, $0xD;
	s1 =	sshrl.u32 s1, $0x2  }
0x37: {  	s3 =	sand.u32 $0x4000, s31;
	s1 =	sadd.s32 s1, s30  }
0x38: {  	s0 =	sor.u32 s3, s0;
	s1 =	sshll.u32 s1, $0x11  }
0x39: {  	s0 =	sor.u32 s1, s0  }
0x3a: {  	s0 =	sadd.s32 $0x8F2B, s0  }
0x3b: {  	[sflag:s0] =	ssyncadd.remote.s32 $0x1  }
0x3c: {  	_ =	sfence.sel $0xFFFF  }
0x3d: {  	[dreg:$0x0] =	wrdreg $0xFFFFFFFF;
	(pc) =	sbr.abs _section_cstart, $3  }
0x3e: {  	[dreg:$0x1] =	wrdreg $0xFFFFFFFF  }
0x3f: {  	_ =	task.clear_ibuf [dreg:s7], $0x2FFFF;
	_ =	strace $0x9FFFFFFF  }
0x40: {  	(tm) =	ssettm $0x7FFFFFFF  }
0x41: {  	_ =	shalt  }
tec
execute0_lowered:
.L_overlay_start_1:
0x0: {  	(tag) =	ssettag $0x1  }
0x1: {  	s0 =	srdreg.scid  }
0x2: {  	s1 =	sshll.u32 s0, $0x4  }
0x3: {  	s4 =	rddreg [dreg:$0x0];
	s0 =	stileid.u32;
	s1 =	sand.u32 $0x10, s1  }
0x4: {  	s2 =	rddreg [dreg:$0x1];
	s7 =	simm.s32 $0x1;
	s1 =	sor.u32 s0, s1  }
0x5: {  	s8 =	simm.s32 $0x2;
	s11 =	simm.s32 $0x0;
	s3 =	sshll.u32 s1, $0x7  }
0x6: {  	s10 =	simm.s32 $0x0;
	s4 =	sadd.s32 $0x6200, s4;
	s6 =	ssub.s32 $0x4E200, s3  }
.Ltmp0:
0x7: {  	s1 =	rddreg [dreg:$0x2];
	s5 =	sand.u32 $0xF80, s6;
	(pc) =	sbr.rel .LBB1_1-.Ltmp0, $4  }
0x8: {  	_ =	strace $0x80000056;
	s9 =	smov.u32 s3;
	p0 =	sne.s32 s5, $0x0  }
0x9: {  	s6 =	sshrl.u32 s6, $0xC;
	s5 =	simm.s32 $0x1;
	s7 =	simm.s32 @!p0 $0x0  }
0xa: {  	[sflag:s5] =	ssyncpa.u1 $0x0;
	p0 =	por $0x0, $0x0;
	s6 =	sadd.s32 s7, s6  }
0xb: {  	[sflag:s8] =	ssyncpa.u1 $0x0;
	s8 =	simm.s32 $0x271000;
	s7 =	sadd.s32 $0x1, s6  }
.LBB1_4:
0xc: {  	s14 =	sshll.u32 s11, $0x3  }
0xd: {  	s30 =	sand.u32 $0x7F, s11;
	s14 =	sand.u32 $0xFFFFFC00, s14  }
0xe: {  	s11 =	sor.u32 s30, s14  }
0xf: {  	s15 =	smulhi.u32 $0xD1B71759, s11;
	_ =	sdelay $0x1  }
0x10: {  	s14 =	smulhi.u32 $0xD1B71759, s14;
	s15 =	sshrl.u32 s15, $0x12  }
0x11: {  	s15 =	smul.u32 $0x4E200, s15  }
0x12: {  	s14 =	sshrl.u32 s14, $0x12  }
0x13: {  	s14 =	sand.u32 $0x1F, s14;
	s11 =	ssub.s32 s11, s15  }
0x14: {  	s14 =	smul.u32 $0x9C40, s14;
	s15 =	sshrl.u32 s11, $0x3;
	s11 =	sand.u32 $0x7, s11  }
0x15: {  	s15 =	sadd.s32 s2, s15;
	s11 =	sshll.u32 s11, $0x12  }
0x16: {  	[tilespmem:s13+$0x0 ss:$0x81] =	vst.msk $0xffff, v0;
	s31 =	sadd.s32 s14, s15;
	s11 =	sor.u32 $0x400, s11  }
0x17: {  	[hbm4b:s31+s11] =	stream.strided.scatter [tilespmem:s12], [sflag:$0x2], $0x1000, s8, s11, $0x20;
	[tilespmem:$0x4040] =	vst v63  }
.LBB1_5:
0x18: {  	s13 =	sadd.s32 $0x1000, s9  }
0x19: {  	p2 =	sgt.s32 s13, $0x4E1FF  }
0x1a: {  	s13 =	smov.u32 @p2 s3;
	p2 =	sne.s32 s10, s7  }
.Ltmp1:
0x1b: {  	p1 =	slt.u32 s10, $0x2;
	(pc) =	sbr.rel @!p2 .LBB1_6-.Ltmp1, $4  }
0x1c: {  	s12 =	simm.s32 @!p1 $0x2  }
0x1d: {  	s14 =	sadd.s32 $0x1, s10;
	_ =	swait.ge @!p1 [sflag:s12], $0x1000  }
0x1e: {  	s11 =	smov.u32 s9;
	p0 =	por !p0, !p0;
	[sflag:s12] =	ssyncset.done @!p1 $0x0  }
0x1f: {  	s10 =	smov.u32 s14;
	s9 =	smov.u32 s13;
	[sflag:s12] =	ssyncadd.s32 @!p1 $0xFFFFF000  }
.LBB1_1:
0x20: {  	p1 =	sge.u32 s10, s6  }
0x21: {  	s12 =	sand.u32 @!p1 $0x1FFFFFF, s9  }
0x22: {  	s13 =	smulhi.u32 @!p1 $0x1A36E2F, s12;
	_ =	sdelay $0x1  }
0x23: {  	s13 =	sshrl.u32 @!p1 s13, $0xB  }
0x24: {  	s13 =	smul.u32 @!p1 $0x4E200, s13;
	_ =	sdelay $0x1  }
0x25: {  	s31 =	sadd.s32 $0xFFFFFFFF, s10;
	s14 =	sxor.u32 @!p1 $0xFFFFFFFF, s10;
	s12 =	ssub.s32 @!p1 s12, s13  }
0x26: {  	s15 =	simm.s32 @!p1 $0x80;
	s14 =	sshll.u32 @!p1 s14, $0xC;
	s12 =	sshll.u32 @!p1 s12, $0x4  }
0x27: {  	s13 =	sand.u32 @!p1 $0x1000, s14;
	s14 =	simm.s32 @!p1 $0x20;
	s12 =	sadd.s32 @!p1 s4, s12  }
0x28: {  	[tilespmem:s13], [sflag:$0x1] =	stream.strided.gather @!p1 [hbm4b:s12+s14], $0x1000, s15, s14, $0x38;
	[tilespmem:$0x4040] =	vst v63  }
0x29: {  	p1 =	sge.u32 s31, s6  }
.Ltmp2:
0x2a: {  	_ = 	snop;
	(pc) =	sbr.rel @p1 .LBB1_5-.Ltmp2, $1  }
0x2b: {  	_ =	sdelay $0x3  }
0x2c: {  	s12 =	simm.s32 $0x1  }
0x2d: {  	_ =	swait.ge [sflag:s5], $0x1000;
	s12 =	simm.s32 @!p0 $0x0  }
0x2e: {  	[sflag:s5] =	ssyncset.done $0x0;
	s13 =	sshll.u32 s12, $0xC  }
0x2f: {  	[sflag:s5] =	ssyncadd.s32 $0xFFFFF000;
	s16 =	sor.u32 $0x10, s13  }
0x30: {  	s12 =	smul.u32 $0x4080, s12;
	v1 =	vld [tilespmem:s16+$0x0]  }
0x31: {  	s30 =	sand.u32 $0x1, s10;
	v0 =	vld [tilespmem:s16+$0xFFFFFFF0]  }
0x32: {  	s13 =	smul.u32 $0x4080, s30;
	s12 =	sshrl.u32 s12, $0x2  }
0x33: {  	s14 =	sor.u32 $0x2000, s12  }
0x34: {  	s31 =	sshrl.u32 s13, $0x2;
	s13 =	sadd.s32 $0x0, s14  }
0x35: {  	s15 =	simm.s32 $0x4;
	s16 =	sadd.s32 $0x20, s16;
	s12 =	sor.u32 $0x2000, s31;
	[tilespmem:s13+$0x810 ss:$0x81] =	vst.msk $0xffff, v1  }
.LBB1_3:
0x36: {  	v1 =	vld [tilespmem:s16+$0x0];
	p1 =	sne.s32 s15, $0x1FC;
	[tilespmem:s13+$0x0 ss:$0x81] =	vst.msk $0xffff, v0;
	s13 =	smov.u32 s15;
	s15 =	sadd.s32 $0x4, s15  }
.Ltmp3:
0x37: {  	v0 =	vld [tilespmem:s16+$0xFFFFFFF0];
	(pc) =	sbr.rel @p1 .LBB1_3-.Ltmp3, $4  }
0x38: {  	_ = 	snop  }
0x39: {  	s13 =	sshra.s32 s13, $0x2  }
0x3a: {  	s13 =	sadd.s32 s13, s14  }
0x3b: {  	s16 =	sadd.s32 $0x20, s16;
	[tilespmem:s13+$0x810 ss:$0x81] =	vst.msk $0xffff, v1  }
.Ltmp4:
0x3c: {  	_ = 	snop;
	(pc) =	sbr.rel .LBB1_4-.Ltmp4, $1  }
0x3d: {  	_ =	sdelay $0x3  }
.LBB1_6:
0x3e: {  	_ =	sfence.sel $0x180000  }
0x3f: {  	s2 =	simm.s32 $0x1;
	[bflag:$0x0] =	sbarrier.arrive $0xFFFF  }
0x40: {  	s31 =	simm.s32 $0x2;
	[sflag:s2] =	ssyncpa.u1 $0x1  }
0x41: {  	[sflag:s31] =	ssyncpa.u1 $0x1  }
0x42: {  	p0 =	sne.s32 s0, $0x0;
	_ =	strace $0x90000056  }
0x43: {  	s0 =	sadd.s32 @!p0 $0x100000, s1;
	[bflag:$0x2] =	sbarrier.arrive $0xFFFF  }
0x44: {  	[sflag:s0] =	ssyncadd.tile.s32 @!p0 $0x1;
	_ =	shalt  }
.Lfunc_end1:
_tile_overlayer_lowered:
.L_overlay_start_2:
0x45: {  	(tag) =	ssettag $0x2  }
0x46: {  	s0 =	rddreg [dreg:$0x0];
	s2 =	stileid.u32  }
0x47: {  	s1 =	rddreg [dreg:$0x1];
	p0 =	sne.s32 s2, $0x0  }
0x48: {  	s3 =	rddreg [dreg:$0x2];
	[bflag:$0x3] =	sbarrier.arrive $0xFFFF;
	s2 =	simm.s32 @!p0 $0x1C01  }
0x49: {  	[timem:s3], [sflag:s2] =	dma.local @!p0 [hbm:s0], s1  }
0x4a: {  	s0 =	simm.s32 @!p0 $0x1  }
0x4b: {  	_ =	swait.ge @!p0 [sflag:s0], s1  }
0x4c: {  	s1 =	ssub.s32 @!p0 $0x0, s1;
	[sflag:s0] =	ssyncset.done @!p0 $0x0  }
0x4d: {  	[sflag:s0] =	ssyncadd.s32 @!p0 s1  }
0x4e: {  	[bflag:$0x3] =	sbarrier.arrive $0xFFFF  }
0x4f: {  	_ =	shalt  }

</sc_bundles>
